<compile_context>
chip_gen: v7x
topology: tpu7x:2x2x1
jax: 0.10.2.dev20260603
libtpu: 0.0.44.dev20260713+nightly
codegen_flags: <defaults>
</compile_context>

<pallas_src>
import math

import jax
import jax.numpy as jnp
from jax import lax
from jax.experimental import pallas as pl
from jax.experimental.pallas import tpu as pltpu
from jax.experimental.pallas import tpu_sc as plsc

VOCAB = 100000
DIM = 128
B = 4
S = 8192
EMBED_SCALE_F = math.sqrt(DIM)

_INFO = plsc.get_sparse_core_info()
NC = _INFO.num_cores
NS = _INFO.num_subcores
NW = NC * NS
P = S // NW
K = 4
CH = P // K
NSLOT = 3
LANES = 16
CVECS = DIM // LANES


def _body(
    ids_hbm, token_hbm, pos_hbm, out_hbm, idx_v, tok_v, pos_v, isem, gsem, wsem
):
    wid = lax.axis_index("s") * NC + lax.axis_index("c")
    pstart = wid * P

    id_cps = [
        pltpu.async_copy(
            ids_hbm.at[b, pl.ds(pstart + k * CH, CH)], idx_v.at[b, k], isem
        )
        for b in range(B)
        for k in range(K)
    ]

    def fire_pos(k):
        s = k % NSLOT
        return pltpu.async_copy(
            pos_hbm.at[pl.ds(pstart + k * CH, CH)], pos_v.at[s], gsem
        )

    def fire_gathers(k):
        s = k % NSLOT
        return [
            pltpu.async_copy(token_hbm.at[idx_v.at[b, k]], tok_v.at[s, b], gsem)
            for b in range(B)
        ]

    pos0 = fire_pos(0)
    for cp in id_cps:
        cp.wait()

    def fire_chunk(k):
        return fire_gathers(k) + [fire_pos(k)]

    pending = fire_gathers(0) + [pos0]
    writebacks = []
    for k in range(K):
        s = k % NSLOT
        if k + 1 < K:
            if k >= NSLOT - 1:
                for cp in writebacks[k - NSLOT + 1]:
                    cp.wait()
            nxt = fire_chunk(k + 1)
        for cp in pending:
            cp.wait()

        def compute_row(r, _):
            for c in range(CVECS):
                sl = pl.ds(c * LANES, LANES)
                p = pos_v[s, r, sl]
                for b in range(B):
                    tok_v[s, b, r, sl] = tok_v[s, b, r, sl] * EMBED_SCALE_F + p
            return _

        lax.fori_loop(0, CH, compute_row, None)

        writebacks.append(
            [
                pltpu.async_copy(
                    tok_v.at[s, b], out_hbm.at[b, pl.ds(pstart + k * CH, CH)], wsem
                )
                for b in range(B)
            ]
        )
        if k + 1 < K:
            pending = nxt

    for k in range(max(0, K - NSLOT), K):
        for cp in writebacks[k]:
            cp.wait()


@jax.jit
def kernel(input_ids, token_table, pos_table):
    if input_ids.dtype != jnp.int32:
        input_ids = input_ids.astype(jnp.int32)
    mesh = plsc.VectorSubcoreMesh(core_axis_name="c", subcore_axis_name="s")
    out = pl.kernel(
        _body,
        out_type=jax.ShapeDtypeStruct((B, S, DIM), jnp.float32),
        mesh=mesh,
        scratch_types=[
            pltpu.VMEM((B, K, CH), jnp.int32),
            pltpu.VMEM((NSLOT, B, CH, DIM), jnp.float32),
            pltpu.VMEM((NSLOT, CH, DIM), jnp.float32),
            pltpu.SemaphoreType.DMA,
            pltpu.SemaphoreType.DMA,
            pltpu.SemaphoreType.DMA,
        ],
    )(input_ids, token_table, pos_table)
    return out

# --- scband reference (transcript-rebuilt; emitter-appended) ---
"""Pipeline reference for scband-fielix-embedding-78752520339964 (READ-ONLY COPY).

The authoritative reference and input builder live on the scoring server;
editing this copy changes nothing except your own understanding.
"""

import jax, jax.numpy as jnp
import numpy as np
import math

VOCAB = 100000
DIM = 128
MAX_SEQ = 8192
B = 4
S = 8192
EMBED_SCALE = math.sqrt(DIM)


def setup_inputs(seed: int = 0) -> dict:
    key = jax.random.key(seed)
    k1, k2, k3 = jax.random.split(key, 3)
    input_ids = jax.random.randint(k1, (B, S), 0, VOCAB, dtype=jnp.int64 if jax.config.jax_enable_x64 else jnp.int32)
    # token embedding table, normal(std=0.02), padding_idx=0 row zeroed (torch nn.Embedding padding_idx semantics)
    token_table = (jax.random.normal(k2, (VOCAB, DIM), dtype=jnp.float32) * 0.02).at[0].set(0.0)
    # position embedding table, normal(std=0.02)
    pos_table = jax.random.normal(k3, (MAX_SEQ, DIM), dtype=jnp.float32) * 0.02
    return {"input_ids": input_ids, "token_table": token_table, "pos_table": pos_table}


def reference(input_ids, token_table, pos_table):
    # x = token_embedding(input_ids) * embed_scale
    x = jnp.take(token_table, input_ids, axis=0) * EMBED_SCALE
    # positions default = arange(seq_len) broadcast over batch
    positions = jnp.broadcast_to(jnp.arange(S), (B, S))
    pos_emb = jnp.take(pos_table, positions, axis=0)
    # dropout p=0.0 (eval / identity)
    return x + pos_emb

if __name__ == "__main__":
    import jax
    _d = setup_inputs()
    print(jax.jit(kernel)(*tuple(_d.values())))

</pallas_src>

<mosaic_0001>
#map = affine_map<(d0, d1) -> (0, 0)>
#map1 = affine_map<(d0, d1) -> (0, 0, 0)>
module attributes {stable_mosaic.version = 14 : i64} {
  func.func @_body(%arg0: i32, %arg1: i32, %arg2: memref<4x8192xi32, #tpu.memory_space<hbm>>, %arg3: memref<100000x128xf32, #tpu.memory_space<hbm>>, %arg4: memref<8192x128xf32, #tpu.memory_space<hbm>>, %arg5: memref<4x8192x128xf32, #tpu.memory_space<hbm>>, %arg6: memref<4x4x64xi32, #tpu.memory_space<vmem>>, %arg7: memref<3x4x64x128xf32, #tpu.memory_space<vmem>>, %arg8: memref<3x64x128xf32, #tpu.memory_space<vmem>>, %arg9: memref<!tpu.dma_semaphore, #tpu.memory_space<semaphore_mem>>, %arg10: memref<!tpu.dma_semaphore, #tpu.memory_space<semaphore_mem>>, %arg11: memref<!tpu.dma_semaphore, #tpu.memory_space<semaphore_mem>>) attributes {dimension_semantics = [#tpu.dimension_semantics<core_parallel>, #tpu.dimension_semantics<subcore_parallel>], iteration_bounds = array<i64: 2, 16>, scalar_prefetch = 0 : i64, scratch_operands = 6 : i64, tpu.core_type = #tpu.core_type<sc_vector_subcore>, window_params = [{transform_indices = #map}, {transform_indices = #map}, {transform_indices = #map}, {transform_indices = #map1}]} {
    %mul3A = arith.constant 2 : i32
    %mul3A_0 = arith.muli %arg1, %mul3A : i32
    %add3A = arith.addi %mul3A_0, %arg0 : i32
    %mul3A_1 = arith.constant 256 : i32
    %mul3A_2 = arith.muli %add3A, %mul3A_1 : i32
    %add3A_3 = arith.constant 0 : i32
    %add3A_4 = arith.addi %mul3A_2, %add3A_3 : i32
    %dma_start3A = arith.constant 0 : i32
    %dma_start3A_5 = arith.constant 0 : i32
    %dma_start3A_6 = arith.constant 0 : i32
    %dma_start3A_7 = arith.constant 0 : i32
    %dma_start3A_8 = tpu.memref_slice %arg6[%dma_start3A_5, %dma_start3A_6, %dma_start3A_7] : memref<4x4x64xi32, #tpu.memory_space<vmem>> -> memref<1x1x64xi32, #tpu.memory_space<vmem>>
    %dma_start3A_9 = tpu.memref_squeeze %dma_start3A_8 : memref<1x1x64xi32, #tpu.memory_space<vmem>> -> memref<64xi32, #tpu.memory_space<vmem>>
    %dma_start3A_10 = tpu.memref_slice %arg2[%dma_start3A, %add3A_4] : memref<4x8192xi32, #tpu.memory_space<hbm>> -> memref<1x64xi32, #tpu.memory_space<hbm>>
    %dma_start3A_11 = tpu.memref_squeeze %dma_start3A_10 : memref<1x64xi32, #tpu.memory_space<hbm>> -> memref<64xi32, #tpu.memory_space<hbm>>
    %dma_start3A_12 = arith.constant 0 : i32
    %dma_start3A_13 = tpu.memref_slice %arg6[%dma_start3A_5, %dma_start3A_6, %dma_start3A_12] : memref<4x4x64xi32, #tpu.memory_space<vmem>> -> memref<1x1x64xi32, #tpu.memory_space<vmem>>
    %dma_start3A_14 = tpu.memref_squeeze %dma_start3A_13 : memref<1x1x64xi32, #tpu.memory_space<vmem>> -> memref<64xi32, #tpu.memory_space<vmem>>
    %dma_start3A_15 = tpu.memref_slice %arg2[%dma_start3A, %add3A_4] : memref<4x8192xi32, #tpu.memory_space<hbm>> -> memref<1x64xi32, #tpu.memory_space<hbm>>
    %dma_start3A_16 = tpu.memref_squeeze %dma_start3A_15 : memref<1x64xi32, #tpu.memory_space<hbm>> -> memref<64xi32, #tpu.memory_space<hbm>>
    tpu.enqueue_dma source(%dma_start3A_16 : memref<64xi32, #tpu.memory_space<hbm>>) target(%dma_start3A_14 : memref<64xi32, #tpu.memory_space<vmem>>) target_semaphore(%arg9 : memref<!tpu.dma_semaphore, #tpu.memory_space<semaphore_mem>>)
    %add3A_17 = arith.constant 64 : i32
    %add3A_18 = arith.addi %mul3A_2, %add3A_17 : i32
    %dma_start3A_19 = arith.constant 0 : i32
    %dma_start3A_20 = arith.constant 0 : i32
    %dma_start3A_21 = arith.constant 1 : i32
    %dma_start3A_22 = arith.constant 0 : i32
    %dma_start3A_23 = tpu.memref_slice %arg6[%dma_start3A_20, %dma_start3A_21, %dma_start3A_22] : memref<4x4x64xi32, #tpu.memory_space<vmem>> -> memref<1x1x64xi32, #tpu.memory_space<vmem>>
    %dma_start3A_24 = tpu.memref_squeeze %dma_start3A_23 : memref<1x1x64xi32, #tpu.memory_space<vmem>> -> memref<64xi32, #tpu.memory_space<vmem>>
    %dma_start3A_25 = tpu.memref_slice %arg2[%dma_start3A_19, %add3A_18] : memref<4x8192xi32, #tpu.memory_space<hbm>> -> memref<1x64xi32, #tpu.memory_space<hbm>>
    %dma_start3A_26 = tpu.memref_squeeze %dma_start3A_25 : memref<1x64xi32, #tpu.memory_space<hbm>> -> memref<64xi32, #tpu.memory_space<hbm>>
    %dma_start3A_27 = arith.constant 0 : i32
    %dma_start3A_28 = tpu.memref_slice %arg6[%dma_start3A_20, %dma_start3A_21, %dma_start3A_27] : memref<4x4x64xi32, #tpu.memory_space<vmem>> -> memref<1x1x64xi32, #tpu.memory_space<vmem>>
    %dma_start3A_29 = tpu.memref_squeeze %dma_start3A_28 : memref<1x1x64xi32, #tpu.memory_space<vmem>> -> memref<64xi32, #tpu.memory_space<vmem>>
    %dma_start3A_30 = tpu.memref_slice %arg2[%dma_start3A_19, %add3A_18] : memref<4x8192xi32, #tpu.memory_space<hbm>> -> memref<1x64xi32, #tpu.memory_space<hbm>>
    %dma_start3A_31 = tpu.memref_squeeze %dma_start3A_30 : memref<1x64xi32, #tpu.memory_space<hbm>> -> memref<64xi32, #tpu.memory_space<hbm>>
    tpu.enqueue_dma source(%dma_start3A_31 : memref<64xi32, #tpu.memory_space<hbm>>) target(%dma_start3A_29 : memref<64xi32, #tpu.memory_space<vmem>>) target_semaphore(%arg9 : memref<!tpu.dma_semaphore, #tpu.memory_space<semaphore_mem>>)
    %add3A_32 = arith.constant 128 : i32
    %add3A_33 = arith.addi %mul3A_2, %add3A_32 : i32
    %dma_start3A_34 = arith.constant 0 : i32
    %dma_start3A_35 = arith.constant 0 : i32
    %dma_start3A_36 = arith.constant 2 : i32
    %dma_start3A_37 = arith.constant 0 : i32
    %dma_start3A_38 = tpu.memref_slice %arg6[%dma_start3A_35, %dma_start3A_36, %dma_start3A_37] : memref<4x4x64xi32, #tpu.memory_space<vmem>> -> memref<1x1x64xi32, #tpu.memory_space<vmem>>
    %dma_start3A_39 = tpu.memref_squeeze %dma_start3A_38 : memref<1x1x64xi32, #tpu.memory_space<vmem>> -> memref<64xi32, #tpu.memory_space<vmem>>
    %dma_start3A_40 = tpu.memref_slice %arg2[%dma_start3A_34, %add3A_33] : memref<4x8192xi32, #tpu.memory_space<hbm>> -> memref<1x64xi32, #tpu.memory_space<hbm>>
    %dma_start3A_41 = tpu.memref_squeeze %dma_start3A_40 : memref<1x64xi32, #tpu.memory_space<hbm>> -> memref<64xi32, #tpu.memory_space<hbm>>
    %dma_start3A_42 = arith.constant 0 : i32
    %dma_start3A_43 = tpu.memref_slice %arg6[%dma_start3A_35, %dma_start3A_36, %dma_start3A_42] : memref<4x4x64xi32, #tpu.memory_space<vmem>> -> memref<1x1x64xi32, #tpu.memory_space<vmem>>
    %dma_start3A_44 = tpu.memref_squeeze %dma_start3A_43 : memref<1x1x64xi32, #tpu.memory_space<vmem>> -> memref<64xi32, #tpu.memory_space<vmem>>
    %dma_start3A_45 = tpu.memref_slice %arg2[%dma_start3A_34, %add3A_33] : memref<4x8192xi32, #tpu.memory_space<hbm>> -> memref<1x64xi32, #tpu.memory_space<hbm>>
    %dma_start3A_46 = tpu.memref_squeeze %dma_start3A_45 : memref<1x64xi32, #tpu.memory_space<hbm>> -> memref<64xi32, #tpu.memory_space<hbm>>
    tpu.enqueue_dma source(%dma_start3A_46 : memref<64xi32, #tpu.memory_space<hbm>>) target(%dma_start3A_44 : memref<64xi32, #tpu.memory_space<vmem>>) target_semaphore(%arg9 : memref<!tpu.dma_semaphore, #tpu.memory_space<semaphore_mem>>)
    %add3A_47 = arith.constant 192 : i32
    %add3A_48 = arith.addi %mul3A_2, %add3A_47 : i32
    %dma_start3A_49 = arith.constant 0 : i32
    %dma_start3A_50 = arith.constant 0 : i32
    %dma_start3A_51 = arith.constant 3 : i32
    %dma_start3A_52 = arith.constant 0 : i32
    %dma_start3A_53 = tpu.memref_slice %arg6[%dma_start3A_50, %dma_start3A_51, %dma_start3A_52] : memref<4x4x64xi32, #tpu.memory_space<vmem>> -> memref<1x1x64xi32, #tpu.memory_space<vmem>>
    %dma_start3A_54 = tpu.memref_squeeze %dma_start3A_53 : memref<1x1x64xi32, #tpu.memory_space<vmem>> -> memref<64xi32, #tpu.memory_space<vmem>>
    %dma_start3A_55 = tpu.memref_slice %arg2[%dma_start3A_49, %add3A_48] : memref<4x8192xi32, #tpu.memory_space<hbm>> -> memref<1x64xi32, #tpu.memory_space<hbm>>
    %dma_start3A_56 = tpu.memref_squeeze %dma_start3A_55 : memref<1x64xi32, #tpu.memory_space<hbm>> -> memref<64xi32, #tpu.memory_space<hbm>>
    %dma_start3A_57 = arith.constant 0 : i32
    %dma_start3A_58 = tpu.memref_slice %arg6[%dma_start3A_50, %dma_start3A_51, %dma_start3A_57] : memref<4x4x64xi32, #tpu.memory_space<vmem>> -> memref<1x1x64xi32, #tpu.memory_space<vmem>>
    %dma_start3A_59 = tpu.memref_squeeze %dma_start3A_58 : memref<1x1x64xi32, #tpu.memory_space<vmem>> -> memref<64xi32, #tpu.memory_space<vmem>>
    %dma_start3A_60 = tpu.memref_slice %arg2[%dma_start3A_49, %add3A_48] : memref<4x8192xi32, #tpu.memory_space<hbm>> -> memref<1x64xi32, #tpu.memory_space<hbm>>
    %dma_start3A_61 = tpu.memref_squeeze %dma_start3A_60 : memref<1x64xi32, #tpu.memory_space<hbm>> -> memref<64xi32, #tpu.memory_space<hbm>>
    tpu.enqueue_dma source(%dma_start3A_61 : memref<64xi32, #tpu.memory_space<hbm>>) target(%dma_start3A_59 : memref<64xi32, #tpu.memory_space<vmem>>) target_semaphore(%arg9 : memref<!tpu.dma_semaphore, #tpu.memory_space<semaphore_mem>>)
    %add3A_62 = arith.constant 0 : i32
    %add3A_63 = arith.addi %mul3A_2, %add3A_62 : i32
    %dma_start3A_64 = arith.constant 1 : i32
    %dma_start3A_65 = arith.constant 1 : i32
    %dma_start3A_66 = arith.constant 0 : i32
    %dma_start3A_67 = arith.constant 0 : i32
    %dma_start3A_68 = tpu.memref_slice %arg6[%dma_start3A_65, %dma_start3A_66, %dma_start3A_67] : memref<4x4x64xi32, #tpu.memory_space<vmem>> -> memref<1x1x64xi32, #tpu.memory_space<vmem>>
    %dma_start3A_69 = tpu.memref_squeeze %dma_start3A_68 : memref<1x1x64xi32, #tpu.memory_space<vmem>> -> memref<64xi32, #tpu.memory_space<vmem>>
    %dma_start3A_70 = tpu.memref_slice %arg2[%dma_start3A_64, %add3A_63] : memref<4x8192xi32, #tpu.memory_space<hbm>> -> memref<1x64xi32, #tpu.memory_space<hbm>>
    %dma_start3A_71 = tpu.memref_squeeze %dma_start3A_70 : memref<1x64xi32, #tpu.memory_space<hbm>> -> memref<64xi32, #tpu.memory_space<hbm>>
    %dma_start3A_72 = arith.constant 0 : i32
    %dma_start3A_73 = tpu.memref_slice %arg6[%dma_start3A_65, %dma_start3A_66, %dma_start3A_72] : memref<4x4x64xi32, #tpu.memory_space<vmem>> -> memref<1x1x64xi32, #tpu.memory_space<vmem>>
    %dma_start3A_74 = tpu.memref_squeeze %dma_start3A_73 : memref<1x1x64xi32, #tpu.memory_space<vmem>> -> memref<64xi32, #tpu.memory_space<vmem>>
    %dma_start3A_75 = tpu.memref_slice %arg2[%dma_start3A_64, %add3A_63] : memref<4x8192xi32, #tpu.memory_space<hbm>> -> memref<1x64xi32, #tpu.memory_space<hbm>>
    %dma_start3A_76 = tpu.memref_squeeze %dma_start3A_75 : memref<1x64xi32, #tpu.memory_space<hbm>> -> memref<64xi32, #tpu.memory_space<hbm>>
    tpu.enqueue_dma source(%dma_start3A_76 : memref<64xi32, #tpu.memory_space<hbm>>) target(%dma_start3A_74 : memref<64xi32, #tpu.memory_space<vmem>>) target_semaphore(%arg9 : memref<!tpu.dma_semaphore, #tpu.memory_space<semaphore_mem>>)
    %add3A_77 = arith.constant 64 : i32
    %add3A_78 = arith.addi %mul3A_2, %add3A_77 : i32
    %dma_start3A_79 = arith.constant 1 : i32
    %dma_start3A_80 = arith.constant 1 : i32
    %dma_start3A_81 = arith.constant 1 : i32
    %dma_start3A_82 = arith.constant 0 : i32
    %dma_start3A_83 = tpu.memref_slice %arg6[%dma_start3A_80, %dma_start3A_81, %dma_start3A_82] : memref<4x4x64xi32, #tpu.memory_space<vmem>> -> memref<1x1x64xi32, #tpu.memory_space<vmem>>
    %dma_start3A_84 = tpu.memref_squeeze %dma_start3A_83 : memref<1x1x64xi32, #tpu.memory_space<vmem>> -> memref<64xi32, #tpu.memory_space<vmem>>
    %dma_start3A_85 = tpu.memref_slice %arg2[%dma_start3A_79, %add3A_78] : memref<4x8192xi32, #tpu.memory_space<hbm>> -> memref<1x64xi32, #tpu.memory_space<hbm>>
    %dma_start3A_86 = tpu.memref_squeeze %dma_start3A_85 : memref<1x64xi32, #tpu.memory_space<hbm>> -> memref<64xi32, #tpu.memory_space<hbm>>
    %dma_start3A_87 = arith.constant 0 : i32
    %dma_start3A_88 = tpu.memref_slice %arg6[%dma_start3A_80, %dma_start3A_81, %dma_start3A_87] : memref<4x4x64xi32, #tpu.memory_space<vmem>> -> memref<1x1x64xi32, #tpu.memory_space<vmem>>
    %dma_start3A_89 = tpu.memref_squeeze %dma_start3A_88 : memref<1x1x64xi32, #tpu.memory_space<vmem>> -> memref<64xi32, #tpu.memory_space<vmem>>
    %dma_start3A_90 = tpu.memref_slice %arg2[%dma_start3A_79, %add3A_78] : memref<4x8192xi32, #tpu.memory_space<hbm>> -> memref<1x64xi32, #tpu.memory_space<hbm>>
    %dma_start3A_91 = tpu.memref_squeeze %dma_start3A_90 : memref<1x64xi32, #tpu.memory_space<hbm>> -> memref<64xi32, #tpu.memory_space<hbm>>
    tpu.enqueue_dma source(%dma_start3A_91 : memref<64xi32, #tpu.memory_space<hbm>>) target(%dma_start3A_89 : memref<64xi32, #tpu.memory_space<vmem>>) target_semaphore(%arg9 : memref<!tpu.dma_semaphore, #tpu.memory_space<semaphore_mem>>)
    %add3A_92 = arith.constant 128 : i32
    %add3A_93 = arith.addi %mul3A_2, %add3A_92 : i32
    %dma_start3A_94 = arith.constant 1 : i32
    %dma_start3A_95 = arith.constant 1 : i32
    %dma_start3A_96 = arith.constant 2 : i32
    %dma_start3A_97 = arith.constant 0 : i32
    %dma_start3A_98 = tpu.memref_slice %arg6[%dma_start3A_95, %dma_start3A_96, %dma_start3A_97] : memref<4x4x64xi32, #tpu.memory_space<vmem>> -> memref<1x1x64xi32, #tpu.memory_space<vmem>>
    %dma_start3A_99 = tpu.memref_squeeze %dma_start3A_98 : memref<1x1x64xi32, #tpu.memory_space<vmem>> -> memref<64xi32, #tpu.memory_space<vmem>>
    %dma_start3A_100 = tpu.memref_slice %arg2[%dma_start3A_94, %add3A_93] : memref<4x8192xi32, #tpu.memory_space<hbm>> -> memref<1x64xi32, #tpu.memory_space<hbm>>
    %dma_start3A_101 = tpu.memref_squeeze %dma_start3A_100 : memref<1x64xi32, #tpu.memory_space<hbm>> -> memref<64xi32, #tpu.memory_space<hbm>>
    %dma_start3A_102 = arith.constant 0 : i32
    %dma_start3A_103 = tpu.memref_slice %arg6[%dma_start3A_95, %dma_start3A_96, %dma_start3A_102] : memref<4x4x64xi32, #tpu.memory_space<vmem>> -> memref<1x1x64xi32, #tpu.memory_space<vmem>>
    %dma_start3A_104 = tpu.memref_squeeze %dma_start3A_103 : memref<1x1x64xi32, #tpu.memory_space<vmem>> -> memref<64xi32, #tpu.memory_space<vmem>>
    %dma_start3A_105 = tpu.memref_slice %arg2[%dma_start3A_94, %add3A_93] : memref<4x8192xi32, #tpu.memory_space<hbm>> -> memref<1x64xi32, #tpu.memory_space<hbm>>
    %dma_start3A_106 = tpu.memref_squeeze %dma_start3A_105 : memref<1x64xi32, #tpu.memory_space<hbm>> -> memref<64xi32, #tpu.memory_space<hbm>>
    tpu.enqueue_dma source(%dma_start3A_106 : memref<64xi32, #tpu.memory_space<hbm>>) target(%dma_start3A_104 : memref<64xi32, #tpu.memory_space<vmem>>) target_semaphore(%arg9 : memref<!tpu.dma_semaphore, #tpu.memory_space<semaphore_mem>>)
    %add3A_107 = arith.constant 192 : i32
    %add3A_108 = arith.addi %mul3A_2, %add3A_107 : i32
    %dma_start3A_109 = arith.constant 1 : i32
    %dma_start3A_110 = arith.constant 1 : i32
    %dma_start3A_111 = arith.constant 3 : i32
    %dma_start3A_112 = arith.constant 0 : i32
    %dma_start3A_113 = tpu.memref_slice %arg6[%dma_start3A_110, %dma_start3A_111, %dma_start3A_112] : memref<4x4x64xi32, #tpu.memory_space<vmem>> -> memref<1x1x64xi32, #tpu.memory_space<vmem>>
    %dma_start3A_114 = tpu.memref_squeeze %dma_start3A_113 : memref<1x1x64xi32, #tpu.memory_space<vmem>> -> memref<64xi32, #tpu.memory_space<vmem>>
    %dma_start3A_115 = tpu.memref_slice %arg2[%dma_start3A_109, %add3A_108] : memref<4x8192xi32, #tpu.memory_space<hbm>> -> memref<1x64xi32, #tpu.memory_space<hbm>>
    %dma_start3A_116 = tpu.memref_squeeze %dma_start3A_115 : memref<1x64xi32, #tpu.memory_space<hbm>> -> memref<64xi32, #tpu.memory_space<hbm>>
    %dma_start3A_117 = arith.constant 0 : i32
    %dma_start3A_118 = tpu.memref_slice %arg6[%dma_start3A_110, %dma_start3A_111, %dma_start3A_117] : memref<4x4x64xi32, #tpu.memory_space<vmem>> -> memref<1x1x64xi32, #tpu.memory_space<vmem>>
    %dma_start3A_119 = tpu.memref_squeeze %dma_start3A_118 : memref<1x1x64xi32, #tpu.memory_space<vmem>> -> memref<64xi32, #tpu.memory_space<vmem>>
    %dma_start3A_120 = tpu.memref_slice %arg2[%dma_start3A_109, %add3A_108] : memref<4x8192xi32, #tpu.memory_space<hbm>> -> memref<1x64xi32, #tpu.memory_space<hbm>>
    %dma_start3A_121 = tpu.memref_squeeze %dma_start3A_120 : memref<1x64xi32, #tpu.memory_space<hbm>> -> memref<64xi32, #tpu.memory_space<hbm>>
    tpu.enqueue_dma source(%dma_start3A_121 : memref<64xi32, #tpu.memory_space<hbm>>) target(%dma_start3A_119 : memref<64xi32, #tpu.memory_space<vmem>>) target_semaphore(%arg9 : memref<!tpu.dma_semaphore, #tpu.memory_space<semaphore_mem>>)
    %add3A_122 = arith.constant 0 : i32
    %add3A_123 = arith.addi %mul3A_2, %add3A_122 : i32
    %dma_start3A_124 = arith.constant 2 : i32
    %dma_start3A_125 = arith.constant 2 : i32
    %dma_start3A_126 = arith.constant 0 : i32
    %dma_start3A_127 = arith.constant 0 : i32
    %dma_start3A_128 = tpu.memref_slice %arg6[%dma_start3A_125, %dma_start3A_126, %dma_start3A_127] : memref<4x4x64xi32, #tpu.memory_space<vmem>> -> memref<1x1x64xi32, #tpu.memory_space<vmem>>
    %dma_start3A_129 = tpu.memref_squeeze %dma_start3A_128 : memref<1x1x64xi32, #tpu.memory_space<vmem>> -> memref<64xi32, #tpu.memory_space<vmem>>
    %dma_start3A_130 = tpu.memref_slice %arg2[%dma_start3A_124, %add3A_123] : memref<4x8192xi32, #tpu.memory_space<hbm>> -> memref<1x64xi32, #tpu.memory_space<hbm>>
    %dma_start3A_131 = tpu.memref_squeeze %dma_start3A_130 : memref<1x64xi32, #tpu.memory_space<hbm>> -> memref<64xi32, #tpu.memory_space<hbm>>
    %dma_start3A_132 = arith.constant 0 : i32
    %dma_start3A_133 = tpu.memref_slice %arg6[%dma_start3A_125, %dma_start3A_126, %dma_start3A_132] : memref<4x4x64xi32, #tpu.memory_space<vmem>> -> memref<1x1x64xi32, #tpu.memory_space<vmem>>
    %dma_start3A_134 = tpu.memref_squeeze %dma_start3A_133 : memref<1x1x64xi32, #tpu.memory_space<vmem>> -> memref<64xi32, #tpu.memory_space<vmem>>
    %dma_start3A_135 = tpu.memref_slice %arg2[%dma_start3A_124, %add3A_123] : memref<4x8192xi32, #tpu.memory_space<hbm>> -> memref<1x64xi32, #tpu.memory_space<hbm>>
    %dma_start3A_136 = tpu.memref_squeeze %dma_start3A_135 : memref<1x64xi32, #tpu.memory_space<hbm>> -> memref<64xi32, #tpu.memory_space<hbm>>
    tpu.enqueue_dma source(%dma_start3A_136 : memref<64xi32, #tpu.memory_space<hbm>>) target(%dma_start3A_134 : memref<64xi32, #tpu.memory_space<vmem>>) target_semaphore(%arg9 : memref<!tpu.dma_semaphore, #tpu.memory_space<semaphore_mem>>)
    %add3A_137 = arith.constant 64 : i32
    %add3A_138 = arith.addi %mul3A_2, %add3A_137 : i32
    %dma_start3A_139 = arith.constant 2 : i32
    %dma_start3A_140 = arith.constant 2 : i32
    %dma_start3A_141 = arith.constant 1 : i32
    %dma_start3A_142 = arith.constant 0 : i32
    %dma_start3A_143 = tpu.memref_slice %arg6[%dma_start3A_140, %dma_start3A_141, %dma_start3A_142] : memref<4x4x64xi32, #tpu.memory_space<vmem>> -> memref<1x1x64xi32, #tpu.memory_space<vmem>>
    %dma_start3A_144 = tpu.memref_squeeze %dma_start3A_143 : memref<1x1x64xi32, #tpu.memory_space<vmem>> -> memref<64xi32, #tpu.memory_space<vmem>>
    %dma_start3A_145 = tpu.memref_slice %arg2[%dma_start3A_139, %add3A_138] : memref<4x8192xi32, #tpu.memory_space<hbm>> -> memref<1x64xi32, #tpu.memory_space<hbm>>
    %dma_start3A_146 = tpu.memref_squeeze %dma_start3A_145 : memref<1x64xi32, #tpu.memory_space<hbm>> -> memref<64xi32, #tpu.memory_space<hbm>>
    %dma_start3A_147 = arith.constant 0 : i32
    %dma_start3A_148 = tpu.memref_slice %arg6[%dma_start3A_140, %dma_start3A_141, %dma_start3A_147] : memref<4x4x64xi32, #tpu.memory_space<vmem>> -> memref<1x1x64xi32, #tpu.memory_space<vmem>>
    %dma_start3A_149 = tpu.memref_squeeze %dma_start3A_148 : memref<1x1x64xi32, #tpu.memory_space<vmem>> -> memref<64xi32, #tpu.memory_space<vmem>>
    %dma_start3A_150 = tpu.memref_slice %arg2[%dma_start3A_139, %add3A_138] : memref<4x8192xi32, #tpu.memory_space<hbm>> -> memref<1x64xi32, #tpu.memory_space<hbm>>
    %dma_start3A_151 = tpu.memref_squeeze %dma_start3A_150 : memref<1x64xi32, #tpu.memory_space<hbm>> -> memref<64xi32, #tpu.memory_space<hbm>>
    tpu.enqueue_dma source(%dma_start3A_151 : memref<64xi32, #tpu.memory_space<hbm>>) target(%dma_start3A_149 : memref<64xi32, #tpu.memory_space<vmem>>) target_semaphore(%arg9 : memref<!tpu.dma_semaphore, #tpu.memory_space<semaphore_mem>>)
    %add3A_152 = arith.constant 128 : i32
    %add3A_153 = arith.addi %mul3A_2, %add3A_152 : i32
    %dma_start3A_154 = arith.constant 2 : i32
    %dma_start3A_155 = arith.constant 2 : i32
    %dma_start3A_156 = arith.constant 2 : i32
    %dma_start3A_157 = arith.constant 0 : i32
    %dma_start3A_158 = tpu.memref_slice %arg6[%dma_start3A_155, %dma_start3A_156, %dma_start3A_157] : memref<4x4x64xi32, #tpu.memory_space<vmem>> -> memref<1x1x64xi32, #tpu.memory_space<vmem>>
    %dma_start3A_159 = tpu.memref_squeeze %dma_start3A_158 : memref<1x1x64xi32, #tpu.memory_space<vmem>> -> memref<64xi32, #tpu.memory_space<vmem>>
    %dma_start3A_160 = tpu.memref_slice %arg2[%dma_start3A_154, %add3A_153] : memref<4x8192xi32, #tpu.memory_space<hbm>> -> memref<1x64xi32, #tpu.memory_space<hbm>>
    %dma_start3A_161 = tpu.memref_squeeze %dma_start3A_160 : memref<1x64xi32, #tpu.memory_space<hbm>> -> memref<64xi32, #tpu.memory_space<hbm>>
    %dma_start3A_162 = arith.constant 0 : i32
    %dma_start3A_163 = tpu.memref_slice %arg6[%dma_start3A_155, %dma_start3A_156, %dma_start3A_162] : memref<4x4x64xi32, #tpu.memory_space<vmem>> -> memref<1x1x64xi32, #tpu.memory_space<vmem>>
    %dma_start3A_164 = tpu.memref_squeeze %dma_start3A_163 : memref<1x1x64xi32, #tpu.memory_space<vmem>> -> memref<64xi32, #tpu.memory_space<vmem>>
    %dma_start3A_165 = tpu.memref_slice %arg2[%dma_start3A_154, %add3A_153] : memref<4x8192xi32, #tpu.memory_space<hbm>> -> memref<1x64xi32, #tpu.memory_space<hbm>>
    %dma_start3A_166 = tpu.memref_squeeze %dma_start3A_165 : memref<1x64xi32, #tpu.memory_space<hbm>> -> memref<64xi32, #tpu.memory_space<hbm>>
    tpu.enqueue_dma source(%dma_start3A_166 : memref<64xi32, #tpu.memory_space<hbm>>) target(%dma_start3A_164 : memref<64xi32, #tpu.memory_space<vmem>>) target_semaphore(%arg9 : memref<!tpu.dma_semaphore, #tpu.memory_space<semaphore_mem>>)
    %add3A_167 = arith.constant 192 : i32
    %add3A_168 = arith.addi %mul3A_2, %add3A_167 : i32
    %dma_start3A_169 = arith.constant 2 : i32
    %dma_start3A_170 = arith.constant 2 : i32
    %dma_start3A_171 = arith.constant 3 : i32
    %dma_start3A_172 = arith.constant 0 : i32
    %dma_start3A_173 = tpu.memref_slice %arg6[%dma_start3A_170, %dma_start3A_171, %dma_start3A_172] : memref<4x4x64xi32, #tpu.memory_space<vmem>> -> memref<1x1x64xi32, #tpu.memory_space<vmem>>
    %dma_start3A_174 = tpu.memref_squeeze %dma_start3A_173 : memref<1x1x64xi32, #tpu.memory_space<vmem>> -> memref<64xi32, #tpu.memory_space<vmem>>
    %dma_start3A_175 = tpu.memref_slice %arg2[%dma_start3A_169, %add3A_168] : memref<4x8192xi32, #tpu.memory_space<hbm>> -> memref<1x64xi32, #tpu.memory_space<hbm>>
    %dma_start3A_176 = tpu.memref_squeeze %dma_start3A_175 : memref<1x64xi32, #tpu.memory_space<hbm>> -> memref<64xi32, #tpu.memory_space<hbm>>
    %dma_start3A_177 = arith.constant 0 : i32
    %dma_start3A_178 = tpu.memref_slice %arg6[%dma_start3A_170, %dma_start3A_171, %dma_start3A_177] : memref<4x4x64xi32, #tpu.memory_space<vmem>> -> memref<1x1x64xi32, #tpu.memory_space<vmem>>
    %dma_start3A_179 = tpu.memref_squeeze %dma_start3A_178 : memref<1x1x64xi32, #tpu.memory_space<vmem>> -> memref<64xi32, #tpu.memory_space<vmem>>
    %dma_start3A_180 = tpu.memref_slice %arg2[%dma_start3A_169, %add3A_168] : memref<4x8192xi32, #tpu.memory_space<hbm>> -> memref<1x64xi32, #tpu.memory_space<hbm>>
    %dma_start3A_181 = tpu.memref_squeeze %dma_start3A_180 : memref<1x64xi32, #tpu.memory_space<hbm>> -> memref<64xi32, #tpu.memory_space<hbm>>
    tpu.enqueue_dma source(%dma_start3A_181 : memref<64xi32, #tpu.memory_space<hbm>>) target(%dma_start3A_179 : memref<64xi32, #tpu.memory_space<vmem>>) target_semaphore(%arg9 : memref<!tpu.dma_semaphore, #tpu.memory_space<semaphore_mem>>)
    %add3A_182 = arith.constant 0 : i32
    %add3A_183 = arith.addi %mul3A_2, %add3A_182 : i32
    %dma_start3A_184 = arith.constant 3 : i32
    %dma_start3A_185 = arith.constant 3 : i32
    %dma_start3A_186 = arith.constant 0 : i32
    %dma_start3A_187 = arith.constant 0 : i32
    %dma_start3A_188 = tpu.memref_slice %arg6[%dma_start3A_185, %dma_start3A_186, %dma_start3A_187] : memref<4x4x64xi32, #tpu.memory_space<vmem>> -> memref<1x1x64xi32, #tpu.memory_space<vmem>>
    %dma_start3A_189 = tpu.memref_squeeze %dma_start3A_188 : memref<1x1x64xi32, #tpu.memory_space<vmem>> -> memref<64xi32, #tpu.memory_space<vmem>>
    %dma_start3A_190 = tpu.memref_slice %arg2[%dma_start3A_184, %add3A_183] : memref<4x8192xi32, #tpu.memory_space<hbm>> -> memref<1x64xi32, #tpu.memory_space<hbm>>
    %dma_start3A_191 = tpu.memref_squeeze %dma_start3A_190 : memref<1x64xi32, #tpu.memory_space<hbm>> -> memref<64xi32, #tpu.memory_space<hbm>>
    %dma_start3A_192 = arith.constant 0 : i32
    %dma_start3A_193 = tpu.memref_slice %arg6[%dma_start3A_185, %dma_start3A_186, %dma_start3A_192] : memref<4x4x64xi32, #tpu.memory_space<vmem>> -> memref<1x1x64xi32, #tpu.memory_space<vmem>>
    %dma_start3A_194 = tpu.memref_squeeze %dma_start3A_193 : memref<1x1x64xi32, #tpu.memory_space<vmem>> -> memref<64xi32, #tpu.memory_space<vmem>>
    %dma_start3A_195 = tpu.memref_slice %arg2[%dma_start3A_184, %add3A_183] : memref<4x8192xi32, #tpu.memory_space<hbm>> -> memref<1x64xi32, #tpu.memory_space<hbm>>
    %dma_start3A_196 = tpu.memref_squeeze %dma_start3A_195 : memref<1x64xi32, #tpu.memory_space<hbm>> -> memref<64xi32, #tpu.memory_space<hbm>>
    tpu.enqueue_dma source(%dma_start3A_196 : memref<64xi32, #tpu.memory_space<hbm>>) target(%dma_start3A_194 : memref<64xi32, #tpu.memory_space<vmem>>) target_semaphore(%arg9 : memref<!tpu.dma_semaphore, #tpu.memory_space<semaphore_mem>>)
    %add3A_197 = arith.constant 64 : i32
    %add3A_198 = arith.addi %mul3A_2, %add3A_197 : i32
    %dma_start3A_199 = arith.constant 3 : i32
    %dma_start3A_200 = arith.constant 3 : i32
    %dma_start3A_201 = arith.constant 1 : i32
    %dma_start3A_202 = arith.constant 0 : i32
    %dma_start3A_203 = tpu.memref_slice %arg6[%dma_start3A_200, %dma_start3A_201, %dma_start3A_202] : memref<4x4x64xi32, #tpu.memory_space<vmem>> -> memref<1x1x64xi32, #tpu.memory_space<vmem>>
    %dma_start3A_204 = tpu.memref_squeeze %dma_start3A_203 : memref<1x1x64xi32, #tpu.memory_space<vmem>> -> memref<64xi32, #tpu.memory_space<vmem>>
    %dma_start3A_205 = tpu.memref_slice %arg2[%dma_start3A_199, %add3A_198] : memref<4x8192xi32, #tpu.memory_space<hbm>> -> memref<1x64xi32, #tpu.memory_space<hbm>>
    %dma_start3A_206 = tpu.memref_squeeze %dma_start3A_205 : memref<1x64xi32, #tpu.memory_space<hbm>> -> memref<64xi32, #tpu.memory_space<hbm>>
    %dma_start3A_207 = arith.constant 0 : i32
    %dma_start3A_208 = tpu.memref_slice %arg6[%dma_start3A_200, %dma_start3A_201, %dma_start3A_207] : memref<4x4x64xi32, #tpu.memory_space<vmem>> -> memref<1x1x64xi32, #tpu.memory_space<vmem>>
    %dma_start3A_209 = tpu.memref_squeeze %dma_start3A_208 : memref<1x1x64xi32, #tpu.memory_space<vmem>> -> memref<64xi32, #tpu.memory_space<vmem>>
    %dma_start3A_210 = tpu.memref_slice %arg2[%dma_start3A_199, %add3A_198] : memref<4x8192xi32, #tpu.memory_space<hbm>> -> memref<1x64xi32, #tpu.memory_space<hbm>>
    %dma_start3A_211 = tpu.memref_squeeze %dma_start3A_210 : memref<1x64xi32, #tpu.memory_space<hbm>> -> memref<64xi32, #tpu.memory_space<hbm>>
    tpu.enqueue_dma source(%dma_start3A_211 : memref<64xi32, #tpu.memory_space<hbm>>) target(%dma_start3A_209 : memref<64xi32, #tpu.memory_space<vmem>>) target_semaphore(%arg9 : memref<!tpu.dma_semaphore, #tpu.memory_space<semaphore_mem>>)
    %add3A_212 = arith.constant 128 : i32
    %add3A_213 = arith.addi %mul3A_2, %add3A_212 : i32
    %dma_start3A_214 = arith.constant 3 : i32
    %dma_start3A_215 = arith.constant 3 : i32
    %dma_start3A_216 = arith.constant 2 : i32
    %dma_start3A_217 = arith.constant 0 : i32
    %dma_start3A_218 = tpu.memref_slice %arg6[%dma_start3A_215, %dma_start3A_216, %dma_start3A_217] : memref<4x4x64xi32, #tpu.memory_space<vmem>> -> memref<1x1x64xi32, #tpu.memory_space<vmem>>
    %dma_start3A_219 = tpu.memref_squeeze %dma_start3A_218 : memref<1x1x64xi32, #tpu.memory_space<vmem>> -> memref<64xi32, #tpu.memory_space<vmem>>
    %dma_start3A_220 = tpu.memref_slice %arg2[%dma_start3A_214, %add3A_213] : memref<4x8192xi32, #tpu.memory_space<hbm>> -> memref<1x64xi32, #tpu.memory_space<hbm>>
    %dma_start3A_221 = tpu.memref_squeeze %dma_start3A_220 : memref<1x64xi32, #tpu.memory_space<hbm>> -> memref<64xi32, #tpu.memory_space<hbm>>
    %dma_start3A_222 = arith.constant 0 : i32
    %dma_start3A_223 = tpu.memref_slice %arg6[%dma_start3A_215, %dma_start3A_216, %dma_start3A_222] : memref<4x4x64xi32, #tpu.memory_space<vmem>> -> memref<1x1x64xi32, #tpu.memory_space<vmem>>
    %dma_start3A_224 = tpu.memref_squeeze %dma_start3A_223 : memref<1x1x64xi32, #tpu.memory_space<vmem>> -> memref<64xi32, #tpu.memory_space<vmem>>
    %dma_start3A_225 = tpu.memref_slice %arg2[%dma_start3A_214, %add3A_213] : memref<4x8192xi32, #tpu.memory_space<hbm>> -> memref<1x64xi32, #tpu.memory_space<hbm>>
    %dma_start3A_226 = tpu.memref_squeeze %dma_start3A_225 : memref<1x64xi32, #tpu.memory_space<hbm>> -> memref<64xi32, #tpu.memory_space<hbm>>
    tpu.enqueue_dma source(%dma_start3A_226 : memref<64xi32, #tpu.memory_space<hbm>>) target(%dma_start3A_224 : memref<64xi32, #tpu.memory_space<vmem>>) target_semaphore(%arg9 : memref<!tpu.dma_semaphore, #tpu.memory_space<semaphore_mem>>)
    %add3A_227 = arith.constant 192 : i32
    %add3A_228 = arith.addi %mul3A_2, %add3A_227 : i32
    %dma_start3A_229 = arith.constant 3 : i32
    %dma_start3A_230 = arith.constant 3 : i32
    %dma_start3A_231 = arith.constant 3 : i32
    %dma_start3A_232 = arith.constant 0 : i32
    %dma_start3A_233 = tpu.memref_slice %arg6[%dma_start3A_230, %dma_start3A_231, %dma_start3A_232] : memref<4x4x64xi32, #tpu.memory_space<vmem>> -> memref<1x1x64xi32, #tpu.memory_space<vmem>>
    %dma_start3A_234 = tpu.memref_squeeze %dma_start3A_233 : memref<1x1x64xi32, #tpu.memory_space<vmem>> -> memref<64xi32, #tpu.memory_space<vmem>>
    %dma_start3A_235 = tpu.memref_slice %arg2[%dma_start3A_229, %add3A_228] : memref<4x8192xi32, #tpu.memory_space<hbm>> -> memref<1x64xi32, #tpu.memory_space<hbm>>
    %dma_start3A_236 = tpu.memref_squeeze %dma_start3A_235 : memref<1x64xi32, #tpu.memory_space<hbm>> -> memref<64xi32, #tpu.memory_space<hbm>>
    %dma_start3A_237 = arith.constant 0 : i32
    %dma_start3A_238 = tpu.memref_slice %arg6[%dma_start3A_230, %dma_start3A_231, %dma_start3A_237] : memref<4x4x64xi32, #tpu.memory_space<vmem>> -> memref<1x1x64xi32, #tpu.memory_space<vmem>>
    %dma_start3A_239 = tpu.memref_squeeze %dma_start3A_238 : memref<1x1x64xi32, #tpu.memory_space<vmem>> -> memref<64xi32, #tpu.memory_space<vmem>>
    %dma_start3A_240 = tpu.memref_slice %arg2[%dma_start3A_229, %add3A_228] : memref<4x8192xi32, #tpu.memory_space<hbm>> -> memref<1x64xi32, #tpu.memory_space<hbm>>
    %dma_start3A_241 = tpu.memref_squeeze %dma_start3A_240 : memref<1x64xi32, #tpu.memory_space<hbm>> -> memref<64xi32, #tpu.memory_space<hbm>>
    tpu.enqueue_dma source(%dma_start3A_241 : memref<64xi32, #tpu.memory_space<hbm>>) target(%dma_start3A_239 : memref<64xi32, #tpu.memory_space<vmem>>) target_semaphore(%arg9 : memref<!tpu.dma_semaphore, #tpu.memory_space<semaphore_mem>>)
    %add3A_242 = arith.constant 0 : i32
    %add3A_243 = arith.addi %mul3A_2, %add3A_242 : i32
    %dma_start3A_244 = arith.constant 0 : i32
    %dma_start3A_245 = arith.constant 0 : i32
    %dma_start3A_246 = arith.constant 0 : i32
    %dma_start3A_247 = tpu.memref_slice %arg8[%dma_start3A_244, %dma_start3A_245, %dma_start3A_246] : memref<3x64x128xf32, #tpu.memory_space<vmem>> -> memref<1x64x128xf32, #tpu.memory_space<vmem>>
    %dma_start3A_248 = tpu.memref_squeeze %dma_start3A_247 : memref<1x64x128xf32, #tpu.memory_space<vmem>> -> memref<64x128xf32, #tpu.memory_space<vmem>>
    %dma_start3A_249 = arith.constant 0 : i32
    %dma_start3A_250 = tpu.memref_slice %arg4[%add3A_243, %dma_start3A_249] : memref<8192x128xf32, #tpu.memory_space<hbm>> -> memref<64x128xf32, #tpu.memory_space<hbm>>
    %dma_start3A_251 = arith.constant 0 : i32
    %dma_start3A_252 = arith.constant 0 : i32
    %dma_start3A_253 = tpu.memref_slice %arg8[%dma_start3A_244, %dma_start3A_251, %dma_start3A_252] : memref<3x64x128xf32, #tpu.memory_space<vmem>> -> memref<1x64x128xf32, #tpu.memory_space<vmem>>
    %dma_start3A_254 = tpu.memref_squeeze %dma_start3A_253 : memref<1x64x128xf32, #tpu.memory_space<vmem>> -> memref<64x128xf32, #tpu.memory_space<vmem>>
    %dma_start3A_255 = arith.constant 0 : i32
    %dma_start3A_256 = tpu.memref_slice %arg4[%add3A_243, %dma_start3A_255] : memref<8192x128xf32, #tpu.memory_space<hbm>> -> memref<64x128xf32, #tpu.memory_space<hbm>>
    tpu.enqueue_dma source(%dma_start3A_256 : memref<64x128xf32, #tpu.memory_space<hbm>>) target(%dma_start3A_254 : memref<64x128xf32, #tpu.memory_space<vmem>>) target_semaphore(%arg10 : memref<!tpu.dma_semaphore, #tpu.memory_space<semaphore_mem>>)
    %dma_wait3A = arith.constant 0 : i32
    %dma_wait3A_257 = arith.constant 0 : i32
    %dma_wait3A_258 = arith.constant 0 : i32
    %dma_wait3A_259 = arith.constant 0 : i32
    %dma_wait3A_260 = tpu.memref_slice %arg6[%dma_wait3A_257, %dma_wait3A_258, %dma_wait3A_259] : memref<4x4x64xi32, #tpu.memory_space<vmem>> -> memref<1x1x64xi32, #tpu.memory_space<vmem>>
    %dma_wait3A_261 = tpu.memref_squeeze %dma_wait3A_260 : memref<1x1x64xi32, #tpu.memory_space<vmem>> -> memref<64xi32, #tpu.memory_space<vmem>>
    %dma_wait3A_262 = tpu.memref_slice %arg2[%dma_wait3A, %add3A_4] : memref<4x8192xi32, #tpu.memory_space<hbm>> -> memref<1x64xi32, #tpu.memory_space<hbm>>
    %dma_wait3A_263 = tpu.memref_squeeze %dma_wait3A_262 : memref<1x64xi32, #tpu.memory_space<hbm>> -> memref<64xi32, #tpu.memory_space<hbm>>
    %dma_wait3A_264 = arith.constant 0 : i32
    %dma_wait3A_265 = tpu.memref_slice %arg6[%dma_wait3A_257, %dma_wait3A_258, %dma_wait3A_264] : memref<4x4x64xi32, #tpu.memory_space<vmem>> -> memref<1x1x64xi32, #tpu.memory_space<vmem>>
    %dma_wait3A_266 = tpu.memref_squeeze %dma_wait3A_265 : memref<1x1x64xi32, #tpu.memory_space<vmem>> -> memref<64xi32, #tpu.memory_space<vmem>>
    %dma_wait3A_267 = tpu.memref_slice %arg2[%dma_wait3A, %add3A_4] : memref<4x8192xi32, #tpu.memory_space<hbm>> -> memref<1x64xi32, #tpu.memory_space<hbm>>
    %dma_wait3A_268 = tpu.memref_squeeze %dma_wait3A_267 : memref<1x64xi32, #tpu.memory_space<hbm>> -> memref<64xi32, #tpu.memory_space<hbm>>
    tpu.wait_dma2 semaphore(%arg9 : memref<!tpu.dma_semaphore, #tpu.memory_space<semaphore_mem>>) src(%dma_wait3A_268 : memref<64xi32, #tpu.memory_space<hbm>>) dst(%dma_wait3A_266 : memref<64xi32, #tpu.memory_space<vmem>>)
    %dma_wait3A_269 = arith.constant 0 : i32
    %dma_wait3A_270 = arith.constant 0 : i32
    %dma_wait3A_271 = arith.constant 1 : i32
    %dma_wait3A_272 = arith.constant 0 : i32
    %dma_wait3A_273 = tpu.memref_slice %arg6[%dma_wait3A_270, %dma_wait3A_271, %dma_wait3A_272] : memref<4x4x64xi32, #tpu.memory_space<vmem>> -> memref<1x1x64xi32, #tpu.memory_space<vmem>>
    %dma_wait3A_274 = tpu.memref_squeeze %dma_wait3A_273 : memref<1x1x64xi32, #tpu.memory_space<vmem>> -> memref<64xi32, #tpu.memory_space<vmem>>
    %dma_wait3A_275 = tpu.memref_slice %arg2[%dma_wait3A_269, %add3A_18] : memref<4x8192xi32, #tpu.memory_space<hbm>> -> memref<1x64xi32, #tpu.memory_space<hbm>>
    %dma_wait3A_276 = tpu.memref_squeeze %dma_wait3A_275 : memref<1x64xi32, #tpu.memory_space<hbm>> -> memref<64xi32, #tpu.memory_space<hbm>>
    %dma_wait3A_277 = arith.constant 0 : i32
    %dma_wait3A_278 = tpu.memref_slice %arg6[%dma_wait3A_270, %dma_wait3A_271, %dma_wait3A_277] : memref<4x4x64xi32, #tpu.memory_space<vmem>> -> memref<1x1x64xi32, #tpu.memory_space<vmem>>
    %dma_wait3A_279 = tpu.memref_squeeze %dma_wait3A_278 : memref<1x1x64xi32, #tpu.memory_space<vmem>> -> memref<64xi32, #tpu.memory_space<vmem>>
    %dma_wait3A_280 = tpu.memref_slice %arg2[%dma_wait3A_269, %add3A_18] : memref<4x8192xi32, #tpu.memory_space<hbm>> -> memref<1x64xi32, #tpu.memory_space<hbm>>
    %dma_wait3A_281 = tpu.memref_squeeze %dma_wait3A_280 : memref<1x64xi32, #tpu.memory_space<hbm>> -> memref<64xi32, #tpu.memory_space<hbm>>
    tpu.wait_dma2 semaphore(%arg9 : memref<!tpu.dma_semaphore, #tpu.memory_space<semaphore_mem>>) src(%dma_wait3A_281 : memref<64xi32, #tpu.memory_space<hbm>>) dst(%dma_wait3A_279 : memref<64xi32, #tpu.memory_space<vmem>>)
    %dma_wait3A_282 = arith.constant 0 : i32
    %dma_wait3A_283 = arith.constant 0 : i32
    %dma_wait3A_284 = arith.constant 2 : i32
    %dma_wait3A_285 = arith.constant 0 : i32
    %dma_wait3A_286 = tpu.memref_slice %arg6[%dma_wait3A_283, %dma_wait3A_284, %dma_wait3A_285] : memref<4x4x64xi32, #tpu.memory_space<vmem>> -> memref<1x1x64xi32, #tpu.memory_space<vmem>>
    %dma_wait3A_287 = tpu.memref_squeeze %dma_wait3A_286 : memref<1x1x64xi32, #tpu.memory_space<vmem>> -> memref<64xi32, #tpu.memory_space<vmem>>
    %dma_wait3A_288 = tpu.memref_slice %arg2[%dma_wait3A_282, %add3A_33] : memref<4x8192xi32, #tpu.memory_space<hbm>> -> memref<1x64xi32, #tpu.memory_space<hbm>>
    %dma_wait3A_289 = tpu.memref_squeeze %dma_wait3A_288 : memref<1x64xi32, #tpu.memory_space<hbm>> -> memref<64xi32, #tpu.memory_space<hbm>>
    %dma_wait3A_290 = arith.constant 0 : i32
    %dma_wait3A_291 = tpu.memref_slice %arg6[%dma_wait3A_283, %dma_wait3A_284, %dma_wait3A_290] : memref<4x4x64xi32, #tpu.memory_space<vmem>> -> memref<1x1x64xi32, #tpu.memory_space<vmem>>
    %dma_wait3A_292 = tpu.memref_squeeze %dma_wait3A_291 : memref<1x1x64xi32, #tpu.memory_space<vmem>> -> memref<64xi32, #tpu.memory_space<vmem>>
    %dma_wait3A_293 = tpu.memref_slice %arg2[%dma_wait3A_282, %add3A_33] : memref<4x8192xi32, #tpu.memory_space<hbm>> -> memref<1x64xi32, #tpu.memory_space<hbm>>
    %dma_wait3A_294 = tpu.memref_squeeze %dma_wait3A_293 : memref<1x64xi32, #tpu.memory_space<hbm>> -> memref<64xi32, #tpu.memory_space<hbm>>
    tpu.wait_dma2 semaphore(%arg9 : memref<!tpu.dma_semaphore, #tpu.memory_space<semaphore_mem>>) src(%dma_wait3A_294 : memref<64xi32, #tpu.memory_space<hbm>>) dst(%dma_wait3A_292 : memref<64xi32, #tpu.memory_space<vmem>>)
    %dma_wait3A_295 = arith.constant 0 : i32
    %dma_wait3A_296 = arith.constant 0 : i32
    %dma_wait3A_297 = arith.constant 3 : i32
    %dma_wait3A_298 = arith.constant 0 : i32
    %dma_wait3A_299 = tpu.memref_slice %arg6[%dma_wait3A_296, %dma_wait3A_297, %dma_wait3A_298] : memref<4x4x64xi32, #tpu.memory_space<vmem>> -> memref<1x1x64xi32, #tpu.memory_space<vmem>>
    %dma_wait3A_300 = tpu.memref_squeeze %dma_wait3A_299 : memref<1x1x64xi32, #tpu.memory_space<vmem>> -> memref<64xi32, #tpu.memory_space<vmem>>
    %dma_wait3A_301 = tpu.memref_slice %arg2[%dma_wait3A_295, %add3A_48] : memref<4x8192xi32, #tpu.memory_space<hbm>> -> memref<1x64xi32, #tpu.memory_space<hbm>>
    %dma_wait3A_302 = tpu.memref_squeeze %dma_wait3A_301 : memref<1x64xi32, #tpu.memory_space<hbm>> -> memref<64xi32, #tpu.memory_space<hbm>>
    %dma_wait3A_303 = arith.constant 0 : i32
    %dma_wait3A_304 = tpu.memref_slice %arg6[%dma_wait3A_296, %dma_wait3A_297, %dma_wait3A_303] : memref<4x4x64xi32, #tpu.memory_space<vmem>> -> memref<1x1x64xi32, #tpu.memory_space<vmem>>
    %dma_wait3A_305 = tpu.memref_squeeze %dma_wait3A_304 : memref<1x1x64xi32, #tpu.memory_space<vmem>> -> memref<64xi32, #tpu.memory_space<vmem>>
    %dma_wait3A_306 = tpu.memref_slice %arg2[%dma_wait3A_295, %add3A_48] : memref<4x8192xi32, #tpu.memory_space<hbm>> -> memref<1x64xi32, #tpu.memory_space<hbm>>
    %dma_wait3A_307 = tpu.memref_squeeze %dma_wait3A_306 : memref<1x64xi32, #tpu.memory_space<hbm>> -> memref<64xi32, #tpu.memory_space<hbm>>
    tpu.wait_dma2 semaphore(%arg9 : memref<!tpu.dma_semaphore, #tpu.memory_space<semaphore_mem>>) src(%dma_wait3A_307 : memref<64xi32, #tpu.memory_space<hbm>>) dst(%dma_wait3A_305 : memref<64xi32, #tpu.memory_space<vmem>>)
    %dma_wait3A_308 = arith.constant 1 : i32
    %dma_wait3A_309 = arith.constant 1 : i32
    %dma_wait3A_310 = arith.constant 0 : i32
    %dma_wait3A_311 = arith.constant 0 : i32
    %dma_wait3A_312 = tpu.memref_slice %arg6[%dma_wait3A_309, %dma_wait3A_310, %dma_wait3A_311] : memref<4x4x64xi32, #tpu.memory_space<vmem>> -> memref<1x1x64xi32, #tpu.memory_space<vmem>>
    %dma_wait3A_313 = tpu.memref_squeeze %dma_wait3A_312 : memref<1x1x64xi32, #tpu.memory_space<vmem>> -> memref<64xi32, #tpu.memory_space<vmem>>
    %dma_wait3A_314 = tpu.memref_slice %arg2[%dma_wait3A_308, %add3A_63] : memref<4x8192xi32, #tpu.memory_space<hbm>> -> memref<1x64xi32, #tpu.memory_space<hbm>>
    %dma_wait3A_315 = tpu.memref_squeeze %dma_wait3A_314 : memref<1x64xi32, #tpu.memory_space<hbm>> -> memref<64xi32, #tpu.memory_space<hbm>>
    %dma_wait3A_316 = arith.constant 0 : i32
    %dma_wait3A_317 = tpu.memref_slice %arg6[%dma_wait3A_309, %dma_wait3A_310, %dma_wait3A_316] : memref<4x4x64xi32, #tpu.memory_space<vmem>> -> memref<1x1x64xi32, #tpu.memory_space<vmem>>
    %dma_wait3A_318 = tpu.memref_squeeze %dma_wait3A_317 : memref<1x1x64xi32, #tpu.memory_space<vmem>> -> memref<64xi32, #tpu.memory_space<vmem>>
    %dma_wait3A_319 = tpu.memref_slice %arg2[%dma_wait3A_308, %add3A_63] : memref<4x8192xi32, #tpu.memory_space<hbm>> -> memref<1x64xi32, #tpu.memory_space<hbm>>
    %dma_wait3A_320 = tpu.memref_squeeze %dma_wait3A_319 : memref<1x64xi32, #tpu.memory_space<hbm>> -> memref<64xi32, #tpu.memory_space<hbm>>
    tpu.wait_dma2 semaphore(%arg9 : memref<!tpu.dma_semaphore, #tpu.memory_space<semaphore_mem>>) src(%dma_wait3A_320 : memref<64xi32, #tpu.memory_space<hbm>>) dst(%dma_wait3A_318 : memref<64xi32, #tpu.memory_space<vmem>>)
    %dma_wait3A_321 = arith.constant 1 : i32
    %dma_wait3A_322 = arith.constant 1 : i32
    %dma_wait3A_323 = arith.constant 1 : i32
    %dma_wait3A_324 = arith.constant 0 : i32
    %dma_wait3A_325 = tpu.memref_slice %arg6[%dma_wait3A_322, %dma_wait3A_323, %dma_wait3A_324] : memref<4x4x64xi32, #tpu.memory_space<vmem>> -> memref<1x1x64xi32, #tpu.memory_space<vmem>>
    %dma_wait3A_326 = tpu.memref_squeeze %dma_wait3A_325 : memref<1x1x64xi32, #tpu.memory_space<vmem>> -> memref<64xi32, #tpu.memory_space<vmem>>
    %dma_wait3A_327 = tpu.memref_slice %arg2[%dma_wait3A_321, %add3A_78] : memref<4x8192xi32, #tpu.memory_space<hbm>> -> memref<1x64xi32, #tpu.memory_space<hbm>>
    %dma_wait3A_328 = tpu.memref_squeeze %dma_wait3A_327 : memref<1x64xi32, #tpu.memory_space<hbm>> -> memref<64xi32, #tpu.memory_space<hbm>>
    %dma_wait3A_329 = arith.constant 0 : i32
    %dma_wait3A_330 = tpu.memref_slice %arg6[%dma_wait3A_322, %dma_wait3A_323, %dma_wait3A_329] : memref<4x4x64xi32, #tpu.memory_space<vmem>> -> memref<1x1x64xi32, #tpu.memory_space<vmem>>
    %dma_wait3A_331 = tpu.memref_squeeze %dma_wait3A_330 : memref<1x1x64xi32, #tpu.memory_space<vmem>> -> memref<64xi32, #tpu.memory_space<vmem>>
    %dma_wait3A_332 = tpu.memref_slice %arg2[%dma_wait3A_321, %add3A_78] : memref<4x8192xi32, #tpu.memory_space<hbm>> -> memref<1x64xi32, #tpu.memory_space<hbm>>
    %dma_wait3A_333 = tpu.memref_squeeze %dma_wait3A_332 : memref<1x64xi32, #tpu.memory_space<hbm>> -> memref<64xi32, #tpu.memory_space<hbm>>
    tpu.wait_dma2 semaphore(%arg9 : memref<!tpu.dma_semaphore, #tpu.memory_space<semaphore_mem>>) src(%dma_wait3A_333 : memref<64xi32, #tpu.memory_space<hbm>>) dst(%dma_wait3A_331 : memref<64xi32, #tpu.memory_space<vmem>>)
    %dma_wait3A_334 = arith.constant 1 : i32
    %dma_wait3A_335 = arith.constant 1 : i32
    %dma_wait3A_336 = arith.constant 2 : i32
    %dma_wait3A_337 = arith.constant 0 : i32
    %dma_wait3A_338 = tpu.memref_slice %arg6[%dma_wait3A_335, %dma_wait3A_336, %dma_wait3A_337] : memref<4x4x64xi32, #tpu.memory_space<vmem>> -> memref<1x1x64xi32, #tpu.memory_space<vmem>>
    %dma_wait3A_339 = tpu.memref_squeeze %dma_wait3A_338 : memref<1x1x64xi32, #tpu.memory_space<vmem>> -> memref<64xi32, #tpu.memory_space<vmem>>
    %dma_wait3A_340 = tpu.memref_slice %arg2[%dma_wait3A_334, %add3A_93] : memref<4x8192xi32, #tpu.memory_space<hbm>> -> memref<1x64xi32, #tpu.memory_space<hbm>>
    %dma_wait3A_341 = tpu.memref_squeeze %dma_wait3A_340 : memref<1x64xi32, #tpu.memory_space<hbm>> -> memref<64xi32, #tpu.memory_space<hbm>>
    %dma_wait3A_342 = arith.constant 0 : i32
    %dma_wait3A_343 = tpu.memref_slice %arg6[%dma_wait3A_335, %dma_wait3A_336, %dma_wait3A_342] : memref<4x4x64xi32, #tpu.memory_space<vmem>> -> memref<1x1x64xi32, #tpu.memory_space<vmem>>
    %dma_wait3A_344 = tpu.memref_squeeze %dma_wait3A_343 : memref<1x1x64xi32, #tpu.memory_space<vmem>> -> memref<64xi32, #tpu.memory_space<vmem>>
    %dma_wait3A_345 = tpu.memref_slice %arg2[%dma_wait3A_334, %add3A_93] : memref<4x8192xi32, #tpu.memory_space<hbm>> -> memref<1x64xi32, #tpu.memory_space<hbm>>
    %dma_wait3A_346 = tpu.memref_squeeze %dma_wait3A_345 : memref<1x64xi32, #tpu.memory_space<hbm>> -> memref<64xi32, #tpu.memory_space<hbm>>
    tpu.wait_dma2 semaphore(%arg9 : memref<!tpu.dma_semaphore, #tpu.memory_space<semaphore_mem>>) src(%dma_wait3A_346 : memref<64xi32, #tpu.memory_space<hbm>>) dst(%dma_wait3A_344 : memref<64xi32, #tpu.memory_space<vmem>>)
    %dma_wait3A_347 = arith.constant 1 : i32
    %dma_wait3A_348 = arith.constant 1 : i32
    %dma_wait3A_349 = arith.constant 3 : i32
    %dma_wait3A_350 = arith.constant 0 : i32
    %dma_wait3A_351 = tpu.memref_slice %arg6[%dma_wait3A_348, %dma_wait3A_349, %dma_wait3A_350] : memref<4x4x64xi32, #tpu.memory_space<vmem>> -> memref<1x1x64xi32, #tpu.memory_space<vmem>>
    %dma_wait3A_352 = tpu.memref_squeeze %dma_wait3A_351 : memref<1x1x64xi32, #tpu.memory_space<vmem>> -> memref<64xi32, #tpu.memory_space<vmem>>
    %dma_wait3A_353 = tpu.memref_slice %arg2[%dma_wait3A_347, %add3A_108] : memref<4x8192xi32, #tpu.memory_space<hbm>> -> memref<1x64xi32, #tpu.memory_space<hbm>>
    %dma_wait3A_354 = tpu.memref_squeeze %dma_wait3A_353 : memref<1x64xi32, #tpu.memory_space<hbm>> -> memref<64xi32, #tpu.memory_space<hbm>>
    %dma_wait3A_355 = arith.constant 0 : i32
    %dma_wait3A_356 = tpu.memref_slice %arg6[%dma_wait3A_348, %dma_wait3A_349, %dma_wait3A_355] : memref<4x4x64xi32, #tpu.memory_space<vmem>> -> memref<1x1x64xi32, #tpu.memory_space<vmem>>
    %dma_wait3A_357 = tpu.memref_squeeze %dma_wait3A_356 : memref<1x1x64xi32, #tpu.memory_space<vmem>> -> memref<64xi32, #tpu.memory_space<vmem>>
    %dma_wait3A_358 = tpu.memref_slice %arg2[%dma_wait3A_347, %add3A_108] : memref<4x8192xi32, #tpu.memory_space<hbm>> -> memref<1x64xi32, #tpu.memory_space<hbm>>
    %dma_wait3A_359 = tpu.memref_squeeze %dma_wait3A_358 : memref<1x64xi32, #tpu.memory_space<hbm>> -> memref<64xi32, #tpu.memory_space<hbm>>
    tpu.wait_dma2 semaphore(%arg9 : memref<!tpu.dma_semaphore, #tpu.memory_space<semaphore_mem>>) src(%dma_wait3A_359 : memref<64xi32, #tpu.memory_space<hbm>>) dst(%dma_wait3A_357 : memref<64xi32, #tpu.memory_space<vmem>>)
    %dma_wait3A_360 = arith.constant 2 : i32
    %dma_wait3A_361 = arith.constant 2 : i32
    %dma_wait3A_362 = arith.constant 0 : i32
    %dma_wait3A_363 = arith.constant 0 : i32
    %dma_wait3A_364 = tpu.memref_slice %arg6[%dma_wait3A_361, %dma_wait3A_362, %dma_wait3A_363] : memref<4x4x64xi32, #tpu.memory_space<vmem>> -> memref<1x1x64xi32, #tpu.memory_space<vmem>>
    %dma_wait3A_365 = tpu.memref_squeeze %dma_wait3A_364 : memref<1x1x64xi32, #tpu.memory_space<vmem>> -> memref<64xi32, #tpu.memory_space<vmem>>
    %dma_wait3A_366 = tpu.memref_slice %arg2[%dma_wait3A_360, %add3A_123] : memref<4x8192xi32, #tpu.memory_space<hbm>> -> memref<1x64xi32, #tpu.memory_space<hbm>>
    %dma_wait3A_367 = tpu.memref_squeeze %dma_wait3A_366 : memref<1x64xi32, #tpu.memory_space<hbm>> -> memref<64xi32, #tpu.memory_space<hbm>>
    %dma_wait3A_368 = arith.constant 0 : i32
    %dma_wait3A_369 = tpu.memref_slice %arg6[%dma_wait3A_361, %dma_wait3A_362, %dma_wait3A_368] : memref<4x4x64xi32, #tpu.memory_space<vmem>> -> memref<1x1x64xi32, #tpu.memory_space<vmem>>
    %dma_wait3A_370 = tpu.memref_squeeze %dma_wait3A_369 : memref<1x1x64xi32, #tpu.memory_space<vmem>> -> memref<64xi32, #tpu.memory_space<vmem>>
    %dma_wait3A_371 = tpu.memref_slice %arg2[%dma_wait3A_360, %add3A_123] : memref<4x8192xi32, #tpu.memory_space<hbm>> -> memref<1x64xi32, #tpu.memory_space<hbm>>
    %dma_wait3A_372 = tpu.memref_squeeze %dma_wait3A_371 : memref<1x64xi32, #tpu.memory_space<hbm>> -> memref<64xi32, #tpu.memory_space<hbm>>
    tpu.wait_dma2 semaphore(%arg9 : memref<!tpu.dma_semaphore, #tpu.memory_space<semaphore_mem>>) src(%dma_wait3A_372 : memref<64xi32, #tpu.memory_space<hbm>>) dst(%dma_wait3A_370 : memref<64xi32, #tpu.memory_space<vmem>>)
    %dma_wait3A_373 = arith.constant 2 : i32
    %dma_wait3A_374 = arith.constant 2 : i32
    %dma_wait3A_375 = arith.constant 1 : i32
    %dma_wait3A_376 = arith.constant 0 : i32
    %dma_wait3A_377 = tpu.memref_slice %arg6[%dma_wait3A_374, %dma_wait3A_375, %dma_wait3A_376] : memref<4x4x64xi32, #tpu.memory_space<vmem>> -> memref<1x1x64xi32, #tpu.memory_space<vmem>>
    %dma_wait3A_378 = tpu.memref_squeeze %dma_wait3A_377 : memref<1x1x64xi32, #tpu.memory_space<vmem>> -> memref<64xi32, #tpu.memory_space<vmem>>
    %dma_wait3A_379 = tpu.memref_slice %arg2[%dma_wait3A_373, %add3A_138] : memref<4x8192xi32, #tpu.memory_space<hbm>> -> memref<1x64xi32, #tpu.memory_space<hbm>>
    %dma_wait3A_380 = tpu.memref_squeeze %dma_wait3A_379 : memref<1x64xi32, #tpu.memory_space<hbm>> -> memref<64xi32, #tpu.memory_space<hbm>>
    %dma_wait3A_381 = arith.constant 0 : i32
    %dma_wait3A_382 = tpu.memref_slice %arg6[%dma_wait3A_374, %dma_wait3A_375, %dma_wait3A_381] : memref<4x4x64xi32, #tpu.memory_space<vmem>> -> memref<1x1x64xi32, #tpu.memory_space<vmem>>
    %dma_wait3A_383 = tpu.memref_squeeze %dma_wait3A_382 : memref<1x1x64xi32, #tpu.memory_space<vmem>> -> memref<64xi32, #tpu.memory_space<vmem>>
    %dma_wait3A_384 = tpu.memref_slice %arg2[%dma_wait3A_373, %add3A_138] : memref<4x8192xi32, #tpu.memory_space<hbm>> -> memref<1x64xi32, #tpu.memory_space<hbm>>
    %dma_wait3A_385 = tpu.memref_squeeze %dma_wait3A_384 : memref<1x64xi32, #tpu.memory_space<hbm>> -> memref<64xi32, #tpu.memory_space<hbm>>
    tpu.wait_dma2 semaphore(%arg9 : memref<!tpu.dma_semaphore, #tpu.memory_space<semaphore_mem>>) src(%dma_wait3A_385 : memref<64xi32, #tpu.memory_space<hbm>>) dst(%dma_wait3A_383 : memref<64xi32, #tpu.memory_space<vmem>>)
    %dma_wait3A_386 = arith.constant 2 : i32
    %dma_wait3A_387 = arith.constant 2 : i32
    %dma_wait3A_388 = arith.constant 2 : i32
    %dma_wait3A_389 = arith.constant 0 : i32
    %dma_wait3A_390 = tpu.memref_slice %arg6[%dma_wait3A_387, %dma_wait3A_388, %dma_wait3A_389] : memref<4x4x64xi32, #tpu.memory_space<vmem>> -> memref<1x1x64xi32, #tpu.memory_space<vmem>>
    %dma_wait3A_391 = tpu.memref_squeeze %dma_wait3A_390 : memref<1x1x64xi32, #tpu.memory_space<vmem>> -> memref<64xi32, #tpu.memory_space<vmem>>
    %dma_wait3A_392 = tpu.memref_slice %arg2[%dma_wait3A_386, %add3A_153] : memref<4x8192xi32, #tpu.memory_space<hbm>> -> memref<1x64xi32, #tpu.memory_space<hbm>>
    %dma_wait3A_393 = tpu.memref_squeeze %dma_wait3A_392 : memref<1x64xi32, #tpu.memory_space<hbm>> -> memref<64xi32, #tpu.memory_space<hbm>>
    %dma_wait3A_394 = arith.constant 0 : i32
    %dma_wait3A_395 = tpu.memref_slice %arg6[%dma_wait3A_387, %dma_wait3A_388, %dma_wait3A_394] : memref<4x4x64xi32, #tpu.memory_space<vmem>> -> memref<1x1x64xi32, #tpu.memory_space<vmem>>
    %dma_wait3A_396 = tpu.memref_squeeze %dma_wait3A_395 : memref<1x1x64xi32, #tpu.memory_space<vmem>> -> memref<64xi32, #tpu.memory_space<vmem>>
    %dma_wait3A_397 = tpu.memref_slice %arg2[%dma_wait3A_386, %add3A_153] : memref<4x8192xi32, #tpu.memory_space<hbm>> -> memref<1x64xi32, #tpu.memory_space<hbm>>
    %dma_wait3A_398 = tpu.memref_squeeze %dma_wait3A_397 : memref<1x64xi32, #tpu.memory_space<hbm>> -> memref<64xi32, #tpu.memory_space<hbm>>
    tpu.wait_dma2 semaphore(%arg9 : memref<!tpu.dma_semaphore, #tpu.memory_space<semaphore_mem>>) src(%dma_wait3A_398 : memref<64xi32, #tpu.memory_space<hbm>>) dst(%dma_wait3A_396 : memref<64xi32, #tpu.memory_space<vmem>>)
    %dma_wait3A_399 = arith.constant 2 : i32
    %dma_wait3A_400 = arith.constant 2 : i32
    %dma_wait3A_401 = arith.constant 3 : i32
    %dma_wait3A_402 = arith.constant 0 : i32
    %dma_wait3A_403 = tpu.memref_slice %arg6[%dma_wait3A_400, %dma_wait3A_401, %dma_wait3A_402] : memref<4x4x64xi32, #tpu.memory_space<vmem>> -> memref<1x1x64xi32, #tpu.memory_space<vmem>>
    %dma_wait3A_404 = tpu.memref_squeeze %dma_wait3A_403 : memref<1x1x64xi32, #tpu.memory_space<vmem>> -> memref<64xi32, #tpu.memory_space<vmem>>
    %dma_wait3A_405 = tpu.memref_slice %arg2[%dma_wait3A_399, %add3A_168] : memref<4x8192xi32, #tpu.memory_space<hbm>> -> memref<1x64xi32, #tpu.memory_space<hbm>>
    %dma_wait3A_406 = tpu.memref_squeeze %dma_wait3A_405 : memref<1x64xi32, #tpu.memory_space<hbm>> -> memref<64xi32, #tpu.memory_space<hbm>>
    %dma_wait3A_407 = arith.constant 0 : i32
    %dma_wait3A_408 = tpu.memref_slice %arg6[%dma_wait3A_400, %dma_wait3A_401, %dma_wait3A_407] : memref<4x4x64xi32, #tpu.memory_space<vmem>> -> memref<1x1x64xi32, #tpu.memory_space<vmem>>
    %dma_wait3A_409 = tpu.memref_squeeze %dma_wait3A_408 : memref<1x1x64xi32, #tpu.memory_space<vmem>> -> memref<64xi32, #tpu.memory_space<vmem>>
    %dma_wait3A_410 = tpu.memref_slice %arg2[%dma_wait3A_399, %add3A_168] : memref<4x8192xi32, #tpu.memory_space<hbm>> -> memref<1x64xi32, #tpu.memory_space<hbm>>
    %dma_wait3A_411 = tpu.memref_squeeze %dma_wait3A_410 : memref<1x64xi32, #tpu.memory_space<hbm>> -> memref<64xi32, #tpu.memory_space<hbm>>
    tpu.wait_dma2 semaphore(%arg9 : memref<!tpu.dma_semaphore, #tpu.memory_space<semaphore_mem>>) src(%dma_wait3A_411 : memref<64xi32, #tpu.memory_space<hbm>>) dst(%dma_wait3A_409 : memref<64xi32, #tpu.memory_space<vmem>>)
    %dma_wait3A_412 = arith.constant 3 : i32
    %dma_wait3A_413 = arith.constant 3 : i32
    %dma_wait3A_414 = arith.constant 0 : i32
    %dma_wait3A_415 = arith.constant 0 : i32
    %dma_wait3A_416 = tpu.memref_slice %arg6[%dma_wait3A_413, %dma_wait3A_414, %dma_wait3A_415] : memref<4x4x64xi32, #tpu.memory_space<vmem>> -> memref<1x1x64xi32, #tpu.memory_space<vmem>>
    %dma_wait3A_417 = tpu.memref_squeeze %dma_wait3A_416 : memref<1x1x64xi32, #tpu.memory_space<vmem>> -> memref<64xi32, #tpu.memory_space<vmem>>
    %dma_wait3A_418 = tpu.memref_slice %arg2[%dma_wait3A_412, %add3A_183] : memref<4x8192xi32, #tpu.memory_space<hbm>> -> memref<1x64xi32, #tpu.memory_space<hbm>>
    %dma_wait3A_419 = tpu.memref_squeeze %dma_wait3A_418 : memref<1x64xi32, #tpu.memory_space<hbm>> -> memref<64xi32, #tpu.memory_space<hbm>>
    %dma_wait3A_420 = arith.constant 0 : i32
    %dma_wait3A_421 = tpu.memref_slice %arg6[%dma_wait3A_413, %dma_wait3A_414, %dma_wait3A_420] : memref<4x4x64xi32, #tpu.memory_space<vmem>> -> memref<1x1x64xi32, #tpu.memory_space<vmem>>
    %dma_wait3A_422 = tpu.memref_squeeze %dma_wait3A_421 : memref<1x1x64xi32, #tpu.memory_space<vmem>> -> memref<64xi32, #tpu.memory_space<vmem>>
    %dma_wait3A_423 = tpu.memref_slice %arg2[%dma_wait3A_412, %add3A_183] : memref<4x8192xi32, #tpu.memory_space<hbm>> -> memref<1x64xi32, #tpu.memory_space<hbm>>
    %dma_wait3A_424 = tpu.memref_squeeze %dma_wait3A_423 : memref<1x64xi32, #tpu.memory_space<hbm>> -> memref<64xi32, #tpu.memory_space<hbm>>
    tpu.wait_dma2 semaphore(%arg9 : memref<!tpu.dma_semaphore, #tpu.memory_space<semaphore_mem>>) src(%dma_wait3A_424 : memref<64xi32, #tpu.memory_space<hbm>>) dst(%dma_wait3A_422 : memref<64xi32, #tpu.memory_space<vmem>>)
    %dma_wait3A_425 = arith.constant 3 : i32
    %dma_wait3A_426 = arith.constant 3 : i32
    %dma_wait3A_427 = arith.constant 1 : i32
    %dma_wait3A_428 = arith.constant 0 : i32
    %dma_wait3A_429 = tpu.memref_slice %arg6[%dma_wait3A_426, %dma_wait3A_427, %dma_wait3A_428] : memref<4x4x64xi32, #tpu.memory_space<vmem>> -> memref<1x1x64xi32, #tpu.memory_space<vmem>>
    %dma_wait3A_430 = tpu.memref_squeeze %dma_wait3A_429 : memref<1x1x64xi32, #tpu.memory_space<vmem>> -> memref<64xi32, #tpu.memory_space<vmem>>
    %dma_wait3A_431 = tpu.memref_slice %arg2[%dma_wait3A_425, %add3A_198] : memref<4x8192xi32, #tpu.memory_space<hbm>> -> memref<1x64xi32, #tpu.memory_space<hbm>>
    %dma_wait3A_432 = tpu.memref_squeeze %dma_wait3A_431 : memref<1x64xi32, #tpu.memory_space<hbm>> -> memref<64xi32, #tpu.memory_space<hbm>>
    %dma_wait3A_433 = arith.constant 0 : i32
    %dma_wait3A_434 = tpu.memref_slice %arg6[%dma_wait3A_426, %dma_wait3A_427, %dma_wait3A_433] : memref<4x4x64xi32, #tpu.memory_space<vmem>> -> memref<1x1x64xi32, #tpu.memory_space<vmem>>
    %dma_wait3A_435 = tpu.memref_squeeze %dma_wait3A_434 : memref<1x1x64xi32, #tpu.memory_space<vmem>> -> memref<64xi32, #tpu.memory_space<vmem>>
    %dma_wait3A_436 = tpu.memref_slice %arg2[%dma_wait3A_425, %add3A_198] : memref<4x8192xi32, #tpu.memory_space<hbm>> -> memref<1x64xi32, #tpu.memory_space<hbm>>
    %dma_wait3A_437 = tpu.memref_squeeze %dma_wait3A_436 : memref<1x64xi32, #tpu.memory_space<hbm>> -> memref<64xi32, #tpu.memory_space<hbm>>
    tpu.wait_dma2 semaphore(%arg9 : memref<!tpu.dma_semaphore, #tpu.memory_space<semaphore_mem>>) src(%dma_wait3A_437 : memref<64xi32, #tpu.memory_space<hbm>>) dst(%dma_wait3A_435 : memref<64xi32, #tpu.memory_space<vmem>>)
    %dma_wait3A_438 = arith.constant 3 : i32
    %dma_wait3A_439 = arith.constant 3 : i32
    %dma_wait3A_440 = arith.constant 2 : i32
    %dma_wait3A_441 = arith.constant 0 : i32
    %dma_wait3A_442 = tpu.memref_slice %arg6[%dma_wait3A_439, %dma_wait3A_440, %dma_wait3A_441] : memref<4x4x64xi32, #tpu.memory_space<vmem>> -> memref<1x1x64xi32, #tpu.memory_space<vmem>>
    %dma_wait3A_443 = tpu.memref_squeeze %dma_wait3A_442 : memref<1x1x64xi32, #tpu.memory_space<vmem>> -> memref<64xi32, #tpu.memory_space<vmem>>
    %dma_wait3A_444 = tpu.memref_slice %arg2[%dma_wait3A_438, %add3A_213] : memref<4x8192xi32, #tpu.memory_space<hbm>> -> memref<1x64xi32, #tpu.memory_space<hbm>>
    %dma_wait3A_445 = tpu.memref_squeeze %dma_wait3A_444 : memref<1x64xi32, #tpu.memory_space<hbm>> -> memref<64xi32, #tpu.memory_space<hbm>>
    %dma_wait3A_446 = arith.constant 0 : i32
    %dma_wait3A_447 = tpu.memref_slice %arg6[%dma_wait3A_439, %dma_wait3A_440, %dma_wait3A_446] : memref<4x4x64xi32, #tpu.memory_space<vmem>> -> memref<1x1x64xi32, #tpu.memory_space<vmem>>
    %dma_wait3A_448 = tpu.memref_squeeze %dma_wait3A_447 : memref<1x1x64xi32, #tpu.memory_space<vmem>> -> memref<64xi32, #tpu.memory_space<vmem>>
    %dma_wait3A_449 = tpu.memref_slice %arg2[%dma_wait3A_438, %add3A_213] : memref<4x8192xi32, #tpu.memory_space<hbm>> -> memref<1x64xi32, #tpu.memory_space<hbm>>
    %dma_wait3A_450 = tpu.memref_squeeze %dma_wait3A_449 : memref<1x64xi32, #tpu.memory_space<hbm>> -> memref<64xi32, #tpu.memory_space<hbm>>
    tpu.wait_dma2 semaphore(%arg9 : memref<!tpu.dma_semaphore, #tpu.memory_space<semaphore_mem>>) src(%dma_wait3A_450 : memref<64xi32, #tpu.memory_space<hbm>>) dst(%dma_wait3A_448 : memref<64xi32, #tpu.memory_space<vmem>>)
    %dma_wait3A_451 = arith.constant 3 : i32
    %dma_wait3A_452 = arith.constant 3 : i32
    %dma_wait3A_453 = arith.constant 3 : i32
    %dma_wait3A_454 = arith.constant 0 : i32
    %dma_wait3A_455 = tpu.memref_slice %arg6[%dma_wait3A_452, %dma_wait3A_453, %dma_wait3A_454] : memref<4x4x64xi32, #tpu.memory_space<vmem>> -> memref<1x1x64xi32, #tpu.memory_space<vmem>>
    %dma_wait3A_456 = tpu.memref_squeeze %dma_wait3A_455 : memref<1x1x64xi32, #tpu.memory_space<vmem>> -> memref<64xi32, #tpu.memory_space<vmem>>
    %dma_wait3A_457 = tpu.memref_slice %arg2[%dma_wait3A_451, %add3A_228] : memref<4x8192xi32, #tpu.memory_space<hbm>> -> memref<1x64xi32, #tpu.memory_space<hbm>>
    %dma_wait3A_458 = tpu.memref_squeeze %dma_wait3A_457 : memref<1x64xi32, #tpu.memory_space<hbm>> -> memref<64xi32, #tpu.memory_space<hbm>>
    %dma_wait3A_459 = arith.constant 0 : i32
    %dma_wait3A_460 = tpu.memref_slice %arg6[%dma_wait3A_452, %dma_wait3A_453, %dma_wait3A_459] : memref<4x4x64xi32, #tpu.memory_space<vmem>> -> memref<1x1x64xi32, #tpu.memory_space<vmem>>
    %dma_wait3A_461 = tpu.memref_squeeze %dma_wait3A_460 : memref<1x1x64xi32, #tpu.memory_space<vmem>> -> memref<64xi32, #tpu.memory_space<vmem>>
    %dma_wait3A_462 = tpu.memref_slice %arg2[%dma_wait3A_451, %add3A_228] : memref<4x8192xi32, #tpu.memory_space<hbm>> -> memref<1x64xi32, #tpu.memory_space<hbm>>
    %dma_wait3A_463 = tpu.memref_squeeze %dma_wait3A_462 : memref<1x64xi32, #tpu.memory_space<hbm>> -> memref<64xi32, #tpu.memory_space<hbm>>
    tpu.wait_dma2 semaphore(%arg9 : memref<!tpu.dma_semaphore, #tpu.memory_space<semaphore_mem>>) src(%dma_wait3A_463 : memref<64xi32, #tpu.memory_space<hbm>>) dst(%dma_wait3A_461 : memref<64xi32, #tpu.memory_space<vmem>>)
    %dma_start3A_464 = arith.constant 0 : i32
    %dma_start3A_465 = arith.constant 0 : i32
    %dma_start3A_466 = arith.constant 0 : i32
    %dma_start3A_467 = arith.constant 0 : i32
    %dma_start3A_468 = arith.constant 0 : i32
    %dma_start3A_469 = arith.constant 0 : i32
    %dma_start3A_470 = tpu.memref_slice %arg7[%dma_start3A_466, %dma_start3A_467, %dma_start3A_468, %dma_start3A_469] : memref<3x4x64x128xf32, #tpu.memory_space<vmem>> -> memref<1x1x64x128xf32, #tpu.memory_space<vmem>>
    %dma_start3A_471 = tpu.memref_squeeze %dma_start3A_470 : memref<1x1x64x128xf32, #tpu.memory_space<vmem>> -> memref<64x128xf32, #tpu.memory_space<vmem>>
    %dma_start3A_472 = arith.constant 0 : i32
    %dma_start3A_473 = tpu.memref_slice %arg6[%dma_start3A_464, %dma_start3A_465, %dma_start3A_472] : memref<4x4x64xi32, #tpu.memory_space<vmem>> -> memref<1x1x64xi32, #tpu.memory_space<vmem>>
    %dma_start3A_474 = tpu.memref_squeeze %dma_start3A_473 : memref<1x1x64xi32, #tpu.memory_space<vmem>> -> memref<64xi32, #tpu.memory_space<vmem>>
    %dma_start3A_475 = arith.constant 0 : i32
    %dma_start3A_476 = arith.constant 0 : i32
    %dma_start3A_477 = tpu.memref_slice %arg3[%dma_start3A_475, %dma_start3A_476] : memref<100000x128xf32, #tpu.memory_space<hbm>> -> memref<100000x128xf32, #tpu.memory_space<hbm>>
    tpu.enqueue_indirect_dma source(%dma_start3A_477 : memref<100000x128xf32, #tpu.memory_space<hbm>>) target(%dma_start3A_471 : memref<64x128xf32, #tpu.memory_space<vmem>>) offsets(%dma_start3A_474 : memref<64xi32, #tpu.memory_space<vmem>>) semaphore(%arg10 : memref<!tpu.dma_semaphore, #tpu.memory_space<semaphore_mem>>)
    %dma_start3A_478 = arith.constant 1 : i32
    %dma_start3A_479 = arith.constant 0 : i32
    %dma_start3A_480 = arith.constant 0 : i32
    %dma_start3A_481 = arith.constant 1 : i32
    %dma_start3A_482 = arith.constant 0 : i32
    %dma_start3A_483 = arith.constant 0 : i32
    %dma_start3A_484 = tpu.memref_slice %arg7[%dma_start3A_480, %dma_start3A_481, %dma_start3A_482, %dma_start3A_483] : memref<3x4x64x128xf32, #tpu.memory_space<vmem>> -> memref<1x1x64x128xf32, #tpu.memory_space<vmem>>
    %dma_start3A_485 = tpu.memref_squeeze %dma_start3A_484 : memref<1x1x64x128xf32, #tpu.memory_space<vmem>> -> memref<64x128xf32, #tpu.memory_space<vmem>>
    %dma_start3A_486 = arith.constant 0 : i32
    %dma_start3A_487 = tpu.memref_slice %arg6[%dma_start3A_478, %dma_start3A_479, %dma_start3A_486] : memref<4x4x64xi32, #tpu.memory_space<vmem>> -> memref<1x1x64xi32, #tpu.memory_space<vmem>>
    %dma_start3A_488 = tpu.memref_squeeze %dma_start3A_487 : memref<1x1x64xi32, #tpu.memory_space<vmem>> -> memref<64xi32, #tpu.memory_space<vmem>>
    %dma_start3A_489 = arith.constant 0 : i32
    %dma_start3A_490 = arith.constant 0 : i32
    %dma_start3A_491 = tpu.memref_slice %arg3[%dma_start3A_489, %dma_start3A_490] : memref<100000x128xf32, #tpu.memory_space<hbm>> -> memref<100000x128xf32, #tpu.memory_space<hbm>>
    tpu.enqueue_indirect_dma source(%dma_start3A_491 : memref<100000x128xf32, #tpu.memory_space<hbm>>) target(%dma_start3A_485 : memref<64x128xf32, #tpu.memory_space<vmem>>) offsets(%dma_start3A_488 : memref<64xi32, #tpu.memory_space<vmem>>) semaphore(%arg10 : memref<!tpu.dma_semaphore, #tpu.memory_space<semaphore_mem>>)
    %dma_start3A_492 = arith.constant 2 : i32
    %dma_start3A_493 = arith.constant 0 : i32
    %dma_start3A_494 = arith.constant 0 : i32
    %dma_start3A_495 = arith.constant 2 : i32
    %dma_start3A_496 = arith.constant 0 : i32
    %dma_start3A_497 = arith.constant 0 : i32
    %dma_start3A_498 = tpu.memref_slice %arg7[%dma_start3A_494, %dma_start3A_495, %dma_start3A_496, %dma_start3A_497] : memref<3x4x64x128xf32, #tpu.memory_space<vmem>> -> memref<1x1x64x128xf32, #tpu.memory_space<vmem>>
    %dma_start3A_499 = tpu.memref_squeeze %dma_start3A_498 : memref<1x1x64x128xf32, #tpu.memory_space<vmem>> -> memref<64x128xf32, #tpu.memory_space<vmem>>
    %dma_start3A_500 = arith.constant 0 : i32
    %dma_start3A_501 = tpu.memref_slice %arg6[%dma_start3A_492, %dma_start3A_493, %dma_start3A_500] : memref<4x4x64xi32, #tpu.memory_space<vmem>> -> memref<1x1x64xi32, #tpu.memory_space<vmem>>
    %dma_start3A_502 = tpu.memref_squeeze %dma_start3A_501 : memref<1x1x64xi32, #tpu.memory_space<vmem>> -> memref<64xi32, #tpu.memory_space<vmem>>
    %dma_start3A_503 = arith.constant 0 : i32
    %dma_start3A_504 = arith.constant 0 : i32
    %dma_start3A_505 = tpu.memref_slice %arg3[%dma_start3A_503, %dma_start3A_504] : memref<100000x128xf32, #tpu.memory_space<hbm>> -> memref<100000x128xf32, #tpu.memory_space<hbm>>
    tpu.enqueue_indirect_dma source(%dma_start3A_505 : memref<100000x128xf32, #tpu.memory_space<hbm>>) target(%dma_start3A_499 : memref<64x128xf32, #tpu.memory_space<vmem>>) offsets(%dma_start3A_502 : memref<64xi32, #tpu.memory_space<vmem>>) semaphore(%arg10 : memref<!tpu.dma_semaphore, #tpu.memory_space<semaphore_mem>>)
    %dma_start3A_506 = arith.constant 3 : i32
    %dma_start3A_507 = arith.constant 0 : i32
    %dma_start3A_508 = arith.constant 0 : i32
    %dma_start3A_509 = arith.constant 3 : i32
    %dma_start3A_510 = arith.constant 0 : i32
    %dma_start3A_511 = arith.constant 0 : i32
    %dma_start3A_512 = tpu.memref_slice %arg7[%dma_start3A_508, %dma_start3A_509, %dma_start3A_510, %dma_start3A_511] : memref<3x4x64x128xf32, #tpu.memory_space<vmem>> -> memref<1x1x64x128xf32, #tpu.memory_space<vmem>>
    %dma_start3A_513 = tpu.memref_squeeze %dma_start3A_512 : memref<1x1x64x128xf32, #tpu.memory_space<vmem>> -> memref<64x128xf32, #tpu.memory_space<vmem>>
    %dma_start3A_514 = arith.constant 0 : i32
    %dma_start3A_515 = tpu.memref_slice %arg6[%dma_start3A_506, %dma_start3A_507, %dma_start3A_514] : memref<4x4x64xi32, #tpu.memory_space<vmem>> -> memref<1x1x64xi32, #tpu.memory_space<vmem>>
    %dma_start3A_516 = tpu.memref_squeeze %dma_start3A_515 : memref<1x1x64xi32, #tpu.memory_space<vmem>> -> memref<64xi32, #tpu.memory_space<vmem>>
    %dma_start3A_517 = arith.constant 0 : i32
    %dma_start3A_518 = arith.constant 0 : i32
    %dma_start3A_519 = tpu.memref_slice %arg3[%dma_start3A_517, %dma_start3A_518] : memref<100000x128xf32, #tpu.memory_space<hbm>> -> memref<100000x128xf32, #tpu.memory_space<hbm>>
    tpu.enqueue_indirect_dma source(%dma_start3A_519 : memref<100000x128xf32, #tpu.memory_space<hbm>>) target(%dma_start3A_513 : memref<64x128xf32, #tpu.memory_space<vmem>>) offsets(%dma_start3A_516 : memref<64xi32, #tpu.memory_space<vmem>>) semaphore(%arg10 : memref<!tpu.dma_semaphore, #tpu.memory_space<semaphore_mem>>)
    %dma_start3A_520 = arith.constant 0 : i32
    %dma_start3A_521 = arith.constant 1 : i32
    %dma_start3A_522 = arith.constant 1 : i32
    %dma_start3A_523 = arith.constant 0 : i32
    %dma_start3A_524 = arith.constant 0 : i32
    %dma_start3A_525 = arith.constant 0 : i32
    %dma_start3A_526 = tpu.memref_slice %arg7[%dma_start3A_522, %dma_start3A_523, %dma_start3A_524, %dma_start3A_525] : memref<3x4x64x128xf32, #tpu.memory_space<vmem>> -> memref<1x1x64x128xf32, #tpu.memory_space<vmem>>
    %dma_start3A_527 = tpu.memref_squeeze %dma_start3A_526 : memref<1x1x64x128xf32, #tpu.memory_space<vmem>> -> memref<64x128xf32, #tpu.memory_space<vmem>>
    %dma_start3A_528 = arith.constant 0 : i32
    %dma_start3A_529 = tpu.memref_slice %arg6[%dma_start3A_520, %dma_start3A_521, %dma_start3A_528] : memref<4x4x64xi32, #tpu.memory_space<vmem>> -> memref<1x1x64xi32, #tpu.memory_space<vmem>>
    %dma_start3A_530 = tpu.memref_squeeze %dma_start3A_529 : memref<1x1x64xi32, #tpu.memory_space<vmem>> -> memref<64xi32, #tpu.memory_space<vmem>>
    %dma_start3A_531 = arith.constant 0 : i32
    %dma_start3A_532 = arith.constant 0 : i32
    %dma_start3A_533 = tpu.memref_slice %arg3[%dma_start3A_531, %dma_start3A_532] : memref<100000x128xf32, #tpu.memory_space<hbm>> -> memref<100000x128xf32, #tpu.memory_space<hbm>>
    tpu.enqueue_indirect_dma source(%dma_start3A_533 : memref<100000x128xf32, #tpu.memory_space<hbm>>) target(%dma_start3A_527 : memref<64x128xf32, #tpu.memory_space<vmem>>) offsets(%dma_start3A_530 : memref<64xi32, #tpu.memory_space<vmem>>) semaphore(%arg10 : memref<!tpu.dma_semaphore, #tpu.memory_space<semaphore_mem>>)
    %dma_start3A_534 = arith.constant 1 : i32
    %dma_start3A_535 = arith.constant 1 : i32
    %dma_start3A_536 = arith.constant 1 : i32
    %dma_start3A_537 = arith.constant 1 : i32
    %dma_start3A_538 = arith.constant 0 : i32
    %dma_start3A_539 = arith.constant 0 : i32
    %dma_start3A_540 = tpu.memref_slice %arg7[%dma_start3A_536, %dma_start3A_537, %dma_start3A_538, %dma_start3A_539] : memref<3x4x64x128xf32, #tpu.memory_space<vmem>> -> memref<1x1x64x128xf32, #tpu.memory_space<vmem>>
    %dma_start3A_541 = tpu.memref_squeeze %dma_start3A_540 : memref<1x1x64x128xf32, #tpu.memory_space<vmem>> -> memref<64x128xf32, #tpu.memory_space<vmem>>
    %dma_start3A_542 = arith.constant 0 : i32
    %dma_start3A_543 = tpu.memref_slice %arg6[%dma_start3A_534, %dma_start3A_535, %dma_start3A_542] : memref<4x4x64xi32, #tpu.memory_space<vmem>> -> memref<1x1x64xi32, #tpu.memory_space<vmem>>
    %dma_start3A_544 = tpu.memref_squeeze %dma_start3A_543 : memref<1x1x64xi32, #tpu.memory_space<vmem>> -> memref<64xi32, #tpu.memory_space<vmem>>
    %dma_start3A_545 = arith.constant 0 : i32
    %dma_start3A_546 = arith.constant 0 : i32
    %dma_start3A_547 = tpu.memref_slice %arg3[%dma_start3A_545, %dma_start3A_546] : memref<100000x128xf32, #tpu.memory_space<hbm>> -> memref<100000x128xf32, #tpu.memory_space<hbm>>
    tpu.enqueue_indirect_dma source(%dma_start3A_547 : memref<100000x128xf32, #tpu.memory_space<hbm>>) target(%dma_start3A_541 : memref<64x128xf32, #tpu.memory_space<vmem>>) offsets(%dma_start3A_544 : memref<64xi32, #tpu.memory_space<vmem>>) semaphore(%arg10 : memref<!tpu.dma_semaphore, #tpu.memory_space<semaphore_mem>>)
    %dma_start3A_548 = arith.constant 2 : i32
    %dma_start3A_549 = arith.constant 1 : i32
    %dma_start3A_550 = arith.constant 1 : i32
    %dma_start3A_551 = arith.constant 2 : i32
    %dma_start3A_552 = arith.constant 0 : i32
    %dma_start3A_553 = arith.constant 0 : i32
    %dma_start3A_554 = tpu.memref_slice %arg7[%dma_start3A_550, %dma_start3A_551, %dma_start3A_552, %dma_start3A_553] : memref<3x4x64x128xf32, #tpu.memory_space<vmem>> -> memref<1x1x64x128xf32, #tpu.memory_space<vmem>>
    %dma_start3A_555 = tpu.memref_squeeze %dma_start3A_554 : memref<1x1x64x128xf32, #tpu.memory_space<vmem>> -> memref<64x128xf32, #tpu.memory_space<vmem>>
    %dma_start3A_556 = arith.constant 0 : i32
    %dma_start3A_557 = tpu.memref_slice %arg6[%dma_start3A_548, %dma_start3A_549, %dma_start3A_556] : memref<4x4x64xi32, #tpu.memory_space<vmem>> -> memref<1x1x64xi32, #tpu.memory_space<vmem>>
    %dma_start3A_558 = tpu.memref_squeeze %dma_start3A_557 : memref<1x1x64xi32, #tpu.memory_space<vmem>> -> memref<64xi32, #tpu.memory_space<vmem>>
    %dma_start3A_559 = arith.constant 0 : i32
    %dma_start3A_560 = arith.constant 0 : i32
    %dma_start3A_561 = tpu.memref_slice %arg3[%dma_start3A_559, %dma_start3A_560] : memref<100000x128xf32, #tpu.memory_space<hbm>> -> memref<100000x128xf32, #tpu.memory_space<hbm>>
    tpu.enqueue_indirect_dma source(%dma_start3A_561 : memref<100000x128xf32, #tpu.memory_space<hbm>>) target(%dma_start3A_555 : memref<64x128xf32, #tpu.memory_space<vmem>>) offsets(%dma_start3A_558 : memref<64xi32, #tpu.memory_space<vmem>>) semaphore(%arg10 : memref<!tpu.dma_semaphore, #tpu.memory_space<semaphore_mem>>)
    %dma_start3A_562 = arith.constant 3 : i32
    %dma_start3A_563 = arith.constant 1 : i32
    %dma_start3A_564 = arith.constant 1 : i32
    %dma_start3A_565 = arith.constant 3 : i32
    %dma_start3A_566 = arith.constant 0 : i32
    %dma_start3A_567 = arith.constant 0 : i32
    %dma_start3A_568 = tpu.memref_slice %arg7[%dma_start3A_564, %dma_start3A_565, %dma_start3A_566, %dma_start3A_567] : memref<3x4x64x128xf32, #tpu.memory_space<vmem>> -> memref<1x1x64x128xf32, #tpu.memory_space<vmem>>
    %dma_start3A_569 = tpu.memref_squeeze %dma_start3A_568 : memref<1x1x64x128xf32, #tpu.memory_space<vmem>> -> memref<64x128xf32, #tpu.memory_space<vmem>>
    %dma_start3A_570 = arith.constant 0 : i32
    %dma_start3A_571 = tpu.memref_slice %arg6[%dma_start3A_562, %dma_start3A_563, %dma_start3A_570] : memref<4x4x64xi32, #tpu.memory_space<vmem>> -> memref<1x1x64xi32, #tpu.memory_space<vmem>>
    %dma_start3A_572 = tpu.memref_squeeze %dma_start3A_571 : memref<1x1x64xi32, #tpu.memory_space<vmem>> -> memref<64xi32, #tpu.memory_space<vmem>>
    %dma_start3A_573 = arith.constant 0 : i32
    %dma_start3A_574 = arith.constant 0 : i32
    %dma_start3A_575 = tpu.memref_slice %arg3[%dma_start3A_573, %dma_start3A_574] : memref<100000x128xf32, #tpu.memory_space<hbm>> -> memref<100000x128xf32, #tpu.memory_space<hbm>>
    tpu.enqueue_indirect_dma source(%dma_start3A_575 : memref<100000x128xf32, #tpu.memory_space<hbm>>) target(%dma_start3A_569 : memref<64x128xf32, #tpu.memory_space<vmem>>) offsets(%dma_start3A_572 : memref<64xi32, #tpu.memory_space<vmem>>) semaphore(%arg10 : memref<!tpu.dma_semaphore, #tpu.memory_space<semaphore_mem>>)
    %add3A_576 = arith.constant 64 : i32
    %add3A_577 = arith.addi %mul3A_2, %add3A_576 : i32
    %dma_start3A_578 = arith.constant 1 : i32
    %dma_start3A_579 = arith.constant 0 : i32
    %dma_start3A_580 = arith.constant 0 : i32
    %dma_start3A_581 = tpu.memref_slice %arg8[%dma_start3A_578, %dma_start3A_579, %dma_start3A_580] : memref<3x64x128xf32, #tpu.memory_space<vmem>> -> memref<1x64x128xf32, #tpu.memory_space<vmem>>
    %dma_start3A_582 = tpu.memref_squeeze %dma_start3A_581 : memref<1x64x128xf32, #tpu.memory_space<vmem>> -> memref<64x128xf32, #tpu.memory_space<vmem>>
    %dma_start3A_583 = arith.constant 0 : i32
    %dma_start3A_584 = tpu.memref_slice %arg4[%add3A_577, %dma_start3A_583] : memref<8192x128xf32, #tpu.memory_space<hbm>> -> memref<64x128xf32, #tpu.memory_space<hbm>>
    %dma_start3A_585 = arith.constant 0 : i32
    %dma_start3A_586 = arith.constant 0 : i32
    %dma_start3A_587 = tpu.memref_slice %arg8[%dma_start3A_578, %dma_start3A_585, %dma_start3A_586] : memref<3x64x128xf32, #tpu.memory_space<vmem>> -> memref<1x64x128xf32, #tpu.memory_space<vmem>>
    %dma_start3A_588 = tpu.memref_squeeze %dma_start3A_587 : memref<1x64x128xf32, #tpu.memory_space<vmem>> -> memref<64x128xf32, #tpu.memory_space<vmem>>
    %dma_start3A_589 = arith.constant 0 : i32
    %dma_start3A_590 = tpu.memref_slice %arg4[%add3A_577, %dma_start3A_589] : memref<8192x128xf32, #tpu.memory_space<hbm>> -> memref<64x128xf32, #tpu.memory_space<hbm>>
    tpu.enqueue_dma source(%dma_start3A_590 : memref<64x128xf32, #tpu.memory_space<hbm>>) target(%dma_start3A_588 : memref<64x128xf32, #tpu.memory_space<vmem>>) target_semaphore(%arg10 : memref<!tpu.dma_semaphore, #tpu.memory_space<semaphore_mem>>)
    %dma_wait3A_591 = arith.constant 0 : i32
    %dma_wait3A_592 = arith.constant 0 : i32
    %dma_wait3A_593 = arith.constant 0 : i32
    %dma_wait3A_594 = arith.constant 0 : i32
    %dma_wait3A_595 = arith.constant 0 : i32
    %dma_wait3A_596 = arith.constant 0 : i32
    %dma_wait3A_597 = tpu.memref_slice %arg7[%dma_wait3A_593, %dma_wait3A_594, %dma_wait3A_595, %dma_wait3A_596] : memref<3x4x64x128xf32, #tpu.memory_space<vmem>> -> memref<1x1x64x128xf32, #tpu.memory_space<vmem>>
    %dma_wait3A_598 = tpu.memref_squeeze %dma_wait3A_597 : memref<1x1x64x128xf32, #tpu.memory_space<vmem>> -> memref<64x128xf32, #tpu.memory_space<vmem>>
    %dma_wait3A_599 = arith.constant 0 : i32
    %dma_wait3A_600 = tpu.memref_slice %arg6[%dma_wait3A_591, %dma_wait3A_592, %dma_wait3A_599] : memref<4x4x64xi32, #tpu.memory_space<vmem>> -> memref<1x1x64xi32, #tpu.memory_space<vmem>>
    %dma_wait3A_601 = tpu.memref_squeeze %dma_wait3A_600 : memref<1x1x64xi32, #tpu.memory_space<vmem>> -> memref<64xi32, #tpu.memory_space<vmem>>
    %dma_wait3A_602 = arith.constant 0 : i32
    %dma_wait3A_603 = arith.constant 0 : i32
    %dma_wait3A_604 = tpu.memref_slice %arg3[%dma_wait3A_602, %dma_wait3A_603] : memref<100000x128xf32, #tpu.memory_space<hbm>> -> memref<100000x128xf32, #tpu.memory_space<hbm>>
    tpu.wait_indirect_dma semaphore(%arg10 : memref<!tpu.dma_semaphore, #tpu.memory_space<semaphore_mem>>) src(%dma_wait3A_604 : memref<100000x128xf32, #tpu.memory_space<hbm>>) dst(%dma_wait3A_598 : memref<64x128xf32, #tpu.memory_space<vmem>>)
    %dma_wait3A_605 = arith.constant 1 : i32
    %dma_wait3A_606 = arith.constant 0 : i32
    %dma_wait3A_607 = arith.constant 0 : i32
    %dma_wait3A_608 = arith.constant 1 : i32
    %dma_wait3A_609 = arith.constant 0 : i32
    %dma_wait3A_610 = arith.constant 0 : i32
    %dma_wait3A_611 = tpu.memref_slice %arg7[%dma_wait3A_607, %dma_wait3A_608, %dma_wait3A_609, %dma_wait3A_610] : memref<3x4x64x128xf32, #tpu.memory_space<vmem>> -> memref<1x1x64x128xf32, #tpu.memory_space<vmem>>
    %dma_wait3A_612 = tpu.memref_squeeze %dma_wait3A_611 : memref<1x1x64x128xf32, #tpu.memory_space<vmem>> -> memref<64x128xf32, #tpu.memory_space<vmem>>
    %dma_wait3A_613 = arith.constant 0 : i32
    %dma_wait3A_614 = tpu.memref_slice %arg6[%dma_wait3A_605, %dma_wait3A_606, %dma_wait3A_613] : memref<4x4x64xi32, #tpu.memory_space<vmem>> -> memref<1x1x64xi32, #tpu.memory_space<vmem>>
    %dma_wait3A_615 = tpu.memref_squeeze %dma_wait3A_614 : memref<1x1x64xi32, #tpu.memory_space<vmem>> -> memref<64xi32, #tpu.memory_space<vmem>>
    %dma_wait3A_616 = arith.constant 0 : i32
    %dma_wait3A_617 = arith.constant 0 : i32
    %dma_wait3A_618 = tpu.memref_slice %arg3[%dma_wait3A_616, %dma_wait3A_617] : memref<100000x128xf32, #tpu.memory_space<hbm>> -> memref<100000x128xf32, #tpu.memory_space<hbm>>
    tpu.wait_indirect_dma semaphore(%arg10 : memref<!tpu.dma_semaphore, #tpu.memory_space<semaphore_mem>>) src(%dma_wait3A_618 : memref<100000x128xf32, #tpu.memory_space<hbm>>) dst(%dma_wait3A_612 : memref<64x128xf32, #tpu.memory_space<vmem>>)
    %dma_wait3A_619 = arith.constant 2 : i32
    %dma_wait3A_620 = arith.constant 0 : i32
    %dma_wait3A_621 = arith.constant 0 : i32
    %dma_wait3A_622 = arith.constant 2 : i32
    %dma_wait3A_623 = arith.constant 0 : i32
    %dma_wait3A_624 = arith.constant 0 : i32
    %dma_wait3A_625 = tpu.memref_slice %arg7[%dma_wait3A_621, %dma_wait3A_622, %dma_wait3A_623, %dma_wait3A_624] : memref<3x4x64x128xf32, #tpu.memory_space<vmem>> -> memref<1x1x64x128xf32, #tpu.memory_space<vmem>>
    %dma_wait3A_626 = tpu.memref_squeeze %dma_wait3A_625 : memref<1x1x64x128xf32, #tpu.memory_space<vmem>> -> memref<64x128xf32, #tpu.memory_space<vmem>>
    %dma_wait3A_627 = arith.constant 0 : i32
    %dma_wait3A_628 = tpu.memref_slice %arg6[%dma_wait3A_619, %dma_wait3A_620, %dma_wait3A_627] : memref<4x4x64xi32, #tpu.memory_space<vmem>> -> memref<1x1x64xi32, #tpu.memory_space<vmem>>
    %dma_wait3A_629 = tpu.memref_squeeze %dma_wait3A_628 : memref<1x1x64xi32, #tpu.memory_space<vmem>> -> memref<64xi32, #tpu.memory_space<vmem>>
    %dma_wait3A_630 = arith.constant 0 : i32
    %dma_wait3A_631 = arith.constant 0 : i32
    %dma_wait3A_632 = tpu.memref_slice %arg3[%dma_wait3A_630, %dma_wait3A_631] : memref<100000x128xf32, #tpu.memory_space<hbm>> -> memref<100000x128xf32, #tpu.memory_space<hbm>>
    tpu.wait_indirect_dma semaphore(%arg10 : memref<!tpu.dma_semaphore, #tpu.memory_space<semaphore_mem>>) src(%dma_wait3A_632 : memref<100000x128xf32, #tpu.memory_space<hbm>>) dst(%dma_wait3A_626 : memref<64x128xf32, #tpu.memory_space<vmem>>)
    %dma_wait3A_633 = arith.constant 3 : i32
    %dma_wait3A_634 = arith.constant 0 : i32
    %dma_wait3A_635 = arith.constant 0 : i32
    %dma_wait3A_636 = arith.constant 3 : i32
    %dma_wait3A_637 = arith.constant 0 : i32
    %dma_wait3A_638 = arith.constant 0 : i32
    %dma_wait3A_639 = tpu.memref_slice %arg7[%dma_wait3A_635, %dma_wait3A_636, %dma_wait3A_637, %dma_wait3A_638] : memref<3x4x64x128xf32, #tpu.memory_space<vmem>> -> memref<1x1x64x128xf32, #tpu.memory_space<vmem>>
    %dma_wait3A_640 = tpu.memref_squeeze %dma_wait3A_639 : memref<1x1x64x128xf32, #tpu.memory_space<vmem>> -> memref<64x128xf32, #tpu.memory_space<vmem>>
    %dma_wait3A_641 = arith.constant 0 : i32
    %dma_wait3A_642 = tpu.memref_slice %arg6[%dma_wait3A_633, %dma_wait3A_634, %dma_wait3A_641] : memref<4x4x64xi32, #tpu.memory_space<vmem>> -> memref<1x1x64xi32, #tpu.memory_space<vmem>>
    %dma_wait3A_643 = tpu.memref_squeeze %dma_wait3A_642 : memref<1x1x64xi32, #tpu.memory_space<vmem>> -> memref<64xi32, #tpu.memory_space<vmem>>
    %dma_wait3A_644 = arith.constant 0 : i32
    %dma_wait3A_645 = arith.constant 0 : i32
    %dma_wait3A_646 = tpu.memref_slice %arg3[%dma_wait3A_644, %dma_wait3A_645] : memref<100000x128xf32, #tpu.memory_space<hbm>> -> memref<100000x128xf32, #tpu.memory_space<hbm>>
    tpu.wait_indirect_dma semaphore(%arg10 : memref<!tpu.dma_semaphore, #tpu.memory_space<semaphore_mem>>) src(%dma_wait3A_646 : memref<100000x128xf32, #tpu.memory_space<hbm>>) dst(%dma_wait3A_640 : memref<64x128xf32, #tpu.memory_space<vmem>>)
    %dma_wait3A_647 = arith.constant 0 : i32
    %dma_wait3A_648 = arith.constant 0 : i32
    %dma_wait3A_649 = arith.constant 0 : i32
    %dma_wait3A_650 = tpu.memref_slice %arg8[%dma_wait3A_647, %dma_wait3A_648, %dma_wait3A_649] : memref<3x64x128xf32, #tpu.memory_space<vmem>> -> memref<1x64x128xf32, #tpu.memory_space<vmem>>
    %dma_wait3A_651 = tpu.memref_squeeze %dma_wait3A_650 : memref<1x64x128xf32, #tpu.memory_space<vmem>> -> memref<64x128xf32, #tpu.memory_space<vmem>>
    %dma_wait3A_652 = arith.constant 0 : i32
    %dma_wait3A_653 = tpu.memref_slice %arg4[%add3A_243, %dma_wait3A_652] : memref<8192x128xf32, #tpu.memory_space<hbm>> -> memref<64x128xf32, #tpu.memory_space<hbm>>
    %dma_wait3A_654 = arith.constant 0 : i32
    %dma_wait3A_655 = arith.constant 0 : i32
    %dma_wait3A_656 = tpu.memref_slice %arg8[%dma_wait3A_647, %dma_wait3A_654, %dma_wait3A_655] : memref<3x64x128xf32, #tpu.memory_space<vmem>> -> memref<1x64x128xf32, #tpu.memory_space<vmem>>
    %dma_wait3A_657 = tpu.memref_squeeze %dma_wait3A_656 : memref<1x64x128xf32, #tpu.memory_space<vmem>> -> memref<64x128xf32, #tpu.memory_space<vmem>>
    %dma_wait3A_658 = arith.constant 0 : i32
    %dma_wait3A_659 = tpu.memref_slice %arg4[%add3A_243, %dma_wait3A_658] : memref<8192x128xf32, #tpu.memory_space<hbm>> -> memref<64x128xf32, #tpu.memory_space<hbm>>
    tpu.wait_dma2 semaphore(%arg10 : memref<!tpu.dma_semaphore, #tpu.memory_space<semaphore_mem>>) src(%dma_wait3A_659 : memref<64x128xf32, #tpu.memory_space<hbm>>) dst(%dma_wait3A_657 : memref<64x128xf32, #tpu.memory_space<vmem>>)
    %scan3A = arith.constant 0 : i32
    %scan3A_660 = arith.constant 64 : i32
    %scan3A_661 = arith.addi %scan3A, %scan3A_660 : i32
    %scan3A_662 = arith.constant 1 : i32
    scf.for %scan3A_1604 = %scan3A to %scan3A_661 step %scan3A_662  : i32 {
      %get3A = arith.constant 0 : i32
      %get3A_1605 = arith.index_cast %get3A : i32 to index
      %get3A_1606 = arith.index_cast %scan3A_1604 : i32 to index
      %get3A_1607 = arith.constant 0 : index
      %get3A_1608 = tpu.vector_load %arg8[%get3A_1605, %get3A_1606, %get3A_1607] {strides = array<i32>} : memref<3x64x128xf32, #tpu.memory_space<vmem>>, vector<1x1x16xf32>,
      %get3A_1609 = vector.shape_cast %get3A_1608 : vector<1x1x16xf32> to vector<16xf32>
      %get3A_1610 = arith.constant 0 : i32
      %get3A_1611 = arith.constant 0 : i32
      %get3A_1612 = arith.index_cast %get3A_1610 : i32 to index
      %get3A_1613 = arith.index_cast %get3A_1611 : i32 to index
      %get3A_1614 = arith.index_cast %scan3A_1604 : i32 to index
      %get3A_1615 = arith.constant 0 : index
      %get3A_1616 = tpu.vector_load %arg7[%get3A_1612, %get3A_1613, %get3A_1614, %get3A_1615] {strides = array<i32>} : memref<3x4x64x128xf32, #tpu.memory_space<vmem>>, vector<1x1x1x16xf32>,
      %get3A_1617 = vector.shape_cast %get3A_1616 : vector<1x1x1x16xf32> to vector<16xf32>
      %mul3A_1618 = arith.constant 11.3137083 : f32
      %mul3A_1619 = vector.broadcast %mul3A_1618 : f32 to vector<16xf32>
      %mul3A_1620 = arith.mulf %get3A_1617, %mul3A_1619 : vector<16xf32>
      %add3A_1621 = arith.addf %mul3A_1620, %get3A_1609 : vector<16xf32>
      %swap3A = arith.constant 0 : i32
      %swap3A_1622 = arith.constant 0 : i32
      %swap3A_1623 = arith.index_cast %swap3A : i32 to index
      %swap3A_1624 = arith.index_cast %swap3A_1622 : i32 to index
      %swap3A_1625 = arith.index_cast %scan3A_1604 : i32 to index
      %swap3A_1626 = arith.constant 0 : index
      %swap3A_1627 = tpu.vector_load %arg7[%swap3A_1623, %swap3A_1624, %swap3A_1625, %swap3A_1626] {strides = array<i32>} : memref<3x4x64x128xf32, #tpu.memory_space<vmem>>, vector<1x1x1x16xf32>,
      %swap3A_1628 = vector.shape_cast %swap3A_1627 : vector<1x1x1x16xf32> to vector<16xf32>
      %swap3A_1629 = vector.shape_cast %add3A_1621 : vector<16xf32> to vector<1x1x1x16xf32>
      tpu.vector_store %arg7[%swap3A_1623, %swap3A_1624, %swap3A_1625, %swap3A_1626], %swap3A_1629 {strides = array<i32>} : memref<3x4x64x128xf32, #tpu.memory_space<vmem>>, vector<1x1x1x16xf32>,
      %get3A_1630 = arith.constant 0 : i32
      %get3A_1631 = arith.constant 1 : i32
      %get3A_1632 = arith.index_cast %get3A_1630 : i32 to index
      %get3A_1633 = arith.index_cast %get3A_1631 : i32 to index
      %get3A_1634 = arith.index_cast %scan3A_1604 : i32 to index
      %get3A_1635 = arith.constant 0 : index
      %get3A_1636 = tpu.vector_load %arg7[%get3A_1632, %get3A_1633, %get3A_1634, %get3A_1635] {strides = array<i32>} : memref<3x4x64x128xf32, #tpu.memory_space<vmem>>, vector<1x1x1x16xf32>,
      %get3A_1637 = vector.shape_cast %get3A_1636 : vector<1x1x1x16xf32> to vector<16xf32>
      %mul3A_1638 = arith.constant 11.3137083 : f32
      %mul3A_1639 = vector.broadcast %mul3A_1638 : f32 to vector<16xf32>
      %mul3A_1640 = arith.mulf %get3A_1637, %mul3A_1639 : vector<16xf32>
      %add3A_1641 = arith.addf %mul3A_1640, %get3A_1609 : vector<16xf32>
      %swap3A_1642 = arith.constant 0 : i32
      %swap3A_1643 = arith.constant 1 : i32
      %swap3A_1644 = arith.index_cast %swap3A_1642 : i32 to index
      %swap3A_1645 = arith.index_cast %swap3A_1643 : i32 to index
      %swap3A_1646 = arith.index_cast %scan3A_1604 : i32 to index
      %swap3A_1647 = arith.constant 0 : index
      %swap3A_1648 = tpu.vector_load %arg7[%swap3A_1644, %swap3A_1645, %swap3A_1646, %swap3A_1647] {strides = array<i32>} : memref<3x4x64x128xf32, #tpu.memory_space<vmem>>, vector<1x1x1x16xf32>,
      %swap3A_1649 = vector.shape_cast %swap3A_1648 : vector<1x1x1x16xf32> to vector<16xf32>
      %swap3A_1650 = vector.shape_cast %add3A_1641 : vector<16xf32> to vector<1x1x1x16xf32>
      tpu.vector_store %arg7[%swap3A_1644, %swap3A_1645, %swap3A_1646, %swap3A_1647], %swap3A_1650 {strides = array<i32>} : memref<3x4x64x128xf32, #tpu.memory_space<vmem>>, vector<1x1x1x16xf32>,
      %get3A_1651 = arith.constant 0 : i32
      %get3A_1652 = arith.constant 2 : i32
      %get3A_1653 = arith.index_cast %get3A_1651 : i32 to index
      %get3A_1654 = arith.index_cast %get3A_1652 : i32 to index
      %get3A_1655 = arith.index_cast %scan3A_1604 : i32 to index
      %get3A_1656 = arith.constant 0 : index
      %get3A_1657 = tpu.vector_load %arg7[%get3A_1653, %get3A_1654, %get3A_1655, %get3A_1656] {strides = array<i32>} : memref<3x4x64x128xf32, #tpu.memory_space<vmem>>, vector<1x1x1x16xf32>,
      %get3A_1658 = vector.shape_cast %get3A_1657 : vector<1x1x1x16xf32> to vector<16xf32>
      %mul3A_1659 = arith.constant 11.3137083 : f32
      %mul3A_1660 = vector.broadcast %mul3A_1659 : f32 to vector<16xf32>
      %mul3A_1661 = arith.mulf %get3A_1658, %mul3A_1660 : vector<16xf32>
      %add3A_1662 = arith.addf %mul3A_1661, %get3A_1609 : vector<16xf32>
      %swap3A_1663 = arith.constant 0 : i32
      %swap3A_1664 = arith.constant 2 : i32
      %swap3A_1665 = arith.index_cast %swap3A_1663 : i32 to index
      %swap3A_1666 = arith.index_cast %swap3A_1664 : i32 to index
      %swap3A_1667 = arith.index_cast %scan3A_1604 : i32 to index
      %swap3A_1668 = arith.constant 0 : index
      %swap3A_1669 = tpu.vector_load %arg7[%swap3A_1665, %swap3A_1666, %swap3A_1667, %swap3A_1668] {strides = array<i32>} : memref<3x4x64x128xf32, #tpu.memory_space<vmem>>, vector<1x1x1x16xf32>,
      %swap3A_1670 = vector.shape_cast %swap3A_1669 : vector<1x1x1x16xf32> to vector<16xf32>
      %swap3A_1671 = vector.shape_cast %add3A_1662 : vector<16xf32> to vector<1x1x1x16xf32>
      tpu.vector_store %arg7[%swap3A_1665, %swap3A_1666, %swap3A_1667, %swap3A_1668], %swap3A_1671 {strides = array<i32>} : memref<3x4x64x128xf32, #tpu.memory_space<vmem>>, vector<1x1x1x16xf32>,
      %get3A_1672 = arith.constant 0 : i32
      %get3A_1673 = arith.constant 3 : i32
      %get3A_1674 = arith.index_cast %get3A_1672 : i32 to index
      %get3A_1675 = arith.index_cast %get3A_1673 : i32 to index
      %get3A_1676 = arith.index_cast %scan3A_1604 : i32 to index
      %get3A_1677 = arith.constant 0 : index
      %get3A_1678 = tpu.vector_load %arg7[%get3A_1674, %get3A_1675, %get3A_1676, %get3A_1677] {strides = array<i32>} : memref<3x4x64x128xf32, #tpu.memory_space<vmem>>, vector<1x1x1x16xf32>,
      %get3A_1679 = vector.shape_cast %get3A_1678 : vector<1x1x1x16xf32> to vector<16xf32>
      %mul3A_1680 = arith.constant 11.3137083 : f32
      %mul3A_1681 = vector.broadcast %mul3A_1680 : f32 to vector<16xf32>
      %mul3A_1682 = arith.mulf %get3A_1679, %mul3A_1681 : vector<16xf32>
      %add3A_1683 = arith.addf %mul3A_1682, %get3A_1609 : vector<16xf32>
      %swap3A_1684 = arith.constant 0 : i32
      %swap3A_1685 = arith.constant 3 : i32
      %swap3A_1686 = arith.index_cast %swap3A_1684 : i32 to index
      %swap3A_1687 = arith.index_cast %swap3A_1685 : i32 to index
      %swap3A_1688 = arith.index_cast %scan3A_1604 : i32 to index
      %swap3A_1689 = arith.constant 0 : index
      %swap3A_1690 = tpu.vector_load %arg7[%swap3A_1686, %swap3A_1687, %swap3A_1688, %swap3A_1689] {strides = array<i32>} : memref<3x4x64x128xf32, #tpu.memory_space<vmem>>, vector<1x1x1x16xf32>,
      %swap3A_1691 = vector.shape_cast %swap3A_1690 : vector<1x1x1x16xf32> to vector<16xf32>
      %swap3A_1692 = vector.shape_cast %add3A_1683 : vector<16xf32> to vector<1x1x1x16xf32>
      tpu.vector_store %arg7[%swap3A_1686, %swap3A_1687, %swap3A_1688, %swap3A_1689], %swap3A_1692 {strides = array<i32>} : memref<3x4x64x128xf32, #tpu.memory_space<vmem>>, vector<1x1x1x16xf32>,
      %get3A_1693 = arith.constant 0 : i32
      %get3A_1694 = arith.index_cast %get3A_1693 : i32 to index
      %get3A_1695 = arith.index_cast %scan3A_1604 : i32 to index
      %get3A_1696 = arith.constant 16 : index
      %get3A_1697 = tpu.vector_load %arg8[%get3A_1694, %get3A_1695, %get3A_1696] {strides = array<i32>} : memref<3x64x128xf32, #tpu.memory_space<vmem>>, vector<1x1x16xf32>,
      %get3A_1698 = vector.shape_cast %get3A_1697 : vector<1x1x16xf32> to vector<16xf32>
      %get3A_1699 = arith.constant 0 : i32
      %get3A_1700 = arith.constant 0 : i32
      %get3A_1701 = arith.index_cast %get3A_1699 : i32 to index
      %get3A_1702 = arith.index_cast %get3A_1700 : i32 to index
      %get3A_1703 = arith.index_cast %scan3A_1604 : i32 to index
      %get3A_1704 = arith.constant 16 : index
      %get3A_1705 = tpu.vector_load %arg7[%get3A_1701, %get3A_1702, %get3A_1703, %get3A_1704] {strides = array<i32>} : memref<3x4x64x128xf32, #tpu.memory_space<vmem>>, vector<1x1x1x16xf32>,
      %get3A_1706 = vector.shape_cast %get3A_1705 : vector<1x1x1x16xf32> to vector<16xf32>
      %mul3A_1707 = arith.constant 11.3137083 : f32
      %mul3A_1708 = vector.broadcast %mul3A_1707 : f32 to vector<16xf32>
      %mul3A_1709 = arith.mulf %get3A_1706, %mul3A_1708 : vector<16xf32>
      %add3A_1710 = arith.addf %mul3A_1709, %get3A_1698 : vector<16xf32>
      %swap3A_1711 = arith.constant 0 : i32
      %swap3A_1712 = arith.constant 0 : i32
      %swap3A_1713 = arith.index_cast %swap3A_1711 : i32 to index
      %swap3A_1714 = arith.index_cast %swap3A_1712 : i32 to index
      %swap3A_1715 = arith.index_cast %scan3A_1604 : i32 to index
      %swap3A_1716 = arith.constant 16 : index
      %swap3A_1717 = tpu.vector_load %arg7[%swap3A_1713, %swap3A_1714, %swap3A_1715, %swap3A_1716] {strides = array<i32>} : memref<3x4x64x128xf32, #tpu.memory_space<vmem>>, vector<1x1x1x16xf32>,
      %swap3A_1718 = vector.shape_cast %swap3A_1717 : vector<1x1x1x16xf32> to vector<16xf32>
      %swap3A_1719 = vector.shape_cast %add3A_1710 : vector<16xf32> to vector<1x1x1x16xf32>
      tpu.vector_store %arg7[%swap3A_1713, %swap3A_1714, %swap3A_1715, %swap3A_1716], %swap3A_1719 {strides = array<i32>} : memref<3x4x64x128xf32, #tpu.memory_space<vmem>>, vector<1x1x1x16xf32>,
      %get3A_1720 = arith.constant 0 : i32
      %get3A_1721 = arith.constant 1 : i32
      %get3A_1722 = arith.index_cast %get3A_1720 : i32 to index
      %get3A_1723 = arith.index_cast %get3A_1721 : i32 to index
      %get3A_1724 = arith.index_cast %scan3A_1604 : i32 to index
      %get3A_1725 = arith.constant 16 : index
      %get3A_1726 = tpu.vector_load %arg7[%get3A_1722, %get3A_1723, %get3A_1724, %get3A_1725] {strides = array<i32>} : memref<3x4x64x128xf32, #tpu.memory_space<vmem>>, vector<1x1x1x16xf32>,
      %get3A_1727 = vector.shape_cast %get3A_1726 : vector<1x1x1x16xf32> to vector<16xf32>
      %mul3A_1728 = arith.constant 11.3137083 : f32
      %mul3A_1729 = vector.broadcast %mul3A_1728 : f32 to vector<16xf32>
      %mul3A_1730 = arith.mulf %get3A_1727, %mul3A_1729 : vector<16xf32>
      %add3A_1731 = arith.addf %mul3A_1730, %get3A_1698 : vector<16xf32>
      %swap3A_1732 = arith.constant 0 : i32
      %swap3A_1733 = arith.constant 1 : i32
      %swap3A_1734 = arith.index_cast %swap3A_1732 : i32 to index
      %swap3A_1735 = arith.index_cast %swap3A_1733 : i32 to index
      %swap3A_1736 = arith.index_cast %scan3A_1604 : i32 to index
      %swap3A_1737 = arith.constant 16 : index
      %swap3A_1738 = tpu.vector_load %arg7[%swap3A_1734, %swap3A_1735, %swap3A_1736, %swap3A_1737] {strides = array<i32>} : memref<3x4x64x128xf32, #tpu.memory_space<vmem>>, vector<1x1x1x16xf32>,
      %swap3A_1739 = vector.shape_cast %swap3A_1738 : vector<1x1x1x16xf32> to vector<16xf32>
      %swap3A_1740 = vector.shape_cast %add3A_1731 : vector<16xf32> to vector<1x1x1x16xf32>
      tpu.vector_store %arg7[%swap3A_1734, %swap3A_1735, %swap3A_1736, %swap3A_1737], %swap3A_1740 {strides = array<i32>} : memref<3x4x64x128xf32, #tpu.memory_space<vmem>>, vector<1x1x1x16xf32>,
      %get3A_1741 = arith.constant 0 : i32
      %get3A_1742 = arith.constant 2 : i32
      %get3A_1743 = arith.index_cast %get3A_1741 : i32 to index
      %get3A_1744 = arith.index_cast %get3A_1742 : i32 to index
      %get3A_1745 = arith.index_cast %scan3A_1604 : i32 to index
      %get3A_1746 = arith.constant 16 : index
      %get3A_1747 = tpu.vector_load %arg7[%get3A_1743, %get3A_1744, %get3A_1745, %get3A_1746] {strides = array<i32>} : memref<3x4x64x128xf32, #tpu.memory_space<vmem>>, vector<1x1x1x16xf32>,
      %get3A_1748 = vector.shape_cast %get3A_1747 : vector<1x1x1x16xf32> to vector<16xf32>
      %mul3A_1749 = arith.constant 11.3137083 : f32
      %mul3A_1750 = vector.broadcast %mul3A_1749 : f32 to vector<16xf32>
      %mul3A_1751 = arith.mulf %get3A_1748, %mul3A_1750 : vector<16xf32>
      %add3A_1752 = arith.addf %mul3A_1751, %get3A_1698 : vector<16xf32>
      %swap3A_1753 = arith.constant 0 : i32
      %swap3A_1754 = arith.constant 2 : i32
      %swap3A_1755 = arith.index_cast %swap3A_1753 : i32 to index
      %swap3A_1756 = arith.index_cast %swap3A_1754 : i32 to index
      %swap3A_1757 = arith.index_cast %scan3A_1604 : i32 to index
      %swap3A_1758 = arith.constant 16 : index
      %swap3A_1759 = tpu.vector_load %arg7[%swap3A_1755, %swap3A_1756, %swap3A_1757, %swap3A_1758] {strides = array<i32>} : memref<3x4x64x128xf32, #tpu.memory_space<vmem>>, vector<1x1x1x16xf32>,
      %swap3A_1760 = vector.shape_cast %swap3A_1759 : vector<1x1x1x16xf32> to vector<16xf32>
      %swap3A_1761 = vector.shape_cast %add3A_1752 : vector<16xf32> to vector<1x1x1x16xf32>
      tpu.vector_store %arg7[%swap3A_1755, %swap3A_1756, %swap3A_1757, %swap3A_1758], %swap3A_1761 {strides = array<i32>} : memref<3x4x64x128xf32, #tpu.memory_space<vmem>>, vector<1x1x1x16xf32>,
      %get3A_1762 = arith.constant 0 : i32
      %get3A_1763 = arith.constant 3 : i32
      %get3A_1764 = arith.index_cast %get3A_1762 : i32 to index
      %get3A_1765 = arith.index_cast %get3A_1763 : i32 to index
      %get3A_1766 = arith.index_cast %scan3A_1604 : i32 to index
      %get3A_1767 = arith.constant 16 : index
      %get3A_1768 = tpu.vector_load %arg7[%get3A_1764, %get3A_1765, %get3A_1766, %get3A_1767] {strides = array<i32>} : memref<3x4x64x128xf32, #tpu.memory_space<vmem>>, vector<1x1x1x16xf32>,
      %get3A_1769 = vector.shape_cast %get3A_1768 : vector<1x1x1x16xf32> to vector<16xf32>
      %mul3A_1770 = arith.constant 11.3137083 : f32
      %mul3A_1771 = vector.broadcast %mul3A_1770 : f32 to vector<16xf32>
      %mul3A_1772 = arith.mulf %get3A_1769, %mul3A_1771 : vector<16xf32>
      %add3A_1773 = arith.addf %mul3A_1772, %get3A_1698 : vector<16xf32>
      %swap3A_1774 = arith.constant 0 : i32
      %swap3A_1775 = arith.constant 3 : i32
      %swap3A_1776 = arith.index_cast %swap3A_1774 : i32 to index
      %swap3A_1777 = arith.index_cast %swap3A_1775 : i32 to index
      %swap3A_1778 = arith.index_cast %scan3A_1604 : i32 to index
      %swap3A_1779 = arith.constant 16 : index
      %swap3A_1780 = tpu.vector_load %arg7[%swap3A_1776, %swap3A_1777, %swap3A_1778, %swap3A_1779] {strides = array<i32>} : memref<3x4x64x128xf32, #tpu.memory_space<vmem>>, vector<1x1x1x16xf32>,
      %swap3A_1781 = vector.shape_cast %swap3A_1780 : vector<1x1x1x16xf32> to vector<16xf32>
      %swap3A_1782 = vector.shape_cast %add3A_1773 : vector<16xf32> to vector<1x1x1x16xf32>
      tpu.vector_store %arg7[%swap3A_1776, %swap3A_1777, %swap3A_1778, %swap3A_1779], %swap3A_1782 {strides = array<i32>} : memref<3x4x64x128xf32, #tpu.memory_space<vmem>>, vector<1x1x1x16xf32>,
      %get3A_1783 = arith.constant 0 : i32
      %get3A_1784 = arith.index_cast %get3A_1783 : i32 to index
      %get3A_1785 = arith.index_cast %scan3A_1604 : i32 to index
      %get3A_1786 = arith.constant 32 : index
      %get3A_1787 = tpu.vector_load %arg8[%get3A_1784, %get3A_1785, %get3A_1786] {strides = array<i32>} : memref<3x64x128xf32, #tpu.memory_space<vmem>>, vector<1x1x16xf32>,
      %get3A_1788 = vector.shape_cast %get3A_1787 : vector<1x1x16xf32> to vector<16xf32>
      %get3A_1789 = arith.constant 0 : i32
      %get3A_1790 = arith.constant 0 : i32
      %get3A_1791 = arith.index_cast %get3A_1789 : i32 to index
      %get3A_1792 = arith.index_cast %get3A_1790 : i32 to index
      %get3A_1793 = arith.index_cast %scan3A_1604 : i32 to index
      %get3A_1794 = arith.constant 32 : index
      %get3A_1795 = tpu.vector_load %arg7[%get3A_1791, %get3A_1792, %get3A_1793, %get3A_1794] {strides = array<i32>} : memref<3x4x64x128xf32, #tpu.memory_space<vmem>>, vector<1x1x1x16xf32>,
      %get3A_1796 = vector.shape_cast %get3A_1795 : vector<1x1x1x16xf32> to vector<16xf32>
      %mul3A_1797 = arith.constant 11.3137083 : f32
      %mul3A_1798 = vector.broadcast %mul3A_1797 : f32 to vector<16xf32>
      %mul3A_1799 = arith.mulf %get3A_1796, %mul3A_1798 : vector<16xf32>
      %add3A_1800 = arith.addf %mul3A_1799, %get3A_1788 : vector<16xf32>
      %swap3A_1801 = arith.constant 0 : i32
      %swap3A_1802 = arith.constant 0 : i32
      %swap3A_1803 = arith.index_cast %swap3A_1801 : i32 to index
      %swap3A_1804 = arith.index_cast %swap3A_1802 : i32 to index
      %swap3A_1805 = arith.index_cast %scan3A_1604 : i32 to index
      %swap3A_1806 = arith.constant 32 : index
      %swap3A_1807 = tpu.vector_load %arg7[%swap3A_1803, %swap3A_1804, %swap3A_1805, %swap3A_1806] {strides = array<i32>} : memref<3x4x64x128xf32, #tpu.memory_space<vmem>>, vector<1x1x1x16xf32>,
      %swap3A_1808 = vector.shape_cast %swap3A_1807 : vector<1x1x1x16xf32> to vector<16xf32>
      %swap3A_1809 = vector.shape_cast %add3A_1800 : vector<16xf32> to vector<1x1x1x16xf32>
      tpu.vector_store %arg7[%swap3A_1803, %swap3A_1804, %swap3A_1805, %swap3A_1806], %swap3A_1809 {strides = array<i32>} : memref<3x4x64x128xf32, #tpu.memory_space<vmem>>, vector<1x1x1x16xf32>,
      %get3A_1810 = arith.constant 0 : i32
      %get3A_1811 = arith.constant 1 : i32
      %get3A_1812 = arith.index_cast %get3A_1810 : i32 to index
      %get3A_1813 = arith.index_cast %get3A_1811 : i32 to index
      %get3A_1814 = arith.index_cast %scan3A_1604 : i32 to index
      %get3A_1815 = arith.constant 32 : index
      %get3A_1816 = tpu.vector_load %arg7[%get3A_1812, %get3A_1813, %get3A_1814, %get3A_1815] {strides = array<i32>} : memref<3x4x64x128xf32, #tpu.memory_space<vmem>>, vector<1x1x1x16xf32>,
      %get3A_1817 = vector.shape_cast %get3A_1816 : vector<1x1x1x16xf32> to vector<16xf32>
      %mul3A_1818 = arith.constant 11.3137083 : f32
      %mul3A_1819 = vector.broadcast %mul3A_1818 : f32 to vector<16xf32>
      %mul3A_1820 = arith.mulf %get3A_1817, %mul3A_1819 : vector<16xf32>
      %add3A_1821 = arith.addf %mul3A_1820, %get3A_1788 : vector<16xf32>
      %swap3A_1822 = arith.constant 0 : i32
      %swap3A_1823 = arith.constant 1 : i32
      %swap3A_1824 = arith.index_cast %swap3A_1822 : i32 to index
      %swap3A_1825 = arith.index_cast %swap3A_1823 : i32 to index
      %swap3A_1826 = arith.index_cast %scan3A_1604 : i32 to index
      %swap3A_1827 = arith.constant 32 : index
      %swap3A_1828 = tpu.vector_load %arg7[%swap3A_1824, %swap3A_1825, %swap3A_1826, %swap3A_1827] {strides = array<i32>} : memref<3x4x64x128xf32, #tpu.memory_space<vmem>>, vector<1x1x1x16xf32>,
      %swap3A_1829 = vector.shape_cast %swap3A_1828 : vector<1x1x1x16xf32> to vector<16xf32>
      %swap3A_1830 = vector.shape_cast %add3A_1821 : vector<16xf32> to vector<1x1x1x16xf32>
      tpu.vector_store %arg7[%swap3A_1824, %swap3A_1825, %swap3A_1826, %swap3A_1827], %swap3A_1830 {strides = array<i32>} : memref<3x4x64x128xf32, #tpu.memory_space<vmem>>, vector<1x1x1x16xf32>,
      %get3A_1831 = arith.constant 0 : i32
      %get3A_1832 = arith.constant 2 : i32
      %get3A_1833 = arith.index_cast %get3A_1831 : i32 to index
      %get3A_1834 = arith.index_cast %get3A_1832 : i32 to index
      %get3A_1835 = arith.index_cast %scan3A_1604 : i32 to index
      %get3A_1836 = arith.constant 32 : index
      %get3A_1837 = tpu.vector_load %arg7[%get3A_1833, %get3A_1834, %get3A_1835, %get3A_1836] {strides = array<i32>} : memref<3x4x64x128xf32, #tpu.memory_space<vmem>>, vector<1x1x1x16xf32>,
      %get3A_1838 = vector.shape_cast %get3A_1837 : vector<1x1x1x16xf32> to vector<16xf32>
      %mul3A_1839 = arith.constant 11.3137083 : f32
      %mul3A_1840 = vector.broadcast %mul3A_1839 : f32 to vector<16xf32>
      %mul3A_1841 = arith.mulf %get3A_1838, %mul3A_1840 : vector<16xf32>
      %add3A_1842 = arith.addf %mul3A_1841, %get3A_1788 : vector<16xf32>
      %swap3A_1843 = arith.constant 0 : i32
      %swap3A_1844 = arith.constant 2 : i32
      %swap3A_1845 = arith.index_cast %swap3A_1843 : i32 to index
      %swap3A_1846 = arith.index_cast %swap3A_1844 : i32 to index
      %swap3A_1847 = arith.index_cast %scan3A_1604 : i32 to index
      %swap3A_1848 = arith.constant 32 : index
      %swap3A_1849 = tpu.vector_load %arg7[%swap3A_1845, %swap3A_1846, %swap3A_1847, %swap3A_1848] {strides = array<i32>} : memref<3x4x64x128xf32, #tpu.memory_space<vmem>>, vector<1x1x1x16xf32>,
      %swap3A_1850 = vector.shape_cast %swap3A_1849 : vector<1x1x1x16xf32> to vector<16xf32>
      %swap3A_1851 = vector.shape_cast %add3A_1842 : vector<16xf32> to vector<1x1x1x16xf32>
      tpu.vector_store %arg7[%swap3A_1845, %swap3A_1846, %swap3A_1847, %swap3A_1848], %swap3A_1851 {strides = array<i32>} : memref<3x4x64x128xf32, #tpu.memory_space<vmem>>, vector<1x1x1x16xf32>,
      %get3A_1852 = arith.constant 0 : i32
      %get3A_1853 = arith.constant 3 : i32
      %get3A_1854 = arith.index_cast %get3A_1852 : i32 to index
      %get3A_1855 = arith.index_cast %get3A_1853 : i32 to index
      %get3A_1856 = arith.index_cast %scan3A_1604 : i32 to index
      %get3A_1857 = arith.constant 32 : index
      %get3A_1858 = tpu.vector_load %arg7[%get3A_1854, %get3A_1855, %get3A_1856, %get3A_1857] {strides = array<i32>} : memref<3x4x64x128xf32, #tpu.memory_space<vmem>>, vector<1x1x1x16xf32>,
      %get3A_1859 = vector.shape_cast %get3A_1858 : vector<1x1x1x16xf32> to vector<16xf32>
      %mul3A_1860 = arith.constant 11.3137083 : f32
      %mul3A_1861 = vector.broadcast %mul3A_1860 : f32 to vector<16xf32>
      %mul3A_1862 = arith.mulf %get3A_1859, %mul3A_1861 : vector<16xf32>
      %add3A_1863 = arith.addf %mul3A_1862, %get3A_1788 : vector<16xf32>
      %swap3A_1864 = arith.constant 0 : i32
      %swap3A_1865 = arith.constant 3 : i32
      %swap3A_1866 = arith.index_cast %swap3A_1864 : i32 to index
      %swap3A_1867 = arith.index_cast %swap3A_1865 : i32 to index
      %swap3A_1868 = arith.index_cast %scan3A_1604 : i32 to index
      %swap3A_1869 = arith.constant 32 : index
      %swap3A_1870 = tpu.vector_load %arg7[%swap3A_1866, %swap3A_1867, %swap3A_1868, %swap3A_1869] {strides = array<i32>} : memref<3x4x64x128xf32, #tpu.memory_space<vmem>>, vector<1x1x1x16xf32>,
      %swap3A_1871 = vector.shape_cast %swap3A_1870 : vector<1x1x1x16xf32> to vector<16xf32>
      %swap3A_1872 = vector.shape_cast %add3A_1863 : vector<16xf32> to vector<1x1x1x16xf32>
      tpu.vector_store %arg7[%swap3A_1866, %swap3A_1867, %swap3A_1868, %swap3A_1869], %swap3A_1872 {strides = array<i32>} : memref<3x4x64x128xf32, #tpu.memory_space<vmem>>, vector<1x1x1x16xf32>,
      %get3A_1873 = arith.constant 0 : i32
      %get3A_1874 = arith.index_cast %get3A_1873 : i32 to index
      %get3A_1875 = arith.index_cast %scan3A_1604 : i32 to index
      %get3A_1876 = arith.constant 48 : index
      %get3A_1877 = tpu.vector_load %arg8[%get3A_1874, %get3A_1875, %get3A_1876] {strides = array<i32>} : memref<3x64x128xf32, #tpu.memory_space<vmem>>, vector<1x1x16xf32>,
      %get3A_1878 = vector.shape_cast %get3A_1877 : vector<1x1x16xf32> to vector<16xf32>
      %get3A_1879 = arith.constant 0 : i32
      %get3A_1880 = arith.constant 0 : i32
      %get3A_1881 = arith.index_cast %get3A_1879 : i32 to index
      %get3A_1882 = arith.index_cast %get3A_1880 : i32 to index
      %get3A_1883 = arith.index_cast %scan3A_1604 : i32 to index
      %get3A_1884 = arith.constant 48 : index
      %get3A_1885 = tpu.vector_load %arg7[%get3A_1881, %get3A_1882, %get3A_1883, %get3A_1884] {strides = array<i32>} : memref<3x4x64x128xf32, #tpu.memory_space<vmem>>, vector<1x1x1x16xf32>,
      %get3A_1886 = vector.shape_cast %get3A_1885 : vector<1x1x1x16xf32> to vector<16xf32>
      %mul3A_1887 = arith.constant 11.3137083 : f32
      %mul3A_1888 = vector.broadcast %mul3A_1887 : f32 to vector<16xf32>
      %mul3A_1889 = arith.mulf %get3A_1886, %mul3A_1888 : vector<16xf32>
      %add3A_1890 = arith.addf %mul3A_1889, %get3A_1878 : vector<16xf32>
      %swap3A_1891 = arith.constant 0 : i32
      %swap3A_1892 = arith.constant 0 : i32
      %swap3A_1893 = arith.index_cast %swap3A_1891 : i32 to index
      %swap3A_1894 = arith.index_cast %swap3A_1892 : i32 to index
      %swap3A_1895 = arith.index_cast %scan3A_1604 : i32 to index
      %swap3A_1896 = arith.constant 48 : index
      %swap3A_1897 = tpu.vector_load %arg7[%swap3A_1893, %swap3A_1894, %swap3A_1895, %swap3A_1896] {strides = array<i32>} : memref<3x4x64x128xf32, #tpu.memory_space<vmem>>, vector<1x1x1x16xf32>,
      %swap3A_1898 = vector.shape_cast %swap3A_1897 : vector<1x1x1x16xf32> to vector<16xf32>
      %swap3A_1899 = vector.shape_cast %add3A_1890 : vector<16xf32> to vector<1x1x1x16xf32>
      tpu.vector_store %arg7[%swap3A_1893, %swap3A_1894, %swap3A_1895, %swap3A_1896], %swap3A_1899 {strides = array<i32>} : memref<3x4x64x128xf32, #tpu.memory_space<vmem>>, vector<1x1x1x16xf32>,
      %get3A_1900 = arith.constant 0 : i32
      %get3A_1901 = arith.constant 1 : i32
      %get3A_1902 = arith.index_cast %get3A_1900 : i32 to index
      %get3A_1903 = arith.index_cast %get3A_1901 : i32 to index
      %get3A_1904 = arith.index_cast %scan3A_1604 : i32 to index
      %get3A_1905 = arith.constant 48 : index
      %get3A_1906 = tpu.vector_load %arg7[%get3A_1902, %get3A_1903, %get3A_1904, %get3A_1905] {strides = array<i32>} : memref<3x4x64x128xf32, #tpu.memory_space<vmem>>, vector<1x1x1x16xf32>,
      %get3A_1907 = vector.shape_cast %get3A_1906 : vector<1x1x1x16xf32> to vector<16xf32>
      %mul3A_1908 = arith.constant 11.3137083 : f32
      %mul3A_1909 = vector.broadcast %mul3A_1908 : f32 to vector<16xf32>
      %mul3A_1910 = arith.mulf %get3A_1907, %mul3A_1909 : vector<16xf32>
      %add3A_1911 = arith.addf %mul3A_1910, %get3A_1878 : vector<16xf32>
      %swap3A_1912 = arith.constant 0 : i32
      %swap3A_1913 = arith.constant 1 : i32
      %swap3A_1914 = arith.index_cast %swap3A_1912 : i32 to index
      %swap3A_1915 = arith.index_cast %swap3A_1913 : i32 to index
      %swap3A_1916 = arith.index_cast %scan3A_1604 : i32 to index
      %swap3A_1917 = arith.constant 48 : index
      %swap3A_1918 = tpu.vector_load %arg7[%swap3A_1914, %swap3A_1915, %swap3A_1916, %swap3A_1917] {strides = array<i32>} : memref<3x4x64x128xf32, #tpu.memory_space<vmem>>, vector<1x1x1x16xf32>,
      %swap3A_1919 = vector.shape_cast %swap3A_1918 : vector<1x1x1x16xf32> to vector<16xf32>
      %swap3A_1920 = vector.shape_cast %add3A_1911 : vector<16xf32> to vector<1x1x1x16xf32>
      tpu.vector_store %arg7[%swap3A_1914, %swap3A_1915, %swap3A_1916, %swap3A_1917], %swap3A_1920 {strides = array<i32>} : memref<3x4x64x128xf32, #tpu.memory_space<vmem>>, vector<1x1x1x16xf32>,
      %get3A_1921 = arith.constant 0 : i32
      %get3A_1922 = arith.constant 2 : i32
      %get3A_1923 = arith.index_cast %get3A_1921 : i32 to index
      %get3A_1924 = arith.index_cast %get3A_1922 : i32 to index
      %get3A_1925 = arith.index_cast %scan3A_1604 : i32 to index
      %get3A_1926 = arith.constant 48 : index
      %get3A_1927 = tpu.vector_load %arg7[%get3A_1923, %get3A_1924, %get3A_1925, %get3A_1926] {strides = array<i32>} : memref<3x4x64x128xf32, #tpu.memory_space<vmem>>, vector<1x1x1x16xf32>,
      %get3A_1928 = vector.shape_cast %get3A_1927 : vector<1x1x1x16xf32> to vector<16xf32>
      %mul3A_1929 = arith.constant 11.3137083 : f32
      %mul3A_1930 = vector.broadcast %mul3A_1929 : f32 to vector<16xf32>
      %mul3A_1931 = arith.mulf %get3A_1928, %mul3A_1930 : vector<16xf32>
      %add3A_1932 = arith.addf %mul3A_1931, %get3A_1878 : vector<16xf32>
      %swap3A_1933 = arith.constant 0 : i32
      %swap3A_1934 = arith.constant 2 : i32
      %swap3A_1935 = arith.index_cast %swap3A_1933 : i32 to index
      %swap3A_1936 = arith.index_cast %swap3A_1934 : i32 to index
      %swap3A_1937 = arith.index_cast %scan3A_1604 : i32 to index
      %swap3A_1938 = arith.constant 48 : index
      %swap3A_1939 = tpu.vector_load %arg7[%swap3A_1935, %swap3A_1936, %swap3A_1937, %swap3A_1938] {strides = array<i32>} : memref<3x4x64x128xf32, #tpu.memory_space<vmem>>, vector<1x1x1x16xf32>,
      %swap3A_1940 = vector.shape_cast %swap3A_1939 : vector<1x1x1x16xf32> to vector<16xf32>
      %swap3A_1941 = vector.shape_cast %add3A_1932 : vector<16xf32> to vector<1x1x1x16xf32>
      tpu.vector_store %arg7[%swap3A_1935, %swap3A_1936, %swap3A_1937, %swap3A_1938], %swap3A_1941 {strides = array<i32>} : memref<3x4x64x128xf32, #tpu.memory_space<vmem>>, vector<1x1x1x16xf32>,
      %get3A_1942 = arith.constant 0 : i32
      %get3A_1943 = arith.constant 3 : i32
      %get3A_1944 = arith.index_cast %get3A_1942 : i32 to index
      %get3A_1945 = arith.index_cast %get3A_1943 : i32 to index
      %get3A_1946 = arith.index_cast %scan3A_1604 : i32 to index
      %get3A_1947 = arith.constant 48 : index
      %get3A_1948 = tpu.vector_load %arg7[%get3A_1944, %get3A_1945, %get3A_1946, %get3A_1947] {strides = array<i32>} : memref<3x4x64x128xf32, #tpu.memory_space<vmem>>, vector<1x1x1x16xf32>,
      %get3A_1949 = vector.shape_cast %get3A_1948 : vector<1x1x1x16xf32> to vector<16xf32>
      %mul3A_1950 = arith.constant 11.3137083 : f32
      %mul3A_1951 = vector.broadcast %mul3A_1950 : f32 to vector<16xf32>
      %mul3A_1952 = arith.mulf %get3A_1949, %mul3A_1951 : vector<16xf32>
      %add3A_1953 = arith.addf %mul3A_1952, %get3A_1878 : vector<16xf32>
      %swap3A_1954 = arith.constant 0 : i32
      %swap3A_1955 = arith.constant 3 : i32
      %swap3A_1956 = arith.index_cast %swap3A_1954 : i32 to index
      %swap3A_1957 = arith.index_cast %swap3A_1955 : i32 to index
      %swap3A_1958 = arith.index_cast %scan3A_1604 : i32 to index
      %swap3A_1959 = arith.constant 48 : index
      %swap3A_1960 = tpu.vector_load %arg7[%swap3A_1956, %swap3A_1957, %swap3A_1958, %swap3A_1959] {strides = array<i32>} : memref<3x4x64x128xf32, #tpu.memory_space<vmem>>, vector<1x1x1x16xf32>,
      %swap3A_1961 = vector.shape_cast %swap3A_1960 : vector<1x1x1x16xf32> to vector<16xf32>
      %swap3A_1962 = vector.shape_cast %add3A_1953 : vector<16xf32> to vector<1x1x1x16xf32>
      tpu.vector_store %arg7[%swap3A_1956, %swap3A_1957, %swap3A_1958, %swap3A_1959], %swap3A_1962 {strides = array<i32>} : memref<3x4x64x128xf32, #tpu.memory_space<vmem>>, vector<1x1x1x16xf32>,
      %get3A_1963 = arith.constant 0 : i32
      %get3A_1964 = arith.index_cast %get3A_1963 : i32 to index
      %get3A_1965 = arith.index_cast %scan3A_1604 : i32 to index
      %get3A_1966 = arith.constant 64 : index
      %get3A_1967 = tpu.vector_load %arg8[%get3A_1964, %get3A_1965, %get3A_1966] {strides = array<i32>} : memref<3x64x128xf32, #tpu.memory_space<vmem>>, vector<1x1x16xf32>,
      %get3A_1968 = vector.shape_cast %get3A_1967 : vector<1x1x16xf32> to vector<16xf32>
      %get3A_1969 = arith.constant 0 : i32
      %get3A_1970 = arith.constant 0 : i32
      %get3A_1971 = arith.index_cast %get3A_1969 : i32 to index
      %get3A_1972 = arith.index_cast %get3A_1970 : i32 to index
      %get3A_1973 = arith.index_cast %scan3A_1604 : i32 to index
      %get3A_1974 = arith.constant 64 : index
      %get3A_1975 = tpu.vector_load %arg7[%get3A_1971, %get3A_1972, %get3A_1973, %get3A_1974] {strides = array<i32>} : memref<3x4x64x128xf32, #tpu.memory_space<vmem>>, vector<1x1x1x16xf32>,
      %get3A_1976 = vector.shape_cast %get3A_1975 : vector<1x1x1x16xf32> to vector<16xf32>
      %mul3A_1977 = arith.constant 11.3137083 : f32
      %mul3A_1978 = vector.broadcast %mul3A_1977 : f32 to vector<16xf32>
      %mul3A_1979 = arith.mulf %get3A_1976, %mul3A_1978 : vector<16xf32>
      %add3A_1980 = arith.addf %mul3A_1979, %get3A_1968 : vector<16xf32>
      %swap3A_1981 = arith.constant 0 : i32
      %swap3A_1982 = arith.constant 0 : i32
      %swap3A_1983 = arith.index_cast %swap3A_1981 : i32 to index
      %swap3A_1984 = arith.index_cast %swap3A_1982 : i32 to index
      %swap3A_1985 = arith.index_cast %scan3A_1604 : i32 to index
      %swap3A_1986 = arith.constant 64 : index
      %swap3A_1987 = tpu.vector_load %arg7[%swap3A_1983, %swap3A_1984, %swap3A_1985, %swap3A_1986] {strides = array<i32>} : memref<3x4x64x128xf32, #tpu.memory_space<vmem>>, vector<1x1x1x16xf32>,
      %swap3A_1988 = vector.shape_cast %swap3A_1987 : vector<1x1x1x16xf32> to vector<16xf32>
      %swap3A_1989 = vector.shape_cast %add3A_1980 : vector<16xf32> to vector<1x1x1x16xf32>
      tpu.vector_store %arg7[%swap3A_1983, %swap3A_1984, %swap3A_1985, %swap3A_1986], %swap3A_1989 {strides = array<i32>} : memref<3x4x64x128xf32, #tpu.memory_space<vmem>>, vector<1x1x1x16xf32>,
      %get3A_1990 = arith.constant 0 : i32
      %get3A_1991 = arith.constant 1 : i32
      %get3A_1992 = arith.index_cast %get3A_1990 : i32 to index
      %get3A_1993 = arith.index_cast %get3A_1991 : i32 to index
      %get3A_1994 = arith.index_cast %scan3A_1604 : i32 to index
      %get3A_1995 = arith.constant 64 : index
      %get3A_1996 = tpu.vector_load %arg7[%get3A_1992, %get3A_1993, %get3A_1994, %get3A_1995] {strides = array<i32>} : memref<3x4x64x128xf32, #tpu.memory_space<vmem>>, vector<1x1x1x16xf32>,
      %get3A_1997 = vector.shape_cast %get3A_1996 : vector<1x1x1x16xf32> to vector<16xf32>
      %mul3A_1998 = arith.constant 11.3137083 : f32
      %mul3A_1999 = vector.broadcast %mul3A_1998 : f32 to vector<16xf32>
      %mul3A_2000 = arith.mulf %get3A_1997, %mul3A_1999 : vector<16xf32>
      %add3A_2001 = arith.addf %mul3A_2000, %get3A_1968 : vector<16xf32>
      %swap3A_2002 = arith.constant 0 : i32
      %swap3A_2003 = arith.constant 1 : i32
      %swap3A_2004 = arith.index_cast %swap3A_2002 : i32 to index
      %swap3A_2005 = arith.index_cast %swap3A_2003 : i32 to index
      %swap3A_2006 = arith.index_cast %scan3A_1604 : i32 to index
      %swap3A_2007 = arith.constant 64 : index
      %swap3A_2008 = tpu.vector_load %arg7[%swap3A_2004, %swap3A_2005, %swap3A_2006, %swap3A_2007] {strides = array<i32>} : memref<3x4x64x128xf32, #tpu.memory_space<vmem>>, vector<1x1x1x16xf32>,
      %swap3A_2009 = vector.shape_cast %swap3A_2008 : vector<1x1x1x16xf32> to vector<16xf32>
      %swap3A_2010 = vector.shape_cast %add3A_2001 : vector<16xf32> to vector<1x1x1x16xf32>
      tpu.vector_store %arg7[%swap3A_2004, %swap3A_2005, %swap3A_2006, %swap3A_2007], %swap3A_2010 {strides = array<i32>} : memref<3x4x64x128xf32, #tpu.memory_space<vmem>>, vector<1x1x1x16xf32>,
      %get3A_2011 = arith.constant 0 : i32
      %get3A_2012 = arith.constant 2 : i32
      %get3A_2013 = arith.index_cast %get3A_2011 : i32 to index
      %get3A_2014 = arith.index_cast %get3A_2012 : i32 to index
      %get3A_2015 = arith.index_cast %scan3A_1604 : i32 to index
      %get3A_2016 = arith.constant 64 : index
      %get3A_2017 = tpu.vector_load %arg7[%get3A_2013, %get3A_2014, %get3A_2015, %get3A_2016] {strides = array<i32>} : memref<3x4x64x128xf32, #tpu.memory_space<vmem>>, vector<1x1x1x16xf32>,
      %get3A_2018 = vector.shape_cast %get3A_2017 : vector<1x1x1x16xf32> to vector<16xf32>
      %mul3A_2019 = arith.constant 11.3137083 : f32
      %mul3A_2020 = vector.broadcast %mul3A_2019 : f32 to vector<16xf32>
      %mul3A_2021 = arith.mulf %get3A_2018, %mul3A_2020 : vector<16xf32>
      %add3A_2022 = arith.addf %mul3A_2021, %get3A_1968 : vector<16xf32>
      %swap3A_2023 = arith.constant 0 : i32
      %swap3A_2024 = arith.constant 2 : i32
      %swap3A_2025 = arith.index_cast %swap3A_2023 : i32 to index
      %swap3A_2026 = arith.index_cast %swap3A_2024 : i32 to index
      %swap3A_2027 = arith.index_cast %scan3A_1604 : i32 to index
      %swap3A_2028 = arith.constant 64 : index
      %swap3A_2029 = tpu.vector_load %arg7[%swap3A_2025, %swap3A_2026, %swap3A_2027, %swap3A_2028] {strides = array<i32>} : memref<3x4x64x128xf32, #tpu.memory_space<vmem>>, vector<1x1x1x16xf32>,
      %swap3A_2030 = vector.shape_cast %swap3A_2029 : vector<1x1x1x16xf32> to vector<16xf32>
      %swap3A_2031 = vector.shape_cast %add3A_2022 : vector<16xf32> to vector<1x1x1x16xf32>
      tpu.vector_store %arg7[%swap3A_2025, %swap3A_2026, %swap3A_2027, %swap3A_2028], %swap3A_2031 {strides = array<i32>} : memref<3x4x64x128xf32, #tpu.memory_space<vmem>>, vector<1x1x1x16xf32>,
      %get3A_2032 = arith.constant 0 : i32
      %get3A_2033 = arith.constant 3 : i32
      %get3A_2034 = arith.index_cast %get3A_2032 : i32 to index
      %get3A_2035 = arith.index_cast %get3A_2033 : i32 to index
      %get3A_2036 = arith.index_cast %scan3A_1604 : i32 to index
      %get3A_2037 = arith.constant 64 : index
      %get3A_2038 = tpu.vector_load %arg7[%get3A_2034, %get3A_2035, %get3A_2036, %get3A_2037] {strides = array<i32>} : memref<3x4x64x128xf32, #tpu.memory_space<vmem>>, vector<1x1x1x16xf32>,
      %get3A_2039 = vector.shape_cast %get3A_2038 : vector<1x1x1x16xf32> to vector<16xf32>
      %mul3A_2040 = arith.constant 11.3137083 : f32
      %mul3A_2041 = vector.broadcast %mul3A_2040 : f32 to vector<16xf32>
      %mul3A_2042 = arith.mulf %get3A_2039, %mul3A_2041 : vector<16xf32>
      %add3A_2043 = arith.addf %mul3A_2042, %get3A_1968 : vector<16xf32>
      %swap3A_2044 = arith.constant 0 : i32
      %swap3A_2045 = arith.constant 3 : i32
      %swap3A_2046 = arith.index_cast %swap3A_2044 : i32 to index
      %swap3A_2047 = arith.index_cast %swap3A_2045 : i32 to index
      %swap3A_2048 = arith.index_cast %scan3A_1604 : i32 to index
      %swap3A_2049 = arith.constant 64 : index
      %swap3A_2050 = tpu.vector_load %arg7[%swap3A_2046, %swap3A_2047, %swap3A_2048, %swap3A_2049] {strides = array<i32>} : memref<3x4x64x128xf32, #tpu.memory_space<vmem>>, vector<1x1x1x16xf32>,
      %swap3A_2051 = vector.shape_cast %swap3A_2050 : vector<1x1x1x16xf32> to vector<16xf32>
      %swap3A_2052 = vector.shape_cast %add3A_2043 : vector<16xf32> to vector<1x1x1x16xf32>
      tpu.vector_store %arg7[%swap3A_2046, %swap3A_2047, %swap3A_2048, %swap3A_2049], %swap3A_2052 {strides = array<i32>} : memref<3x4x64x128xf32, #tpu.memory_space<vmem>>, vector<1x1x1x16xf32>,
      %get3A_2053 = arith.constant 0 : i32
      %get3A_2054 = arith.index_cast %get3A_2053 : i32 to index
      %get3A_2055 = arith.index_cast %scan3A_1604 : i32 to index
      %get3A_2056 = arith.constant 80 : index
      %get3A_2057 = tpu.vector_load %arg8[%get3A_2054, %get3A_2055, %get3A_2056] {strides = array<i32>} : memref<3x64x128xf32, #tpu.memory_space<vmem>>, vector<1x1x16xf32>,
      %get3A_2058 = vector.shape_cast %get3A_2057 : vector<1x1x16xf32> to vector<16xf32>
      %get3A_2059 = arith.constant 0 : i32
      %get3A_2060 = arith.constant 0 : i32
      %get3A_2061 = arith.index_cast %get3A_2059 : i32 to index
      %get3A_2062 = arith.index_cast %get3A_2060 : i32 to index
      %get3A_2063 = arith.index_cast %scan3A_1604 : i32 to index
      %get3A_2064 = arith.constant 80 : index
      %get3A_2065 = tpu.vector_load %arg7[%get3A_2061, %get3A_2062, %get3A_2063, %get3A_2064] {strides = array<i32>} : memref<3x4x64x128xf32, #tpu.memory_space<vmem>>, vector<1x1x1x16xf32>,
      %get3A_2066 = vector.shape_cast %get3A_2065 : vector<1x1x1x16xf32> to vector<16xf32>
      %mul3A_2067 = arith.constant 11.3137083 : f32
      %mul3A_2068 = vector.broadcast %mul3A_2067 : f32 to vector<16xf32>
      %mul3A_2069 = arith.mulf %get3A_2066, %mul3A_2068 : vector<16xf32>
      %add3A_2070 = arith.addf %mul3A_2069, %get3A_2058 : vector<16xf32>
      %swap3A_2071 = arith.constant 0 : i32
      %swap3A_2072 = arith.constant 0 : i32
      %swap3A_2073 = arith.index_cast %swap3A_2071 : i32 to index
      %swap3A_2074 = arith.index_cast %swap3A_2072 : i32 to index
      %swap3A_2075 = arith.index_cast %scan3A_1604 : i32 to index
      %swap3A_2076 = arith.constant 80 : index
      %swap3A_2077 = tpu.vector_load %arg7[%swap3A_2073, %swap3A_2074, %swap3A_2075, %swap3A_2076] {strides = array<i32>} : memref<3x4x64x128xf32, #tpu.memory_space<vmem>>, vector<1x1x1x16xf32>,
      %swap3A_2078 = vector.shape_cast %swap3A_2077 : vector<1x1x1x16xf32> to vector<16xf32>
      %swap3A_2079 = vector.shape_cast %add3A_2070 : vector<16xf32> to vector<1x1x1x16xf32>
      tpu.vector_store %arg7[%swap3A_2073, %swap3A_2074, %swap3A_2075, %swap3A_2076], %swap3A_2079 {strides = array<i32>} : memref<3x4x64x128xf32, #tpu.memory_space<vmem>>, vector<1x1x1x16xf32>,
      %get3A_2080 = arith.constant 0 : i32
      %get3A_2081 = arith.constant 1 : i32
      %get3A_2082 = arith.index_cast %get3A_2080 : i32 to index
      %get3A_2083 = arith.index_cast %get3A_2081 : i32 to index
      %get3A_2084 = arith.index_cast %scan3A_1604 : i32 to index
      %get3A_2085 = arith.constant 80 : index
      %get3A_2086 = tpu.vector_load %arg7[%get3A_2082, %get3A_2083, %get3A_2084, %get3A_2085] {strides = array<i32>} : memref<3x4x64x128xf32, #tpu.memory_space<vmem>>, vector<1x1x1x16xf32>,
      %get3A_2087 = vector.shape_cast %get3A_2086 : vector<1x1x1x16xf32> to vector<16xf32>
      %mul3A_2088 = arith.constant 11.3137083 : f32
      %mul3A_2089 = vector.broadcast %mul3A_2088 : f32 to vector<16xf32>
      %mul3A_2090 = arith.mulf %get3A_2087, %mul3A_2089 : vector<16xf32>
      %add3A_2091 = arith.addf %mul3A_2090, %get3A_2058 : vector<16xf32>
      %swap3A_2092 = arith.constant 0 : i32
      %swap3A_2093 = arith.constant 1 : i32
      %swap3A_2094 = arith.index_cast %swap3A_2092 : i32 to index
      %swap3A_2095 = arith.index_cast %swap3A_2093 : i32 to index
      %swap3A_2096 = arith.index_cast %scan3A_1604 : i32 to index
      %swap3A_2097 = arith.constant 80 : index
      %swap3A_2098 = tpu.vector_load %arg7[%swap3A_2094, %swap3A_2095, %swap3A_2096, %swap3A_2097] {strides = array<i32>} : memref<3x4x64x128xf32, #tpu.memory_space<vmem>>, vector<1x1x1x16xf32>,
      %swap3A_2099 = vector.shape_cast %swap3A_2098 : vector<1x1x1x16xf32> to vector<16xf32>
      %swap3A_2100 = vector.shape_cast %add3A_2091 : vector<16xf32> to vector<1x1x1x16xf32>
      tpu.vector_store %arg7[%swap3A_2094, %swap3A_2095, %swap3A_2096, %swap3A_2097], %swap3A_2100 {strides = array<i32>} : memref<3x4x64x128xf32, #tpu.memory_space<vmem>>, vector<1x1x1x16xf32>,
      %get3A_2101 = arith.constant 0 : i32
      %get3A_2102 = arith.constant 2 : i32
      %get3A_2103 = arith.index_cast %get3A_2101 : i32 to index
      %get3A_2104 = arith.index_cast %get3A_2102 : i32 to index
      %get3A_2105 = arith.index_cast %scan3A_1604 : i32 to index
      %get3A_2106 = arith.constant 80 : index
      %get3A_2107 = tpu.vector_load %arg7[%get3A_2103, %get3A_2104, %get3A_2105, %get3A_2106] {strides = array<i32>} : memref<3x4x64x128xf32, #tpu.memory_space<vmem>>, vector<1x1x1x16xf32>,
      %get3A_2108 = vector.shape_cast %get3A_2107 : vector<1x1x1x16xf32> to vector<16xf32>
      %mul3A_2109 = arith.constant 11.3137083 : f32
      %mul3A_2110 = vector.broadcast %mul3A_2109 : f32 to vector<16xf32>
      %mul3A_2111 = arith.mulf %get3A_2108, %mul3A_2110 : vector<16xf32>
      %add3A_2112 = arith.addf %mul3A_2111, %get3A_2058 : vector<16xf32>
      %swap3A_2113 = arith.constant 0 : i32
      %swap3A_2114 = arith.constant 2 : i32
      %swap3A_2115 = arith.index_cast %swap3A_2113 : i32 to index
      %swap3A_2116 = arith.index_cast %swap3A_2114 : i32 to index
      %swap3A_2117 = arith.index_cast %scan3A_1604 : i32 to index
      %swap3A_2118 = arith.constant 80 : index
      %swap3A_2119 = tpu.vector_load %arg7[%swap3A_2115, %swap3A_2116, %swap3A_2117, %swap3A_2118] {strides = array<i32>} : memref<3x4x64x128xf32, #tpu.memory_space<vmem>>, vector<1x1x1x16xf32>,
      %swap3A_2120 = vector.shape_cast %swap3A_2119 : vector<1x1x1x16xf32> to vector<16xf32>
      %swap3A_2121 = vector.shape_cast %add3A_2112 : vector<16xf32> to vector<1x1x1x16xf32>
      tpu.vector_store %arg7[%swap3A_2115, %swap3A_2116, %swap3A_2117, %swap3A_2118], %swap3A_2121 {strides = array<i32>} : memref<3x4x64x128xf32, #tpu.memory_space<vmem>>, vector<1x1x1x16xf32>,
      %get3A_2122 = arith.constant 0 : i32
      %get3A_2123 = arith.constant 3 : i32
      %get3A_2124 = arith.index_cast %get3A_2122 : i32 to index
      %get3A_2125 = arith.index_cast %get3A_2123 : i32 to index
      %get3A_2126 = arith.index_cast %scan3A_1604 : i32 to index
      %get3A_2127 = arith.constant 80 : index
      %get3A_2128 = tpu.vector_load %arg7[%get3A_2124, %get3A_2125, %get3A_2126, %get3A_2127] {strides = array<i32>} : memref<3x4x64x128xf32, #tpu.memory_space<vmem>>, vector<1x1x1x16xf32>,
      %get3A_2129 = vector.shape_cast %get3A_2128 : vector<1x1x1x16xf32> to vector<16xf32>
      %mul3A_2130 = arith.constant 11.3137083 : f32
      %mul3A_2131 = vector.broadcast %mul3A_2130 : f32 to vector<16xf32>
      %mul3A_2132 = arith.mulf %get3A_2129, %mul3A_2131 : vector<16xf32>
      %add3A_2133 = arith.addf %mul3A_2132, %get3A_2058 : vector<16xf32>
      %swap3A_2134 = arith.constant 0 : i32
      %swap3A_2135 = arith.constant 3 : i32
      %swap3A_2136 = arith.index_cast %swap3A_2134 : i32 to index
      %swap3A_2137 = arith.index_cast %swap3A_2135 : i32 to index
      %swap3A_2138 = arith.index_cast %scan3A_1604 : i32 to index
      %swap3A_2139 = arith.constant 80 : index
      %swap3A_2140 = tpu.vector_load %arg7[%swap3A_2136, %swap3A_2137, %swap3A_2138, %swap3A_2139] {strides = array<i32>} : memref<3x4x64x128xf32, #tpu.memory_space<vmem>>, vector<1x1x1x16xf32>,
      %swap3A_2141 = vector.shape_cast %swap3A_2140 : vector<1x1x1x16xf32> to vector<16xf32>
      %swap3A_2142 = vector.shape_cast %add3A_2133 : vector<16xf32> to vector<1x1x1x16xf32>
      tpu.vector_store %arg7[%swap3A_2136, %swap3A_2137, %swap3A_2138, %swap3A_2139], %swap3A_2142 {strides = array<i32>} : memref<3x4x64x128xf32, #tpu.memory_space<vmem>>, vector<1x1x1x16xf32>,
      %get3A_2143 = arith.constant 0 : i32
      %get3A_2144 = arith.index_cast %get3A_2143 : i32 to index
      %get3A_2145 = arith.index_cast %scan3A_1604 : i32 to index
      %get3A_2146 = arith.constant 96 : index
      %get3A_2147 = tpu.vector_load %arg8[%get3A_2144, %get3A_2145, %get3A_2146] {strides = array<i32>} : memref<3x64x128xf32, #tpu.memory_space<vmem>>, vector<1x1x16xf32>,
      %get3A_2148 = vector.shape_cast %get3A_2147 : vector<1x1x16xf32> to vector<16xf32>
      %get3A_2149 = arith.constant 0 : i32
      %get3A_2150 = arith.constant 0 : i32
      %get3A_2151 = arith.index_cast %get3A_2149 : i32 to index
      %get3A_2152 = arith.index_cast %get3A_2150 : i32 to index
      %get3A_2153 = arith.index_cast %scan3A_1604 : i32 to index
      %get3A_2154 = arith.constant 96 : index
      %get3A_2155 = tpu.vector_load %arg7[%get3A_2151, %get3A_2152, %get3A_2153, %get3A_2154] {strides = array<i32>} : memref<3x4x64x128xf32, #tpu.memory_space<vmem>>, vector<1x1x1x16xf32>,
      %get3A_2156 = vector.shape_cast %get3A_2155 : vector<1x1x1x16xf32> to vector<16xf32>
      %mul3A_2157 = arith.constant 11.3137083 : f32
      %mul3A_2158 = vector.broadcast %mul3A_2157 : f32 to vector<16xf32>
      %mul3A_2159 = arith.mulf %get3A_2156, %mul3A_2158 : vector<16xf32>
      %add3A_2160 = arith.addf %mul3A_2159, %get3A_2148 : vector<16xf32>
      %swap3A_2161 = arith.constant 0 : i32
      %swap3A_2162 = arith.constant 0 : i32
      %swap3A_2163 = arith.index_cast %swap3A_2161 : i32 to index
      %swap3A_2164 = arith.index_cast %swap3A_2162 : i32 to index
      %swap3A_2165 = arith.index_cast %scan3A_1604 : i32 to index
      %swap3A_2166 = arith.constant 96 : index
      %swap3A_2167 = tpu.vector_load %arg7[%swap3A_2163, %swap3A_2164, %swap3A_2165, %swap3A_2166] {strides = array<i32>} : memref<3x4x64x128xf32, #tpu.memory_space<vmem>>, vector<1x1x1x16xf32>,
      %swap3A_2168 = vector.shape_cast %swap3A_2167 : vector<1x1x1x16xf32> to vector<16xf32>
      %swap3A_2169 = vector.shape_cast %add3A_2160 : vector<16xf32> to vector<1x1x1x16xf32>
      tpu.vector_store %arg7[%swap3A_2163, %swap3A_2164, %swap3A_2165, %swap3A_2166], %swap3A_2169 {strides = array<i32>} : memref<3x4x64x128xf32, #tpu.memory_space<vmem>>, vector<1x1x1x16xf32>,
      %get3A_2170 = arith.constant 0 : i32
      %get3A_2171 = arith.constant 1 : i32
      %get3A_2172 = arith.index_cast %get3A_2170 : i32 to index
      %get3A_2173 = arith.index_cast %get3A_2171 : i32 to index
      %get3A_2174 = arith.index_cast %scan3A_1604 : i32 to index
      %get3A_2175 = arith.constant 96 : index
      %get3A_2176 = tpu.vector_load %arg7[%get3A_2172, %get3A_2173, %get3A_2174, %get3A_2175] {strides = array<i32>} : memref<3x4x64x128xf32, #tpu.memory_space<vmem>>, vector<1x1x1x16xf32>,
      %get3A_2177 = vector.shape_cast %get3A_2176 : vector<1x1x1x16xf32> to vector<16xf32>
      %mul3A_2178 = arith.constant 11.3137083 : f32
      %mul3A_2179 = vector.broadcast %mul3A_2178 : f32 to vector<16xf32>
      %mul3A_2180 = arith.mulf %get3A_2177, %mul3A_2179 : vector<16xf32>
      %add3A_2181 = arith.addf %mul3A_2180, %get3A_2148 : vector<16xf32>
      %swap3A_2182 = arith.constant 0 : i32
      %swap3A_2183 = arith.constant 1 : i32
      %swap3A_2184 = arith.index_cast %swap3A_2182 : i32 to index
      %swap3A_2185 = arith.index_cast %swap3A_2183 : i32 to index
      %swap3A_2186 = arith.index_cast %scan3A_1604 : i32 to index
      %swap3A_2187 = arith.constant 96 : index
      %swap3A_2188 = tpu.vector_load %arg7[%swap3A_2184, %swap3A_2185, %swap3A_2186, %swap3A_2187] {strides = array<i32>} : memref<3x4x64x128xf32, #tpu.memory_space<vmem>>, vector<1x1x1x16xf32>,
      %swap3A_2189 = vector.shape_cast %swap3A_2188 : vector<1x1x1x16xf32> to vector<16xf32>
      %swap3A_2190 = vector.shape_cast %add3A_2181 : vector<16xf32> to vector<1x1x1x16xf32>
      tpu.vector_store %arg7[%swap3A_2184, %swap3A_2185, %swap3A_2186, %swap3A_2187], %swap3A_2190 {strides = array<i32>} : memref<3x4x64x128xf32, #tpu.memory_space<vmem>>, vector<1x1x1x16xf32>,
      %get3A_2191 = arith.constant 0 : i32
      %get3A_2192 = arith.constant 2 : i32
      %get3A_2193 = arith.index_cast %get3A_2191 : i32 to index
      %get3A_2194 = arith.index_cast %get3A_2192 : i32 to index
      %get3A_2195 = arith.index_cast %scan3A_1604 : i32 to index
      %get3A_2196 = arith.constant 96 : index
      %get3A_2197 = tpu.vector_load %arg7[%get3A_2193, %get3A_2194, %get3A_2195, %get3A_2196] {strides = array<i32>} : memref<3x4x64x128xf32, #tpu.memory_space<vmem>>, vector<1x1x1x16xf32>,
      %get3A_2198 = vector.shape_cast %get3A_2197 : vector<1x1x1x16xf32> to vector<16xf32>
      %mul3A_2199 = arith.constant 11.3137083 : f32
      %mul3A_2200 = vector.broadcast %mul3A_2199 : f32 to vector<16xf32>
      %mul3A_2201 = arith.mulf %get3A_2198, %mul3A_2200 : vector<16xf32>
      %add3A_2202 = arith.addf %mul3A_2201, %get3A_2148 : vector<16xf32>
      %swap3A_2203 = arith.constant 0 : i32
      %swap3A_2204 = arith.constant 2 : i32
      %swap3A_2205 = arith.index_cast %swap3A_2203 : i32 to index
      %swap3A_2206 = arith.index_cast %swap3A_2204 : i32 to index
      %swap3A_2207 = arith.index_cast %scan3A_1604 : i32 to index
      %swap3A_2208 = arith.constant 96 : index
      %swap3A_2209 = tpu.vector_load %arg7[%swap3A_2205, %swap3A_2206, %swap3A_2207, %swap3A_2208] {strides = array<i32>} : memref<3x4x64x128xf32, #tpu.memory_space<vmem>>, vector<1x1x1x16xf32>,
      %swap3A_2210 = vector.shape_cast %swap3A_2209 : vector<1x1x1x16xf32> to vector<16xf32>
      %swap3A_2211 = vector.shape_cast %add3A_2202 : vector<16xf32> to vector<1x1x1x16xf32>
      tpu.vector_store %arg7[%swap3A_2205, %swap3A_2206, %swap3A_2207, %swap3A_2208], %swap3A_2211 {strides = array<i32>} : memref<3x4x64x128xf32, #tpu.memory_space<vmem>>, vector<1x1x1x16xf32>,
      %get3A_2212 = arith.constant 0 : i32
      %get3A_2213 = arith.constant 3 : i32
      %get3A_2214 = arith.index_cast %get3A_2212 : i32 to index
      %get3A_2215 = arith.index_cast %get3A_2213 : i32 to index
      %get3A_2216 = arith.index_cast %scan3A_1604 : i32 to index
      %get3A_2217 = arith.constant 96 : index
      %get3A_2218 = tpu.vector_load %arg7[%get3A_2214, %get3A_2215, %get3A_2216, %get3A_2217] {strides = array<i32>} : memref<3x4x64x128xf32, #tpu.memory_space<vmem>>, vector<1x1x1x16xf32>,
      %get3A_2219 = vector.shape_cast %get3A_2218 : vector<1x1x1x16xf32> to vector<16xf32>
      %mul3A_2220 = arith.constant 11.3137083 : f32
      %mul3A_2221 = vector.broadcast %mul3A_2220 : f32 to vector<16xf32>
      %mul3A_2222 = arith.mulf %get3A_2219, %mul3A_2221 : vector<16xf32>
      %add3A_2223 = arith.addf %mul3A_2222, %get3A_2148 : vector<16xf32>
      %swap3A_2224 = arith.constant 0 : i32
      %swap3A_2225 = arith.constant 3 : i32
      %swap3A_2226 = arith.index_cast %swap3A_2224 : i32 to index
      %swap3A_2227 = arith.index_cast %swap3A_2225 : i32 to index
      %swap3A_2228 = arith.index_cast %scan3A_1604 : i32 to index
      %swap3A_2229 = arith.constant 96 : index
      %swap3A_2230 = tpu.vector_load %arg7[%swap3A_2226, %swap3A_2227, %swap3A_2228, %swap3A_2229] {strides = array<i32>} : memref<3x4x64x128xf32, #tpu.memory_space<vmem>>, vector<1x1x1x16xf32>,
      %swap3A_2231 = vector.shape_cast %swap3A_2230 : vector<1x1x1x16xf32> to vector<16xf32>
      %swap3A_2232 = vector.shape_cast %add3A_2223 : vector<16xf32> to vector<1x1x1x16xf32>
      tpu.vector_store %arg7[%swap3A_2226, %swap3A_2227, %swap3A_2228, %swap3A_2229], %swap3A_2232 {strides = array<i32>} : memref<3x4x64x128xf32, #tpu.memory_space<vmem>>, vector<1x1x1x16xf32>,
      %get3A_2233 = arith.constant 0 : i32
      %get3A_2234 = arith.index_cast %get3A_2233 : i32 to index
      %get3A_2235 = arith.index_cast %scan3A_1604 : i32 to index
      %get3A_2236 = arith.constant 112 : index
      %get3A_2237 = tpu.vector_load %arg8[%get3A_2234, %get3A_2235, %get3A_2236] {strides = array<i32>} : memref<3x64x128xf32, #tpu.memory_space<vmem>>, vector<1x1x16xf32>,
      %get3A_2238 = vector.shape_cast %get3A_2237 : vector<1x1x16xf32> to vector<16xf32>
      %get3A_2239 = arith.constant 0 : i32
      %get3A_2240 = arith.constant 0 : i32
      %get3A_2241 = arith.index_cast %get3A_2239 : i32 to index
      %get3A_2242 = arith.index_cast %get3A_2240 : i32 to index
      %get3A_2243 = arith.index_cast %scan3A_1604 : i32 to index
      %get3A_2244 = arith.constant 112 : index
      %get3A_2245 = tpu.vector_load %arg7[%get3A_2241, %get3A_2242, %get3A_2243, %get3A_2244] {strides = array<i32>} : memref<3x4x64x128xf32, #tpu.memory_space<vmem>>, vector<1x1x1x16xf32>,
      %get3A_2246 = vector.shape_cast %get3A_2245 : vector<1x1x1x16xf32> to vector<16xf32>
      %mul3A_2247 = arith.constant 11.3137083 : f32
      %mul3A_2248 = vector.broadcast %mul3A_2247 : f32 to vector<16xf32>
      %mul3A_2249 = arith.mulf %get3A_2246, %mul3A_2248 : vector<16xf32>
      %add3A_2250 = arith.addf %mul3A_2249, %get3A_2238 : vector<16xf32>
      %swap3A_2251 = arith.constant 0 : i32
      %swap3A_2252 = arith.constant 0 : i32
      %swap3A_2253 = arith.index_cast %swap3A_2251 : i32 to index
      %swap3A_2254 = arith.index_cast %swap3A_2252 : i32 to index
      %swap3A_2255 = arith.index_cast %scan3A_1604 : i32 to index
      %swap3A_2256 = arith.constant 112 : index
      %swap3A_2257 = tpu.vector_load %arg7[%swap3A_2253, %swap3A_2254, %swap3A_2255, %swap3A_2256] {strides = array<i32>} : memref<3x4x64x128xf32, #tpu.memory_space<vmem>>, vector<1x1x1x16xf32>,
      %swap3A_2258 = vector.shape_cast %swap3A_2257 : vector<1x1x1x16xf32> to vector<16xf32>
      %swap3A_2259 = vector.shape_cast %add3A_2250 : vector<16xf32> to vector<1x1x1x16xf32>
      tpu.vector_store %arg7[%swap3A_2253, %swap3A_2254, %swap3A_2255, %swap3A_2256], %swap3A_2259 {strides = array<i32>} : memref<3x4x64x128xf32, #tpu.memory_space<vmem>>, vector<1x1x1x16xf32>,
      %get3A_2260 = arith.constant 0 : i32
      %get3A_2261 = arith.constant 1 : i32
      %get3A_2262 = arith.index_cast %get3A_2260 : i32 to index
      %get3A_2263 = arith.index_cast %get3A_2261 : i32 to index
      %get3A_2264 = arith.index_cast %scan3A_1604 : i32 to index
      %get3A_2265 = arith.constant 112 : index
      %get3A_2266 = tpu.vector_load %arg7[%get3A_2262, %get3A_2263, %get3A_2264, %get3A_2265] {strides = array<i32>} : memref<3x4x64x128xf32, #tpu.memory_space<vmem>>, vector<1x1x1x16xf32>,
      %get3A_2267 = vector.shape_cast %get3A_2266 : vector<1x1x1x16xf32> to vector<16xf32>
      %mul3A_2268 = arith.constant 11.3137083 : f32
      %mul3A_2269 = vector.broadcast %mul3A_2268 : f32 to vector<16xf32>
      %mul3A_2270 = arith.mulf %get3A_2267, %mul3A_2269 : vector<16xf32>
      %add3A_2271 = arith.addf %mul3A_2270, %get3A_2238 : vector<16xf32>
      %swap3A_2272 = arith.constant 0 : i32
      %swap3A_2273 = arith.constant 1 : i32
      %swap3A_2274 = arith.index_cast %swap3A_2272 : i32 to index
      %swap3A_2275 = arith.index_cast %swap3A_2273 : i32 to index
      %swap3A_2276 = arith.index_cast %scan3A_1604 : i32 to index
      %swap3A_2277 = arith.constant 112 : index
      %swap3A_2278 = tpu.vector_load %arg7[%swap3A_2274, %swap3A_2275, %swap3A_2276, %swap3A_2277] {strides = array<i32>} : memref<3x4x64x128xf32, #tpu.memory_space<vmem>>, vector<1x1x1x16xf32>,
      %swap3A_2279 = vector.shape_cast %swap3A_2278 : vector<1x1x1x16xf32> to vector<16xf32>
      %swap3A_2280 = vector.shape_cast %add3A_2271 : vector<16xf32> to vector<1x1x1x16xf32>
      tpu.vector_store %arg7[%swap3A_2274, %swap3A_2275, %swap3A_2276, %swap3A_2277], %swap3A_2280 {strides = array<i32>} : memref<3x4x64x128xf32, #tpu.memory_space<vmem>>, vector<1x1x1x16xf32>,
      %get3A_2281 = arith.constant 0 : i32
      %get3A_2282 = arith.constant 2 : i32
      %get3A_2283 = arith.index_cast %get3A_2281 : i32 to index
      %get3A_2284 = arith.index_cast %get3A_2282 : i32 to index
      %get3A_2285 = arith.index_cast %scan3A_1604 : i32 to index
      %get3A_2286 = arith.constant 112 : index
      %get3A_2287 = tpu.vector_load %arg7[%get3A_2283, %get3A_2284, %get3A_2285, %get3A_2286] {strides = array<i32>} : memref<3x4x64x128xf32, #tpu.memory_space<vmem>>, vector<1x1x1x16xf32>,
      %get3A_2288 = vector.shape_cast %get3A_2287 : vector<1x1x1x16xf32> to vector<16xf32>
      %mul3A_2289 = arith.constant 11.3137083 : f32
      %mul3A_2290 = vector.broadcast %mul3A_2289 : f32 to vector<16xf32>
      %mul3A_2291 = arith.mulf %get3A_2288, %mul3A_2290 : vector<16xf32>
      %add3A_2292 = arith.addf %mul3A_2291, %get3A_2238 : vector<16xf32>
      %swap3A_2293 = arith.constant 0 : i32
      %swap3A_2294 = arith.constant 2 : i32
      %swap3A_2295 = arith.index_cast %swap3A_2293 : i32 to index
      %swap3A_2296 = arith.index_cast %swap3A_2294 : i32 to index
      %swap3A_2297 = arith.index_cast %scan3A_1604 : i32 to index
      %swap3A_2298 = arith.constant 112 : index
      %swap3A_2299 = tpu.vector_load %arg7[%swap3A_2295, %swap3A_2296, %swap3A_2297, %swap3A_2298] {strides = array<i32>} : memref<3x4x64x128xf32, #tpu.memory_space<vmem>>, vector<1x1x1x16xf32>,
      %swap3A_2300 = vector.shape_cast %swap3A_2299 : vector<1x1x1x16xf32> to vector<16xf32>
      %swap3A_2301 = vector.shape_cast %add3A_2292 : vector<16xf32> to vector<1x1x1x16xf32>
      tpu.vector_store %arg7[%swap3A_2295, %swap3A_2296, %swap3A_2297, %swap3A_2298], %swap3A_2301 {strides = array<i32>} : memref<3x4x64x128xf32, #tpu.memory_space<vmem>>, vector<1x1x1x16xf32>,
      %get3A_2302 = arith.constant 0 : i32
      %get3A_2303 = arith.constant 3 : i32
      %get3A_2304 = arith.index_cast %get3A_2302 : i32 to index
      %get3A_2305 = arith.index_cast %get3A_2303 : i32 to index
      %get3A_2306 = arith.index_cast %scan3A_1604 : i32 to index
      %get3A_2307 = arith.constant 112 : index
      %get3A_2308 = tpu.vector_load %arg7[%get3A_2304, %get3A_2305, %get3A_2306, %get3A_2307] {strides = array<i32>} : memref<3x4x64x128xf32, #tpu.memory_space<vmem>>, vector<1x1x1x16xf32>,
      %get3A_2309 = vector.shape_cast %get3A_2308 : vector<1x1x1x16xf32> to vector<16xf32>
      %mul3A_2310 = arith.constant 11.3137083 : f32
      %mul3A_2311 = vector.broadcast %mul3A_2310 : f32 to vector<16xf32>
      %mul3A_2312 = arith.mulf %get3A_2309, %mul3A_2311 : vector<16xf32>
      %add3A_2313 = arith.addf %mul3A_2312, %get3A_2238 : vector<16xf32>
      %swap3A_2314 = arith.constant 0 : i32
      %swap3A_2315 = arith.constant 3 : i32
      %swap3A_2316 = arith.index_cast %swap3A_2314 : i32 to index
      %swap3A_2317 = arith.index_cast %swap3A_2315 : i32 to index
      %swap3A_2318 = arith.index_cast %scan3A_1604 : i32 to index
      %swap3A_2319 = arith.constant 112 : index
      %swap3A_2320 = tpu.vector_load %arg7[%swap3A_2316, %swap3A_2317, %swap3A_2318, %swap3A_2319] {strides = array<i32>} : memref<3x4x64x128xf32, #tpu.memory_space<vmem>>, vector<1x1x1x16xf32>,
      %swap3A_2321 = vector.shape_cast %swap3A_2320 : vector<1x1x1x16xf32> to vector<16xf32>
      %swap3A_2322 = vector.shape_cast %add3A_2313 : vector<16xf32> to vector<1x1x1x16xf32>
      tpu.vector_store %arg7[%swap3A_2316, %swap3A_2317, %swap3A_2318, %swap3A_2319], %swap3A_2322 {strides = array<i32>} : memref<3x4x64x128xf32, #tpu.memory_space<vmem>>, vector<1x1x1x16xf32>,
    }
    %scan3A_663 = arith.constant 64 : i32
    %add3A_664 = arith.constant 0 : i32
    %add3A_665 = arith.addi %mul3A_2, %add3A_664 : i32
    %dma_start3A_666 = arith.constant 0 : i32
    %dma_start3A_667 = arith.constant 0 : i32
    %dma_start3A_668 = arith.constant 0 : i32
    %dma_start3A_669 = arith.constant 0 : i32
    %dma_start3A_670 = arith.constant 0 : i32
    %dma_start3A_671 = tpu.memref_slice %arg7[%dma_start3A_666, %dma_start3A_667, %dma_start3A_669, %dma_start3A_670] : memref<3x4x64x128xf32, #tpu.memory_space<vmem>> -> memref<1x1x64x128xf32, #tpu.memory_space<vmem>>
    %dma_start3A_672 = tpu.memref_squeeze %dma_start3A_671 : memref<1x1x64x128xf32, #tpu.memory_space<vmem>> -> memref<64x128xf32, #tpu.memory_space<vmem>>
    %dma_start3A_673 = arith.constant 0 : i32
    %dma_start3A_674 = tpu.memref_slice %arg5[%dma_start3A_668, %add3A_665, %dma_start3A_673] : memref<4x8192x128xf32, #tpu.memory_space<hbm>> -> memref<1x64x128xf32, #tpu.memory_space<hbm>>
    %dma_start3A_675 = tpu.memref_squeeze %dma_start3A_674 : memref<1x64x128xf32, #tpu.memory_space<hbm>> -> memref<64x128xf32, #tpu.memory_space<hbm>>
    %dma_start3A_676 = arith.constant 0 : i32
    %dma_start3A_677 = tpu.memref_slice %arg5[%dma_start3A_668, %add3A_665, %dma_start3A_676] : memref<4x8192x128xf32, #tpu.memory_space<hbm>> -> memref<1x64x128xf32, #tpu.memory_space<hbm>>
    %dma_start3A_678 = tpu.memref_squeeze %dma_start3A_677 : memref<1x64x128xf32, #tpu.memory_space<hbm>> -> memref<64x128xf32, #tpu.memory_space<hbm>>
    %dma_start3A_679 = arith.constant 0 : i32
    %dma_start3A_680 = arith.constant 0 : i32
    %dma_start3A_681 = tpu.memref_slice %arg7[%dma_start3A_666, %dma_start3A_667, %dma_start3A_679, %dma_start3A_680] : memref<3x4x64x128xf32, #tpu.memory_space<vmem>> -> memref<1x1x64x128xf32, #tpu.memory_space<vmem>>
    %dma_start3A_682 = tpu.memref_squeeze %dma_start3A_681 : memref<1x1x64x128xf32, #tpu.memory_space<vmem>> -> memref<64x128xf32, #tpu.memory_space<vmem>>
    tpu.enqueue_dma source(%dma_start3A_682 : memref<64x128xf32, #tpu.memory_space<vmem>>) target(%dma_start3A_678 : memref<64x128xf32, #tpu.memory_space<hbm>>) target_semaphore(%arg11 : memref<!tpu.dma_semaphore, #tpu.memory_space<semaphore_mem>>)
    %add3A_683 = arith.constant 0 : i32
    %add3A_684 = arith.addi %mul3A_2, %add3A_683 : i32
    %dma_start3A_685 = arith.constant 0 : i32
    %dma_start3A_686 = arith.constant 1 : i32
    %dma_start3A_687 = arith.constant 1 : i32
    %dma_start3A_688 = arith.constant 0 : i32
    %dma_start3A_689 = arith.constant 0 : i32
    %dma_start3A_690 = tpu.memref_slice %arg7[%dma_start3A_685, %dma_start3A_686, %dma_start3A_688, %dma_start3A_689] : memref<3x4x64x128xf32, #tpu.memory_space<vmem>> -> memref<1x1x64x128xf32, #tpu.memory_space<vmem>>
    %dma_start3A_691 = tpu.memref_squeeze %dma_start3A_690 : memref<1x1x64x128xf32, #tpu.memory_space<vmem>> -> memref<64x128xf32, #tpu.memory_space<vmem>>
    %dma_start3A_692 = arith.constant 0 : i32
    %dma_start3A_693 = tpu.memref_slice %arg5[%dma_start3A_687, %add3A_684, %dma_start3A_692] : memref<4x8192x128xf32, #tpu.memory_space<hbm>> -> memref<1x64x128xf32, #tpu.memory_space<hbm>>
    %dma_start3A_694 = tpu.memref_squeeze %dma_start3A_693 : memref<1x64x128xf32, #tpu.memory_space<hbm>> -> memref<64x128xf32, #tpu.memory_space<hbm>>
    %dma_start3A_695 = arith.constant 0 : i32
    %dma_start3A_696 = tpu.memref_slice %arg5[%dma_start3A_687, %add3A_684, %dma_start3A_695] : memref<4x8192x128xf32, #tpu.memory_space<hbm>> -> memref<1x64x128xf32, #tpu.memory_space<hbm>>
    %dma_start3A_697 = tpu.memref_squeeze %dma_start3A_696 : memref<1x64x128xf32, #tpu.memory_space<hbm>> -> memref<64x128xf32, #tpu.memory_space<hbm>>
    %dma_start3A_698 = arith.constant 0 : i32
    %dma_start3A_699 = arith.constant 0 : i32
    %dma_start3A_700 = tpu.memref_slice %arg7[%dma_start3A_685, %dma_start3A_686, %dma_start3A_698, %dma_start3A_699] : memref<3x4x64x128xf32, #tpu.memory_space<vmem>> -> memref<1x1x64x128xf32, #tpu.memory_space<vmem>>
    %dma_start3A_701 = tpu.memref_squeeze %dma_start3A_700 : memref<1x1x64x128xf32, #tpu.memory_space<vmem>> -> memref<64x128xf32, #tpu.memory_space<vmem>>
    tpu.enqueue_dma source(%dma_start3A_701 : memref<64x128xf32, #tpu.memory_space<vmem>>) target(%dma_start3A_697 : memref<64x128xf32, #tpu.memory_space<hbm>>) target_semaphore(%arg11 : memref<!tpu.dma_semaphore, #tpu.memory_space<semaphore_mem>>)
    %add3A_702 = arith.constant 0 : i32
    %add3A_703 = arith.addi %mul3A_2, %add3A_702 : i32
    %dma_start3A_704 = arith.constant 0 : i32
    %dma_start3A_705 = arith.constant 2 : i32
    %dma_start3A_706 = arith.constant 2 : i32
    %dma_start3A_707 = arith.constant 0 : i32
    %dma_start3A_708 = arith.constant 0 : i32
    %dma_start3A_709 = tpu.memref_slice %arg7[%dma_start3A_704, %dma_start3A_705, %dma_start3A_707, %dma_start3A_708] : memref<3x4x64x128xf32, #tpu.memory_space<vmem>> -> memref<1x1x64x128xf32, #tpu.memory_space<vmem>>
    %dma_start3A_710 = tpu.memref_squeeze %dma_start3A_709 : memref<1x1x64x128xf32, #tpu.memory_space<vmem>> -> memref<64x128xf32, #tpu.memory_space<vmem>>
    %dma_start3A_711 = arith.constant 0 : i32
    %dma_start3A_712 = tpu.memref_slice %arg5[%dma_start3A_706, %add3A_703, %dma_start3A_711] : memref<4x8192x128xf32, #tpu.memory_space<hbm>> -> memref<1x64x128xf32, #tpu.memory_space<hbm>>
    %dma_start3A_713 = tpu.memref_squeeze %dma_start3A_712 : memref<1x64x128xf32, #tpu.memory_space<hbm>> -> memref<64x128xf32, #tpu.memory_space<hbm>>
    %dma_start3A_714 = arith.constant 0 : i32
    %dma_start3A_715 = tpu.memref_slice %arg5[%dma_start3A_706, %add3A_703, %dma_start3A_714] : memref<4x8192x128xf32, #tpu.memory_space<hbm>> -> memref<1x64x128xf32, #tpu.memory_space<hbm>>
    %dma_start3A_716 = tpu.memref_squeeze %dma_start3A_715 : memref<1x64x128xf32, #tpu.memory_space<hbm>> -> memref<64x128xf32, #tpu.memory_space<hbm>>
    %dma_start3A_717 = arith.constant 0 : i32
    %dma_start3A_718 = arith.constant 0 : i32
    %dma_start3A_719 = tpu.memref_slice %arg7[%dma_start3A_704, %dma_start3A_705, %dma_start3A_717, %dma_start3A_718] : memref<3x4x64x128xf32, #tpu.memory_space<vmem>> -> memref<1x1x64x128xf32, #tpu.memory_space<vmem>>
    %dma_start3A_720 = tpu.memref_squeeze %dma_start3A_719 : memref<1x1x64x128xf32, #tpu.memory_space<vmem>> -> memref<64x128xf32, #tpu.memory_space<vmem>>
    tpu.enqueue_dma source(%dma_start3A_720 : memref<64x128xf32, #tpu.memory_space<vmem>>) target(%dma_start3A_716 : memref<64x128xf32, #tpu.memory_space<hbm>>) target_semaphore(%arg11 : memref<!tpu.dma_semaphore, #tpu.memory_space<semaphore_mem>>)
    %add3A_721 = arith.constant 0 : i32
    %add3A_722 = arith.addi %mul3A_2, %add3A_721 : i32
    %dma_start3A_723 = arith.constant 0 : i32
    %dma_start3A_724 = arith.constant 3 : i32
    %dma_start3A_725 = arith.constant 3 : i32
    %dma_start3A_726 = arith.constant 0 : i32
    %dma_start3A_727 = arith.constant 0 : i32
    %dma_start3A_728 = tpu.memref_slice %arg7[%dma_start3A_723, %dma_start3A_724, %dma_start3A_726, %dma_start3A_727] : memref<3x4x64x128xf32, #tpu.memory_space<vmem>> -> memref<1x1x64x128xf32, #tpu.memory_space<vmem>>
    %dma_start3A_729 = tpu.memref_squeeze %dma_start3A_728 : memref<1x1x64x128xf32, #tpu.memory_space<vmem>> -> memref<64x128xf32, #tpu.memory_space<vmem>>
    %dma_start3A_730 = arith.constant 0 : i32
    %dma_start3A_731 = tpu.memref_slice %arg5[%dma_start3A_725, %add3A_722, %dma_start3A_730] : memref<4x8192x128xf32, #tpu.memory_space<hbm>> -> memref<1x64x128xf32, #tpu.memory_space<hbm>>
    %dma_start3A_732 = tpu.memref_squeeze %dma_start3A_731 : memref<1x64x128xf32, #tpu.memory_space<hbm>> -> memref<64x128xf32, #tpu.memory_space<hbm>>
    %dma_start3A_733 = arith.constant 0 : i32
    %dma_start3A_734 = tpu.memref_slice %arg5[%dma_start3A_725, %add3A_722, %dma_start3A_733] : memref<4x8192x128xf32, #tpu.memory_space<hbm>> -> memref<1x64x128xf32, #tpu.memory_space<hbm>>
    %dma_start3A_735 = tpu.memref_squeeze %dma_start3A_734 : memref<1x64x128xf32, #tpu.memory_space<hbm>> -> memref<64x128xf32, #tpu.memory_space<hbm>>
    %dma_start3A_736 = arith.constant 0 : i32
    %dma_start3A_737 = arith.constant 0 : i32
    %dma_start3A_738 = tpu.memref_slice %arg7[%dma_start3A_723, %dma_start3A_724, %dma_start3A_736, %dma_start3A_737] : memref<3x4x64x128xf32, #tpu.memory_space<vmem>> -> memref<1x1x64x128xf32, #tpu.memory_space<vmem>>
    %dma_start3A_739 = tpu.memref_squeeze %dma_start3A_738 : memref<1x1x64x128xf32, #tpu.memory_space<vmem>> -> memref<64x128xf32, #tpu.memory_space<vmem>>
    tpu.enqueue_dma source(%dma_start3A_739 : memref<64x128xf32, #tpu.memory_space<vmem>>) target(%dma_start3A_735 : memref<64x128xf32, #tpu.memory_space<hbm>>) target_semaphore(%arg11 : memref<!tpu.dma_semaphore, #tpu.memory_space<semaphore_mem>>)
    %dma_start3A_740 = arith.constant 0 : i32
    %dma_start3A_741 = arith.constant 2 : i32
    %dma_start3A_742 = arith.constant 2 : i32
    %dma_start3A_743 = arith.constant 0 : i32
    %dma_start3A_744 = arith.constant 0 : i32
    %dma_start3A_745 = arith.constant 0 : i32
    %dma_start3A_746 = tpu.memref_slice %arg7[%dma_start3A_742, %dma_start3A_743, %dma_start3A_744, %dma_start3A_745] : memref<3x4x64x128xf32, #tpu.memory_space<vmem>> -> memref<1x1x64x128xf32, #tpu.memory_space<vmem>>
    %dma_start3A_747 = tpu.memref_squeeze %dma_start3A_746 : memref<1x1x64x128xf32, #tpu.memory_space<vmem>> -> memref<64x128xf32, #tpu.memory_space<vmem>>
    %dma_start3A_748 = arith.constant 0 : i32
    %dma_start3A_749 = tpu.memref_slice %arg6[%dma_start3A_740, %dma_start3A_741, %dma_start3A_748] : memref<4x4x64xi32, #tpu.memory_space<vmem>> -> memref<1x1x64xi32, #tpu.memory_space<vmem>>
    %dma_start3A_750 = tpu.memref_squeeze %dma_start3A_749 : memref<1x1x64xi32, #tpu.memory_space<vmem>> -> memref<64xi32, #tpu.memory_space<vmem>>
    %dma_start3A_751 = arith.constant 0 : i32
    %dma_start3A_752 = arith.constant 0 : i32
    %dma_start3A_753 = tpu.memref_slice %arg3[%dma_start3A_751, %dma_start3A_752] : memref<100000x128xf32, #tpu.memory_space<hbm>> -> memref<100000x128xf32, #tpu.memory_space<hbm>>
    tpu.enqueue_indirect_dma source(%dma_start3A_753 : memref<100000x128xf32, #tpu.memory_space<hbm>>) target(%dma_start3A_747 : memref<64x128xf32, #tpu.memory_space<vmem>>) offsets(%dma_start3A_750 : memref<64xi32, #tpu.memory_space<vmem>>) semaphore(%arg10 : memref<!tpu.dma_semaphore, #tpu.memory_space<semaphore_mem>>)
    %dma_start3A_754 = arith.constant 1 : i32
    %dma_start3A_755 = arith.constant 2 : i32
    %dma_start3A_756 = arith.constant 2 : i32
    %dma_start3A_757 = arith.constant 1 : i32
    %dma_start3A_758 = arith.constant 0 : i32
    %dma_start3A_759 = arith.constant 0 : i32
    %dma_start3A_760 = tpu.memref_slice %arg7[%dma_start3A_756, %dma_start3A_757, %dma_start3A_758, %dma_start3A_759] : memref<3x4x64x128xf32, #tpu.memory_space<vmem>> -> memref<1x1x64x128xf32, #tpu.memory_space<vmem>>
    %dma_start3A_761 = tpu.memref_squeeze %dma_start3A_760 : memref<1x1x64x128xf32, #tpu.memory_space<vmem>> -> memref<64x128xf32, #tpu.memory_space<vmem>>
    %dma_start3A_762 = arith.constant 0 : i32
    %dma_start3A_763 = tpu.memref_slice %arg6[%dma_start3A_754, %dma_start3A_755, %dma_start3A_762] : memref<4x4x64xi32, #tpu.memory_space<vmem>> -> memref<1x1x64xi32, #tpu.memory_space<vmem>>
    %dma_start3A_764 = tpu.memref_squeeze %dma_start3A_763 : memref<1x1x64xi32, #tpu.memory_space<vmem>> -> memref<64xi32, #tpu.memory_space<vmem>>
    %dma_start3A_765 = arith.constant 0 : i32
    %dma_start3A_766 = arith.constant 0 : i32
    %dma_start3A_767 = tpu.memref_slice %arg3[%dma_start3A_765, %dma_start3A_766] : memref<100000x128xf32, #tpu.memory_space<hbm>> -> memref<100000x128xf32, #tpu.memory_space<hbm>>
    tpu.enqueue_indirect_dma source(%dma_start3A_767 : memref<100000x128xf32, #tpu.memory_space<hbm>>) target(%dma_start3A_761 : memref<64x128xf32, #tpu.memory_space<vmem>>) offsets(%dma_start3A_764 : memref<64xi32, #tpu.memory_space<vmem>>) semaphore(%arg10 : memref<!tpu.dma_semaphore, #tpu.memory_space<semaphore_mem>>)
    %dma_start3A_768 = arith.constant 2 : i32
    %dma_start3A_769 = arith.constant 2 : i32
    %dma_start3A_770 = arith.constant 2 : i32
    %dma_start3A_771 = arith.constant 2 : i32
    %dma_start3A_772 = arith.constant 0 : i32
    %dma_start3A_773 = arith.constant 0 : i32
    %dma_start3A_774 = tpu.memref_slice %arg7[%dma_start3A_770, %dma_start3A_771, %dma_start3A_772, %dma_start3A_773] : memref<3x4x64x128xf32, #tpu.memory_space<vmem>> -> memref<1x1x64x128xf32, #tpu.memory_space<vmem>>
    %dma_start3A_775 = tpu.memref_squeeze %dma_start3A_774 : memref<1x1x64x128xf32, #tpu.memory_space<vmem>> -> memref<64x128xf32, #tpu.memory_space<vmem>>
    %dma_start3A_776 = arith.constant 0 : i32
    %dma_start3A_777 = tpu.memref_slice %arg6[%dma_start3A_768, %dma_start3A_769, %dma_start3A_776] : memref<4x4x64xi32, #tpu.memory_space<vmem>> -> memref<1x1x64xi32, #tpu.memory_space<vmem>>
    %dma_start3A_778 = tpu.memref_squeeze %dma_start3A_777 : memref<1x1x64xi32, #tpu.memory_space<vmem>> -> memref<64xi32, #tpu.memory_space<vmem>>
    %dma_start3A_779 = arith.constant 0 : i32
    %dma_start3A_780 = arith.constant 0 : i32
    %dma_start3A_781 = tpu.memref_slice %arg3[%dma_start3A_779, %dma_start3A_780] : memref<100000x128xf32, #tpu.memory_space<hbm>> -> memref<100000x128xf32, #tpu.memory_space<hbm>>
    tpu.enqueue_indirect_dma source(%dma_start3A_781 : memref<100000x128xf32, #tpu.memory_space<hbm>>) target(%dma_start3A_775 : memref<64x128xf32, #tpu.memory_space<vmem>>) offsets(%dma_start3A_778 : memref<64xi32, #tpu.memory_space<vmem>>) semaphore(%arg10 : memref<!tpu.dma_semaphore, #tpu.memory_space<semaphore_mem>>)
    %dma_start3A_782 = arith.constant 3 : i32
    %dma_start3A_783 = arith.constant 2 : i32
    %dma_start3A_784 = arith.constant 2 : i32
    %dma_start3A_785 = arith.constant 3 : i32
    %dma_start3A_786 = arith.constant 0 : i32
    %dma_start3A_787 = arith.constant 0 : i32
    %dma_start3A_788 = tpu.memref_slice %arg7[%dma_start3A_784, %dma_start3A_785, %dma_start3A_786, %dma_start3A_787] : memref<3x4x64x128xf32, #tpu.memory_space<vmem>> -> memref<1x1x64x128xf32, #tpu.memory_space<vmem>>
    %dma_start3A_789 = tpu.memref_squeeze %dma_start3A_788 : memref<1x1x64x128xf32, #tpu.memory_space<vmem>> -> memref<64x128xf32, #tpu.memory_space<vmem>>
    %dma_start3A_790 = arith.constant 0 : i32
    %dma_start3A_791 = tpu.memref_slice %arg6[%dma_start3A_782, %dma_start3A_783, %dma_start3A_790] : memref<4x4x64xi32, #tpu.memory_space<vmem>> -> memref<1x1x64xi32, #tpu.memory_space<vmem>>
    %dma_start3A_792 = tpu.memref_squeeze %dma_start3A_791 : memref<1x1x64xi32, #tpu.memory_space<vmem>> -> memref<64xi32, #tpu.memory_space<vmem>>
    %dma_start3A_793 = arith.constant 0 : i32
    %dma_start3A_794 = arith.constant 0 : i32
    %dma_start3A_795 = tpu.memref_slice %arg3[%dma_start3A_793, %dma_start3A_794] : memref<100000x128xf32, #tpu.memory_space<hbm>> -> memref<100000x128xf32, #tpu.memory_space<hbm>>
    tpu.enqueue_indirect_dma source(%dma_start3A_795 : memref<100000x128xf32, #tpu.memory_space<hbm>>) target(%dma_start3A_789 : memref<64x128xf32, #tpu.memory_space<vmem>>) offsets(%dma_start3A_792 : memref<64xi32, #tpu.memory_space<vmem>>) semaphore(%arg10 : memref<!tpu.dma_semaphore, #tpu.memory_space<semaphore_mem>>)
    %add3A_796 = arith.constant 128 : i32
    %add3A_797 = arith.addi %mul3A_2, %add3A_796 : i32
    %dma_start3A_798 = arith.constant 2 : i32
    %dma_start3A_799 = arith.constant 0 : i32
    %dma_start3A_800 = arith.constant 0 : i32
    %dma_start3A_801 = tpu.memref_slice %arg8[%dma_start3A_798, %dma_start3A_799, %dma_start3A_800] : memref<3x64x128xf32, #tpu.memory_space<vmem>> -> memref<1x64x128xf32, #tpu.memory_space<vmem>>
    %dma_start3A_802 = tpu.memref_squeeze %dma_start3A_801 : memref<1x64x128xf32, #tpu.memory_space<vmem>> -> memref<64x128xf32, #tpu.memory_space<vmem>>
    %dma_start3A_803 = arith.constant 0 : i32
    %dma_start3A_804 = tpu.memref_slice %arg4[%add3A_797, %dma_start3A_803] : memref<8192x128xf32, #tpu.memory_space<hbm>> -> memref<64x128xf32, #tpu.memory_space<hbm>>
    %dma_start3A_805 = arith.constant 0 : i32
    %dma_start3A_806 = arith.constant 0 : i32
    %dma_start3A_807 = tpu.memref_slice %arg8[%dma_start3A_798, %dma_start3A_805, %dma_start3A_806] : memref<3x64x128xf32, #tpu.memory_space<vmem>> -> memref<1x64x128xf32, #tpu.memory_space<vmem>>
    %dma_start3A_808 = tpu.memref_squeeze %dma_start3A_807 : memref<1x64x128xf32, #tpu.memory_space<vmem>> -> memref<64x128xf32, #tpu.memory_space<vmem>>
    %dma_start3A_809 = arith.constant 0 : i32
    %dma_start3A_810 = tpu.memref_slice %arg4[%add3A_797, %dma_start3A_809] : memref<8192x128xf32, #tpu.memory_space<hbm>> -> memref<64x128xf32, #tpu.memory_space<hbm>>
    tpu.enqueue_dma source(%dma_start3A_810 : memref<64x128xf32, #tpu.memory_space<hbm>>) target(%dma_start3A_808 : memref<64x128xf32, #tpu.memory_space<vmem>>) target_semaphore(%arg10 : memref<!tpu.dma_semaphore, #tpu.memory_space<semaphore_mem>>)
    %dma_wait3A_811 = arith.constant 0 : i32
    %dma_wait3A_812 = arith.constant 1 : i32
    %dma_wait3A_813 = arith.constant 1 : i32
    %dma_wait3A_814 = arith.constant 0 : i32
    %dma_wait3A_815 = arith.constant 0 : i32
    %dma_wait3A_816 = arith.constant 0 : i32
    %dma_wait3A_817 = tpu.memref_slice %arg7[%dma_wait3A_813, %dma_wait3A_814, %dma_wait3A_815, %dma_wait3A_816] : memref<3x4x64x128xf32, #tpu.memory_space<vmem>> -> memref<1x1x64x128xf32, #tpu.memory_space<vmem>>
    %dma_wait3A_818 = tpu.memref_squeeze %dma_wait3A_817 : memref<1x1x64x128xf32, #tpu.memory_space<vmem>> -> memref<64x128xf32, #tpu.memory_space<vmem>>
    %dma_wait3A_819 = arith.constant 0 : i32
    %dma_wait3A_820 = tpu.memref_slice %arg6[%dma_wait3A_811, %dma_wait3A_812, %dma_wait3A_819] : memref<4x4x64xi32, #tpu.memory_space<vmem>> -> memref<1x1x64xi32, #tpu.memory_space<vmem>>
    %dma_wait3A_821 = tpu.memref_squeeze %dma_wait3A_820 : memref<1x1x64xi32, #tpu.memory_space<vmem>> -> memref<64xi32, #tpu.memory_space<vmem>>
    %dma_wait3A_822 = arith.constant 0 : i32
    %dma_wait3A_823 = arith.constant 0 : i32
    %dma_wait3A_824 = tpu.memref_slice %arg3[%dma_wait3A_822, %dma_wait3A_823] : memref<100000x128xf32, #tpu.memory_space<hbm>> -> memref<100000x128xf32, #tpu.memory_space<hbm>>
    tpu.wait_indirect_dma semaphore(%arg10 : memref<!tpu.dma_semaphore, #tpu.memory_space<semaphore_mem>>) src(%dma_wait3A_824 : memref<100000x128xf32, #tpu.memory_space<hbm>>) dst(%dma_wait3A_818 : memref<64x128xf32, #tpu.memory_space<vmem>>)
    %dma_wait3A_825 = arith.constant 1 : i32
    %dma_wait3A_826 = arith.constant 1 : i32
    %dma_wait3A_827 = arith.constant 1 : i32
    %dma_wait3A_828 = arith.constant 1 : i32
    %dma_wait3A_829 = arith.constant 0 : i32
    %dma_wait3A_830 = arith.constant 0 : i32
    %dma_wait3A_831 = tpu.memref_slice %arg7[%dma_wait3A_827, %dma_wait3A_828, %dma_wait3A_829, %dma_wait3A_830] : memref<3x4x64x128xf32, #tpu.memory_space<vmem>> -> memref<1x1x64x128xf32, #tpu.memory_space<vmem>>
    %dma_wait3A_832 = tpu.memref_squeeze %dma_wait3A_831 : memref<1x1x64x128xf32, #tpu.memory_space<vmem>> -> memref<64x128xf32, #tpu.memory_space<vmem>>
    %dma_wait3A_833 = arith.constant 0 : i32
    %dma_wait3A_834 = tpu.memref_slice %arg6[%dma_wait3A_825, %dma_wait3A_826, %dma_wait3A_833] : memref<4x4x64xi32, #tpu.memory_space<vmem>> -> memref<1x1x64xi32, #tpu.memory_space<vmem>>
    %dma_wait3A_835 = tpu.memref_squeeze %dma_wait3A_834 : memref<1x1x64xi32, #tpu.memory_space<vmem>> -> memref<64xi32, #tpu.memory_space<vmem>>
    %dma_wait3A_836 = arith.constant 0 : i32
    %dma_wait3A_837 = arith.constant 0 : i32
    %dma_wait3A_838 = tpu.memref_slice %arg3[%dma_wait3A_836, %dma_wait3A_837] : memref<100000x128xf32, #tpu.memory_space<hbm>> -> memref<100000x128xf32, #tpu.memory_space<hbm>>
    tpu.wait_indirect_dma semaphore(%arg10 : memref<!tpu.dma_semaphore, #tpu.memory_space<semaphore_mem>>) src(%dma_wait3A_838 : memref<100000x128xf32, #tpu.memory_space<hbm>>) dst(%dma_wait3A_832 : memref<64x128xf32, #tpu.memory_space<vmem>>)
    %dma_wait3A_839 = arith.constant 2 : i32
    %dma_wait3A_840 = arith.constant 1 : i32
    %dma_wait3A_841 = arith.constant 1 : i32
    %dma_wait3A_842 = arith.constant 2 : i32
    %dma_wait3A_843 = arith.constant 0 : i32
    %dma_wait3A_844 = arith.constant 0 : i32
    %dma_wait3A_845 = tpu.memref_slice %arg7[%dma_wait3A_841, %dma_wait3A_842, %dma_wait3A_843, %dma_wait3A_844] : memref<3x4x64x128xf32, #tpu.memory_space<vmem>> -> memref<1x1x64x128xf32, #tpu.memory_space<vmem>>
    %dma_wait3A_846 = tpu.memref_squeeze %dma_wait3A_845 : memref<1x1x64x128xf32, #tpu.memory_space<vmem>> -> memref<64x128xf32, #tpu.memory_space<vmem>>
    %dma_wait3A_847 = arith.constant 0 : i32
    %dma_wait3A_848 = tpu.memref_slice %arg6[%dma_wait3A_839, %dma_wait3A_840, %dma_wait3A_847] : memref<4x4x64xi32, #tpu.memory_space<vmem>> -> memref<1x1x64xi32, #tpu.memory_space<vmem>>
    %dma_wait3A_849 = tpu.memref_squeeze %dma_wait3A_848 : memref<1x1x64xi32, #tpu.memory_space<vmem>> -> memref<64xi32, #tpu.memory_space<vmem>>
    %dma_wait3A_850 = arith.constant 0 : i32
    %dma_wait3A_851 = arith.constant 0 : i32
    %dma_wait3A_852 = tpu.memref_slice %arg3[%dma_wait3A_850, %dma_wait3A_851] : memref<100000x128xf32, #tpu.memory_space<hbm>> -> memref<100000x128xf32, #tpu.memory_space<hbm>>
    tpu.wait_indirect_dma semaphore(%arg10 : memref<!tpu.dma_semaphore, #tpu.memory_space<semaphore_mem>>) src(%dma_wait3A_852 : memref<100000x128xf32, #tpu.memory_space<hbm>>) dst(%dma_wait3A_846 : memref<64x128xf32, #tpu.memory_space<vmem>>)
    %dma_wait3A_853 = arith.constant 3 : i32
    %dma_wait3A_854 = arith.constant 1 : i32
    %dma_wait3A_855 = arith.constant 1 : i32
    %dma_wait3A_856 = arith.constant 3 : i32
    %dma_wait3A_857 = arith.constant 0 : i32
    %dma_wait3A_858 = arith.constant 0 : i32
    %dma_wait3A_859 = tpu.memref_slice %arg7[%dma_wait3A_855, %dma_wait3A_856, %dma_wait3A_857, %dma_wait3A_858] : memref<3x4x64x128xf32, #tpu.memory_space<vmem>> -> memref<1x1x64x128xf32, #tpu.memory_space<vmem>>
    %dma_wait3A_860 = tpu.memref_squeeze %dma_wait3A_859 : memref<1x1x64x128xf32, #tpu.memory_space<vmem>> -> memref<64x128xf32, #tpu.memory_space<vmem>>
    %dma_wait3A_861 = arith.constant 0 : i32
    %dma_wait3A_862 = tpu.memref_slice %arg6[%dma_wait3A_853, %dma_wait3A_854, %dma_wait3A_861] : memref<4x4x64xi32, #tpu.memory_space<vmem>> -> memref<1x1x64xi32, #tpu.memory_space<vmem>>
    %dma_wait3A_863 = tpu.memref_squeeze %dma_wait3A_862 : memref<1x1x64xi32, #tpu.memory_space<vmem>> -> memref<64xi32, #tpu.memory_space<vmem>>
    %dma_wait3A_864 = arith.constant 0 : i32
    %dma_wait3A_865 = arith.constant 0 : i32
    %dma_wait3A_866 = tpu.memref_slice %arg3[%dma_wait3A_864, %dma_wait3A_865] : memref<100000x128xf32, #tpu.memory_space<hbm>> -> memref<100000x128xf32, #tpu.memory_space<hbm>>
    tpu.wait_indirect_dma semaphore(%arg10 : memref<!tpu.dma_semaphore, #tpu.memory_space<semaphore_mem>>) src(%dma_wait3A_866 : memref<100000x128xf32, #tpu.memory_space<hbm>>) dst(%dma_wait3A_860 : memref<64x128xf32, #tpu.memory_space<vmem>>)
    %dma_wait3A_867 = arith.constant 1 : i32
    %dma_wait3A_868 = arith.constant 0 : i32
    %dma_wait3A_869 = arith.constant 0 : i32
    %dma_wait3A_870 = tpu.memref_slice %arg8[%dma_wait3A_867, %dma_wait3A_868, %dma_wait3A_869] : memref<3x64x128xf32, #tpu.memory_space<vmem>> -> memref<1x64x128xf32, #tpu.memory_space<vmem>>
    %dma_wait3A_871 = tpu.memref_squeeze %dma_wait3A_870 : memref<1x64x128xf32, #tpu.memory_space<vmem>> -> memref<64x128xf32, #tpu.memory_space<vmem>>
    %dma_wait3A_872 = arith.constant 0 : i32
    %dma_wait3A_873 = tpu.memref_slice %arg4[%add3A_577, %dma_wait3A_872] : memref<8192x128xf32, #tpu.memory_space<hbm>> -> memref<64x128xf32, #tpu.memory_space<hbm>>
    %dma_wait3A_874 = arith.constant 0 : i32
    %dma_wait3A_875 = arith.constant 0 : i32
    %dma_wait3A_876 = tpu.memref_slice %arg8[%dma_wait3A_867, %dma_wait3A_874, %dma_wait3A_875] : memref<3x64x128xf32, #tpu.memory_space<vmem>> -> memref<1x64x128xf32, #tpu.memory_space<vmem>>
    %dma_wait3A_877 = tpu.memref_squeeze %dma_wait3A_876 : memref<1x64x128xf32, #tpu.memory_space<vmem>> -> memref<64x128xf32, #tpu.memory_space<vmem>>
    %dma_wait3A_878 = arith.constant 0 : i32
    %dma_wait3A_879 = tpu.memref_slice %arg4[%add3A_577, %dma_wait3A_878] : memref<8192x128xf32, #tpu.memory_space<hbm>> -> memref<64x128xf32, #tpu.memory_space<hbm>>
    tpu.wait_dma2 semaphore(%arg10 : memref<!tpu.dma_semaphore, #tpu.memory_space<semaphore_mem>>) src(%dma_wait3A_879 : memref<64x128xf32, #tpu.memory_space<hbm>>) dst(%dma_wait3A_877 : memref<64x128xf32, #tpu.memory_space<vmem>>)
    %scan3A_880 = arith.constant 0 : i32
    %scan3A_881 = arith.constant 64 : i32
    %scan3A_882 = arith.addi %scan3A_880, %scan3A_881 : i32
    %scan3A_883 = arith.constant 1 : i32
    scf.for %scan3A_1604 = %scan3A_880 to %scan3A_882 step %scan3A_883  : i32 {
      %get3A = arith.constant 1 : i32
      %get3A_1605 = arith.index_cast %get3A : i32 to index
      %get3A_1606 = arith.index_cast %scan3A_1604 : i32 to index
      %get3A_1607 = arith.constant 0 : index
      %get3A_1608 = tpu.vector_load %arg8[%get3A_1605, %get3A_1606, %get3A_1607] {strides = array<i32>} : memref<3x64x128xf32, #tpu.memory_space<vmem>>, vector<1x1x16xf32>,
      %get3A_1609 = vector.shape_cast %get3A_1608 : vector<1x1x16xf32> to vector<16xf32>
      %get3A_1610 = arith.constant 1 : i32
      %get3A_1611 = arith.constant 0 : i32
      %get3A_1612 = arith.index_cast %get3A_1610 : i32 to index
      %get3A_1613 = arith.index_cast %get3A_1611 : i32 to index
      %get3A_1614 = arith.index_cast %scan3A_1604 : i32 to index
      %get3A_1615 = arith.constant 0 : index
      %get3A_1616 = tpu.vector_load %arg7[%get3A_1612, %get3A_1613, %get3A_1614, %get3A_1615] {strides = array<i32>} : memref<3x4x64x128xf32, #tpu.memory_space<vmem>>, vector<1x1x1x16xf32>,
      %get3A_1617 = vector.shape_cast %get3A_1616 : vector<1x1x1x16xf32> to vector<16xf32>
      %mul3A_1618 = arith.constant 11.3137083 : f32
      %mul3A_1619 = vector.broadcast %mul3A_1618 : f32 to vector<16xf32>
      %mul3A_1620 = arith.mulf %get3A_1617, %mul3A_1619 : vector<16xf32>
      %add3A_1621 = arith.addf %mul3A_1620, %get3A_1609 : vector<16xf32>
      %swap3A = arith.constant 1 : i32
      %swap3A_1622 = arith.constant 0 : i32
      %swap3A_1623 = arith.index_cast %swap3A : i32 to index
      %swap3A_1624 = arith.index_cast %swap3A_1622 : i32 to index
      %swap3A_1625 = arith.index_cast %scan3A_1604 : i32 to index
      %swap3A_1626 = arith.constant 0 : index
      %swap3A_1627 = tpu.vector_load %arg7[%swap3A_1623, %swap3A_1624, %swap3A_1625, %swap3A_1626] {strides = array<i32>} : memref<3x4x64x128xf32, #tpu.memory_space<vmem>>, vector<1x1x1x16xf32>,
      %swap3A_1628 = vector.shape_cast %swap3A_1627 : vector<1x1x1x16xf32> to vector<16xf32>
      %swap3A_1629 = vector.shape_cast %add3A_1621 : vector<16xf32> to vector<1x1x1x16xf32>
      tpu.vector_store %arg7[%swap3A_1623, %swap3A_1624, %swap3A_1625, %swap3A_1626], %swap3A_1629 {strides = array<i32>} : memref<3x4x64x128xf32, #tpu.memory_space<vmem>>, vector<1x1x1x16xf32>,
      %get3A_1630 = arith.constant 1 : i32
      %get3A_1631 = arith.constant 1 : i32
      %get3A_1632 = arith.index_cast %get3A_1630 : i32 to index
      %get3A_1633 = arith.index_cast %get3A_1631 : i32 to index
      %get3A_1634 = arith.index_cast %scan3A_1604 : i32 to index
      %get3A_1635 = arith.constant 0 : index
      %get3A_1636 = tpu.vector_load %arg7[%get3A_1632, %get3A_1633, %get3A_1634, %get3A_1635] {strides = array<i32>} : memref<3x4x64x128xf32, #tpu.memory_space<vmem>>, vector<1x1x1x16xf32>,
      %get3A_1637 = vector.shape_cast %get3A_1636 : vector<1x1x1x16xf32> to vector<16xf32>
      %mul3A_1638 = arith.constant 11.3137083 : f32
      %mul3A_1639 = vector.broadcast %mul3A_1638 : f32 to vector<16xf32>
      %mul3A_1640 = arith.mulf %get3A_1637, %mul3A_1639 : vector<16xf32>
      %add3A_1641 = arith.addf %mul3A_1640, %get3A_1609 : vector<16xf32>
      %swap3A_1642 = arith.constant 1 : i32
      %swap3A_1643 = arith.constant 1 : i32
      %swap3A_1644 = arith.index_cast %swap3A_1642 : i32 to index
      %swap3A_1645 = arith.index_cast %swap3A_1643 : i32 to index
      %swap3A_1646 = arith.index_cast %scan3A_1604 : i32 to index
      %swap3A_1647 = arith.constant 0 : index
      %swap3A_1648 = tpu.vector_load %arg7[%swap3A_1644, %swap3A_1645, %swap3A_1646, %swap3A_1647] {strides = array<i32>} : memref<3x4x64x128xf32, #tpu.memory_space<vmem>>, vector<1x1x1x16xf32>,
      %swap3A_1649 = vector.shape_cast %swap3A_1648 : vector<1x1x1x16xf32> to vector<16xf32>
      %swap3A_1650 = vector.shape_cast %add3A_1641 : vector<16xf32> to vector<1x1x1x16xf32>
      tpu.vector_store %arg7[%swap3A_1644, %swap3A_1645, %swap3A_1646, %swap3A_1647], %swap3A_1650 {strides = array<i32>} : memref<3x4x64x128xf32, #tpu.memory_space<vmem>>, vector<1x1x1x16xf32>,
      %get3A_1651 = arith.constant 1 : i32
      %get3A_1652 = arith.constant 2 : i32
      %get3A_1653 = arith.index_cast %get3A_1651 : i32 to index
      %get3A_1654 = arith.index_cast %get3A_1652 : i32 to index
      %get3A_1655 = arith.index_cast %scan3A_1604 : i32 to index
      %get3A_1656 = arith.constant 0 : index
      %get3A_1657 = tpu.vector_load %arg7[%get3A_1653, %get3A_1654, %get3A_1655, %get3A_1656] {strides = array<i32>} : memref<3x4x64x128xf32, #tpu.memory_space<vmem>>, vector<1x1x1x16xf32>,
      %get3A_1658 = vector.shape_cast %get3A_1657 : vector<1x1x1x16xf32> to vector<16xf32>
      %mul3A_1659 = arith.constant 11.3137083 : f32
      %mul3A_1660 = vector.broadcast %mul3A_1659 : f32 to vector<16xf32>
      %mul3A_1661 = arith.mulf %get3A_1658, %mul3A_1660 : vector<16xf32>
      %add3A_1662 = arith.addf %mul3A_1661, %get3A_1609 : vector<16xf32>
      %swap3A_1663 = arith.constant 1 : i32
      %swap3A_1664 = arith.constant 2 : i32
      %swap3A_1665 = arith.index_cast %swap3A_1663 : i32 to index
      %swap3A_1666 = arith.index_cast %swap3A_1664 : i32 to index
      %swap3A_1667 = arith.index_cast %scan3A_1604 : i32 to index
      %swap3A_1668 = arith.constant 0 : index
      %swap3A_1669 = tpu.vector_load %arg7[%swap3A_1665, %swap3A_1666, %swap3A_1667, %swap3A_1668] {strides = array<i32>} : memref<3x4x64x128xf32, #tpu.memory_space<vmem>>, vector<1x1x1x16xf32>,
      %swap3A_1670 = vector.shape_cast %swap3A_1669 : vector<1x1x1x16xf32> to vector<16xf32>
      %swap3A_1671 = vector.shape_cast %add3A_1662 : vector<16xf32> to vector<1x1x1x16xf32>
      tpu.vector_store %arg7[%swap3A_1665, %swap3A_1666, %swap3A_1667, %swap3A_1668], %swap3A_1671 {strides = array<i32>} : memref<3x4x64x128xf32, #tpu.memory_space<vmem>>, vector<1x1x1x16xf32>,
      %get3A_1672 = arith.constant 1 : i32
      %get3A_1673 = arith.constant 3 : i32
      %get3A_1674 = arith.index_cast %get3A_1672 : i32 to index
      %get3A_1675 = arith.index_cast %get3A_1673 : i32 to index
      %get3A_1676 = arith.index_cast %scan3A_1604 : i32 to index
      %get3A_1677 = arith.constant 0 : index
      %get3A_1678 = tpu.vector_load %arg7[%get3A_1674, %get3A_1675, %get3A_1676, %get3A_1677] {strides = array<i32>} : memref<3x4x64x128xf32, #tpu.memory_space<vmem>>, vector<1x1x1x16xf32>,
      %get3A_1679 = vector.shape_cast %get3A_1678 : vector<1x1x1x16xf32> to vector<16xf32>
      %mul3A_1680 = arith.constant 11.3137083 : f32
      %mul3A_1681 = vector.broadcast %mul3A_1680 : f32 to vector<16xf32>
      %mul3A_1682 = arith.mulf %get3A_1679, %mul3A_1681 : vector<16xf32>
      %add3A_1683 = arith.addf %mul3A_1682, %get3A_1609 : vector<16xf32>
      %swap3A_1684 = arith.constant 1 : i32
      %swap3A_1685 = arith.constant 3 : i32
      %swap3A_1686 = arith.index_cast %swap3A_1684 : i32 to index
      %swap3A_1687 = arith.index_cast %swap3A_1685 : i32 to index
      %swap3A_1688 = arith.index_cast %scan3A_1604 : i32 to index
      %swap3A_1689 = arith.constant 0 : index
      %swap3A_1690 = tpu.vector_load %arg7[%swap3A_1686, %swap3A_1687, %swap3A_1688, %swap3A_1689] {strides = array<i32>} : memref<3x4x64x128xf32, #tpu.memory_space<vmem>>, vector<1x1x1x16xf32>,
      %swap3A_1691 = vector.shape_cast %swap3A_1690 : vector<1x1x1x16xf32> to vector<16xf32>
      %swap3A_1692 = vector.shape_cast %add3A_1683 : vector<16xf32> to vector<1x1x1x16xf32>
      tpu.vector_store %arg7[%swap3A_1686, %swap3A_1687, %swap3A_1688, %swap3A_1689], %swap3A_1692 {strides = array<i32>} : memref<3x4x64x128xf32, #tpu.memory_space<vmem>>, vector<1x1x1x16xf32>,
      %get3A_1693 = arith.constant 1 : i32
      %get3A_1694 = arith.index_cast %get3A_1693 : i32 to index
      %get3A_1695 = arith.index_cast %scan3A_1604 : i32 to index
      %get3A_1696 = arith.constant 16 : index
      %get3A_1697 = tpu.vector_load %arg8[%get3A_1694, %get3A_1695, %get3A_1696] {strides = array<i32>} : memref<3x64x128xf32, #tpu.memory_space<vmem>>, vector<1x1x16xf32>,
      %get3A_1698 = vector.shape_cast %get3A_1697 : vector<1x1x16xf32> to vector<16xf32>
      %get3A_1699 = arith.constant 1 : i32
      %get3A_1700 = arith.constant 0 : i32
      %get3A_1701 = arith.index_cast %get3A_1699 : i32 to index
      %get3A_1702 = arith.index_cast %get3A_1700 : i32 to index
      %get3A_1703 = arith.index_cast %scan3A_1604 : i32 to index
      %get3A_1704 = arith.constant 16 : index
      %get3A_1705 = tpu.vector_load %arg7[%get3A_1701, %get3A_1702, %get3A_1703, %get3A_1704] {strides = array<i32>} : memref<3x4x64x128xf32, #tpu.memory_space<vmem>>, vector<1x1x1x16xf32>,
      %get3A_1706 = vector.shape_cast %get3A_1705 : vector<1x1x1x16xf32> to vector<16xf32>
      %mul3A_1707 = arith.constant 11.3137083 : f32
      %mul3A_1708 = vector.broadcast %mul3A_1707 : f32 to vector<16xf32>
      %mul3A_1709 = arith.mulf %get3A_1706, %mul3A_1708 : vector<16xf32>
      %add3A_1710 = arith.addf %mul3A_1709, %get3A_1698 : vector<16xf32>
      %swap3A_1711 = arith.constant 1 : i32
      %swap3A_1712 = arith.constant 0 : i32
      %swap3A_1713 = arith.index_cast %swap3A_1711 : i32 to index
      %swap3A_1714 = arith.index_cast %swap3A_1712 : i32 to index
      %swap3A_1715 = arith.index_cast %scan3A_1604 : i32 to index
      %swap3A_1716 = arith.constant 16 : index
      %swap3A_1717 = tpu.vector_load %arg7[%swap3A_1713, %swap3A_1714, %swap3A_1715, %swap3A_1716] {strides = array<i32>} : memref<3x4x64x128xf32, #tpu.memory_space<vmem>>, vector<1x1x1x16xf32>,
      %swap3A_1718 = vector.shape_cast %swap3A_1717 : vector<1x1x1x16xf32> to vector<16xf32>
      %swap3A_1719 = vector.shape_cast %add3A_1710 : vector<16xf32> to vector<1x1x1x16xf32>
      tpu.vector_store %arg7[%swap3A_1713, %swap3A_1714, %swap3A_1715, %swap3A_1716], %swap3A_1719 {strides = array<i32>} : memref<3x4x64x128xf32, #tpu.memory_space<vmem>>, vector<1x1x1x16xf32>,
      %get3A_1720 = arith.constant 1 : i32
      %get3A_1721 = arith.constant 1 : i32
      %get3A_1722 = arith.index_cast %get3A_1720 : i32 to index
      %get3A_1723 = arith.index_cast %get3A_1721 : i32 to index
      %get3A_1724 = arith.index_cast %scan3A_1604 : i32 to index
      %get3A_1725 = arith.constant 16 : index
      %get3A_1726 = tpu.vector_load %arg7[%get3A_1722, %get3A_1723, %get3A_1724, %get3A_1725] {strides = array<i32>} : memref<3x4x64x128xf32, #tpu.memory_space<vmem>>, vector<1x1x1x16xf32>,
      %get3A_1727 = vector.shape_cast %get3A_1726 : vector<1x1x1x16xf32> to vector<16xf32>
      %mul3A_1728 = arith.constant 11.3137083 : f32
      %mul3A_1729 = vector.broadcast %mul3A_1728 : f32 to vector<16xf32>
      %mul3A_1730 = arith.mulf %get3A_1727, %mul3A_1729 : vector<16xf32>
      %add3A_1731 = arith.addf %mul3A_1730, %get3A_1698 : vector<16xf32>
      %swap3A_1732 = arith.constant 1 : i32
      %swap3A_1733 = arith.constant 1 : i32
      %swap3A_1734 = arith.index_cast %swap3A_1732 : i32 to index
      %swap3A_1735 = arith.index_cast %swap3A_1733 : i32 to index
      %swap3A_1736 = arith.index_cast %scan3A_1604 : i32 to index
      %swap3A_1737 = arith.constant 16 : index
      %swap3A_1738 = tpu.vector_load %arg7[%swap3A_1734, %swap3A_1735, %swap3A_1736, %swap3A_1737] {strides = array<i32>} : memref<3x4x64x128xf32, #tpu.memory_space<vmem>>, vector<1x1x1x16xf32>,
      %swap3A_1739 = vector.shape_cast %swap3A_1738 : vector<1x1x1x16xf32> to vector<16xf32>
      %swap3A_1740 = vector.shape_cast %add3A_1731 : vector<16xf32> to vector<1x1x1x16xf32>
      tpu.vector_store %arg7[%swap3A_1734, %swap3A_1735, %swap3A_1736, %swap3A_1737], %swap3A_1740 {strides = array<i32>} : memref<3x4x64x128xf32, #tpu.memory_space<vmem>>, vector<1x1x1x16xf32>,
      %get3A_1741 = arith.constant 1 : i32
      %get3A_1742 = arith.constant 2 : i32
      %get3A_1743 = arith.index_cast %get3A_1741 : i32 to index
      %get3A_1744 = arith.index_cast %get3A_1742 : i32 to index
      %get3A_1745 = arith.index_cast %scan3A_1604 : i32 to index
      %get3A_1746 = arith.constant 16 : index
      %get3A_1747 = tpu.vector_load %arg7[%get3A_1743, %get3A_1744, %get3A_1745, %get3A_1746] {strides = array<i32>} : memref<3x4x64x128xf32, #tpu.memory_space<vmem>>, vector<1x1x1x16xf32>,
      %get3A_1748 = vector.shape_cast %get3A_1747 : vector<1x1x1x16xf32> to vector<16xf32>
      %mul3A_1749 = arith.constant 11.3137083 : f32
      %mul3A_1750 = vector.broadcast %mul3A_1749 : f32 to vector<16xf32>
      %mul3A_1751 = arith.mulf %get3A_1748, %mul3A_1750 : vector<16xf32>
      %add3A_1752 = arith.addf %mul3A_1751, %get3A_1698 : vector<16xf32>
      %swap3A_1753 = arith.constant 1 : i32
      %swap3A_1754 = arith.constant 2 : i32
      %swap3A_1755 = arith.index_cast %swap3A_1753 : i32 to index
      %swap3A_1756 = arith.index_cast %swap3A_1754 : i32 to index
      %swap3A_1757 = arith.index_cast %scan3A_1604 : i32 to index
      %swap3A_1758 = arith.constant 16 : index
      %swap3A_1759 = tpu.vector_load %arg7[%swap3A_1755, %swap3A_1756, %swap3A_1757, %swap3A_1758] {strides = array<i32>} : memref<3x4x64x128xf32, #tpu.memory_space<vmem>>, vector<1x1x1x16xf32>,
      %swap3A_1760 = vector.shape_cast %swap3A_1759 : vector<1x1x1x16xf32> to vector<16xf32>
      %swap3A_1761 = vector.shape_cast %add3A_1752 : vector<16xf32> to vector<1x1x1x16xf32>
      tpu.vector_store %arg7[%swap3A_1755, %swap3A_1756, %swap3A_1757, %swap3A_1758], %swap3A_1761 {strides = array<i32>} : memref<3x4x64x128xf32, #tpu.memory_space<vmem>>, vector<1x1x1x16xf32>,
      %get3A_1762 = arith.constant 1 : i32
      %get3A_1763 = arith.constant 3 : i32
      %get3A_1764 = arith.index_cast %get3A_1762 : i32 to index
      %get3A_1765 = arith.index_cast %get3A_1763 : i32 to index
      %get3A_1766 = arith.index_cast %scan3A_1604 : i32 to index
      %get3A_1767 = arith.constant 16 : index
      %get3A_1768 = tpu.vector_load %arg7[%get3A_1764, %get3A_1765, %get3A_1766, %get3A_1767] {strides = array<i32>} : memref<3x4x64x128xf32, #tpu.memory_space<vmem>>, vector<1x1x1x16xf32>,
      %get3A_1769 = vector.shape_cast %get3A_1768 : vector<1x1x1x16xf32> to vector<16xf32>
      %mul3A_1770 = arith.constant 11.3137083 : f32
      %mul3A_1771 = vector.broadcast %mul3A_1770 : f32 to vector<16xf32>
      %mul3A_1772 = arith.mulf %get3A_1769, %mul3A_1771 : vector<16xf32>
      %add3A_1773 = arith.addf %mul3A_1772, %get3A_1698 : vector<16xf32>
      %swap3A_1774 = arith.constant 1 : i32
      %swap3A_1775 = arith.constant 3 : i32
      %swap3A_1776 = arith.index_cast %swap3A_1774 : i32 to index
      %swap3A_1777 = arith.index_cast %swap3A_1775 : i32 to index
      %swap3A_1778 = arith.index_cast %scan3A_1604 : i32 to index
      %swap3A_1779 = arith.constant 16 : index
      %swap3A_1780 = tpu.vector_load %arg7[%swap3A_1776, %swap3A_1777, %swap3A_1778, %swap3A_1779] {strides = array<i32>} : memref<3x4x64x128xf32, #tpu.memory_space<vmem>>, vector<1x1x1x16xf32>,
      %swap3A_1781 = vector.shape_cast %swap3A_1780 : vector<1x1x1x16xf32> to vector<16xf32>
      %swap3A_1782 = vector.shape_cast %add3A_1773 : vector<16xf32> to vector<1x1x1x16xf32>
      tpu.vector_store %arg7[%swap3A_1776, %swap3A_1777, %swap3A_1778, %swap3A_1779], %swap3A_1782 {strides = array<i32>} : memref<3x4x64x128xf32, #tpu.memory_space<vmem>>, vector<1x1x1x16xf32>,
      %get3A_1783 = arith.constant 1 : i32
      %get3A_1784 = arith.index_cast %get3A_1783 : i32 to index
      %get3A_1785 = arith.index_cast %scan3A_1604 : i32 to index
      %get3A_1786 = arith.constant 32 : index
      %get3A_1787 = tpu.vector_load %arg8[%get3A_1784, %get3A_1785, %get3A_1786] {strides = array<i32>} : memref<3x64x128xf32, #tpu.memory_space<vmem>>, vector<1x1x16xf32>,
      %get3A_1788 = vector.shape_cast %get3A_1787 : vector<1x1x16xf32> to vector<16xf32>
      %get3A_1789 = arith.constant 1 : i32
      %get3A_1790 = arith.constant 0 : i32
      %get3A_1791 = arith.index_cast %get3A_1789 : i32 to index
      %get3A_1792 = arith.index_cast %get3A_1790 : i32 to index
      %get3A_1793 = arith.index_cast %scan3A_1604 : i32 to index
      %get3A_1794 = arith.constant 32 : index
      %get3A_1795 = tpu.vector_load %arg7[%get3A_1791, %get3A_1792, %get3A_1793, %get3A_1794] {strides = array<i32>} : memref<3x4x64x128xf32, #tpu.memory_space<vmem>>, vector<1x1x1x16xf32>,
      %get3A_1796 = vector.shape_cast %get3A_1795 : vector<1x1x1x16xf32> to vector<16xf32>
      %mul3A_1797 = arith.constant 11.3137083 : f32
      %mul3A_1798 = vector.broadcast %mul3A_1797 : f32 to vector<16xf32>
      %mul3A_1799 = arith.mulf %get3A_1796, %mul3A_1798 : vector<16xf32>
      %add3A_1800 = arith.addf %mul3A_1799, %get3A_1788 : vector<16xf32>
      %swap3A_1801 = arith.constant 1 : i32
      %swap3A_1802 = arith.constant 0 : i32
      %swap3A_1803 = arith.index_cast %swap3A_1801 : i32 to index
      %swap3A_1804 = arith.index_cast %swap3A_1802 : i32 to index
      %swap3A_1805 = arith.index_cast %scan3A_1604 : i32 to index
      %swap3A_1806 = arith.constant 32 : index
      %swap3A_1807 = tpu.vector_load %arg7[%swap3A_1803, %swap3A_1804, %swap3A_1805, %swap3A_1806] {strides = array<i32>} : memref<3x4x64x128xf32, #tpu.memory_space<vmem>>, vector<1x1x1x16xf32>,
      %swap3A_1808 = vector.shape_cast %swap3A_1807 : vector<1x1x1x16xf32> to vector<16xf32>
      %swap3A_1809 = vector.shape_cast %add3A_1800 : vector<16xf32> to vector<1x1x1x16xf32>
      tpu.vector_store %arg7[%swap3A_1803, %swap3A_1804, %swap3A_1805, %swap3A_1806], %swap3A_1809 {strides = array<i32>} : memref<3x4x64x128xf32, #tpu.memory_space<vmem>>, vector<1x1x1x16xf32>,
      %get3A_1810 = arith.constant 1 : i32
      %get3A_1811 = arith.constant 1 : i32
      %get3A_1812 = arith.index_cast %get3A_1810 : i32 to index
      %get3A_1813 = arith.index_cast %get3A_1811 : i32 to index
      %get3A_1814 = arith.index_cast %scan3A_1604 : i32 to index
      %get3A_1815 = arith.constant 32 : index
      %get3A_1816 = tpu.vector_load %arg7[%get3A_1812, %get3A_1813, %get3A_1814, %get3A_1815] {strides = array<i32>} : memref<3x4x64x128xf32, #tpu.memory_space<vmem>>, vector<1x1x1x16xf32>,
      %get3A_1817 = vector.shape_cast %get3A_1816 : vector<1x1x1x16xf32> to vector<16xf32>
      %mul3A_1818 = arith.constant 11.3137083 : f32
      %mul3A_1819 = vector.broadcast %mul3A_1818 : f32 to vector<16xf32>
      %mul3A_1820 = arith.mulf %get3A_1817, %mul3A_1819 : vector<16xf32>
      %add3A_1821 = arith.addf %mul3A_1820, %get3A_1788 : vector<16xf32>
      %swap3A_1822 = arith.constant 1 : i32
      %swap3A_1823 = arith.constant 1 : i32
      %swap3A_1824 = arith.index_cast %swap3A_1822 : i32 to index
      %swap3A_1825 = arith.index_cast %swap3A_1823 : i32 to index
      %swap3A_1826 = arith.index_cast %scan3A_1604 : i32 to index
      %swap3A_1827 = arith.constant 32 : index
      %swap3A_1828 = tpu.vector_load %arg7[%swap3A_1824, %swap3A_1825, %swap3A_1826, %swap3A_1827] {strides = array<i32>} : memref<3x4x64x128xf32, #tpu.memory_space<vmem>>, vector<1x1x1x16xf32>,
      %swap3A_1829 = vector.shape_cast %swap3A_1828 : vector<1x1x1x16xf32> to vector<16xf32>
      %swap3A_1830 = vector.shape_cast %add3A_1821 : vector<16xf32> to vector<1x1x1x16xf32>
      tpu.vector_store %arg7[%swap3A_1824, %swap3A_1825, %swap3A_1826, %swap3A_1827], %swap3A_1830 {strides = array<i32>} : memref<3x4x64x128xf32, #tpu.memory_space<vmem>>, vector<1x1x1x16xf32>,
      %get3A_1831 = arith.constant 1 : i32
      %get3A_1832 = arith.constant 2 : i32
      %get3A_1833 = arith.index_cast %get3A_1831 : i32 to index
      %get3A_1834 = arith.index_cast %get3A_1832 : i32 to index
      %get3A_1835 = arith.index_cast %scan3A_1604 : i32 to index
      %get3A_1836 = arith.constant 32 : index
      %get3A_1837 = tpu.vector_load %arg7[%get3A_1833, %get3A_1834, %get3A_1835, %get3A_1836] {strides = array<i32>} : memref<3x4x64x128xf32, #tpu.memory_space<vmem>>, vector<1x1x1x16xf32>,
      %get3A_1838 = vector.shape_cast %get3A_1837 : vector<1x1x1x16xf32> to vector<16xf32>
      %mul3A_1839 = arith.constant 11.3137083 : f32
      %mul3A_1840 = vector.broadcast %mul3A_1839 : f32 to vector<16xf32>
      %mul3A_1841 = arith.mulf %get3A_1838, %mul3A_1840 : vector<16xf32>
      %add3A_1842 = arith.addf %mul3A_1841, %get3A_1788 : vector<16xf32>
      %swap3A_1843 = arith.constant 1 : i32
      %swap3A_1844 = arith.constant 2 : i32
      %swap3A_1845 = arith.index_cast %swap3A_1843 : i32 to index
      %swap3A_1846 = arith.index_cast %swap3A_1844 : i32 to index
      %swap3A_1847 = arith.index_cast %scan3A_1604 : i32 to index
      %swap3A_1848 = arith.constant 32 : index
      %swap3A_1849 = tpu.vector_load %arg7[%swap3A_1845, %swap3A_1846, %swap3A_1847, %swap3A_1848] {strides = array<i32>} : memref<3x4x64x128xf32, #tpu.memory_space<vmem>>, vector<1x1x1x16xf32>,
      %swap3A_1850 = vector.shape_cast %swap3A_1849 : vector<1x1x1x16xf32> to vector<16xf32>
      %swap3A_1851 = vector.shape_cast %add3A_1842 : vector<16xf32> to vector<1x1x1x16xf32>
      tpu.vector_store %arg7[%swap3A_1845, %swap3A_1846, %swap3A_1847, %swap3A_1848], %swap3A_1851 {strides = array<i32>} : memref<3x4x64x128xf32, #tpu.memory_space<vmem>>, vector<1x1x1x16xf32>,
      %get3A_1852 = arith.constant 1 : i32
      %get3A_1853 = arith.constant 3 : i32
      %get3A_1854 = arith.index_cast %get3A_1852 : i32 to index
      %get3A_1855 = arith.index_cast %get3A_1853 : i32 to index
      %get3A_1856 = arith.index_cast %scan3A_1604 : i32 to index
      %get3A_1857 = arith.constant 32 : index
      %get3A_1858 = tpu.vector_load %arg7[%get3A_1854, %get3A_1855, %get3A_1856, %get3A_1857] {strides = array<i32>} : memref<3x4x64x128xf32, #tpu.memory_space<vmem>>, vector<1x1x1x16xf32>,
      %get3A_1859 = vector.shape_cast %get3A_1858 : vector<1x1x1x16xf32> to vector<16xf32>
      %mul3A_1860 = arith.constant 11.3137083 : f32
      %mul3A_1861 = vector.broadcast %mul3A_1860 : f32 to vector<16xf32>
      %mul3A_1862 = arith.mulf %get3A_1859, %mul3A_1861 : vector<16xf32>
      %add3A_1863 = arith.addf %mul3A_1862, %get3A_1788 : vector<16xf32>
      %swap3A_1864 = arith.constant 1 : i32
      %swap3A_1865 = arith.constant 3 : i32
      %swap3A_1866 = arith.index_cast %swap3A_1864 : i32 to index
      %swap3A_1867 = arith.index_cast %swap3A_1865 : i32 to index
      %swap3A_1868 = arith.index_cast %scan3A_1604 : i32 to index
      %swap3A_1869 = arith.constant 32 : index
      %swap3A_1870 = tpu.vector_load %arg7[%swap3A_1866, %swap3A_1867, %swap3A_1868, %swap3A_1869] {strides = array<i32>} : memref<3x4x64x128xf32, #tpu.memory_space<vmem>>, vector<1x1x1x16xf32>,
      %swap3A_1871 = vector.shape_cast %swap3A_1870 : vector<1x1x1x16xf32> to vector<16xf32>
      %swap3A_1872 = vector.shape_cast %add3A_1863 : vector<16xf32> to vector<1x1x1x16xf32>
      tpu.vector_store %arg7[%swap3A_1866, %swap3A_1867, %swap3A_1868, %swap3A_1869], %swap3A_1872 {strides = array<i32>} : memref<3x4x64x128xf32, #tpu.memory_space<vmem>>, vector<1x1x1x16xf32>,
      %get3A_1873 = arith.constant 1 : i32
      %get3A_1874 = arith.index_cast %get3A_1873 : i32 to index
      %get3A_1875 = arith.index_cast %scan3A_1604 : i32 to index
      %get3A_1876 = arith.constant 48 : index
      %get3A_1877 = tpu.vector_load %arg8[%get3A_1874, %get3A_1875, %get3A_1876] {strides = array<i32>} : memref<3x64x128xf32, #tpu.memory_space<vmem>>, vector<1x1x16xf32>,
      %get3A_1878 = vector.shape_cast %get3A_1877 : vector<1x1x16xf32> to vector<16xf32>
      %get3A_1879 = arith.constant 1 : i32
      %get3A_1880 = arith.constant 0 : i32
      %get3A_1881 = arith.index_cast %get3A_1879 : i32 to index
      %get3A_1882 = arith.index_cast %get3A_1880 : i32 to index
      %get3A_1883 = arith.index_cast %scan3A_1604 : i32 to index
      %get3A_1884 = arith.constant 48 : index
      %get3A_1885 = tpu.vector_load %arg7[%get3A_1881, %get3A_1882, %get3A_1883, %get3A_1884] {strides = array<i32>} : memref<3x4x64x128xf32, #tpu.memory_space<vmem>>, vector<1x1x1x16xf32>,
      %get3A_1886 = vector.shape_cast %get3A_1885 : vector<1x1x1x16xf32> to vector<16xf32>
      %mul3A_1887 = arith.constant 11.3137083 : f32
      %mul3A_1888 = vector.broadcast %mul3A_1887 : f32 to vector<16xf32>
      %mul3A_1889 = arith.mulf %get3A_1886, %mul3A_1888 : vector<16xf32>
      %add3A_1890 = arith.addf %mul3A_1889, %get3A_1878 : vector<16xf32>
      %swap3A_1891 = arith.constant 1 : i32
      %swap3A_1892 = arith.constant 0 : i32
      %swap3A_1893 = arith.index_cast %swap3A_1891 : i32 to index
      %swap3A_1894 = arith.index_cast %swap3A_1892 : i32 to index
      %swap3A_1895 = arith.index_cast %scan3A_1604 : i32 to index
      %swap3A_1896 = arith.constant 48 : index
      %swap3A_1897 = tpu.vector_load %arg7[%swap3A_1893, %swap3A_1894, %swap3A_1895, %swap3A_1896] {strides = array<i32>} : memref<3x4x64x128xf32, #tpu.memory_space<vmem>>, vector<1x1x1x16xf32>,
      %swap3A_1898 = vector.shape_cast %swap3A_1897 : vector<1x1x1x16xf32> to vector<16xf32>
      %swap3A_1899 = vector.shape_cast %add3A_1890 : vector<16xf32> to vector<1x1x1x16xf32>
      tpu.vector_store %arg7[%swap3A_1893, %swap3A_1894, %swap3A_1895, %swap3A_1896], %swap3A_1899 {strides = array<i32>} : memref<3x4x64x128xf32, #tpu.memory_space<vmem>>, vector<1x1x1x16xf32>,
      %get3A_1900 = arith.constant 1 : i32
      %get3A_1901 = arith.constant 1 : i32
      %get3A_1902 = arith.index_cast %get3A_1900 : i32 to index
      %get3A_1903 = arith.index_cast %get3A_1901 : i32 to index
      %get3A_1904 = arith.index_cast %scan3A_1604 : i32 to index
      %get3A_1905 = arith.constant 48 : index
      %get3A_1906 = tpu.vector_load %arg7[%get3A_1902, %get3A_1903, %get3A_1904, %get3A_1905] {strides = array<i32>} : memref<3x4x64x128xf32, #tpu.memory_space<vmem>>, vector<1x1x1x16xf32>,
      %get3A_1907 = vector.shape_cast %get3A_1906 : vector<1x1x1x16xf32> to vector<16xf32>
      %mul3A_1908 = arith.constant 11.3137083 : f32
      %mul3A_1909 = vector.broadcast %mul3A_1908 : f32 to vector<16xf32>
      %mul3A_1910 = arith.mulf %get3A_1907, %mul3A_1909 : vector<16xf32>
      %add3A_1911 = arith.addf %mul3A_1910, %get3A_1878 : vector<16xf32>
      %swap3A_1912 = arith.constant 1 : i32
      %swap3A_1913 = arith.constant 1 : i32
      %swap3A_1914 = arith.index_cast %swap3A_1912 : i32 to index
      %swap3A_1915 = arith.index_cast %swap3A_1913 : i32 to index
      %swap3A_1916 = arith.index_cast %scan3A_1604 : i32 to index
      %swap3A_1917 = arith.constant 48 : index
      %swap3A_1918 = tpu.vector_load %arg7[%swap3A_1914, %swap3A_1915, %swap3A_1916, %swap3A_1917] {strides = array<i32>} : memref<3x4x64x128xf32, #tpu.memory_space<vmem>>, vector<1x1x1x16xf32>,
      %swap3A_1919 = vector.shape_cast %swap3A_1918 : vector<1x1x1x16xf32> to vector<16xf32>
      %swap3A_1920 = vector.shape_cast %add3A_1911 : vector<16xf32> to vector<1x1x1x16xf32>
      tpu.vector_store %arg7[%swap3A_1914, %swap3A_1915, %swap3A_1916, %swap3A_1917], %swap3A_1920 {strides = array<i32>} : memref<3x4x64x128xf32, #tpu.memory_space<vmem>>, vector<1x1x1x16xf32>,
      %get3A_1921 = arith.constant 1 : i32
      %get3A_1922 = arith.constant 2 : i32
      %get3A_1923 = arith.index_cast %get3A_1921 : i32 to index
      %get3A_1924 = arith.index_cast %get3A_1922 : i32 to index
      %get3A_1925 = arith.index_cast %scan3A_1604 : i32 to index
      %get3A_1926 = arith.constant 48 : index
      %get3A_1927 = tpu.vector_load %arg7[%get3A_1923, %get3A_1924, %get3A_1925, %get3A_1926] {strides = array<i32>} : memref<3x4x64x128xf32, #tpu.memory_space<vmem>>, vector<1x1x1x16xf32>,
      %get3A_1928 = vector.shape_cast %get3A_1927 : vector<1x1x1x16xf32> to vector<16xf32>
      %mul3A_1929 = arith.constant 11.3137083 : f32
      %mul3A_1930 = vector.broadcast %mul3A_1929 : f32 to vector<16xf32>
      %mul3A_1931 = arith.mulf %get3A_1928, %mul3A_1930 : vector<16xf32>
      %add3A_1932 = arith.addf %mul3A_1931, %get3A_1878 : vector<16xf32>
      %swap3A_1933 = arith.constant 1 : i32
      %swap3A_1934 = arith.constant 2 : i32
      %swap3A_1935 = arith.index_cast %swap3A_1933 : i32 to index
      %swap3A_1936 = arith.index_cast %swap3A_1934 : i32 to index
      %swap3A_1937 = arith.index_cast %scan3A_1604 : i32 to index
      %swap3A_1938 = arith.constant 48 : index
      %swap3A_1939 = tpu.vector_load %arg7[%swap3A_1935, %swap3A_1936, %swap3A_1937, %swap3A_1938] {strides = array<i32>} : memref<3x4x64x128xf32, #tpu.memory_space<vmem>>, vector<1x1x1x16xf32>,
      %swap3A_1940 = vector.shape_cast %swap3A_1939 : vector<1x1x1x16xf32> to vector<16xf32>
      %swap3A_1941 = vector.shape_cast %add3A_1932 : vector<16xf32> to vector<1x1x1x16xf32>
      tpu.vector_store %arg7[%swap3A_1935, %swap3A_1936, %swap3A_1937, %swap3A_1938], %swap3A_1941 {strides = array<i32>} : memref<3x4x64x128xf32, #tpu.memory_space<vmem>>, vector<1x1x1x16xf32>,
      %get3A_1942 = arith.constant 1 : i32
      %get3A_1943 = arith.constant 3 : i32
      %get3A_1944 = arith.index_cast %get3A_1942 : i32 to index
      %get3A_1945 = arith.index_cast %get3A_1943 : i32 to index
      %get3A_1946 = arith.index_cast %scan3A_1604 : i32 to index
      %get3A_1947 = arith.constant 48 : index
      %get3A_1948 = tpu.vector_load %arg7[%get3A_1944, %get3A_1945, %get3A_1946, %get3A_1947] {strides = array<i32>} : memref<3x4x64x128xf32, #tpu.memory_space<vmem>>, vector<1x1x1x16xf32>,
      %get3A_1949 = vector.shape_cast %get3A_1948 : vector<1x1x1x16xf32> to vector<16xf32>
      %mul3A_1950 = arith.constant 11.3137083 : f32
      %mul3A_1951 = vector.broadcast %mul3A_1950 : f32 to vector<16xf32>
      %mul3A_1952 = arith.mulf %get3A_1949, %mul3A_1951 : vector<16xf32>
      %add3A_1953 = arith.addf %mul3A_1952, %get3A_1878 : vector<16xf32>
      %swap3A_1954 = arith.constant 1 : i32
      %swap3A_1955 = arith.constant 3 : i32
      %swap3A_1956 = arith.index_cast %swap3A_1954 : i32 to index
      %swap3A_1957 = arith.index_cast %swap3A_1955 : i32 to index
      %swap3A_1958 = arith.index_cast %scan3A_1604 : i32 to index
      %swap3A_1959 = arith.constant 48 : index
      %swap3A_1960 = tpu.vector_load %arg7[%swap3A_1956, %swap3A_1957, %swap3A_1958, %swap3A_1959] {strides = array<i32>} : memref<3x4x64x128xf32, #tpu.memory_space<vmem>>, vector<1x1x1x16xf32>,
      %swap3A_1961 = vector.shape_cast %swap3A_1960 : vector<1x1x1x16xf32> to vector<16xf32>
      %swap3A_1962 = vector.shape_cast %add3A_1953 : vector<16xf32> to vector<1x1x1x16xf32>
      tpu.vector_store %arg7[%swap3A_1956, %swap3A_1957, %swap3A_1958, %swap3A_1959], %swap3A_1962 {strides = array<i32>} : memref<3x4x64x128xf32, #tpu.memory_space<vmem>>, vector<1x1x1x16xf32>,
      %get3A_1963 = arith.constant 1 : i32
      %get3A_1964 = arith.index_cast %get3A_1963 : i32 to index
      %get3A_1965 = arith.index_cast %scan3A_1604 : i32 to index
      %get3A_1966 = arith.constant 64 : index
      %get3A_1967 = tpu.vector_load %arg8[%get3A_1964, %get3A_1965, %get3A_1966] {strides = array<i32>} : memref<3x64x128xf32, #tpu.memory_space<vmem>>, vector<1x1x16xf32>,
      %get3A_1968 = vector.shape_cast %get3A_1967 : vector<1x1x16xf32> to vector<16xf32>
      %get3A_1969 = arith.constant 1 : i32
      %get3A_1970 = arith.constant 0 : i32
      %get3A_1971 = arith.index_cast %get3A_1969 : i32 to index
      %get3A_1972 = arith.index_cast %get3A_1970 : i32 to index
      %get3A_1973 = arith.index_cast %scan3A_1604 : i32 to index
      %get3A_1974 = arith.constant 64 : index
      %get3A_1975 = tpu.vector_load %arg7[%get3A_1971, %get3A_1972, %get3A_1973, %get3A_1974] {strides = array<i32>} : memref<3x4x64x128xf32, #tpu.memory_space<vmem>>, vector<1x1x1x16xf32>,
      %get3A_1976 = vector.shape_cast %get3A_1975 : vector<1x1x1x16xf32> to vector<16xf32>
      %mul3A_1977 = arith.constant 11.3137083 : f32
      %mul3A_1978 = vector.broadcast %mul3A_1977 : f32 to vector<16xf32>
      %mul3A_1979 = arith.mulf %get3A_1976, %mul3A_1978 : vector<16xf32>
      %add3A_1980 = arith.addf %mul3A_1979, %get3A_1968 : vector<16xf32>
      %swap3A_1981 = arith.constant 1 : i32
      %swap3A_1982 = arith.constant 0 : i32
      %swap3A_1983 = arith.index_cast %swap3A_1981 : i32 to index
      %swap3A_1984 = arith.index_cast %swap3A_1982 : i32 to index
      %swap3A_1985 = arith.index_cast %scan3A_1604 : i32 to index
      %swap3A_1986 = arith.constant 64 : index
      %swap3A_1987 = tpu.vector_load %arg7[%swap3A_1983, %swap3A_1984, %swap3A_1985, %swap3A_1986] {strides = array<i32>} : memref<3x4x64x128xf32, #tpu.memory_space<vmem>>, vector<1x1x1x16xf32>,
      %swap3A_1988 = vector.shape_cast %swap3A_1987 : vector<1x1x1x16xf32> to vector<16xf32>
      %swap3A_1989 = vector.shape_cast %add3A_1980 : vector<16xf32> to vector<1x1x1x16xf32>
      tpu.vector_store %arg7[%swap3A_1983, %swap3A_1984, %swap3A_1985, %swap3A_1986], %swap3A_1989 {strides = array<i32>} : memref<3x4x64x128xf32, #tpu.memory_space<vmem>>, vector<1x1x1x16xf32>,
      %get3A_1990 = arith.constant 1 : i32
      %get3A_1991 = arith.constant 1 : i32
      %get3A_1992 = arith.index_cast %get3A_1990 : i32 to index
      %get3A_1993 = arith.index_cast %get3A_1991 : i32 to index
      %get3A_1994 = arith.index_cast %scan3A_1604 : i32 to index
      %get3A_1995 = arith.constant 64 : index
      %get3A_1996 = tpu.vector_load %arg7[%get3A_1992, %get3A_1993, %get3A_1994, %get3A_1995] {strides = array<i32>} : memref<3x4x64x128xf32, #tpu.memory_space<vmem>>, vector<1x1x1x16xf32>,
      %get3A_1997 = vector.shape_cast %get3A_1996 : vector<1x1x1x16xf32> to vector<16xf32>
      %mul3A_1998 = arith.constant 11.3137083 : f32
      %mul3A_1999 = vector.broadcast %mul3A_1998 : f32 to vector<16xf32>
      %mul3A_2000 = arith.mulf %get3A_1997, %mul3A_1999 : vector<16xf32>
      %add3A_2001 = arith.addf %mul3A_2000, %get3A_1968 : vector<16xf32>
      %swap3A_2002 = arith.constant 1 : i32
      %swap3A_2003 = arith.constant 1 : i32
      %swap3A_2004 = arith.index_cast %swap3A_2002 : i32 to index
      %swap3A_2005 = arith.index_cast %swap3A_2003 : i32 to index
      %swap3A_2006 = arith.index_cast %scan3A_1604 : i32 to index
      %swap3A_2007 = arith.constant 64 : index
      %swap3A_2008 = tpu.vector_load %arg7[%swap3A_2004, %swap3A_2005, %swap3A_2006, %swap3A_2007] {strides = array<i32>} : memref<3x4x64x128xf32, #tpu.memory_space<vmem>>, vector<1x1x1x16xf32>,
      %swap3A_2009 = vector.shape_cast %swap3A_2008 : vector<1x1x1x16xf32> to vector<16xf32>
      %swap3A_2010 = vector.shape_cast %add3A_2001 : vector<16xf32> to vector<1x1x1x16xf32>
      tpu.vector_store %arg7[%swap3A_2004, %swap3A_2005, %swap3A_2006, %swap3A_2007], %swap3A_2010 {strides = array<i32>} : memref<3x4x64x128xf32, #tpu.memory_space<vmem>>, vector<1x1x1x16xf32>,
      %get3A_2011 = arith.constant 1 : i32
      %get3A_2012 = arith.constant 2 : i32
      %get3A_2013 = arith.index_cast %get3A_2011 : i32 to index
      %get3A_2014 = arith.index_cast %get3A_2012 : i32 to index
      %get3A_2015 = arith.index_cast %scan3A_1604 : i32 to index
      %get3A_2016 = arith.constant 64 : index
      %get3A_2017 = tpu.vector_load %arg7[%get3A_2013, %get3A_2014, %get3A_2015, %get3A_2016] {strides = array<i32>} : memref<3x4x64x128xf32, #tpu.memory_space<vmem>>, vector<1x1x1x16xf32>,
      %get3A_2018 = vector.shape_cast %get3A_2017 : vector<1x1x1x16xf32> to vector<16xf32>
      %mul3A_2019 = arith.constant 11.3137083 : f32
      %mul3A_2020 = vector.broadcast %mul3A_2019 : f32 to vector<16xf32>
      %mul3A_2021 = arith.mulf %get3A_2018, %mul3A_2020 : vector<16xf32>
      %add3A_2022 = arith.addf %mul3A_2021, %get3A_1968 : vector<16xf32>
      %swap3A_2023 = arith.constant 1 : i32
      %swap3A_2024 = arith.constant 2 : i32
      %swap3A_2025 = arith.index_cast %swap3A_2023 : i32 to index
      %swap3A_2026 = arith.index_cast %swap3A_2024 : i32 to index
      %swap3A_2027 = arith.index_cast %scan3A_1604 : i32 to index
      %swap3A_2028 = arith.constant 64 : index
      %swap3A_2029 = tpu.vector_load %arg7[%swap3A_2025, %swap3A_2026, %swap3A_2027, %swap3A_2028] {strides = array<i32>} : memref<3x4x64x128xf32, #tpu.memory_space<vmem>>, vector<1x1x1x16xf32>,
      %swap3A_2030 = vector.shape_cast %swap3A_2029 : vector<1x1x1x16xf32> to vector<16xf32>
      %swap3A_2031 = vector.shape_cast %add3A_2022 : vector<16xf32> to vector<1x1x1x16xf32>
      tpu.vector_store %arg7[%swap3A_2025, %swap3A_2026, %swap3A_2027, %swap3A_2028], %swap3A_2031 {strides = array<i32>} : memref<3x4x64x128xf32, #tpu.memory_space<vmem>>, vector<1x1x1x16xf32>,
      %get3A_2032 = arith.constant 1 : i32
      %get3A_2033 = arith.constant 3 : i32
      %get3A_2034 = arith.index_cast %get3A_2032 : i32 to index
      %get3A_2035 = arith.index_cast %get3A_2033 : i32 to index
      %get3A_2036 = arith.index_cast %scan3A_1604 : i32 to index
      %get3A_2037 = arith.constant 64 : index
      %get3A_2038 = tpu.vector_load %arg7[%get3A_2034, %get3A_2035, %get3A_2036, %get3A_2037] {strides = array<i32>} : memref<3x4x64x128xf32, #tpu.memory_space<vmem>>, vector<1x1x1x16xf32>,
      %get3A_2039 = vector.shape_cast %get3A_2038 : vector<1x1x1x16xf32> to vector<16xf32>
      %mul3A_2040 = arith.constant 11.3137083 : f32
      %mul3A_2041 = vector.broadcast %mul3A_2040 : f32 to vector<16xf32>
      %mul3A_2042 = arith.mulf %get3A_2039, %mul3A_2041 : vector<16xf32>
      %add3A_2043 = arith.addf %mul3A_2042, %get3A_1968 : vector<16xf32>
      %swap3A_2044 = arith.constant 1 : i32
      %swap3A_2045 = arith.constant 3 : i32
      %swap3A_2046 = arith.index_cast %swap3A_2044 : i32 to index
      %swap3A_2047 = arith.index_cast %swap3A_2045 : i32 to index
      %swap3A_2048 = arith.index_cast %scan3A_1604 : i32 to index
      %swap3A_2049 = arith.constant 64 : index
      %swap3A_2050 = tpu.vector_load %arg7[%swap3A_2046, %swap3A_2047, %swap3A_2048, %swap3A_2049] {strides = array<i32>} : memref<3x4x64x128xf32, #tpu.memory_space<vmem>>, vector<1x1x1x16xf32>,
      %swap3A_2051 = vector.shape_cast %swap3A_2050 : vector<1x1x1x16xf32> to vector<16xf32>
      %swap3A_2052 = vector.shape_cast %add3A_2043 : vector<16xf32> to vector<1x1x1x16xf32>
      tpu.vector_store %arg7[%swap3A_2046, %swap3A_2047, %swap3A_2048, %swap3A_2049], %swap3A_2052 {strides = array<i32>} : memref<3x4x64x128xf32, #tpu.memory_space<vmem>>, vector<1x1x1x16xf32>,
      %get3A_2053 = arith.constant 1 : i32
      %get3A_2054 = arith.index_cast %get3A_2053 : i32 to index
      %get3A_2055 = arith.index_cast %scan3A_1604 : i32 to index
      %get3A_2056 = arith.constant 80 : index
      %get3A_2057 = tpu.vector_load %arg8[%get3A_2054, %get3A_2055, %get3A_2056] {strides = array<i32>} : memref<3x64x128xf32, #tpu.memory_space<vmem>>, vector<1x1x16xf32>,
      %get3A_2058 = vector.shape_cast %get3A_2057 : vector<1x1x16xf32> to vector<16xf32>
      %get3A_2059 = arith.constant 1 : i32
      %get3A_2060 = arith.constant 0 : i32
      %get3A_2061 = arith.index_cast %get3A_2059 : i32 to index
      %get3A_2062 = arith.index_cast %get3A_2060 : i32 to index
      %get3A_2063 = arith.index_cast %scan3A_1604 : i32 to index
      %get3A_2064 = arith.constant 80 : index
      %get3A_2065 = tpu.vector_load %arg7[%get3A_2061, %get3A_2062, %get3A_2063, %get3A_2064] {strides = array<i32>} : memref<3x4x64x128xf32, #tpu.memory_space<vmem>>, vector<1x1x1x16xf32>,
      %get3A_2066 = vector.shape_cast %get3A_2065 : vector<1x1x1x16xf32> to vector<16xf32>
      %mul3A_2067 = arith.constant 11.3137083 : f32
      %mul3A_2068 = vector.broadcast %mul3A_2067 : f32 to vector<16xf32>
      %mul3A_2069 = arith.mulf %get3A_2066, %mul3A_2068 : vector<16xf32>
      %add3A_2070 = arith.addf %mul3A_2069, %get3A_2058 : vector<16xf32>
      %swap3A_2071 = arith.constant 1 : i32
      %swap3A_2072 = arith.constant 0 : i32
      %swap3A_2073 = arith.index_cast %swap3A_2071 : i32 to index
      %swap3A_2074 = arith.index_cast %swap3A_2072 : i32 to index
      %swap3A_2075 = arith.index_cast %scan3A_1604 : i32 to index
      %swap3A_2076 = arith.constant 80 : index
      %swap3A_2077 = tpu.vector_load %arg7[%swap3A_2073, %swap3A_2074, %swap3A_2075, %swap3A_2076] {strides = array<i32>} : memref<3x4x64x128xf32, #tpu.memory_space<vmem>>, vector<1x1x1x16xf32>,
      %swap3A_2078 = vector.shape_cast %swap3A_2077 : vector<1x1x1x16xf32> to vector<16xf32>
      %swap3A_2079 = vector.shape_cast %add3A_2070 : vector<16xf32> to vector<1x1x1x16xf32>
      tpu.vector_store %arg7[%swap3A_2073, %swap3A_2074, %swap3A_2075, %swap3A_2076], %swap3A_2079 {strides = array<i32>} : memref<3x4x64x128xf32, #tpu.memory_space<vmem>>, vector<1x1x1x16xf32>,
      %get3A_2080 = arith.constant 1 : i32
      %get3A_2081 = arith.constant 1 : i32
      %get3A_2082 = arith.index_cast %get3A_2080 : i32 to index
      %get3A_2083 = arith.index_cast %get3A_2081 : i32 to index
      %get3A_2084 = arith.index_cast %scan3A_1604 : i32 to index
      %get3A_2085 = arith.constant 80 : index
      %get3A_2086 = tpu.vector_load %arg7[%get3A_2082, %get3A_2083, %get3A_2084, %get3A_2085] {strides = array<i32>} : memref<3x4x64x128xf32, #tpu.memory_space<vmem>>, vector<1x1x1x16xf32>,
      %get3A_2087 = vector.shape_cast %get3A_2086 : vector<1x1x1x16xf32> to vector<16xf32>
      %mul3A_2088 = arith.constant 11.3137083 : f32
      %mul3A_2089 = vector.broadcast %mul3A_2088 : f32 to vector<16xf32>
      %mul3A_2090 = arith.mulf %get3A_2087, %mul3A_2089 : vector<16xf32>
      %add3A_2091 = arith.addf %mul3A_2090, %get3A_2058 : vector<16xf32>
      %swap3A_2092 = arith.constant 1 : i32
      %swap3A_2093 = arith.constant 1 : i32
      %swap3A_2094 = arith.index_cast %swap3A_2092 : i32 to index
      %swap3A_2095 = arith.index_cast %swap3A_2093 : i32 to index
      %swap3A_2096 = arith.index_cast %scan3A_1604 : i32 to index
      %swap3A_2097 = arith.constant 80 : index
      %swap3A_2098 = tpu.vector_load %arg7[%swap3A_2094, %swap3A_2095, %swap3A_2096, %swap3A_2097] {strides = array<i32>} : memref<3x4x64x128xf32, #tpu.memory_space<vmem>>, vector<1x1x1x16xf32>,
      %swap3A_2099 = vector.shape_cast %swap3A_2098 : vector<1x1x1x16xf32> to vector<16xf32>
      %swap3A_2100 = vector.shape_cast %add3A_2091 : vector<16xf32> to vector<1x1x1x16xf32>
      tpu.vector_store %arg7[%swap3A_2094, %swap3A_2095, %swap3A_2096, %swap3A_2097], %swap3A_2100 {strides = array<i32>} : memref<3x4x64x128xf32, #tpu.memory_space<vmem>>, vector<1x1x1x16xf32>,
      %get3A_2101 = arith.constant 1 : i32
      %get3A_2102 = arith.constant 2 : i32
      %get3A_2103 = arith.index_cast %get3A_2101 : i32 to index
      %get3A_2104 = arith.index_cast %get3A_2102 : i32 to index
      %get3A_2105 = arith.index_cast %scan3A_1604 : i32 to index
      %get3A_2106 = arith.constant 80 : index
      %get3A_2107 = tpu.vector_load %arg7[%get3A_2103, %get3A_2104, %get3A_2105, %get3A_2106] {strides = array<i32>} : memref<3x4x64x128xf32, #tpu.memory_space<vmem>>, vector<1x1x1x16xf32>,
      %get3A_2108 = vector.shape_cast %get3A_2107 : vector<1x1x1x16xf32> to vector<16xf32>
      %mul3A_2109 = arith.constant 11.3137083 : f32
      %mul3A_2110 = vector.broadcast %mul3A_2109 : f32 to vector<16xf32>
      %mul3A_2111 = arith.mulf %get3A_2108, %mul3A_2110 : vector<16xf32>
      %add3A_2112 = arith.addf %mul3A_2111, %get3A_2058 : vector<16xf32>
      %swap3A_2113 = arith.constant 1 : i32
      %swap3A_2114 = arith.constant 2 : i32
      %swap3A_2115 = arith.index_cast %swap3A_2113 : i32 to index
      %swap3A_2116 = arith.index_cast %swap3A_2114 : i32 to index
      %swap3A_2117 = arith.index_cast %scan3A_1604 : i32 to index
      %swap3A_2118 = arith.constant 80 : index
      %swap3A_2119 = tpu.vector_load %arg7[%swap3A_2115, %swap3A_2116, %swap3A_2117, %swap3A_2118] {strides = array<i32>} : memref<3x4x64x128xf32, #tpu.memory_space<vmem>>, vector<1x1x1x16xf32>,
      %swap3A_2120 = vector.shape_cast %swap3A_2119 : vector<1x1x1x16xf32> to vector<16xf32>
      %swap3A_2121 = vector.shape_cast %add3A_2112 : vector<16xf32> to vector<1x1x1x16xf32>
      tpu.vector_store %arg7[%swap3A_2115, %swap3A_2116, %swap3A_2117, %swap3A_2118], %swap3A_2121 {strides = array<i32>} : memref<3x4x64x128xf32, #tpu.memory_space<vmem>>, vector<1x1x1x16xf32>,
      %get3A_2122 = arith.constant 1 : i32
      %get3A_2123 = arith.constant 3 : i32
      %get3A_2124 = arith.index_cast %get3A_2122 : i32 to index
      %get3A_2125 = arith.index_cast %get3A_2123 : i32 to index
      %get3A_2126 = arith.index_cast %scan3A_1604 : i32 to index
      %get3A_2127 = arith.constant 80 : index
      %get3A_2128 = tpu.vector_load %arg7[%get3A_2124, %get3A_2125, %get3A_2126, %get3A_2127] {strides = array<i32>} : memref<3x4x64x128xf32, #tpu.memory_space<vmem>>, vector<1x1x1x16xf32>,
      %get3A_2129 = vector.shape_cast %get3A_2128 : vector<1x1x1x16xf32> to vector<16xf32>
      %mul3A_2130 = arith.constant 11.3137083 : f32
      %mul3A_2131 = vector.broadcast %mul3A_2130 : f32 to vector<16xf32>
      %mul3A_2132 = arith.mulf %get3A_2129, %mul3A_2131 : vector<16xf32>
      %add3A_2133 = arith.addf %mul3A_2132, %get3A_2058 : vector<16xf32>
      %swap3A_2134 = arith.constant 1 : i32
      %swap3A_2135 = arith.constant 3 : i32
      %swap3A_2136 = arith.index_cast %swap3A_2134 : i32 to index
      %swap3A_2137 = arith.index_cast %swap3A_2135 : i32 to index
      %swap3A_2138 = arith.index_cast %scan3A_1604 : i32 to index
      %swap3A_2139 = arith.constant 80 : index
      %swap3A_2140 = tpu.vector_load %arg7[%swap3A_2136, %swap3A_2137, %swap3A_2138, %swap3A_2139] {strides = array<i32>} : memref<3x4x64x128xf32, #tpu.memory_space<vmem>>, vector<1x1x1x16xf32>,
      %swap3A_2141 = vector.shape_cast %swap3A_2140 : vector<1x1x1x16xf32> to vector<16xf32>
      %swap3A_2142 = vector.shape_cast %add3A_2133 : vector<16xf32> to vector<1x1x1x16xf32>
      tpu.vector_store %arg7[%swap3A_2136, %swap3A_2137, %swap3A_2138, %swap3A_2139], %swap3A_2142 {strides = array<i32>} : memref<3x4x64x128xf32, #tpu.memory_space<vmem>>, vector<1x1x1x16xf32>,
      %get3A_2143 = arith.constant 1 : i32
      %get3A_2144 = arith.index_cast %get3A_2143 : i32 to index
      %get3A_2145 = arith.index_cast %scan3A_1604 : i32 to index
      %get3A_2146 = arith.constant 96 : index
      %get3A_2147 = tpu.vector_load %arg8[%get3A_2144, %get3A_2145, %get3A_2146] {strides = array<i32>} : memref<3x64x128xf32, #tpu.memory_space<vmem>>, vector<1x1x16xf32>,
      %get3A_2148 = vector.shape_cast %get3A_2147 : vector<1x1x16xf32> to vector<16xf32>
      %get3A_2149 = arith.constant 1 : i32
      %get3A_2150 = arith.constant 0 : i32
      %get3A_2151 = arith.index_cast %get3A_2149 : i32 to index
      %get3A_2152 = arith.index_cast %get3A_2150 : i32 to index
      %get3A_2153 = arith.index_cast %scan3A_1604 : i32 to index
      %get3A_2154 = arith.constant 96 : index
      %get3A_2155 = tpu.vector_load %arg7[%get3A_2151, %get3A_2152, %get3A_2153, %get3A_2154] {strides = array<i32>} : memref<3x4x64x128xf32, #tpu.memory_space<vmem>>, vector<1x1x1x16xf32>,
      %get3A_2156 = vector.shape_cast %get3A_2155 : vector<1x1x1x16xf32> to vector<16xf32>
      %mul3A_2157 = arith.constant 11.3137083 : f32
      %mul3A_2158 = vector.broadcast %mul3A_2157 : f32 to vector<16xf32>
      %mul3A_2159 = arith.mulf %get3A_2156, %mul3A_2158 : vector<16xf32>
      %add3A_2160 = arith.addf %mul3A_2159, %get3A_2148 : vector<16xf32>
      %swap3A_2161 = arith.constant 1 : i32
      %swap3A_2162 = arith.constant 0 : i32
      %swap3A_2163 = arith.index_cast %swap3A_2161 : i32 to index
      %swap3A_2164 = arith.index_cast %swap3A_2162 : i32 to index
      %swap3A_2165 = arith.index_cast %scan3A_1604 : i32 to index
      %swap3A_2166 = arith.constant 96 : index
      %swap3A_2167 = tpu.vector_load %arg7[%swap3A_2163, %swap3A_2164, %swap3A_2165, %swap3A_2166] {strides = array<i32>} : memref<3x4x64x128xf32, #tpu.memory_space<vmem>>, vector<1x1x1x16xf32>,
      %swap3A_2168 = vector.shape_cast %swap3A_2167 : vector<1x1x1x16xf32> to vector<16xf32>
      %swap3A_2169 = vector.shape_cast %add3A_2160 : vector<16xf32> to vector<1x1x1x16xf32>
      tpu.vector_store %arg7[%swap3A_2163, %swap3A_2164, %swap3A_2165, %swap3A_2166], %swap3A_2169 {strides = array<i32>} : memref<3x4x64x128xf32, #tpu.memory_space<vmem>>, vector<1x1x1x16xf32>,
      %get3A_2170 = arith.constant 1 : i32
      %get3A_2171 = arith.constant 1 : i32
      %get3A_2172 = arith.index_cast %get3A_2170 : i32 to index
      %get3A_2173 = arith.index_cast %get3A_2171 : i32 to index
      %get3A_2174 = arith.index_cast %scan3A_1604 : i32 to index
      %get3A_2175 = arith.constant 96 : index
      %get3A_2176 = tpu.vector_load %arg7[%get3A_2172, %get3A_2173, %get3A_2174, %get3A_2175] {strides = array<i32>} : memref<3x4x64x128xf32, #tpu.memory_space<vmem>>, vector<1x1x1x16xf32>,
      %get3A_2177 = vector.shape_cast %get3A_2176 : vector<1x1x1x16xf32> to vector<16xf32>
      %mul3A_2178 = arith.constant 11.3137083 : f32
      %mul3A_2179 = vector.broadcast %mul3A_2178 : f32 to vector<16xf32>
      %mul3A_2180 = arith.mulf %get3A_2177, %mul3A_2179 : vector<16xf32>
      %add3A_2181 = arith.addf %mul3A_2180, %get3A_2148 : vector<16xf32>
      %swap3A_2182 = arith.constant 1 : i32
      %swap3A_2183 = arith.constant 1 : i32
      %swap3A_2184 = arith.index_cast %swap3A_2182 : i32 to index
      %swap3A_2185 = arith.index_cast %swap3A_2183 : i32 to index
      %swap3A_2186 = arith.index_cast %scan3A_1604 : i32 to index
      %swap3A_2187 = arith.constant 96 : index
      %swap3A_2188 = tpu.vector_load %arg7[%swap3A_2184, %swap3A_2185, %swap3A_2186, %swap3A_2187] {strides = array<i32>} : memref<3x4x64x128xf32, #tpu.memory_space<vmem>>, vector<1x1x1x16xf32>,
      %swap3A_2189 = vector.shape_cast %swap3A_2188 : vector<1x1x1x16xf32> to vector<16xf32>
      %swap3A_2190 = vector.shape_cast %add3A_2181 : vector<16xf32> to vector<1x1x1x16xf32>
      tpu.vector_store %arg7[%swap3A_2184, %swap3A_2185, %swap3A_2186, %swap3A_2187], %swap3A_2190 {strides = array<i32>} : memref<3x4x64x128xf32, #tpu.memory_space<vmem>>, vector<1x1x1x16xf32>,
      %get3A_2191 = arith.constant 1 : i32
      %get3A_2192 = arith.constant 2 : i32
      %get3A_2193 = arith.index_cast %get3A_2191 : i32 to index
      %get3A_2194 = arith.index_cast %get3A_2192 : i32 to index
      %get3A_2195 = arith.index_cast %scan3A_1604 : i32 to index
      %get3A_2196 = arith.constant 96 : index
      %get3A_2197 = tpu.vector_load %arg7[%get3A_2193, %get3A_2194, %get3A_2195, %get3A_2196] {strides = array<i32>} : memref<3x4x64x128xf32, #tpu.memory_space<vmem>>, vector<1x1x1x16xf32>,
      %get3A_2198 = vector.shape_cast %get3A_2197 : vector<1x1x1x16xf32> to vector<16xf32>
      %mul3A_2199 = arith.constant 11.3137083 : f32
      %mul3A_2200 = vector.broadcast %mul3A_2199 : f32 to vector<16xf32>
      %mul3A_2201 = arith.mulf %get3A_2198, %mul3A_2200 : vector<16xf32>
      %add3A_2202 = arith.addf %mul3A_2201, %get3A_2148 : vector<16xf32>
      %swap3A_2203 = arith.constant 1 : i32
      %swap3A_2204 = arith.constant 2 : i32
      %swap3A_2205 = arith.index_cast %swap3A_2203 : i32 to index
      %swap3A_2206 = arith.index_cast %swap3A_2204 : i32 to index
      %swap3A_2207 = arith.index_cast %scan3A_1604 : i32 to index
      %swap3A_2208 = arith.constant 96 : index
      %swap3A_2209 = tpu.vector_load %arg7[%swap3A_2205, %swap3A_2206, %swap3A_2207, %swap3A_2208] {strides = array<i32>} : memref<3x4x64x128xf32, #tpu.memory_space<vmem>>, vector<1x1x1x16xf32>,
      %swap3A_2210 = vector.shape_cast %swap3A_2209 : vector<1x1x1x16xf32> to vector<16xf32>
      %swap3A_2211 = vector.shape_cast %add3A_2202 : vector<16xf32> to vector<1x1x1x16xf32>
      tpu.vector_store %arg7[%swap3A_2205, %swap3A_2206, %swap3A_2207, %swap3A_2208], %swap3A_2211 {strides = array<i32>} : memref<3x4x64x128xf32, #tpu.memory_space<vmem>>, vector<1x1x1x16xf32>,
      %get3A_2212 = arith.constant 1 : i32
      %get3A_2213 = arith.constant 3 : i32
      %get3A_2214 = arith.index_cast %get3A_2212 : i32 to index
      %get3A_2215 = arith.index_cast %get3A_2213 : i32 to index
      %get3A_2216 = arith.index_cast %scan3A_1604 : i32 to index
      %get3A_2217 = arith.constant 96 : index
      %get3A_2218 = tpu.vector_load %arg7[%get3A_2214, %get3A_2215, %get3A_2216, %get3A_2217] {strides = array<i32>} : memref<3x4x64x128xf32, #tpu.memory_space<vmem>>, vector<1x1x1x16xf32>,
      %get3A_2219 = vector.shape_cast %get3A_2218 : vector<1x1x1x16xf32> to vector<16xf32>
      %mul3A_2220 = arith.constant 11.3137083 : f32
      %mul3A_2221 = vector.broadcast %mul3A_2220 : f32 to vector<16xf32>
      %mul3A_2222 = arith.mulf %get3A_2219, %mul3A_2221 : vector<16xf32>
      %add3A_2223 = arith.addf %mul3A_2222, %get3A_2148 : vector<16xf32>
      %swap3A_2224 = arith.constant 1 : i32
      %swap3A_2225 = arith.constant 3 : i32
      %swap3A_2226 = arith.index_cast %swap3A_2224 : i32 to index
      %swap3A_2227 = arith.index_cast %swap3A_2225 : i32 to index
      %swap3A_2228 = arith.index_cast %scan3A_1604 : i32 to index
      %swap3A_2229 = arith.constant 96 : index
      %swap3A_2230 = tpu.vector_load %arg7[%swap3A_2226, %swap3A_2227, %swap3A_2228, %swap3A_2229] {strides = array<i32>} : memref<3x4x64x128xf32, #tpu.memory_space<vmem>>, vector<1x1x1x16xf32>,
      %swap3A_2231 = vector.shape_cast %swap3A_2230 : vector<1x1x1x16xf32> to vector<16xf32>
      %swap3A_2232 = vector.shape_cast %add3A_2223 : vector<16xf32> to vector<1x1x1x16xf32>
      tpu.vector_store %arg7[%swap3A_2226, %swap3A_2227, %swap3A_2228, %swap3A_2229], %swap3A_2232 {strides = array<i32>} : memref<3x4x64x128xf32, #tpu.memory_space<vmem>>, vector<1x1x1x16xf32>,
      %get3A_2233 = arith.constant 1 : i32
      %get3A_2234 = arith.index_cast %get3A_2233 : i32 to index
      %get3A_2235 = arith.index_cast %scan3A_1604 : i32 to index
      %get3A_2236 = arith.constant 112 : index
      %get3A_2237 = tpu.vector_load %arg8[%get3A_2234, %get3A_2235, %get3A_2236] {strides = array<i32>} : memref<3x64x128xf32, #tpu.memory_space<vmem>>, vector<1x1x16xf32>,
      %get3A_2238 = vector.shape_cast %get3A_2237 : vector<1x1x16xf32> to vector<16xf32>
      %get3A_2239 = arith.constant 1 : i32
      %get3A_2240 = arith.constant 0 : i32
      %get3A_2241 = arith.index_cast %get3A_2239 : i32 to index
      %get3A_2242 = arith.index_cast %get3A_2240 : i32 to index
      %get3A_2243 = arith.index_cast %scan3A_1604 : i32 to index
      %get3A_2244 = arith.constant 112 : index
      %get3A_2245 = tpu.vector_load %arg7[%get3A_2241, %get3A_2242, %get3A_2243, %get3A_2244] {strides = array<i32>} : memref<3x4x64x128xf32, #tpu.memory_space<vmem>>, vector<1x1x1x16xf32>,
      %get3A_2246 = vector.shape_cast %get3A_2245 : vector<1x1x1x16xf32> to vector<16xf32>
      %mul3A_2247 = arith.constant 11.3137083 : f32
      %mul3A_2248 = vector.broadcast %mul3A_2247 : f32 to vector<16xf32>
      %mul3A_2249 = arith.mulf %get3A_2246, %mul3A_2248 : vector<16xf32>
      %add3A_2250 = arith.addf %mul3A_2249, %get3A_2238 : vector<16xf32>
      %swap3A_2251 = arith.constant 1 : i32
      %swap3A_2252 = arith.constant 0 : i32
      %swap3A_2253 = arith.index_cast %swap3A_2251 : i32 to index
      %swap3A_2254 = arith.index_cast %swap3A_2252 : i32 to index
      %swap3A_2255 = arith.index_cast %scan3A_1604 : i32 to index
      %swap3A_2256 = arith.constant 112 : index
      %swap3A_2257 = tpu.vector_load %arg7[%swap3A_2253, %swap3A_2254, %swap3A_2255, %swap3A_2256] {strides = array<i32>} : memref<3x4x64x128xf32, #tpu.memory_space<vmem>>, vector<1x1x1x16xf32>,
      %swap3A_2258 = vector.shape_cast %swap3A_2257 : vector<1x1x1x16xf32> to vector<16xf32>
      %swap3A_2259 = vector.shape_cast %add3A_2250 : vector<16xf32> to vector<1x1x1x16xf32>
      tpu.vector_store %arg7[%swap3A_2253, %swap3A_2254, %swap3A_2255, %swap3A_2256], %swap3A_2259 {strides = array<i32>} : memref<3x4x64x128xf32, #tpu.memory_space<vmem>>, vector<1x1x1x16xf32>,
      %get3A_2260 = arith.constant 1 : i32
      %get3A_2261 = arith.constant 1 : i32
      %get3A_2262 = arith.index_cast %get3A_2260 : i32 to index
      %get3A_2263 = arith.index_cast %get3A_2261 : i32 to index
      %get3A_2264 = arith.index_cast %scan3A_1604 : i32 to index
      %get3A_2265 = arith.constant 112 : index
      %get3A_2266 = tpu.vector_load %arg7[%get3A_2262, %get3A_2263, %get3A_2264, %get3A_2265] {strides = array<i32>} : memref<3x4x64x128xf32, #tpu.memory_space<vmem>>, vector<1x1x1x16xf32>,
      %get3A_2267 = vector.shape_cast %get3A_2266 : vector<1x1x1x16xf32> to vector<16xf32>
      %mul3A_2268 = arith.constant 11.3137083 : f32
      %mul3A_2269 = vector.broadcast %mul3A_2268 : f32 to vector<16xf32>
      %mul3A_2270 = arith.mulf %get3A_2267, %mul3A_2269 : vector<16xf32>
      %add3A_2271 = arith.addf %mul3A_2270, %get3A_2238 : vector<16xf32>
      %swap3A_2272 = arith.constant 1 : i32
      %swap3A_2273 = arith.constant 1 : i32
      %swap3A_2274 = arith.index_cast %swap3A_2272 : i32 to index
      %swap3A_2275 = arith.index_cast %swap3A_2273 : i32 to index
      %swap3A_2276 = arith.index_cast %scan3A_1604 : i32 to index
      %swap3A_2277 = arith.constant 112 : index
      %swap3A_2278 = tpu.vector_load %arg7[%swap3A_2274, %swap3A_2275, %swap3A_2276, %swap3A_2277] {strides = array<i32>} : memref<3x4x64x128xf32, #tpu.memory_space<vmem>>, vector<1x1x1x16xf32>,
      %swap3A_2279 = vector.shape_cast %swap3A_2278 : vector<1x1x1x16xf32> to vector<16xf32>
      %swap3A_2280 = vector.shape_cast %add3A_2271 : vector<16xf32> to vector<1x1x1x16xf32>
      tpu.vector_store %arg7[%swap3A_2274, %swap3A_2275, %swap3A_2276, %swap3A_2277], %swap3A_2280 {strides = array<i32>} : memref<3x4x64x128xf32, #tpu.memory_space<vmem>>, vector<1x1x1x16xf32>,
      %get3A_2281 = arith.constant 1 : i32
      %get3A_2282 = arith.constant 2 : i32
      %get3A_2283 = arith.index_cast %get3A_2281 : i32 to index
      %get3A_2284 = arith.index_cast %get3A_2282 : i32 to index
      %get3A_2285 = arith.index_cast %scan3A_1604 : i32 to index
      %get3A_2286 = arith.constant 112 : index
      %get3A_2287 = tpu.vector_load %arg7[%get3A_2283, %get3A_2284, %get3A_2285, %get3A_2286] {strides = array<i32>} : memref<3x4x64x128xf32, #tpu.memory_space<vmem>>, vector<1x1x1x16xf32>,
      %get3A_2288 = vector.shape_cast %get3A_2287 : vector<1x1x1x16xf32> to vector<16xf32>
      %mul3A_2289 = arith.constant 11.3137083 : f32
      %mul3A_2290 = vector.broadcast %mul3A_2289 : f32 to vector<16xf32>
      %mul3A_2291 = arith.mulf %get3A_2288, %mul3A_2290 : vector<16xf32>
      %add3A_2292 = arith.addf %mul3A_2291, %get3A_2238 : vector<16xf32>
      %swap3A_2293 = arith.constant 1 : i32
      %swap3A_2294 = arith.constant 2 : i32
      %swap3A_2295 = arith.index_cast %swap3A_2293 : i32 to index
      %swap3A_2296 = arith.index_cast %swap3A_2294 : i32 to index
      %swap3A_2297 = arith.index_cast %scan3A_1604 : i32 to index
      %swap3A_2298 = arith.constant 112 : index
      %swap3A_2299 = tpu.vector_load %arg7[%swap3A_2295, %swap3A_2296, %swap3A_2297, %swap3A_2298] {strides = array<i32>} : memref<3x4x64x128xf32, #tpu.memory_space<vmem>>, vector<1x1x1x16xf32>,
      %swap3A_2300 = vector.shape_cast %swap3A_2299 : vector<1x1x1x16xf32> to vector<16xf32>
      %swap3A_2301 = vector.shape_cast %add3A_2292 : vector<16xf32> to vector<1x1x1x16xf32>
      tpu.vector_store %arg7[%swap3A_2295, %swap3A_2296, %swap3A_2297, %swap3A_2298], %swap3A_2301 {strides = array<i32>} : memref<3x4x64x128xf32, #tpu.memory_space<vmem>>, vector<1x1x1x16xf32>,
      %get3A_2302 = arith.constant 1 : i32
      %get3A_2303 = arith.constant 3 : i32
      %get3A_2304 = arith.index_cast %get3A_2302 : i32 to index
      %get3A_2305 = arith.index_cast %get3A_2303 : i32 to index
      %get3A_2306 = arith.index_cast %scan3A_1604 : i32 to index
      %get3A_2307 = arith.constant 112 : index
      %get3A_2308 = tpu.vector_load %arg7[%get3A_2304, %get3A_2305, %get3A_2306, %get3A_2307] {strides = array<i32>} : memref<3x4x64x128xf32, #tpu.memory_space<vmem>>, vector<1x1x1x16xf32>,
      %get3A_2309 = vector.shape_cast %get3A_2308 : vector<1x1x1x16xf32> to vector<16xf32>
      %mul3A_2310 = arith.constant 11.3137083 : f32
      %mul3A_2311 = vector.broadcast %mul3A_2310 : f32 to vector<16xf32>
      %mul3A_2312 = arith.mulf %get3A_2309, %mul3A_2311 : vector<16xf32>
      %add3A_2313 = arith.addf %mul3A_2312, %get3A_2238 : vector<16xf32>
      %swap3A_2314 = arith.constant 1 : i32
      %swap3A_2315 = arith.constant 3 : i32
      %swap3A_2316 = arith.index_cast %swap3A_2314 : i32 to index
      %swap3A_2317 = arith.index_cast %swap3A_2315 : i32 to index
      %swap3A_2318 = arith.index_cast %scan3A_1604 : i32 to index
      %swap3A_2319 = arith.constant 112 : index
      %swap3A_2320 = tpu.vector_load %arg7[%swap3A_2316, %swap3A_2317, %swap3A_2318, %swap3A_2319] {strides = array<i32>} : memref<3x4x64x128xf32, #tpu.memory_space<vmem>>, vector<1x1x1x16xf32>,
      %swap3A_2321 = vector.shape_cast %swap3A_2320 : vector<1x1x1x16xf32> to vector<16xf32>
      %swap3A_2322 = vector.shape_cast %add3A_2313 : vector<16xf32> to vector<1x1x1x16xf32>
      tpu.vector_store %arg7[%swap3A_2316, %swap3A_2317, %swap3A_2318, %swap3A_2319], %swap3A_2322 {strides = array<i32>} : memref<3x4x64x128xf32, #tpu.memory_space<vmem>>, vector<1x1x1x16xf32>,
    }
    %scan3A_884 = arith.constant 64 : i32
    %add3A_885 = arith.constant 64 : i32
    %add3A_886 = arith.addi %mul3A_2, %add3A_885 : i32
    %dma_start3A_887 = arith.constant 1 : i32
    %dma_start3A_888 = arith.constant 0 : i32
    %dma_start3A_889 = arith.constant 0 : i32
    %dma_start3A_890 = arith.constant 0 : i32
    %dma_start3A_891 = arith.constant 0 : i32
    %dma_start3A_892 = tpu.memref_slice %arg7[%dma_start3A_887, %dma_start3A_888, %dma_start3A_890, %dma_start3A_891] : memref<3x4x64x128xf32, #tpu.memory_space<vmem>> -> memref<1x1x64x128xf32, #tpu.memory_space<vmem>>
    %dma_start3A_893 = tpu.memref_squeeze %dma_start3A_892 : memref<1x1x64x128xf32, #tpu.memory_space<vmem>> -> memref<64x128xf32, #tpu.memory_space<vmem>>
    %dma_start3A_894 = arith.constant 0 : i32
    %dma_start3A_895 = tpu.memref_slice %arg5[%dma_start3A_889, %add3A_886, %dma_start3A_894] : memref<4x8192x128xf32, #tpu.memory_space<hbm>> -> memref<1x64x128xf32, #tpu.memory_space<hbm>>
    %dma_start3A_896 = tpu.memref_squeeze %dma_start3A_895 : memref<1x64x128xf32, #tpu.memory_space<hbm>> -> memref<64x128xf32, #tpu.memory_space<hbm>>
    %dma_start3A_897 = arith.constant 0 : i32
    %dma_start3A_898 = tpu.memref_slice %arg5[%dma_start3A_889, %add3A_886, %dma_start3A_897] : memref<4x8192x128xf32, #tpu.memory_space<hbm>> -> memref<1x64x128xf32, #tpu.memory_space<hbm>>
    %dma_start3A_899 = tpu.memref_squeeze %dma_start3A_898 : memref<1x64x128xf32, #tpu.memory_space<hbm>> -> memref<64x128xf32, #tpu.memory_space<hbm>>
    %dma_start3A_900 = arith.constant 0 : i32
    %dma_start3A_901 = arith.constant 0 : i32
    %dma_start3A_902 = tpu.memref_slice %arg7[%dma_start3A_887, %dma_start3A_888, %dma_start3A_900, %dma_start3A_901] : memref<3x4x64x128xf32, #tpu.memory_space<vmem>> -> memref<1x1x64x128xf32, #tpu.memory_space<vmem>>
    %dma_start3A_903 = tpu.memref_squeeze %dma_start3A_902 : memref<1x1x64x128xf32, #tpu.memory_space<vmem>> -> memref<64x128xf32, #tpu.memory_space<vmem>>
    tpu.enqueue_dma source(%dma_start3A_903 : memref<64x128xf32, #tpu.memory_space<vmem>>) target(%dma_start3A_899 : memref<64x128xf32, #tpu.memory_space<hbm>>) target_semaphore(%arg11 : memref<!tpu.dma_semaphore, #tpu.memory_space<semaphore_mem>>)
    %add3A_904 = arith.constant 64 : i32
    %add3A_905 = arith.addi %mul3A_2, %add3A_904 : i32
    %dma_start3A_906 = arith.constant 1 : i32
    %dma_start3A_907 = arith.constant 1 : i32
    %dma_start3A_908 = arith.constant 1 : i32
    %dma_start3A_909 = arith.constant 0 : i32
    %dma_start3A_910 = arith.constant 0 : i32
    %dma_start3A_911 = tpu.memref_slice %arg7[%dma_start3A_906, %dma_start3A_907, %dma_start3A_909, %dma_start3A_910] : memref<3x4x64x128xf32, #tpu.memory_space<vmem>> -> memref<1x1x64x128xf32, #tpu.memory_space<vmem>>
    %dma_start3A_912 = tpu.memref_squeeze %dma_start3A_911 : memref<1x1x64x128xf32, #tpu.memory_space<vmem>> -> memref<64x128xf32, #tpu.memory_space<vmem>>
    %dma_start3A_913 = arith.constant 0 : i32
    %dma_start3A_914 = tpu.memref_slice %arg5[%dma_start3A_908, %add3A_905, %dma_start3A_913] : memref<4x8192x128xf32, #tpu.memory_space<hbm>> -> memref<1x64x128xf32, #tpu.memory_space<hbm>>
    %dma_start3A_915 = tpu.memref_squeeze %dma_start3A_914 : memref<1x64x128xf32, #tpu.memory_space<hbm>> -> memref<64x128xf32, #tpu.memory_space<hbm>>
    %dma_start3A_916 = arith.constant 0 : i32
    %dma_start3A_917 = tpu.memref_slice %arg5[%dma_start3A_908, %add3A_905, %dma_start3A_916] : memref<4x8192x128xf32, #tpu.memory_space<hbm>> -> memref<1x64x128xf32, #tpu.memory_space<hbm>>
    %dma_start3A_918 = tpu.memref_squeeze %dma_start3A_917 : memref<1x64x128xf32, #tpu.memory_space<hbm>> -> memref<64x128xf32, #tpu.memory_space<hbm>>
    %dma_start3A_919 = arith.constant 0 : i32
    %dma_start3A_920 = arith.constant 0 : i32
    %dma_start3A_921 = tpu.memref_slice %arg7[%dma_start3A_906, %dma_start3A_907, %dma_start3A_919, %dma_start3A_920] : memref<3x4x64x128xf32, #tpu.memory_space<vmem>> -> memref<1x1x64x128xf32, #tpu.memory_space<vmem>>
    %dma_start3A_922 = tpu.memref_squeeze %dma_start3A_921 : memref<1x1x64x128xf32, #tpu.memory_space<vmem>> -> memref<64x128xf32, #tpu.memory_space<vmem>>
    tpu.enqueue_dma source(%dma_start3A_922 : memref<64x128xf32, #tpu.memory_space<vmem>>) target(%dma_start3A_918 : memref<64x128xf32, #tpu.memory_space<hbm>>) target_semaphore(%arg11 : memref<!tpu.dma_semaphore, #tpu.memory_space<semaphore_mem>>)
    %add3A_923 = arith.constant 64 : i32
    %add3A_924 = arith.addi %mul3A_2, %add3A_923 : i32
    %dma_start3A_925 = arith.constant 1 : i32
    %dma_start3A_926 = arith.constant 2 : i32
    %dma_start3A_927 = arith.constant 2 : i32
    %dma_start3A_928 = arith.constant 0 : i32
    %dma_start3A_929 = arith.constant 0 : i32
    %dma_start3A_930 = tpu.memref_slice %arg7[%dma_start3A_925, %dma_start3A_926, %dma_start3A_928, %dma_start3A_929] : memref<3x4x64x128xf32, #tpu.memory_space<vmem>> -> memref<1x1x64x128xf32, #tpu.memory_space<vmem>>
    %dma_start3A_931 = tpu.memref_squeeze %dma_start3A_930 : memref<1x1x64x128xf32, #tpu.memory_space<vmem>> -> memref<64x128xf32, #tpu.memory_space<vmem>>
    %dma_start3A_932 = arith.constant 0 : i32
    %dma_start3A_933 = tpu.memref_slice %arg5[%dma_start3A_927, %add3A_924, %dma_start3A_932] : memref<4x8192x128xf32, #tpu.memory_space<hbm>> -> memref<1x64x128xf32, #tpu.memory_space<hbm>>
    %dma_start3A_934 = tpu.memref_squeeze %dma_start3A_933 : memref<1x64x128xf32, #tpu.memory_space<hbm>> -> memref<64x128xf32, #tpu.memory_space<hbm>>
    %dma_start3A_935 = arith.constant 0 : i32
    %dma_start3A_936 = tpu.memref_slice %arg5[%dma_start3A_927, %add3A_924, %dma_start3A_935] : memref<4x8192x128xf32, #tpu.memory_space<hbm>> -> memref<1x64x128xf32, #tpu.memory_space<hbm>>
    %dma_start3A_937 = tpu.memref_squeeze %dma_start3A_936 : memref<1x64x128xf32, #tpu.memory_space<hbm>> -> memref<64x128xf32, #tpu.memory_space<hbm>>
    %dma_start3A_938 = arith.constant 0 : i32
    %dma_start3A_939 = arith.constant 0 : i32
    %dma_start3A_940 = tpu.memref_slice %arg7[%dma_start3A_925, %dma_start3A_926, %dma_start3A_938, %dma_start3A_939] : memref<3x4x64x128xf32, #tpu.memory_space<vmem>> -> memref<1x1x64x128xf32, #tpu.memory_space<vmem>>
    %dma_start3A_941 = tpu.memref_squeeze %dma_start3A_940 : memref<1x1x64x128xf32, #tpu.memory_space<vmem>> -> memref<64x128xf32, #tpu.memory_space<vmem>>
    tpu.enqueue_dma source(%dma_start3A_941 : memref<64x128xf32, #tpu.memory_space<vmem>>) target(%dma_start3A_937 : memref<64x128xf32, #tpu.memory_space<hbm>>) target_semaphore(%arg11 : memref<!tpu.dma_semaphore, #tpu.memory_space<semaphore_mem>>)
    %add3A_942 = arith.constant 64 : i32
    %add3A_943 = arith.addi %mul3A_2, %add3A_942 : i32
    %dma_start3A_944 = arith.constant 1 : i32
    %dma_start3A_945 = arith.constant 3 : i32
    %dma_start3A_946 = arith.constant 3 : i32
    %dma_start3A_947 = arith.constant 0 : i32
    %dma_start3A_948 = arith.constant 0 : i32
    %dma_start3A_949 = tpu.memref_slice %arg7[%dma_start3A_944, %dma_start3A_945, %dma_start3A_947, %dma_start3A_948] : memref<3x4x64x128xf32, #tpu.memory_space<vmem>> -> memref<1x1x64x128xf32, #tpu.memory_space<vmem>>
    %dma_start3A_950 = tpu.memref_squeeze %dma_start3A_949 : memref<1x1x64x128xf32, #tpu.memory_space<vmem>> -> memref<64x128xf32, #tpu.memory_space<vmem>>
    %dma_start3A_951 = arith.constant 0 : i32
    %dma_start3A_952 = tpu.memref_slice %arg5[%dma_start3A_946, %add3A_943, %dma_start3A_951] : memref<4x8192x128xf32, #tpu.memory_space<hbm>> -> memref<1x64x128xf32, #tpu.memory_space<hbm>>
    %dma_start3A_953 = tpu.memref_squeeze %dma_start3A_952 : memref<1x64x128xf32, #tpu.memory_space<hbm>> -> memref<64x128xf32, #tpu.memory_space<hbm>>
    %dma_start3A_954 = arith.constant 0 : i32
    %dma_start3A_955 = tpu.memref_slice %arg5[%dma_start3A_946, %add3A_943, %dma_start3A_954] : memref<4x8192x128xf32, #tpu.memory_space<hbm>> -> memref<1x64x128xf32, #tpu.memory_space<hbm>>
    %dma_start3A_956 = tpu.memref_squeeze %dma_start3A_955 : memref<1x64x128xf32, #tpu.memory_space<hbm>> -> memref<64x128xf32, #tpu.memory_space<hbm>>
    %dma_start3A_957 = arith.constant 0 : i32
    %dma_start3A_958 = arith.constant 0 : i32
    %dma_start3A_959 = tpu.memref_slice %arg7[%dma_start3A_944, %dma_start3A_945, %dma_start3A_957, %dma_start3A_958] : memref<3x4x64x128xf32, #tpu.memory_space<vmem>> -> memref<1x1x64x128xf32, #tpu.memory_space<vmem>>
    %dma_start3A_960 = tpu.memref_squeeze %dma_start3A_959 : memref<1x1x64x128xf32, #tpu.memory_space<vmem>> -> memref<64x128xf32, #tpu.memory_space<vmem>>
    tpu.enqueue_dma source(%dma_start3A_960 : memref<64x128xf32, #tpu.memory_space<vmem>>) target(%dma_start3A_956 : memref<64x128xf32, #tpu.memory_space<hbm>>) target_semaphore(%arg11 : memref<!tpu.dma_semaphore, #tpu.memory_space<semaphore_mem>>)
    %dma_wait3A_961 = arith.constant 0 : i32
    %dma_wait3A_962 = arith.constant 0 : i32
    %dma_wait3A_963 = arith.constant 0 : i32
    %dma_wait3A_964 = arith.constant 0 : i32
    %dma_wait3A_965 = arith.constant 0 : i32
    %dma_wait3A_966 = tpu.memref_slice %arg7[%dma_wait3A_961, %dma_wait3A_962, %dma_wait3A_964, %dma_wait3A_965] : memref<3x4x64x128xf32, #tpu.memory_space<vmem>> -> memref<1x1x64x128xf32, #tpu.memory_space<vmem>>
    %dma_wait3A_967 = tpu.memref_squeeze %dma_wait3A_966 : memref<1x1x64x128xf32, #tpu.memory_space<vmem>> -> memref<64x128xf32, #tpu.memory_space<vmem>>
    %dma_wait3A_968 = arith.constant 0 : i32
    %dma_wait3A_969 = tpu.memref_slice %arg5[%dma_wait3A_963, %add3A_665, %dma_wait3A_968] : memref<4x8192x128xf32, #tpu.memory_space<hbm>> -> memref<1x64x128xf32, #tpu.memory_space<hbm>>
    %dma_wait3A_970 = tpu.memref_squeeze %dma_wait3A_969 : memref<1x64x128xf32, #tpu.memory_space<hbm>> -> memref<64x128xf32, #tpu.memory_space<hbm>>
    %dma_wait3A_971 = arith.constant 0 : i32
    %dma_wait3A_972 = tpu.memref_slice %arg5[%dma_wait3A_963, %add3A_665, %dma_wait3A_971] : memref<4x8192x128xf32, #tpu.memory_space<hbm>> -> memref<1x64x128xf32, #tpu.memory_space<hbm>>
    %dma_wait3A_973 = tpu.memref_squeeze %dma_wait3A_972 : memref<1x64x128xf32, #tpu.memory_space<hbm>> -> memref<64x128xf32, #tpu.memory_space<hbm>>
    %dma_wait3A_974 = arith.constant 0 : i32
    %dma_wait3A_975 = arith.constant 0 : i32
    %dma_wait3A_976 = tpu.memref_slice %arg7[%dma_wait3A_961, %dma_wait3A_962, %dma_wait3A_974, %dma_wait3A_975] : memref<3x4x64x128xf32, #tpu.memory_space<vmem>> -> memref<1x1x64x128xf32, #tpu.memory_space<vmem>>
    %dma_wait3A_977 = tpu.memref_squeeze %dma_wait3A_976 : memref<1x1x64x128xf32, #tpu.memory_space<vmem>> -> memref<64x128xf32, #tpu.memory_space<vmem>>
    tpu.wait_dma2 semaphore(%arg11 : memref<!tpu.dma_semaphore, #tpu.memory_space<semaphore_mem>>) src(%dma_wait3A_977 : memref<64x128xf32, #tpu.memory_space<vmem>>) dst(%dma_wait3A_973 : memref<64x128xf32, #tpu.memory_space<hbm>>)
    %dma_wait3A_978 = arith.constant 0 : i32
    %dma_wait3A_979 = arith.constant 1 : i32
    %dma_wait3A_980 = arith.constant 1 : i32
    %dma_wait3A_981 = arith.constant 0 : i32
    %dma_wait3A_982 = arith.constant 0 : i32
    %dma_wait3A_983 = tpu.memref_slice %arg7[%dma_wait3A_978, %dma_wait3A_979, %dma_wait3A_981, %dma_wait3A_982] : memref<3x4x64x128xf32, #tpu.memory_space<vmem>> -> memref<1x1x64x128xf32, #tpu.memory_space<vmem>>
    %dma_wait3A_984 = tpu.memref_squeeze %dma_wait3A_983 : memref<1x1x64x128xf32, #tpu.memory_space<vmem>> -> memref<64x128xf32, #tpu.memory_space<vmem>>
    %dma_wait3A_985 = arith.constant 0 : i32
    %dma_wait3A_986 = tpu.memref_slice %arg5[%dma_wait3A_980, %add3A_684, %dma_wait3A_985] : memref<4x8192x128xf32, #tpu.memory_space<hbm>> -> memref<1x64x128xf32, #tpu.memory_space<hbm>>
    %dma_wait3A_987 = tpu.memref_squeeze %dma_wait3A_986 : memref<1x64x128xf32, #tpu.memory_space<hbm>> -> memref<64x128xf32, #tpu.memory_space<hbm>>
    %dma_wait3A_988 = arith.constant 0 : i32
    %dma_wait3A_989 = tpu.memref_slice %arg5[%dma_wait3A_980, %add3A_684, %dma_wait3A_988] : memref<4x8192x128xf32, #tpu.memory_space<hbm>> -> memref<1x64x128xf32, #tpu.memory_space<hbm>>
    %dma_wait3A_990 = tpu.memref_squeeze %dma_wait3A_989 : memref<1x64x128xf32, #tpu.memory_space<hbm>> -> memref<64x128xf32, #tpu.memory_space<hbm>>
    %dma_wait3A_991 = arith.constant 0 : i32
    %dma_wait3A_992 = arith.constant 0 : i32
    %dma_wait3A_993 = tpu.memref_slice %arg7[%dma_wait3A_978, %dma_wait3A_979, %dma_wait3A_991, %dma_wait3A_992] : memref<3x4x64x128xf32, #tpu.memory_space<vmem>> -> memref<1x1x64x128xf32, #tpu.memory_space<vmem>>
    %dma_wait3A_994 = tpu.memref_squeeze %dma_wait3A_993 : memref<1x1x64x128xf32, #tpu.memory_space<vmem>> -> memref<64x128xf32, #tpu.memory_space<vmem>>
    tpu.wait_dma2 semaphore(%arg11 : memref<!tpu.dma_semaphore, #tpu.memory_space<semaphore_mem>>) src(%dma_wait3A_994 : memref<64x128xf32, #tpu.memory_space<vmem>>) dst(%dma_wait3A_990 : memref<64x128xf32, #tpu.memory_space<hbm>>)
    %dma_wait3A_995 = arith.constant 0 : i32
    %dma_wait3A_996 = arith.constant 2 : i32
    %dma_wait3A_997 = arith.constant 2 : i32
    %dma_wait3A_998 = arith.constant 0 : i32
    %dma_wait3A_999 = arith.constant 0 : i32
    %dma_wait3A_1000 = tpu.memref_slice %arg7[%dma_wait3A_995, %dma_wait3A_996, %dma_wait3A_998, %dma_wait3A_999] : memref<3x4x64x128xf32, #tpu.memory_space<vmem>> -> memref<1x1x64x128xf32, #tpu.memory_space<vmem>>
    %dma_wait3A_1001 = tpu.memref_squeeze %dma_wait3A_1000 : memref<1x1x64x128xf32, #tpu.memory_space<vmem>> -> memref<64x128xf32, #tpu.memory_space<vmem>>
    %dma_wait3A_1002 = arith.constant 0 : i32
    %dma_wait3A_1003 = tpu.memref_slice %arg5[%dma_wait3A_997, %add3A_703, %dma_wait3A_1002] : memref<4x8192x128xf32, #tpu.memory_space<hbm>> -> memref<1x64x128xf32, #tpu.memory_space<hbm>>
    %dma_wait3A_1004 = tpu.memref_squeeze %dma_wait3A_1003 : memref<1x64x128xf32, #tpu.memory_space<hbm>> -> memref<64x128xf32, #tpu.memory_space<hbm>>
    %dma_wait3A_1005 = arith.constant 0 : i32
    %dma_wait3A_1006 = tpu.memref_slice %arg5[%dma_wait3A_997, %add3A_703, %dma_wait3A_1005] : memref<4x8192x128xf32, #tpu.memory_space<hbm>> -> memref<1x64x128xf32, #tpu.memory_space<hbm>>
    %dma_wait3A_1007 = tpu.memref_squeeze %dma_wait3A_1006 : memref<1x64x128xf32, #tpu.memory_space<hbm>> -> memref<64x128xf32, #tpu.memory_space<hbm>>
    %dma_wait3A_1008 = arith.constant 0 : i32
    %dma_wait3A_1009 = arith.constant 0 : i32
    %dma_wait3A_1010 = tpu.memref_slice %arg7[%dma_wait3A_995, %dma_wait3A_996, %dma_wait3A_1008, %dma_wait3A_1009] : memref<3x4x64x128xf32, #tpu.memory_space<vmem>> -> memref<1x1x64x128xf32, #tpu.memory_space<vmem>>
    %dma_wait3A_1011 = tpu.memref_squeeze %dma_wait3A_1010 : memref<1x1x64x128xf32, #tpu.memory_space<vmem>> -> memref<64x128xf32, #tpu.memory_space<vmem>>
    tpu.wait_dma2 semaphore(%arg11 : memref<!tpu.dma_semaphore, #tpu.memory_space<semaphore_mem>>) src(%dma_wait3A_1011 : memref<64x128xf32, #tpu.memory_space<vmem>>) dst(%dma_wait3A_1007 : memref<64x128xf32, #tpu.memory_space<hbm>>)
    %dma_wait3A_1012 = arith.constant 0 : i32
    %dma_wait3A_1013 = arith.constant 3 : i32
    %dma_wait3A_1014 = arith.constant 3 : i32
    %dma_wait3A_1015 = arith.constant 0 : i32
    %dma_wait3A_1016 = arith.constant 0 : i32
    %dma_wait3A_1017 = tpu.memref_slice %arg7[%dma_wait3A_1012, %dma_wait3A_1013, %dma_wait3A_1015, %dma_wait3A_1016] : memref<3x4x64x128xf32, #tpu.memory_space<vmem>> -> memref<1x1x64x128xf32, #tpu.memory_space<vmem>>
    %dma_wait3A_1018 = tpu.memref_squeeze %dma_wait3A_1017 : memref<1x1x64x128xf32, #tpu.memory_space<vmem>> -> memref<64x128xf32, #tpu.memory_space<vmem>>
    %dma_wait3A_1019 = arith.constant 0 : i32
    %dma_wait3A_1020 = tpu.memref_slice %arg5[%dma_wait3A_1014, %add3A_722, %dma_wait3A_1019] : memref<4x8192x128xf32, #tpu.memory_space<hbm>> -> memref<1x64x128xf32, #tpu.memory_space<hbm>>
    %dma_wait3A_1021 = tpu.memref_squeeze %dma_wait3A_1020 : memref<1x64x128xf32, #tpu.memory_space<hbm>> -> memref<64x128xf32, #tpu.memory_space<hbm>>
    %dma_wait3A_1022 = arith.constant 0 : i32
    %dma_wait3A_1023 = tpu.memref_slice %arg5[%dma_wait3A_1014, %add3A_722, %dma_wait3A_1022] : memref<4x8192x128xf32, #tpu.memory_space<hbm>> -> memref<1x64x128xf32, #tpu.memory_space<hbm>>
    %dma_wait3A_1024 = tpu.memref_squeeze %dma_wait3A_1023 : memref<1x64x128xf32, #tpu.memory_space<hbm>> -> memref<64x128xf32, #tpu.memory_space<hbm>>
    %dma_wait3A_1025 = arith.constant 0 : i32
    %dma_wait3A_1026 = arith.constant 0 : i32
    %dma_wait3A_1027 = tpu.memref_slice %arg7[%dma_wait3A_1012, %dma_wait3A_1013, %dma_wait3A_1025, %dma_wait3A_1026] : memref<3x4x64x128xf32, #tpu.memory_space<vmem>> -> memref<1x1x64x128xf32, #tpu.memory_space<vmem>>
    %dma_wait3A_1028 = tpu.memref_squeeze %dma_wait3A_1027 : memref<1x1x64x128xf32, #tpu.memory_space<vmem>> -> memref<64x128xf32, #tpu.memory_space<vmem>>
    tpu.wait_dma2 semaphore(%arg11 : memref<!tpu.dma_semaphore, #tpu.memory_space<semaphore_mem>>) src(%dma_wait3A_1028 : memref<64x128xf32, #tpu.memory_space<vmem>>) dst(%dma_wait3A_1024 : memref<64x128xf32, #tpu.memory_space<hbm>>)
    %dma_start3A_1029 = arith.constant 0 : i32
    %dma_start3A_1030 = arith.constant 3 : i32
    %dma_start3A_1031 = arith.constant 0 : i32
    %dma_start3A_1032 = arith.constant 0 : i32
    %dma_start3A_1033 = arith.constant 0 : i32
    %dma_start3A_1034 = arith.constant 0 : i32
    %dma_start3A_1035 = tpu.memref_slice %arg7[%dma_start3A_1031, %dma_start3A_1032, %dma_start3A_1033, %dma_start3A_1034] : memref<3x4x64x128xf32, #tpu.memory_space<vmem>> -> memref<1x1x64x128xf32, #tpu.memory_space<vmem>>
    %dma_start3A_1036 = tpu.memref_squeeze %dma_start3A_1035 : memref<1x1x64x128xf32, #tpu.memory_space<vmem>> -> memref<64x128xf32, #tpu.memory_space<vmem>>
    %dma_start3A_1037 = arith.constant 0 : i32
    %dma_start3A_1038 = tpu.memref_slice %arg6[%dma_start3A_1029, %dma_start3A_1030, %dma_start3A_1037] : memref<4x4x64xi32, #tpu.memory_space<vmem>> -> memref<1x1x64xi32, #tpu.memory_space<vmem>>
    %dma_start3A_1039 = tpu.memref_squeeze %dma_start3A_1038 : memref<1x1x64xi32, #tpu.memory_space<vmem>> -> memref<64xi32, #tpu.memory_space<vmem>>
    %dma_start3A_1040 = arith.constant 0 : i32
    %dma_start3A_1041 = arith.constant 0 : i32
    %dma_start3A_1042 = tpu.memref_slice %arg3[%dma_start3A_1040, %dma_start3A_1041] : memref<100000x128xf32, #tpu.memory_space<hbm>> -> memref<100000x128xf32, #tpu.memory_space<hbm>>
    tpu.enqueue_indirect_dma source(%dma_start3A_1042 : memref<100000x128xf32, #tpu.memory_space<hbm>>) target(%dma_start3A_1036 : memref<64x128xf32, #tpu.memory_space<vmem>>) offsets(%dma_start3A_1039 : memref<64xi32, #tpu.memory_space<vmem>>) semaphore(%arg10 : memref<!tpu.dma_semaphore, #tpu.memory_space<semaphore_mem>>)
    %dma_start3A_1043 = arith.constant 1 : i32
    %dma_start3A_1044 = arith.constant 3 : i32
    %dma_start3A_1045 = arith.constant 0 : i32
    %dma_start3A_1046 = arith.constant 1 : i32
    %dma_start3A_1047 = arith.constant 0 : i32
    %dma_start3A_1048 = arith.constant 0 : i32
    %dma_start3A_1049 = tpu.memref_slice %arg7[%dma_start3A_1045, %dma_start3A_1046, %dma_start3A_1047, %dma_start3A_1048] : memref<3x4x64x128xf32, #tpu.memory_space<vmem>> -> memref<1x1x64x128xf32, #tpu.memory_space<vmem>>
    %dma_start3A_1050 = tpu.memref_squeeze %dma_start3A_1049 : memref<1x1x64x128xf32, #tpu.memory_space<vmem>> -> memref<64x128xf32, #tpu.memory_space<vmem>>
    %dma_start3A_1051 = arith.constant 0 : i32
    %dma_start3A_1052 = tpu.memref_slice %arg6[%dma_start3A_1043, %dma_start3A_1044, %dma_start3A_1051] : memref<4x4x64xi32, #tpu.memory_space<vmem>> -> memref<1x1x64xi32, #tpu.memory_space<vmem>>
    %dma_start3A_1053 = tpu.memref_squeeze %dma_start3A_1052 : memref<1x1x64xi32, #tpu.memory_space<vmem>> -> memref<64xi32, #tpu.memory_space<vmem>>
    %dma_start3A_1054 = arith.constant 0 : i32
    %dma_start3A_1055 = arith.constant 0 : i32
    %dma_start3A_1056 = tpu.memref_slice %arg3[%dma_start3A_1054, %dma_start3A_1055] : memref<100000x128xf32, #tpu.memory_space<hbm>> -> memref<100000x128xf32, #tpu.memory_space<hbm>>
    tpu.enqueue_indirect_dma source(%dma_start3A_1056 : memref<100000x128xf32, #tpu.memory_space<hbm>>) target(%dma_start3A_1050 : memref<64x128xf32, #tpu.memory_space<vmem>>) offsets(%dma_start3A_1053 : memref<64xi32, #tpu.memory_space<vmem>>) semaphore(%arg10 : memref<!tpu.dma_semaphore, #tpu.memory_space<semaphore_mem>>)
    %dma_start3A_1057 = arith.constant 2 : i32
    %dma_start3A_1058 = arith.constant 3 : i32
    %dma_start3A_1059 = arith.constant 0 : i32
    %dma_start3A_1060 = arith.constant 2 : i32
    %dma_start3A_1061 = arith.constant 0 : i32
    %dma_start3A_1062 = arith.constant 0 : i32
    %dma_start3A_1063 = tpu.memref_slice %arg7[%dma_start3A_1059, %dma_start3A_1060, %dma_start3A_1061, %dma_start3A_1062] : memref<3x4x64x128xf32, #tpu.memory_space<vmem>> -> memref<1x1x64x128xf32, #tpu.memory_space<vmem>>
    %dma_start3A_1064 = tpu.memref_squeeze %dma_start3A_1063 : memref<1x1x64x128xf32, #tpu.memory_space<vmem>> -> memref<64x128xf32, #tpu.memory_space<vmem>>
    %dma_start3A_1065 = arith.constant 0 : i32
    %dma_start3A_1066 = tpu.memref_slice %arg6[%dma_start3A_1057, %dma_start3A_1058, %dma_start3A_1065] : memref<4x4x64xi32, #tpu.memory_space<vmem>> -> memref<1x1x64xi32, #tpu.memory_space<vmem>>
    %dma_start3A_1067 = tpu.memref_squeeze %dma_start3A_1066 : memref<1x1x64xi32, #tpu.memory_space<vmem>> -> memref<64xi32, #tpu.memory_space<vmem>>
    %dma_start3A_1068 = arith.constant 0 : i32
    %dma_start3A_1069 = arith.constant 0 : i32
    %dma_start3A_1070 = tpu.memref_slice %arg3[%dma_start3A_1068, %dma_start3A_1069] : memref<100000x128xf32, #tpu.memory_space<hbm>> -> memref<100000x128xf32, #tpu.memory_space<hbm>>
    tpu.enqueue_indirect_dma source(%dma_start3A_1070 : memref<100000x128xf32, #tpu.memory_space<hbm>>) target(%dma_start3A_1064 : memref<64x128xf32, #tpu.memory_space<vmem>>) offsets(%dma_start3A_1067 : memref<64xi32, #tpu.memory_space<vmem>>) semaphore(%arg10 : memref<!tpu.dma_semaphore, #tpu.memory_space<semaphore_mem>>)
    %dma_start3A_1071 = arith.constant 3 : i32
    %dma_start3A_1072 = arith.constant 3 : i32
    %dma_start3A_1073 = arith.constant 0 : i32
    %dma_start3A_1074 = arith.constant 3 : i32
    %dma_start3A_1075 = arith.constant 0 : i32
    %dma_start3A_1076 = arith.constant 0 : i32
    %dma_start3A_1077 = tpu.memref_slice %arg7[%dma_start3A_1073, %dma_start3A_1074, %dma_start3A_1075, %dma_start3A_1076] : memref<3x4x64x128xf32, #tpu.memory_space<vmem>> -> memref<1x1x64x128xf32, #tpu.memory_space<vmem>>
    %dma_start3A_1078 = tpu.memref_squeeze %dma_start3A_1077 : memref<1x1x64x128xf32, #tpu.memory_space<vmem>> -> memref<64x128xf32, #tpu.memory_space<vmem>>
    %dma_start3A_1079 = arith.constant 0 : i32
    %dma_start3A_1080 = tpu.memref_slice %arg6[%dma_start3A_1071, %dma_start3A_1072, %dma_start3A_1079] : memref<4x4x64xi32, #tpu.memory_space<vmem>> -> memref<1x1x64xi32, #tpu.memory_space<vmem>>
    %dma_start3A_1081 = tpu.memref_squeeze %dma_start3A_1080 : memref<1x1x64xi32, #tpu.memory_space<vmem>> -> memref<64xi32, #tpu.memory_space<vmem>>
    %dma_start3A_1082 = arith.constant 0 : i32
    %dma_start3A_1083 = arith.constant 0 : i32
    %dma_start3A_1084 = tpu.memref_slice %arg3[%dma_start3A_1082, %dma_start3A_1083] : memref<100000x128xf32, #tpu.memory_space<hbm>> -> memref<100000x128xf32, #tpu.memory_space<hbm>>
    tpu.enqueue_indirect_dma source(%dma_start3A_1084 : memref<100000x128xf32, #tpu.memory_space<hbm>>) target(%dma_start3A_1078 : memref<64x128xf32, #tpu.memory_space<vmem>>) offsets(%dma_start3A_1081 : memref<64xi32, #tpu.memory_space<vmem>>) semaphore(%arg10 : memref<!tpu.dma_semaphore, #tpu.memory_space<semaphore_mem>>)
    %add3A_1085 = arith.constant 192 : i32
    %add3A_1086 = arith.addi %mul3A_2, %add3A_1085 : i32
    %dma_start3A_1087 = arith.constant 0 : i32
    %dma_start3A_1088 = arith.constant 0 : i32
    %dma_start3A_1089 = arith.constant 0 : i32
    %dma_start3A_1090 = tpu.memref_slice %arg8[%dma_start3A_1087, %dma_start3A_1088, %dma_start3A_1089] : memref<3x64x128xf32, #tpu.memory_space<vmem>> -> memref<1x64x128xf32, #tpu.memory_space<vmem>>
    %dma_start3A_1091 = tpu.memref_squeeze %dma_start3A_1090 : memref<1x64x128xf32, #tpu.memory_space<vmem>> -> memref<64x128xf32, #tpu.memory_space<vmem>>
    %dma_start3A_1092 = arith.constant 0 : i32
    %dma_start3A_1093 = tpu.memref_slice %arg4[%add3A_1086, %dma_start3A_1092] : memref<8192x128xf32, #tpu.memory_space<hbm>> -> memref<64x128xf32, #tpu.memory_space<hbm>>
    %dma_start3A_1094 = arith.constant 0 : i32
    %dma_start3A_1095 = arith.constant 0 : i32
    %dma_start3A_1096 = tpu.memref_slice %arg8[%dma_start3A_1087, %dma_start3A_1094, %dma_start3A_1095] : memref<3x64x128xf32, #tpu.memory_space<vmem>> -> memref<1x64x128xf32, #tpu.memory_space<vmem>>
    %dma_start3A_1097 = tpu.memref_squeeze %dma_start3A_1096 : memref<1x64x128xf32, #tpu.memory_space<vmem>> -> memref<64x128xf32, #tpu.memory_space<vmem>>
    %dma_start3A_1098 = arith.constant 0 : i32
    %dma_start3A_1099 = tpu.memref_slice %arg4[%add3A_1086, %dma_start3A_1098] : memref<8192x128xf32, #tpu.memory_space<hbm>> -> memref<64x128xf32, #tpu.memory_space<hbm>>
    tpu.enqueue_dma source(%dma_start3A_1099 : memref<64x128xf32, #tpu.memory_space<hbm>>) target(%dma_start3A_1097 : memref<64x128xf32, #tpu.memory_space<vmem>>) target_semaphore(%arg10 : memref<!tpu.dma_semaphore, #tpu.memory_space<semaphore_mem>>)
    %dma_wait3A_1100 = arith.constant 0 : i32
    %dma_wait3A_1101 = arith.constant 2 : i32
    %dma_wait3A_1102 = arith.constant 2 : i32
    %dma_wait3A_1103 = arith.constant 0 : i32
    %dma_wait3A_1104 = arith.constant 0 : i32
    %dma_wait3A_1105 = arith.constant 0 : i32
    %dma_wait3A_1106 = tpu.memref_slice %arg7[%dma_wait3A_1102, %dma_wait3A_1103, %dma_wait3A_1104, %dma_wait3A_1105] : memref<3x4x64x128xf32, #tpu.memory_space<vmem>> -> memref<1x1x64x128xf32, #tpu.memory_space<vmem>>
    %dma_wait3A_1107 = tpu.memref_squeeze %dma_wait3A_1106 : memref<1x1x64x128xf32, #tpu.memory_space<vmem>> -> memref<64x128xf32, #tpu.memory_space<vmem>>
    %dma_wait3A_1108 = arith.constant 0 : i32
    %dma_wait3A_1109 = tpu.memref_slice %arg6[%dma_wait3A_1100, %dma_wait3A_1101, %dma_wait3A_1108] : memref<4x4x64xi32, #tpu.memory_space<vmem>> -> memref<1x1x64xi32, #tpu.memory_space<vmem>>
    %dma_wait3A_1110 = tpu.memref_squeeze %dma_wait3A_1109 : memref<1x1x64xi32, #tpu.memory_space<vmem>> -> memref<64xi32, #tpu.memory_space<vmem>>
    %dma_wait3A_1111 = arith.constant 0 : i32
    %dma_wait3A_1112 = arith.constant 0 : i32
    %dma_wait3A_1113 = tpu.memref_slice %arg3[%dma_wait3A_1111, %dma_wait3A_1112] : memref<100000x128xf32, #tpu.memory_space<hbm>> -> memref<100000x128xf32, #tpu.memory_space<hbm>>
    tpu.wait_indirect_dma semaphore(%arg10 : memref<!tpu.dma_semaphore, #tpu.memory_space<semaphore_mem>>) src(%dma_wait3A_1113 : memref<100000x128xf32, #tpu.memory_space<hbm>>) dst(%dma_wait3A_1107 : memref<64x128xf32, #tpu.memory_space<vmem>>)
    %dma_wait3A_1114 = arith.constant 1 : i32
    %dma_wait3A_1115 = arith.constant 2 : i32
    %dma_wait3A_1116 = arith.constant 2 : i32
    %dma_wait3A_1117 = arith.constant 1 : i32
    %dma_wait3A_1118 = arith.constant 0 : i32
    %dma_wait3A_1119 = arith.constant 0 : i32
    %dma_wait3A_1120 = tpu.memref_slice %arg7[%dma_wait3A_1116, %dma_wait3A_1117, %dma_wait3A_1118, %dma_wait3A_1119] : memref<3x4x64x128xf32, #tpu.memory_space<vmem>> -> memref<1x1x64x128xf32, #tpu.memory_space<vmem>>
    %dma_wait3A_1121 = tpu.memref_squeeze %dma_wait3A_1120 : memref<1x1x64x128xf32, #tpu.memory_space<vmem>> -> memref<64x128xf32, #tpu.memory_space<vmem>>
    %dma_wait3A_1122 = arith.constant 0 : i32
    %dma_wait3A_1123 = tpu.memref_slice %arg6[%dma_wait3A_1114, %dma_wait3A_1115, %dma_wait3A_1122] : memref<4x4x64xi32, #tpu.memory_space<vmem>> -> memref<1x1x64xi32, #tpu.memory_space<vmem>>
    %dma_wait3A_1124 = tpu.memref_squeeze %dma_wait3A_1123 : memref<1x1x64xi32, #tpu.memory_space<vmem>> -> memref<64xi32, #tpu.memory_space<vmem>>
    %dma_wait3A_1125 = arith.constant 0 : i32
    %dma_wait3A_1126 = arith.constant 0 : i32
    %dma_wait3A_1127 = tpu.memref_slice %arg3[%dma_wait3A_1125, %dma_wait3A_1126] : memref<100000x128xf32, #tpu.memory_space<hbm>> -> memref<100000x128xf32, #tpu.memory_space<hbm>>
    tpu.wait_indirect_dma semaphore(%arg10 : memref<!tpu.dma_semaphore, #tpu.memory_space<semaphore_mem>>) src(%dma_wait3A_1127 : memref<100000x128xf32, #tpu.memory_space<hbm>>) dst(%dma_wait3A_1121 : memref<64x128xf32, #tpu.memory_space<vmem>>)
    %dma_wait3A_1128 = arith.constant 2 : i32
    %dma_wait3A_1129 = arith.constant 2 : i32
    %dma_wait3A_1130 = arith.constant 2 : i32
    %dma_wait3A_1131 = arith.constant 2 : i32
    %dma_wait3A_1132 = arith.constant 0 : i32
    %dma_wait3A_1133 = arith.constant 0 : i32
    %dma_wait3A_1134 = tpu.memref_slice %arg7[%dma_wait3A_1130, %dma_wait3A_1131, %dma_wait3A_1132, %dma_wait3A_1133] : memref<3x4x64x128xf32, #tpu.memory_space<vmem>> -> memref<1x1x64x128xf32, #tpu.memory_space<vmem>>
    %dma_wait3A_1135 = tpu.memref_squeeze %dma_wait3A_1134 : memref<1x1x64x128xf32, #tpu.memory_space<vmem>> -> memref<64x128xf32, #tpu.memory_space<vmem>>
    %dma_wait3A_1136 = arith.constant 0 : i32
    %dma_wait3A_1137 = tpu.memref_slice %arg6[%dma_wait3A_1128, %dma_wait3A_1129, %dma_wait3A_1136] : memref<4x4x64xi32, #tpu.memory_space<vmem>> -> memref<1x1x64xi32, #tpu.memory_space<vmem>>
    %dma_wait3A_1138 = tpu.memref_squeeze %dma_wait3A_1137 : memref<1x1x64xi32, #tpu.memory_space<vmem>> -> memref<64xi32, #tpu.memory_space<vmem>>
    %dma_wait3A_1139 = arith.constant 0 : i32
    %dma_wait3A_1140 = arith.constant 0 : i32
    %dma_wait3A_1141 = tpu.memref_slice %arg3[%dma_wait3A_1139, %dma_wait3A_1140] : memref<100000x128xf32, #tpu.memory_space<hbm>> -> memref<100000x128xf32, #tpu.memory_space<hbm>>
    tpu.wait_indirect_dma semaphore(%arg10 : memref<!tpu.dma_semaphore, #tpu.memory_space<semaphore_mem>>) src(%dma_wait3A_1141 : memref<100000x128xf32, #tpu.memory_space<hbm>>) dst(%dma_wait3A_1135 : memref<64x128xf32, #tpu.memory_space<vmem>>)
    %dma_wait3A_1142 = arith.constant 3 : i32
    %dma_wait3A_1143 = arith.constant 2 : i32
    %dma_wait3A_1144 = arith.constant 2 : i32
    %dma_wait3A_1145 = arith.constant 3 : i32
    %dma_wait3A_1146 = arith.constant 0 : i32
    %dma_wait3A_1147 = arith.constant 0 : i32
    %dma_wait3A_1148 = tpu.memref_slice %arg7[%dma_wait3A_1144, %dma_wait3A_1145, %dma_wait3A_1146, %dma_wait3A_1147] : memref<3x4x64x128xf32, #tpu.memory_space<vmem>> -> memref<1x1x64x128xf32, #tpu.memory_space<vmem>>
    %dma_wait3A_1149 = tpu.memref_squeeze %dma_wait3A_1148 : memref<1x1x64x128xf32, #tpu.memory_space<vmem>> -> memref<64x128xf32, #tpu.memory_space<vmem>>
    %dma_wait3A_1150 = arith.constant 0 : i32
    %dma_wait3A_1151 = tpu.memref_slice %arg6[%dma_wait3A_1142, %dma_wait3A_1143, %dma_wait3A_1150] : memref<4x4x64xi32, #tpu.memory_space<vmem>> -> memref<1x1x64xi32, #tpu.memory_space<vmem>>
    %dma_wait3A_1152 = tpu.memref_squeeze %dma_wait3A_1151 : memref<1x1x64xi32, #tpu.memory_space<vmem>> -> memref<64xi32, #tpu.memory_space<vmem>>
    %dma_wait3A_1153 = arith.constant 0 : i32
    %dma_wait3A_1154 = arith.constant 0 : i32
    %dma_wait3A_1155 = tpu.memref_slice %arg3[%dma_wait3A_1153, %dma_wait3A_1154] : memref<100000x128xf32, #tpu.memory_space<hbm>> -> memref<100000x128xf32, #tpu.memory_space<hbm>>
    tpu.wait_indirect_dma semaphore(%arg10 : memref<!tpu.dma_semaphore, #tpu.memory_space<semaphore_mem>>) src(%dma_wait3A_1155 : memref<100000x128xf32, #tpu.memory_space<hbm>>) dst(%dma_wait3A_1149 : memref<64x128xf32, #tpu.memory_space<vmem>>)
    %dma_wait3A_1156 = arith.constant 2 : i32
    %dma_wait3A_1157 = arith.constant 0 : i32
    %dma_wait3A_1158 = arith.constant 0 : i32
    %dma_wait3A_1159 = tpu.memref_slice %arg8[%dma_wait3A_1156, %dma_wait3A_1157, %dma_wait3A_1158] : memref<3x64x128xf32, #tpu.memory_space<vmem>> -> memref<1x64x128xf32, #tpu.memory_space<vmem>>
    %dma_wait3A_1160 = tpu.memref_squeeze %dma_wait3A_1159 : memref<1x64x128xf32, #tpu.memory_space<vmem>> -> memref<64x128xf32, #tpu.memory_space<vmem>>
    %dma_wait3A_1161 = arith.constant 0 : i32
    %dma_wait3A_1162 = tpu.memref_slice %arg4[%add3A_797, %dma_wait3A_1161] : memref<8192x128xf32, #tpu.memory_space<hbm>> -> memref<64x128xf32, #tpu.memory_space<hbm>>
    %dma_wait3A_1163 = arith.constant 0 : i32
    %dma_wait3A_1164 = arith.constant 0 : i32
    %dma_wait3A_1165 = tpu.memref_slice %arg8[%dma_wait3A_1156, %dma_wait3A_1163, %dma_wait3A_1164] : memref<3x64x128xf32, #tpu.memory_space<vmem>> -> memref<1x64x128xf32, #tpu.memory_space<vmem>>
    %dma_wait3A_1166 = tpu.memref_squeeze %dma_wait3A_1165 : memref<1x64x128xf32, #tpu.memory_space<vmem>> -> memref<64x128xf32, #tpu.memory_space<vmem>>
    %dma_wait3A_1167 = arith.constant 0 : i32
    %dma_wait3A_1168 = tpu.memref_slice %arg4[%add3A_797, %dma_wait3A_1167] : memref<8192x128xf32, #tpu.memory_space<hbm>> -> memref<64x128xf32, #tpu.memory_space<hbm>>
    tpu.wait_dma2 semaphore(%arg10 : memref<!tpu.dma_semaphore, #tpu.memory_space<semaphore_mem>>) src(%dma_wait3A_1168 : memref<64x128xf32, #tpu.memory_space<hbm>>) dst(%dma_wait3A_1166 : memref<64x128xf32, #tpu.memory_space<vmem>>)
    %scan3A_1169 = arith.constant 0 : i32
    %scan3A_1170 = arith.constant 64 : i32
    %scan3A_1171 = arith.addi %scan3A_1169, %scan3A_1170 : i32
    %scan3A_1172 = arith.constant 1 : i32
    scf.for %scan3A_1604 = %scan3A_1169 to %scan3A_1171 step %scan3A_1172  : i32 {
      %get3A = arith.constant 2 : i32
      %get3A_1605 = arith.index_cast %get3A : i32 to index
      %get3A_1606 = arith.index_cast %scan3A_1604 : i32 to index
      %get3A_1607 = arith.constant 0 : index
      %get3A_1608 = tpu.vector_load %arg8[%get3A_1605, %get3A_1606, %get3A_1607] {strides = array<i32>} : memref<3x64x128xf32, #tpu.memory_space<vmem>>, vector<1x1x16xf32>,
      %get3A_1609 = vector.shape_cast %get3A_1608 : vector<1x1x16xf32> to vector<16xf32>
      %get3A_1610 = arith.constant 2 : i32
      %get3A_1611 = arith.constant 0 : i32
      %get3A_1612 = arith.index_cast %get3A_1610 : i32 to index
      %get3A_1613 = arith.index_cast %get3A_1611 : i32 to index
      %get3A_1614 = arith.index_cast %scan3A_1604 : i32 to index
      %get3A_1615 = arith.constant 0 : index
      %get3A_1616 = tpu.vector_load %arg7[%get3A_1612, %get3A_1613, %get3A_1614, %get3A_1615] {strides = array<i32>} : memref<3x4x64x128xf32, #tpu.memory_space<vmem>>, vector<1x1x1x16xf32>,
      %get3A_1617 = vector.shape_cast %get3A_1616 : vector<1x1x1x16xf32> to vector<16xf32>
      %mul3A_1618 = arith.constant 11.3137083 : f32
      %mul3A_1619 = vector.broadcast %mul3A_1618 : f32 to vector<16xf32>
      %mul3A_1620 = arith.mulf %get3A_1617, %mul3A_1619 : vector<16xf32>
      %add3A_1621 = arith.addf %mul3A_1620, %get3A_1609 : vector<16xf32>
      %swap3A = arith.constant 2 : i32
      %swap3A_1622 = arith.constant 0 : i32
      %swap3A_1623 = arith.index_cast %swap3A : i32 to index
      %swap3A_1624 = arith.index_cast %swap3A_1622 : i32 to index
      %swap3A_1625 = arith.index_cast %scan3A_1604 : i32 to index
      %swap3A_1626 = arith.constant 0 : index
      %swap3A_1627 = tpu.vector_load %arg7[%swap3A_1623, %swap3A_1624, %swap3A_1625, %swap3A_1626] {strides = array<i32>} : memref<3x4x64x128xf32, #tpu.memory_space<vmem>>, vector<1x1x1x16xf32>,
      %swap3A_1628 = vector.shape_cast %swap3A_1627 : vector<1x1x1x16xf32> to vector<16xf32>
      %swap3A_1629 = vector.shape_cast %add3A_1621 : vector<16xf32> to vector<1x1x1x16xf32>
      tpu.vector_store %arg7[%swap3A_1623, %swap3A_1624, %swap3A_1625, %swap3A_1626], %swap3A_1629 {strides = array<i32>} : memref<3x4x64x128xf32, #tpu.memory_space<vmem>>, vector<1x1x1x16xf32>,
      %get3A_1630 = arith.constant 2 : i32
      %get3A_1631 = arith.constant 1 : i32
      %get3A_1632 = arith.index_cast %get3A_1630 : i32 to index
      %get3A_1633 = arith.index_cast %get3A_1631 : i32 to index
      %get3A_1634 = arith.index_cast %scan3A_1604 : i32 to index
      %get3A_1635 = arith.constant 0 : index
      %get3A_1636 = tpu.vector_load %arg7[%get3A_1632, %get3A_1633, %get3A_1634, %get3A_1635] {strides = array<i32>} : memref<3x4x64x128xf32, #tpu.memory_space<vmem>>, vector<1x1x1x16xf32>,
      %get3A_1637 = vector.shape_cast %get3A_1636 : vector<1x1x1x16xf32> to vector<16xf32>
      %mul3A_1638 = arith.constant 11.3137083 : f32
      %mul3A_1639 = vector.broadcast %mul3A_1638 : f32 to vector<16xf32>
      %mul3A_1640 = arith.mulf %get3A_1637, %mul3A_1639 : vector<16xf32>
      %add3A_1641 = arith.addf %mul3A_1640, %get3A_1609 : vector<16xf32>
      %swap3A_1642 = arith.constant 2 : i32
      %swap3A_1643 = arith.constant 1 : i32
      %swap3A_1644 = arith.index_cast %swap3A_1642 : i32 to index
      %swap3A_1645 = arith.index_cast %swap3A_1643 : i32 to index
      %swap3A_1646 = arith.index_cast %scan3A_1604 : i32 to index
      %swap3A_1647 = arith.constant 0 : index
      %swap3A_1648 = tpu.vector_load %arg7[%swap3A_1644, %swap3A_1645, %swap3A_1646, %swap3A_1647] {strides = array<i32>} : memref<3x4x64x128xf32, #tpu.memory_space<vmem>>, vector<1x1x1x16xf32>,
      %swap3A_1649 = vector.shape_cast %swap3A_1648 : vector<1x1x1x16xf32> to vector<16xf32>
      %swap3A_1650 = vector.shape_cast %add3A_1641 : vector<16xf32> to vector<1x1x1x16xf32>
      tpu.vector_store %arg7[%swap3A_1644, %swap3A_1645, %swap3A_1646, %swap3A_1647], %swap3A_1650 {strides = array<i32>} : memref<3x4x64x128xf32, #tpu.memory_space<vmem>>, vector<1x1x1x16xf32>,
      %get3A_1651 = arith.constant 2 : i32
      %get3A_1652 = arith.constant 2 : i32
      %get3A_1653 = arith.index_cast %get3A_1651 : i32 to index
      %get3A_1654 = arith.index_cast %get3A_1652 : i32 to index
      %get3A_1655 = arith.index_cast %scan3A_1604 : i32 to index
      %get3A_1656 = arith.constant 0 : index
      %get3A_1657 = tpu.vector_load %arg7[%get3A_1653, %get3A_1654, %get3A_1655, %get3A_1656] {strides = array<i32>} : memref<3x4x64x128xf32, #tpu.memory_space<vmem>>, vector<1x1x1x16xf32>,
      %get3A_1658 = vector.shape_cast %get3A_1657 : vector<1x1x1x16xf32> to vector<16xf32>
      %mul3A_1659 = arith.constant 11.3137083 : f32
      %mul3A_1660 = vector.broadcast %mul3A_1659 : f32 to vector<16xf32>
      %mul3A_1661 = arith.mulf %get3A_1658, %mul3A_1660 : vector<16xf32>
      %add3A_1662 = arith.addf %mul3A_1661, %get3A_1609 : vector<16xf32>
      %swap3A_1663 = arith.constant 2 : i32
      %swap3A_1664 = arith.constant 2 : i32
      %swap3A_1665 = arith.index_cast %swap3A_1663 : i32 to index
      %swap3A_1666 = arith.index_cast %swap3A_1664 : i32 to index
      %swap3A_1667 = arith.index_cast %scan3A_1604 : i32 to index
      %swap3A_1668 = arith.constant 0 : index
      %swap3A_1669 = tpu.vector_load %arg7[%swap3A_1665, %swap3A_1666, %swap3A_1667, %swap3A_1668] {strides = array<i32>} : memref<3x4x64x128xf32, #tpu.memory_space<vmem>>, vector<1x1x1x16xf32>,
      %swap3A_1670 = vector.shape_cast %swap3A_1669 : vector<1x1x1x16xf32> to vector<16xf32>
      %swap3A_1671 = vector.shape_cast %add3A_1662 : vector<16xf32> to vector<1x1x1x16xf32>
      tpu.vector_store %arg7[%swap3A_1665, %swap3A_1666, %swap3A_1667, %swap3A_1668], %swap3A_1671 {strides = array<i32>} : memref<3x4x64x128xf32, #tpu.memory_space<vmem>>, vector<1x1x1x16xf32>,
      %get3A_1672 = arith.constant 2 : i32
      %get3A_1673 = arith.constant 3 : i32
      %get3A_1674 = arith.index_cast %get3A_1672 : i32 to index
      %get3A_1675 = arith.index_cast %get3A_1673 : i32 to index
      %get3A_1676 = arith.index_cast %scan3A_1604 : i32 to index
      %get3A_1677 = arith.constant 0 : index
      %get3A_1678 = tpu.vector_load %arg7[%get3A_1674, %get3A_1675, %get3A_1676, %get3A_1677] {strides = array<i32>} : memref<3x4x64x128xf32, #tpu.memory_space<vmem>>, vector<1x1x1x16xf32>,
      %get3A_1679 = vector.shape_cast %get3A_1678 : vector<1x1x1x16xf32> to vector<16xf32>
      %mul3A_1680 = arith.constant 11.3137083 : f32
      %mul3A_1681 = vector.broadcast %mul3A_1680 : f32 to vector<16xf32>
      %mul3A_1682 = arith.mulf %get3A_1679, %mul3A_1681 : vector<16xf32>
      %add3A_1683 = arith.addf %mul3A_1682, %get3A_1609 : vector<16xf32>
      %swap3A_1684 = arith.constant 2 : i32
      %swap3A_1685 = arith.constant 3 : i32
      %swap3A_1686 = arith.index_cast %swap3A_1684 : i32 to index
      %swap3A_1687 = arith.index_cast %swap3A_1685 : i32 to index
      %swap3A_1688 = arith.index_cast %scan3A_1604 : i32 to index
      %swap3A_1689 = arith.constant 0 : index
      %swap3A_1690 = tpu.vector_load %arg7[%swap3A_1686, %swap3A_1687, %swap3A_1688, %swap3A_1689] {strides = array<i32>} : memref<3x4x64x128xf32, #tpu.memory_space<vmem>>, vector<1x1x1x16xf32>,
      %swap3A_1691 = vector.shape_cast %swap3A_1690 : vector<1x1x1x16xf32> to vector<16xf32>
      %swap3A_1692 = vector.shape_cast %add3A_1683 : vector<16xf32> to vector<1x1x1x16xf32>
      tpu.vector_store %arg7[%swap3A_1686, %swap3A_1687, %swap3A_1688, %swap3A_1689], %swap3A_1692 {strides = array<i32>} : memref<3x4x64x128xf32, #tpu.memory_space<vmem>>, vector<1x1x1x16xf32>,
      %get3A_1693 = arith.constant 2 : i32
      %get3A_1694 = arith.index_cast %get3A_1693 : i32 to index
      %get3A_1695 = arith.index_cast %scan3A_1604 : i32 to index
      %get3A_1696 = arith.constant 16 : index
      %get3A_1697 = tpu.vector_load %arg8[%get3A_1694, %get3A_1695, %get3A_1696] {strides = array<i32>} : memref<3x64x128xf32, #tpu.memory_space<vmem>>, vector<1x1x16xf32>,
      %get3A_1698 = vector.shape_cast %get3A_1697 : vector<1x1x16xf32> to vector<16xf32>
      %get3A_1699 = arith.constant 2 : i32
      %get3A_1700 = arith.constant 0 : i32
      %get3A_1701 = arith.index_cast %get3A_1699 : i32 to index
      %get3A_1702 = arith.index_cast %get3A_1700 : i32 to index
      %get3A_1703 = arith.index_cast %scan3A_1604 : i32 to index
      %get3A_1704 = arith.constant 16 : index
      %get3A_1705 = tpu.vector_load %arg7[%get3A_1701, %get3A_1702, %get3A_1703, %get3A_1704] {strides = array<i32>} : memref<3x4x64x128xf32, #tpu.memory_space<vmem>>, vector<1x1x1x16xf32>,
      %get3A_1706 = vector.shape_cast %get3A_1705 : vector<1x1x1x16xf32> to vector<16xf32>
      %mul3A_1707 = arith.constant 11.3137083 : f32
      %mul3A_1708 = vector.broadcast %mul3A_1707 : f32 to vector<16xf32>
      %mul3A_1709 = arith.mulf %get3A_1706, %mul3A_1708 : vector<16xf32>
      %add3A_1710 = arith.addf %mul3A_1709, %get3A_1698 : vector<16xf32>
      %swap3A_1711 = arith.constant 2 : i32
      %swap3A_1712 = arith.constant 0 : i32
      %swap3A_1713 = arith.index_cast %swap3A_1711 : i32 to index
      %swap3A_1714 = arith.index_cast %swap3A_1712 : i32 to index
      %swap3A_1715 = arith.index_cast %scan3A_1604 : i32 to index
      %swap3A_1716 = arith.constant 16 : index
      %swap3A_1717 = tpu.vector_load %arg7[%swap3A_1713, %swap3A_1714, %swap3A_1715, %swap3A_1716] {strides = array<i32>} : memref<3x4x64x128xf32, #tpu.memory_space<vmem>>, vector<1x1x1x16xf32>,
      %swap3A_1718 = vector.shape_cast %swap3A_1717 : vector<1x1x1x16xf32> to vector<16xf32>
      %swap3A_1719 = vector.shape_cast %add3A_1710 : vector<16xf32> to vector<1x1x1x16xf32>
      tpu.vector_store %arg7[%swap3A_1713, %swap3A_1714, %swap3A_1715, %swap3A_1716], %swap3A_1719 {strides = array<i32>} : memref<3x4x64x128xf32, #tpu.memory_space<vmem>>, vector<1x1x1x16xf32>,
      %get3A_1720 = arith.constant 2 : i32
      %get3A_1721 = arith.constant 1 : i32
      %get3A_1722 = arith.index_cast %get3A_1720 : i32 to index
      %get3A_1723 = arith.index_cast %get3A_1721 : i32 to index
      %get3A_1724 = arith.index_cast %scan3A_1604 : i32 to index
      %get3A_1725 = arith.constant 16 : index
      %get3A_1726 = tpu.vector_load %arg7[%get3A_1722, %get3A_1723, %get3A_1724, %get3A_1725] {strides = array<i32>} : memref<3x4x64x128xf32, #tpu.memory_space<vmem>>, vector<1x1x1x16xf32>,
      %get3A_1727 = vector.shape_cast %get3A_1726 : vector<1x1x1x16xf32> to vector<16xf32>
      %mul3A_1728 = arith.constant 11.3137083 : f32
      %mul3A_1729 = vector.broadcast %mul3A_1728 : f32 to vector<16xf32>
      %mul3A_1730 = arith.mulf %get3A_1727, %mul3A_1729 : vector<16xf32>
      %add3A_1731 = arith.addf %mul3A_1730, %get3A_1698 : vector<16xf32>
      %swap3A_1732 = arith.constant 2 : i32
      %swap3A_1733 = arith.constant 1 : i32
      %swap3A_1734 = arith.index_cast %swap3A_1732 : i32 to index
      %swap3A_1735 = arith.index_cast %swap3A_1733 : i32 to index
      %swap3A_1736 = arith.index_cast %scan3A_1604 : i32 to index
      %swap3A_1737 = arith.constant 16 : index
      %swap3A_1738 = tpu.vector_load %arg7[%swap3A_1734, %swap3A_1735, %swap3A_1736, %swap3A_1737] {strides = array<i32>} : memref<3x4x64x128xf32, #tpu.memory_space<vmem>>, vector<1x1x1x16xf32>,
      %swap3A_1739 = vector.shape_cast %swap3A_1738 : vector<1x1x1x16xf32> to vector<16xf32>
      %swap3A_1740 = vector.shape_cast %add3A_1731 : vector<16xf32> to vector<1x1x1x16xf32>
      tpu.vector_store %arg7[%swap3A_1734, %swap3A_1735, %swap3A_1736, %swap3A_1737], %swap3A_1740 {strides = array<i32>} : memref<3x4x64x128xf32, #tpu.memory_space<vmem>>, vector<1x1x1x16xf32>,
      %get3A_1741 = arith.constant 2 : i32
      %get3A_1742 = arith.constant 2 : i32
      %get3A_1743 = arith.index_cast %get3A_1741 : i32 to index
      %get3A_1744 = arith.index_cast %get3A_1742 : i32 to index
      %get3A_1745 = arith.index_cast %scan3A_1604 : i32 to index
      %get3A_1746 = arith.constant 16 : index
      %get3A_1747 = tpu.vector_load %arg7[%get3A_1743, %get3A_1744, %get3A_1745, %get3A_1746] {strides = array<i32>} : memref<3x4x64x128xf32, #tpu.memory_space<vmem>>, vector<1x1x1x16xf32>,
      %get3A_1748 = vector.shape_cast %get3A_1747 : vector<1x1x1x16xf32> to vector<16xf32>
      %mul3A_1749 = arith.constant 11.3137083 : f32
      %mul3A_1750 = vector.broadcast %mul3A_1749 : f32 to vector<16xf32>
      %mul3A_1751 = arith.mulf %get3A_1748, %mul3A_1750 : vector<16xf32>
      %add3A_1752 = arith.addf %mul3A_1751, %get3A_1698 : vector<16xf32>
      %swap3A_1753 = arith.constant 2 : i32
      %swap3A_1754 = arith.constant 2 : i32
      %swap3A_1755 = arith.index_cast %swap3A_1753 : i32 to index
      %swap3A_1756 = arith.index_cast %swap3A_1754 : i32 to index
      %swap3A_1757 = arith.index_cast %scan3A_1604 : i32 to index
      %swap3A_1758 = arith.constant 16 : index
      %swap3A_1759 = tpu.vector_load %arg7[%swap3A_1755, %swap3A_1756, %swap3A_1757, %swap3A_1758] {strides = array<i32>} : memref<3x4x64x128xf32, #tpu.memory_space<vmem>>, vector<1x1x1x16xf32>,
      %swap3A_1760 = vector.shape_cast %swap3A_1759 : vector<1x1x1x16xf32> to vector<16xf32>
      %swap3A_1761 = vector.shape_cast %add3A_1752 : vector<16xf32> to vector<1x1x1x16xf32>
      tpu.vector_store %arg7[%swap3A_1755, %swap3A_1756, %swap3A_1757, %swap3A_1758], %swap3A_1761 {strides = array<i32>} : memref<3x4x64x128xf32, #tpu.memory_space<vmem>>, vector<1x1x1x16xf32>,
      %get3A_1762 = arith.constant 2 : i32
      %get3A_1763 = arith.constant 3 : i32
      %get3A_1764 = arith.index_cast %get3A_1762 : i32 to index
      %get3A_1765 = arith.index_cast %get3A_1763 : i32 to index
      %get3A_1766 = arith.index_cast %scan3A_1604 : i32 to index
      %get3A_1767 = arith.constant 16 : index
      %get3A_1768 = tpu.vector_load %arg7[%get3A_1764, %get3A_1765, %get3A_1766, %get3A_1767] {strides = array<i32>} : memref<3x4x64x128xf32, #tpu.memory_space<vmem>>, vector<1x1x1x16xf32>,
      %get3A_1769 = vector.shape_cast %get3A_1768 : vector<1x1x1x16xf32> to vector<16xf32>
      %mul3A_1770 = arith.constant 11.3137083 : f32
      %mul3A_1771 = vector.broadcast %mul3A_1770 : f32 to vector<16xf32>
      %mul3A_1772 = arith.mulf %get3A_1769, %mul3A_1771 : vector<16xf32>
      %add3A_1773 = arith.addf %mul3A_1772, %get3A_1698 : vector<16xf32>
      %swap3A_1774 = arith.constant 2 : i32
      %swap3A_1775 = arith.constant 3 : i32
      %swap3A_1776 = arith.index_cast %swap3A_1774 : i32 to index
      %swap3A_1777 = arith.index_cast %swap3A_1775 : i32 to index
      %swap3A_1778 = arith.index_cast %scan3A_1604 : i32 to index
      %swap3A_1779 = arith.constant 16 : index
      %swap3A_1780 = tpu.vector_load %arg7[%swap3A_1776, %swap3A_1777, %swap3A_1778, %swap3A_1779] {strides = array<i32>} : memref<3x4x64x128xf32, #tpu.memory_space<vmem>>, vector<1x1x1x16xf32>,
      %swap3A_1781 = vector.shape_cast %swap3A_1780 : vector<1x1x1x16xf32> to vector<16xf32>
      %swap3A_1782 = vector.shape_cast %add3A_1773 : vector<16xf32> to vector<1x1x1x16xf32>
      tpu.vector_store %arg7[%swap3A_1776, %swap3A_1777, %swap3A_1778, %swap3A_1779], %swap3A_1782 {strides = array<i32>} : memref<3x4x64x128xf32, #tpu.memory_space<vmem>>, vector<1x1x1x16xf32>,
      %get3A_1783 = arith.constant 2 : i32
      %get3A_1784 = arith.index_cast %get3A_1783 : i32 to index
      %get3A_1785 = arith.index_cast %scan3A_1604 : i32 to index
      %get3A_1786 = arith.constant 32 : index
      %get3A_1787 = tpu.vector_load %arg8[%get3A_1784, %get3A_1785, %get3A_1786] {strides = array<i32>} : memref<3x64x128xf32, #tpu.memory_space<vmem>>, vector<1x1x16xf32>,
      %get3A_1788 = vector.shape_cast %get3A_1787 : vector<1x1x16xf32> to vector<16xf32>
      %get3A_1789 = arith.constant 2 : i32
      %get3A_1790 = arith.constant 0 : i32
      %get3A_1791 = arith.index_cast %get3A_1789 : i32 to index
      %get3A_1792 = arith.index_cast %get3A_1790 : i32 to index
      %get3A_1793 = arith.index_cast %scan3A_1604 : i32 to index
      %get3A_1794 = arith.constant 32 : index
      %get3A_1795 = tpu.vector_load %arg7[%get3A_1791, %get3A_1792, %get3A_1793, %get3A_1794] {strides = array<i32>} : memref<3x4x64x128xf32, #tpu.memory_space<vmem>>, vector<1x1x1x16xf32>,
      %get3A_1796 = vector.shape_cast %get3A_1795 : vector<1x1x1x16xf32> to vector<16xf32>
      %mul3A_1797 = arith.constant 11.3137083 : f32
      %mul3A_1798 = vector.broadcast %mul3A_1797 : f32 to vector<16xf32>
      %mul3A_1799 = arith.mulf %get3A_1796, %mul3A_1798 : vector<16xf32>
      %add3A_1800 = arith.addf %mul3A_1799, %get3A_1788 : vector<16xf32>
      %swap3A_1801 = arith.constant 2 : i32
      %swap3A_1802 = arith.constant 0 : i32
      %swap3A_1803 = arith.index_cast %swap3A_1801 : i32 to index
      %swap3A_1804 = arith.index_cast %swap3A_1802 : i32 to index
      %swap3A_1805 = arith.index_cast %scan3A_1604 : i32 to index
      %swap3A_1806 = arith.constant 32 : index
      %swap3A_1807 = tpu.vector_load %arg7[%swap3A_1803, %swap3A_1804, %swap3A_1805, %swap3A_1806] {strides = array<i32>} : memref<3x4x64x128xf32, #tpu.memory_space<vmem>>, vector<1x1x1x16xf32>,
      %swap3A_1808 = vector.shape_cast %swap3A_1807 : vector<1x1x1x16xf32> to vector<16xf32>
      %swap3A_1809 = vector.shape_cast %add3A_1800 : vector<16xf32> to vector<1x1x1x16xf32>
      tpu.vector_store %arg7[%swap3A_1803, %swap3A_1804, %swap3A_1805, %swap3A_1806], %swap3A_1809 {strides = array<i32>} : memref<3x4x64x128xf32, #tpu.memory_space<vmem>>, vector<1x1x1x16xf32>,
      %get3A_1810 = arith.constant 2 : i32
      %get3A_1811 = arith.constant 1 : i32
      %get3A_1812 = arith.index_cast %get3A_1810 : i32 to index
      %get3A_1813 = arith.index_cast %get3A_1811 : i32 to index
      %get3A_1814 = arith.index_cast %scan3A_1604 : i32 to index
      %get3A_1815 = arith.constant 32 : index
      %get3A_1816 = tpu.vector_load %arg7[%get3A_1812, %get3A_1813, %get3A_1814, %get3A_1815] {strides = array<i32>} : memref<3x4x64x128xf32, #tpu.memory_space<vmem>>, vector<1x1x1x16xf32>,
      %get3A_1817 = vector.shape_cast %get3A_1816 : vector<1x1x1x16xf32> to vector<16xf32>
      %mul3A_1818 = arith.constant 11.3137083 : f32
      %mul3A_1819 = vector.broadcast %mul3A_1818 : f32 to vector<16xf32>
      %mul3A_1820 = arith.mulf %get3A_1817, %mul3A_1819 : vector<16xf32>
      %add3A_1821 = arith.addf %mul3A_1820, %get3A_1788 : vector<16xf32>
      %swap3A_1822 = arith.constant 2 : i32
      %swap3A_1823 = arith.constant 1 : i32
      %swap3A_1824 = arith.index_cast %swap3A_1822 : i32 to index
      %swap3A_1825 = arith.index_cast %swap3A_1823 : i32 to index
      %swap3A_1826 = arith.index_cast %scan3A_1604 : i32 to index
      %swap3A_1827 = arith.constant 32 : index
      %swap3A_1828 = tpu.vector_load %arg7[%swap3A_1824, %swap3A_1825, %swap3A_1826, %swap3A_1827] {strides = array<i32>} : memref<3x4x64x128xf32, #tpu.memory_space<vmem>>, vector<1x1x1x16xf32>,
      %swap3A_1829 = vector.shape_cast %swap3A_1828 : vector<1x1x1x16xf32> to vector<16xf32>
      %swap3A_1830 = vector.shape_cast %add3A_1821 : vector<16xf32> to vector<1x1x1x16xf32>
      tpu.vector_store %arg7[%swap3A_1824, %swap3A_1825, %swap3A_1826, %swap3A_1827], %swap3A_1830 {strides = array<i32>} : memref<3x4x64x128xf32, #tpu.memory_space<vmem>>, vector<1x1x1x16xf32>,
      %get3A_1831 = arith.constant 2 : i32
      %get3A_1832 = arith.constant 2 : i32
      %get3A_1833 = arith.index_cast %get3A_1831 : i32 to index
      %get3A_1834 = arith.index_cast %get3A_1832 : i32 to index
      %get3A_1835 = arith.index_cast %scan3A_1604 : i32 to index
      %get3A_1836 = arith.constant 32 : index
      %get3A_1837 = tpu.vector_load %arg7[%get3A_1833, %get3A_1834, %get3A_1835, %get3A_1836] {strides = array<i32>} : memref<3x4x64x128xf32, #tpu.memory_space<vmem>>, vector<1x1x1x16xf32>,
      %get3A_1838 = vector.shape_cast %get3A_1837 : vector<1x1x1x16xf32> to vector<16xf32>
      %mul3A_1839 = arith.constant 11.3137083 : f32
      %mul3A_1840 = vector.broadcast %mul3A_1839 : f32 to vector<16xf32>
      %mul3A_1841 = arith.mulf %get3A_1838, %mul3A_1840 : vector<16xf32>
      %add3A_1842 = arith.addf %mul3A_1841, %get3A_1788 : vector<16xf32>
      %swap3A_1843 = arith.constant 2 : i32
      %swap3A_1844 = arith.constant 2 : i32
      %swap3A_1845 = arith.index_cast %swap3A_1843 : i32 to index
      %swap3A_1846 = arith.index_cast %swap3A_1844 : i32 to index
      %swap3A_1847 = arith.index_cast %scan3A_1604 : i32 to index
      %swap3A_1848 = arith.constant 32 : index
      %swap3A_1849 = tpu.vector_load %arg7[%swap3A_1845, %swap3A_1846, %swap3A_1847, %swap3A_1848] {strides = array<i32>} : memref<3x4x64x128xf32, #tpu.memory_space<vmem>>, vector<1x1x1x16xf32>,
      %swap3A_1850 = vector.shape_cast %swap3A_1849 : vector<1x1x1x16xf32> to vector<16xf32>
      %swap3A_1851 = vector.shape_cast %add3A_1842 : vector<16xf32> to vector<1x1x1x16xf32>
      tpu.vector_store %arg7[%swap3A_1845, %swap3A_1846, %swap3A_1847, %swap3A_1848], %swap3A_1851 {strides = array<i32>} : memref<3x4x64x128xf32, #tpu.memory_space<vmem>>, vector<1x1x1x16xf32>,
      %get3A_1852 = arith.constant 2 : i32
      %get3A_1853 = arith.constant 3 : i32
      %get3A_1854 = arith.index_cast %get3A_1852 : i32 to index
      %get3A_1855 = arith.index_cast %get3A_1853 : i32 to index
      %get3A_1856 = arith.index_cast %scan3A_1604 : i32 to index
      %get3A_1857 = arith.constant 32 : index
      %get3A_1858 = tpu.vector_load %arg7[%get3A_1854, %get3A_1855, %get3A_1856, %get3A_1857] {strides = array<i32>} : memref<3x4x64x128xf32, #tpu.memory_space<vmem>>, vector<1x1x1x16xf32>,
      %get3A_1859 = vector.shape_cast %get3A_1858 : vector<1x1x1x16xf32> to vector<16xf32>
      %mul3A_1860 = arith.constant 11.3137083 : f32
      %mul3A_1861 = vector.broadcast %mul3A_1860 : f32 to vector<16xf32>
      %mul3A_1862 = arith.mulf %get3A_1859, %mul3A_1861 : vector<16xf32>
      %add3A_1863 = arith.addf %mul3A_1862, %get3A_1788 : vector<16xf32>
      %swap3A_1864 = arith.constant 2 : i32
      %swap3A_1865 = arith.constant 3 : i32
      %swap3A_1866 = arith.index_cast %swap3A_1864 : i32 to index
      %swap3A_1867 = arith.index_cast %swap3A_1865 : i32 to index
      %swap3A_1868 = arith.index_cast %scan3A_1604 : i32 to index
      %swap3A_1869 = arith.constant 32 : index
      %swap3A_1870 = tpu.vector_load %arg7[%swap3A_1866, %swap3A_1867, %swap3A_1868, %swap3A_1869] {strides = array<i32>} : memref<3x4x64x128xf32, #tpu.memory_space<vmem>>, vector<1x1x1x16xf32>,
      %swap3A_1871 = vector.shape_cast %swap3A_1870 : vector<1x1x1x16xf32> to vector<16xf32>
      %swap3A_1872 = vector.shape_cast %add3A_1863 : vector<16xf32> to vector<1x1x1x16xf32>
      tpu.vector_store %arg7[%swap3A_1866, %swap3A_1867, %swap3A_1868, %swap3A_1869], %swap3A_1872 {strides = array<i32>} : memref<3x4x64x128xf32, #tpu.memory_space<vmem>>, vector<1x1x1x16xf32>,
      %get3A_1873 = arith.constant 2 : i32
      %get3A_1874 = arith.index_cast %get3A_1873 : i32 to index
      %get3A_1875 = arith.index_cast %scan3A_1604 : i32 to index
      %get3A_1876 = arith.constant 48 : index
      %get3A_1877 = tpu.vector_load %arg8[%get3A_1874, %get3A_1875, %get3A_1876] {strides = array<i32>} : memref<3x64x128xf32, #tpu.memory_space<vmem>>, vector<1x1x16xf32>,
      %get3A_1878 = vector.shape_cast %get3A_1877 : vector<1x1x16xf32> to vector<16xf32>
      %get3A_1879 = arith.constant 2 : i32
      %get3A_1880 = arith.constant 0 : i32
      %get3A_1881 = arith.index_cast %get3A_1879 : i32 to index
      %get3A_1882 = arith.index_cast %get3A_1880 : i32 to index
      %get3A_1883 = arith.index_cast %scan3A_1604 : i32 to index
      %get3A_1884 = arith.constant 48 : index
      %get3A_1885 = tpu.vector_load %arg7[%get3A_1881, %get3A_1882, %get3A_1883, %get3A_1884] {strides = array<i32>} : memref<3x4x64x128xf32, #tpu.memory_space<vmem>>, vector<1x1x1x16xf32>,
      %get3A_1886 = vector.shape_cast %get3A_1885 : vector<1x1x1x16xf32> to vector<16xf32>
      %mul3A_1887 = arith.constant 11.3137083 : f32
      %mul3A_1888 = vector.broadcast %mul3A_1887 : f32 to vector<16xf32>
      %mul3A_1889 = arith.mulf %get3A_1886, %mul3A_1888 : vector<16xf32>
      %add3A_1890 = arith.addf %mul3A_1889, %get3A_1878 : vector<16xf32>
      %swap3A_1891 = arith.constant 2 : i32
      %swap3A_1892 = arith.constant 0 : i32
      %swap3A_1893 = arith.index_cast %swap3A_1891 : i32 to index
      %swap3A_1894 = arith.index_cast %swap3A_1892 : i32 to index
      %swap3A_1895 = arith.index_cast %scan3A_1604 : i32 to index
      %swap3A_1896 = arith.constant 48 : index
      %swap3A_1897 = tpu.vector_load %arg7[%swap3A_1893, %swap3A_1894, %swap3A_1895, %swap3A_1896] {strides = array<i32>} : memref<3x4x64x128xf32, #tpu.memory_space<vmem>>, vector<1x1x1x16xf32>,
      %swap3A_1898 = vector.shape_cast %swap3A_1897 : vector<1x1x1x16xf32> to vector<16xf32>
      %swap3A_1899 = vector.shape_cast %add3A_1890 : vector<16xf32> to vector<1x1x1x16xf32>
      tpu.vector_store %arg7[%swap3A_1893, %swap3A_1894, %swap3A_1895, %swap3A_1896], %swap3A_1899 {strides = array<i32>} : memref<3x4x64x128xf32, #tpu.memory_space<vmem>>, vector<1x1x1x16xf32>,
      %get3A_1900 = arith.constant 2 : i32
      %get3A_1901 = arith.constant 1 : i32
      %get3A_1902 = arith.index_cast %get3A_1900 : i32 to index
      %get3A_1903 = arith.index_cast %get3A_1901 : i32 to index
      %get3A_1904 = arith.index_cast %scan3A_1604 : i32 to index
      %get3A_1905 = arith.constant 48 : index
      %get3A_1906 = tpu.vector_load %arg7[%get3A_1902, %get3A_1903, %get3A_1904, %get3A_1905] {strides = array<i32>} : memref<3x4x64x128xf32, #tpu.memory_space<vmem>>, vector<1x1x1x16xf32>,
      %get3A_1907 = vector.shape_cast %get3A_1906 : vector<1x1x1x16xf32> to vector<16xf32>
      %mul3A_1908 = arith.constant 11.3137083 : f32
      %mul3A_1909 = vector.broadcast %mul3A_1908 : f32 to vector<16xf32>
      %mul3A_1910 = arith.mulf %get3A_1907, %mul3A_1909 : vector<16xf32>
      %add3A_1911 = arith.addf %mul3A_1910, %get3A_1878 : vector<16xf32>
      %swap3A_1912 = arith.constant 2 : i32
      %swap3A_1913 = arith.constant 1 : i32
      %swap3A_1914 = arith.index_cast %swap3A_1912 : i32 to index
      %swap3A_1915 = arith.index_cast %swap3A_1913 : i32 to index
      %swap3A_1916 = arith.index_cast %scan3A_1604 : i32 to index
      %swap3A_1917 = arith.constant 48 : index
      %swap3A_1918 = tpu.vector_load %arg7[%swap3A_1914, %swap3A_1915, %swap3A_1916, %swap3A_1917] {strides = array<i32>} : memref<3x4x64x128xf32, #tpu.memory_space<vmem>>, vector<1x1x1x16xf32>,
      %swap3A_1919 = vector.shape_cast %swap3A_1918 : vector<1x1x1x16xf32> to vector<16xf32>
      %swap3A_1920 = vector.shape_cast %add3A_1911 : vector<16xf32> to vector<1x1x1x16xf32>
      tpu.vector_store %arg7[%swap3A_1914, %swap3A_1915, %swap3A_1916, %swap3A_1917], %swap3A_1920 {strides = array<i32>} : memref<3x4x64x128xf32, #tpu.memory_space<vmem>>, vector<1x1x1x16xf32>,
      %get3A_1921 = arith.constant 2 : i32
      %get3A_1922 = arith.constant 2 : i32
      %get3A_1923 = arith.index_cast %get3A_1921 : i32 to index
      %get3A_1924 = arith.index_cast %get3A_1922 : i32 to index
      %get3A_1925 = arith.index_cast %scan3A_1604 : i32 to index
      %get3A_1926 = arith.constant 48 : index
      %get3A_1927 = tpu.vector_load %arg7[%get3A_1923, %get3A_1924, %get3A_1925, %get3A_1926] {strides = array<i32>} : memref<3x4x64x128xf32, #tpu.memory_space<vmem>>, vector<1x1x1x16xf32>,
      %get3A_1928 = vector.shape_cast %get3A_1927 : vector<1x1x1x16xf32> to vector<16xf32>
      %mul3A_1929 = arith.constant 11.3137083 : f32
      %mul3A_1930 = vector.broadcast %mul3A_1929 : f32 to vector<16xf32>
      %mul3A_1931 = arith.mulf %get3A_1928, %mul3A_1930 : vector<16xf32>
      %add3A_1932 = arith.addf %mul3A_1931, %get3A_1878 : vector<16xf32>
      %swap3A_1933 = arith.constant 2 : i32
      %swap3A_1934 = arith.constant 2 : i32
      %swap3A_1935 = arith.index_cast %swap3A_1933 : i32 to index
      %swap3A_1936 = arith.index_cast %swap3A_1934 : i32 to index
      %swap3A_1937 = arith.index_cast %scan3A_1604 : i32 to index
      %swap3A_1938 = arith.constant 48 : index
      %swap3A_1939 = tpu.vector_load %arg7[%swap3A_1935, %swap3A_1936, %swap3A_1937, %swap3A_1938] {strides = array<i32>} : memref<3x4x64x128xf32, #tpu.memory_space<vmem>>, vector<1x1x1x16xf32>,
      %swap3A_1940 = vector.shape_cast %swap3A_1939 : vector<1x1x1x16xf32> to vector<16xf32>
      %swap3A_1941 = vector.shape_cast %add3A_1932 : vector<16xf32> to vector<1x1x1x16xf32>
      tpu.vector_store %arg7[%swap3A_1935, %swap3A_1936, %swap3A_1937, %swap3A_1938], %swap3A_1941 {strides = array<i32>} : memref<3x4x64x128xf32, #tpu.memory_space<vmem>>, vector<1x1x1x16xf32>,
      %get3A_1942 = arith.constant 2 : i32
      %get3A_1943 = arith.constant 3 : i32
      %get3A_1944 = arith.index_cast %get3A_1942 : i32 to index
      %get3A_1945 = arith.index_cast %get3A_1943 : i32 to index
      %get3A_1946 = arith.index_cast %scan3A_1604 : i32 to index
      %get3A_1947 = arith.constant 48 : index
      %get3A_1948 = tpu.vector_load %arg7[%get3A_1944, %get3A_1945, %get3A_1946, %get3A_1947] {strides = array<i32>} : memref<3x4x64x128xf32, #tpu.memory_space<vmem>>, vector<1x1x1x16xf32>,
      %get3A_1949 = vector.shape_cast %get3A_1948 : vector<1x1x1x16xf32> to vector<16xf32>
      %mul3A_1950 = arith.constant 11.3137083 : f32
      %mul3A_1951 = vector.broadcast %mul3A_1950 : f32 to vector<16xf32>
      %mul3A_1952 = arith.mulf %get3A_1949, %mul3A_1951 : vector<16xf32>
      %add3A_1953 = arith.addf %mul3A_1952, %get3A_1878 : vector<16xf32>
      %swap3A_1954 = arith.constant 2 : i32
      %swap3A_1955 = arith.constant 3 : i32
      %swap3A_1956 = arith.index_cast %swap3A_1954 : i32 to index
      %swap3A_1957 = arith.index_cast %swap3A_1955 : i32 to index
      %swap3A_1958 = arith.index_cast %scan3A_1604 : i32 to index
      %swap3A_1959 = arith.constant 48 : index
      %swap3A_1960 = tpu.vector_load %arg7[%swap3A_1956, %swap3A_1957, %swap3A_1958, %swap3A_1959] {strides = array<i32>} : memref<3x4x64x128xf32, #tpu.memory_space<vmem>>, vector<1x1x1x16xf32>,
      %swap3A_1961 = vector.shape_cast %swap3A_1960 : vector<1x1x1x16xf32> to vector<16xf32>
      %swap3A_1962 = vector.shape_cast %add3A_1953 : vector<16xf32> to vector<1x1x1x16xf32>
      tpu.vector_store %arg7[%swap3A_1956, %swap3A_1957, %swap3A_1958, %swap3A_1959], %swap3A_1962 {strides = array<i32>} : memref<3x4x64x128xf32, #tpu.memory_space<vmem>>, vector<1x1x1x16xf32>,
      %get3A_1963 = arith.constant 2 : i32
      %get3A_1964 = arith.index_cast %get3A_1963 : i32 to index
      %get3A_1965 = arith.index_cast %scan3A_1604 : i32 to index
      %get3A_1966 = arith.constant 64 : index
      %get3A_1967 = tpu.vector_load %arg8[%get3A_1964, %get3A_1965, %get3A_1966] {strides = array<i32>} : memref<3x64x128xf32, #tpu.memory_space<vmem>>, vector<1x1x16xf32>,
      %get3A_1968 = vector.shape_cast %get3A_1967 : vector<1x1x16xf32> to vector<16xf32>
      %get3A_1969 = arith.constant 2 : i32
      %get3A_1970 = arith.constant 0 : i32
      %get3A_1971 = arith.index_cast %get3A_1969 : i32 to index
      %get3A_1972 = arith.index_cast %get3A_1970 : i32 to index
      %get3A_1973 = arith.index_cast %scan3A_1604 : i32 to index
      %get3A_1974 = arith.constant 64 : index
      %get3A_1975 = tpu.vector_load %arg7[%get3A_1971, %get3A_1972, %get3A_1973, %get3A_1974] {strides = array<i32>} : memref<3x4x64x128xf32, #tpu.memory_space<vmem>>, vector<1x1x1x16xf32>,
      %get3A_1976 = vector.shape_cast %get3A_1975 : vector<1x1x1x16xf32> to vector<16xf32>
      %mul3A_1977 = arith.constant 11.3137083 : f32
      %mul3A_1978 = vector.broadcast %mul3A_1977 : f32 to vector<16xf32>
      %mul3A_1979 = arith.mulf %get3A_1976, %mul3A_1978 : vector<16xf32>
      %add3A_1980 = arith.addf %mul3A_1979, %get3A_1968 : vector<16xf32>
      %swap3A_1981 = arith.constant 2 : i32
      %swap3A_1982 = arith.constant 0 : i32
      %swap3A_1983 = arith.index_cast %swap3A_1981 : i32 to index
      %swap3A_1984 = arith.index_cast %swap3A_1982 : i32 to index
      %swap3A_1985 = arith.index_cast %scan3A_1604 : i32 to index
      %swap3A_1986 = arith.constant 64 : index
      %swap3A_1987 = tpu.vector_load %arg7[%swap3A_1983, %swap3A_1984, %swap3A_1985, %swap3A_1986] {strides = array<i32>} : memref<3x4x64x128xf32, #tpu.memory_space<vmem>>, vector<1x1x1x16xf32>,
      %swap3A_1988 = vector.shape_cast %swap3A_1987 : vector<1x1x1x16xf32> to vector<16xf32>
      %swap3A_1989 = vector.shape_cast %add3A_1980 : vector<16xf32> to vector<1x1x1x16xf32>
      tpu.vector_store %arg7[%swap3A_1983, %swap3A_1984, %swap3A_1985, %swap3A_1986], %swap3A_1989 {strides = array<i32>} : memref<3x4x64x128xf32, #tpu.memory_space<vmem>>, vector<1x1x1x16xf32>,
      %get3A_1990 = arith.constant 2 : i32
      %get3A_1991 = arith.constant 1 : i32
      %get3A_1992 = arith.index_cast %get3A_1990 : i32 to index
      %get3A_1993 = arith.index_cast %get3A_1991 : i32 to index
      %get3A_1994 = arith.index_cast %scan3A_1604 : i32 to index
      %get3A_1995 = arith.constant 64 : index
      %get3A_1996 = tpu.vector_load %arg7[%get3A_1992, %get3A_1993, %get3A_1994, %get3A_1995] {strides = array<i32>} : memref<3x4x64x128xf32, #tpu.memory_space<vmem>>, vector<1x1x1x16xf32>,
      %get3A_1997 = vector.shape_cast %get3A_1996 : vector<1x1x1x16xf32> to vector<16xf32>
      %mul3A_1998 = arith.constant 11.3137083 : f32
      %mul3A_1999 = vector.broadcast %mul3A_1998 : f32 to vector<16xf32>
      %mul3A_2000 = arith.mulf %get3A_1997, %mul3A_1999 : vector<16xf32>
      %add3A_2001 = arith.addf %mul3A_2000, %get3A_1968 : vector<16xf32>
      %swap3A_2002 = arith.constant 2 : i32
      %swap3A_2003 = arith.constant 1 : i32
      %swap3A_2004 = arith.index_cast %swap3A_2002 : i32 to index
      %swap3A_2005 = arith.index_cast %swap3A_2003 : i32 to index
      %swap3A_2006 = arith.index_cast %scan3A_1604 : i32 to index
      %swap3A_2007 = arith.constant 64 : index
      %swap3A_2008 = tpu.vector_load %arg7[%swap3A_2004, %swap3A_2005, %swap3A_2006, %swap3A_2007] {strides = array<i32>} : memref<3x4x64x128xf32, #tpu.memory_space<vmem>>, vector<1x1x1x16xf32>,
      %swap3A_2009 = vector.shape_cast %swap3A_2008 : vector<1x1x1x16xf32> to vector<16xf32>
      %swap3A_2010 = vector.shape_cast %add3A_2001 : vector<16xf32> to vector<1x1x1x16xf32>
      tpu.vector_store %arg7[%swap3A_2004, %swap3A_2005, %swap3A_2006, %swap3A_2007], %swap3A_2010 {strides = array<i32>} : memref<3x4x64x128xf32, #tpu.memory_space<vmem>>, vector<1x1x1x16xf32>,
      %get3A_2011 = arith.constant 2 : i32
      %get3A_2012 = arith.constant 2 : i32
      %get3A_2013 = arith.index_cast %get3A_2011 : i32 to index
      %get3A_2014 = arith.index_cast %get3A_2012 : i32 to index
      %get3A_2015 = arith.index_cast %scan3A_1604 : i32 to index
      %get3A_2016 = arith.constant 64 : index
      %get3A_2017 = tpu.vector_load %arg7[%get3A_2013, %get3A_2014, %get3A_2015, %get3A_2016] {strides = array<i32>} : memref<3x4x64x128xf32, #tpu.memory_space<vmem>>, vector<1x1x1x16xf32>,
      %get3A_2018 = vector.shape_cast %get3A_2017 : vector<1x1x1x16xf32> to vector<16xf32>
      %mul3A_2019 = arith.constant 11.3137083 : f32
      %mul3A_2020 = vector.broadcast %mul3A_2019 : f32 to vector<16xf32>
      %mul3A_2021 = arith.mulf %get3A_2018, %mul3A_2020 : vector<16xf32>
      %add3A_2022 = arith.addf %mul3A_2021, %get3A_1968 : vector<16xf32>
      %swap3A_2023 = arith.constant 2 : i32
      %swap3A_2024 = arith.constant 2 : i32
      %swap3A_2025 = arith.index_cast %swap3A_2023 : i32 to index
      %swap3A_2026 = arith.index_cast %swap3A_2024 : i32 to index
      %swap3A_2027 = arith.index_cast %scan3A_1604 : i32 to index
      %swap3A_2028 = arith.constant 64 : index
      %swap3A_2029 = tpu.vector_load %arg7[%swap3A_2025, %swap3A_2026, %swap3A_2027, %swap3A_2028] {strides = array<i32>} : memref<3x4x64x128xf32, #tpu.memory_space<vmem>>, vector<1x1x1x16xf32>,
      %swap3A_2030 = vector.shape_cast %swap3A_2029 : vector<1x1x1x16xf32> to vector<16xf32>
      %swap3A_2031 = vector.shape_cast %add3A_2022 : vector<16xf32> to vector<1x1x1x16xf32>
      tpu.vector_store %arg7[%swap3A_2025, %swap3A_2026, %swap3A_2027, %swap3A_2028], %swap3A_2031 {strides = array<i32>} : memref<3x4x64x128xf32, #tpu.memory_space<vmem>>, vector<1x1x1x16xf32>,
      %get3A_2032 = arith.constant 2 : i32
      %get3A_2033 = arith.constant 3 : i32
      %get3A_2034 = arith.index_cast %get3A_2032 : i32 to index
      %get3A_2035 = arith.index_cast %get3A_2033 : i32 to index
      %get3A_2036 = arith.index_cast %scan3A_1604 : i32 to index
      %get3A_2037 = arith.constant 64 : index
      %get3A_2038 = tpu.vector_load %arg7[%get3A_2034, %get3A_2035, %get3A_2036, %get3A_2037] {strides = array<i32>} : memref<3x4x64x128xf32, #tpu.memory_space<vmem>>, vector<1x1x1x16xf32>,
      %get3A_2039 = vector.shape_cast %get3A_2038 : vector<1x1x1x16xf32> to vector<16xf32>
      %mul3A_2040 = arith.constant 11.3137083 : f32
      %mul3A_2041 = vector.broadcast %mul3A_2040 : f32 to vector<16xf32>
      %mul3A_2042 = arith.mulf %get3A_2039, %mul3A_2041 : vector<16xf32>
      %add3A_2043 = arith.addf %mul3A_2042, %get3A_1968 : vector<16xf32>
      %swap3A_2044 = arith.constant 2 : i32
      %swap3A_2045 = arith.constant 3 : i32
      %swap3A_2046 = arith.index_cast %swap3A_2044 : i32 to index
      %swap3A_2047 = arith.index_cast %swap3A_2045 : i32 to index
      %swap3A_2048 = arith.index_cast %scan3A_1604 : i32 to index
      %swap3A_2049 = arith.constant 64 : index
      %swap3A_2050 = tpu.vector_load %arg7[%swap3A_2046, %swap3A_2047, %swap3A_2048, %swap3A_2049] {strides = array<i32>} : memref<3x4x64x128xf32, #tpu.memory_space<vmem>>, vector<1x1x1x16xf32>,
      %swap3A_2051 = vector.shape_cast %swap3A_2050 : vector<1x1x1x16xf32> to vector<16xf32>
      %swap3A_2052 = vector.shape_cast %add3A_2043 : vector<16xf32> to vector<1x1x1x16xf32>
      tpu.vector_store %arg7[%swap3A_2046, %swap3A_2047, %swap3A_2048, %swap3A_2049], %swap3A_2052 {strides = array<i32>} : memref<3x4x64x128xf32, #tpu.memory_space<vmem>>, vector<1x1x1x16xf32>,
      %get3A_2053 = arith.constant 2 : i32
      %get3A_2054 = arith.index_cast %get3A_2053 : i32 to index
      %get3A_2055 = arith.index_cast %scan3A_1604 : i32 to index
      %get3A_2056 = arith.constant 80 : index
      %get3A_2057 = tpu.vector_load %arg8[%get3A_2054, %get3A_2055, %get3A_2056] {strides = array<i32>} : memref<3x64x128xf32, #tpu.memory_space<vmem>>, vector<1x1x16xf32>,
      %get3A_2058 = vector.shape_cast %get3A_2057 : vector<1x1x16xf32> to vector<16xf32>
      %get3A_2059 = arith.constant 2 : i32
      %get3A_2060 = arith.constant 0 : i32
      %get3A_2061 = arith.index_cast %get3A_2059 : i32 to index
      %get3A_2062 = arith.index_cast %get3A_2060 : i32 to index
      %get3A_2063 = arith.index_cast %scan3A_1604 : i32 to index
      %get3A_2064 = arith.constant 80 : index
      %get3A_2065 = tpu.vector_load %arg7[%get3A_2061, %get3A_2062, %get3A_2063, %get3A_2064] {strides = array<i32>} : memref<3x4x64x128xf32, #tpu.memory_space<vmem>>, vector<1x1x1x16xf32>,
      %get3A_2066 = vector.shape_cast %get3A_2065 : vector<1x1x1x16xf32> to vector<16xf32>
      %mul3A_2067 = arith.constant 11.3137083 : f32
      %mul3A_2068 = vector.broadcast %mul3A_2067 : f32 to vector<16xf32>
      %mul3A_2069 = arith.mulf %get3A_2066, %mul3A_2068 : vector<16xf32>
      %add3A_2070 = arith.addf %mul3A_2069, %get3A_2058 : vector<16xf32>
      %swap3A_2071 = arith.constant 2 : i32
      %swap3A_2072 = arith.constant 0 : i32
      %swap3A_2073 = arith.index_cast %swap3A_2071 : i32 to index
      %swap3A_2074 = arith.index_cast %swap3A_2072 : i32 to index
      %swap3A_2075 = arith.index_cast %scan3A_1604 : i32 to index
      %swap3A_2076 = arith.constant 80 : index
      %swap3A_2077 = tpu.vector_load %arg7[%swap3A_2073, %swap3A_2074, %swap3A_2075, %swap3A_2076] {strides = array<i32>} : memref<3x4x64x128xf32, #tpu.memory_space<vmem>>, vector<1x1x1x16xf32>,
      %swap3A_2078 = vector.shape_cast %swap3A_2077 : vector<1x1x1x16xf32> to vector<16xf32>
      %swap3A_2079 = vector.shape_cast %add3A_2070 : vector<16xf32> to vector<1x1x1x16xf32>
      tpu.vector_store %arg7[%swap3A_2073, %swap3A_2074, %swap3A_2075, %swap3A_2076], %swap3A_2079 {strides = array<i32>} : memref<3x4x64x128xf32, #tpu.memory_space<vmem>>, vector<1x1x1x16xf32>,
      %get3A_2080 = arith.constant 2 : i32
      %get3A_2081 = arith.constant 1 : i32
      %get3A_2082 = arith.index_cast %get3A_2080 : i32 to index
      %get3A_2083 = arith.index_cast %get3A_2081 : i32 to index
      %get3A_2084 = arith.index_cast %scan3A_1604 : i32 to index
      %get3A_2085 = arith.constant 80 : index
      %get3A_2086 = tpu.vector_load %arg7[%get3A_2082, %get3A_2083, %get3A_2084, %get3A_2085] {strides = array<i32>} : memref<3x4x64x128xf32, #tpu.memory_space<vmem>>, vector<1x1x1x16xf32>,
      %get3A_2087 = vector.shape_cast %get3A_2086 : vector<1x1x1x16xf32> to vector<16xf32>
      %mul3A_2088 = arith.constant 11.3137083 : f32
      %mul3A_2089 = vector.broadcast %mul3A_2088 : f32 to vector<16xf32>
      %mul3A_2090 = arith.mulf %get3A_2087, %mul3A_2089 : vector<16xf32>
      %add3A_2091 = arith.addf %mul3A_2090, %get3A_2058 : vector<16xf32>
      %swap3A_2092 = arith.constant 2 : i32
      %swap3A_2093 = arith.constant 1 : i32
      %swap3A_2094 = arith.index_cast %swap3A_2092 : i32 to index
      %swap3A_2095 = arith.index_cast %swap3A_2093 : i32 to index
      %swap3A_2096 = arith.index_cast %scan3A_1604 : i32 to index
      %swap3A_2097 = arith.constant 80 : index
      %swap3A_2098 = tpu.vector_load %arg7[%swap3A_2094, %swap3A_2095, %swap3A_2096, %swap3A_2097] {strides = array<i32>} : memref<3x4x64x128xf32, #tpu.memory_space<vmem>>, vector<1x1x1x16xf32>,
      %swap3A_2099 = vector.shape_cast %swap3A_2098 : vector<1x1x1x16xf32> to vector<16xf32>
      %swap3A_2100 = vector.shape_cast %add3A_2091 : vector<16xf32> to vector<1x1x1x16xf32>
      tpu.vector_store %arg7[%swap3A_2094, %swap3A_2095, %swap3A_2096, %swap3A_2097], %swap3A_2100 {strides = array<i32>} : memref<3x4x64x128xf32, #tpu.memory_space<vmem>>, vector<1x1x1x16xf32>,
      %get3A_2101 = arith.constant 2 : i32
      %get3A_2102 = arith.constant 2 : i32
      %get3A_2103 = arith.index_cast %get3A_2101 : i32 to index
      %get3A_2104 = arith.index_cast %get3A_2102 : i32 to index
      %get3A_2105 = arith.index_cast %scan3A_1604 : i32 to index
      %get3A_2106 = arith.constant 80 : index
      %get3A_2107 = tpu.vector_load %arg7[%get3A_2103, %get3A_2104, %get3A_2105, %get3A_2106] {strides = array<i32>} : memref<3x4x64x128xf32, #tpu.memory_space<vmem>>, vector<1x1x1x16xf32>,
      %get3A_2108 = vector.shape_cast %get3A_2107 : vector<1x1x1x16xf32> to vector<16xf32>
      %mul3A_2109 = arith.constant 11.3137083 : f32
      %mul3A_2110 = vector.broadcast %mul3A_2109 : f32 to vector<16xf32>
      %mul3A_2111 = arith.mulf %get3A_2108, %mul3A_2110 : vector<16xf32>
      %add3A_2112 = arith.addf %mul3A_2111, %get3A_2058 : vector<16xf32>
      %swap3A_2113 = arith.constant 2 : i32
      %swap3A_2114 = arith.constant 2 : i32
      %swap3A_2115 = arith.index_cast %swap3A_2113 : i32 to index
      %swap3A_2116 = arith.index_cast %swap3A_2114 : i32 to index
      %swap3A_2117 = arith.index_cast %scan3A_1604 : i32 to index
      %swap3A_2118 = arith.constant 80 : index
      %swap3A_2119 = tpu.vector_load %arg7[%swap3A_2115, %swap3A_2116, %swap3A_2117, %swap3A_2118] {strides = array<i32>} : memref<3x4x64x128xf32, #tpu.memory_space<vmem>>, vector<1x1x1x16xf32>,
      %swap3A_2120 = vector.shape_cast %swap3A_2119 : vector<1x1x1x16xf32> to vector<16xf32>
      %swap3A_2121 = vector.shape_cast %add3A_2112 : vector<16xf32> to vector<1x1x1x16xf32>
      tpu.vector_store %arg7[%swap3A_2115, %swap3A_2116, %swap3A_2117, %swap3A_2118], %swap3A_2121 {strides = array<i32>} : memref<3x4x64x128xf32, #tpu.memory_space<vmem>>, vector<1x1x1x16xf32>,
      %get3A_2122 = arith.constant 2 : i32
      %get3A_2123 = arith.constant 3 : i32
      %get3A_2124 = arith.index_cast %get3A_2122 : i32 to index
      %get3A_2125 = arith.index_cast %get3A_2123 : i32 to index
      %get3A_2126 = arith.index_cast %scan3A_1604 : i32 to index
      %get3A_2127 = arith.constant 80 : index
      %get3A_2128 = tpu.vector_load %arg7[%get3A_2124, %get3A_2125, %get3A_2126, %get3A_2127] {strides = array<i32>} : memref<3x4x64x128xf32, #tpu.memory_space<vmem>>, vector<1x1x1x16xf32>,
      %get3A_2129 = vector.shape_cast %get3A_2128 : vector<1x1x1x16xf32> to vector<16xf32>
      %mul3A_2130 = arith.constant 11.3137083 : f32
      %mul3A_2131 = vector.broadcast %mul3A_2130 : f32 to vector<16xf32>
      %mul3A_2132 = arith.mulf %get3A_2129, %mul3A_2131 : vector<16xf32>
      %add3A_2133 = arith.addf %mul3A_2132, %get3A_2058 : vector<16xf32>
      %swap3A_2134 = arith.constant 2 : i32
      %swap3A_2135 = arith.constant 3 : i32
      %swap3A_2136 = arith.index_cast %swap3A_2134 : i32 to index
      %swap3A_2137 = arith.index_cast %swap3A_2135 : i32 to index
      %swap3A_2138 = arith.index_cast %scan3A_1604 : i32 to index
      %swap3A_2139 = arith.constant 80 : index
      %swap3A_2140 = tpu.vector_load %arg7[%swap3A_2136, %swap3A_2137, %swap3A_2138, %swap3A_2139] {strides = array<i32>} : memref<3x4x64x128xf32, #tpu.memory_space<vmem>>, vector<1x1x1x16xf32>,
      %swap3A_2141 = vector.shape_cast %swap3A_2140 : vector<1x1x1x16xf32> to vector<16xf32>
      %swap3A_2142 = vector.shape_cast %add3A_2133 : vector<16xf32> to vector<1x1x1x16xf32>
      tpu.vector_store %arg7[%swap3A_2136, %swap3A_2137, %swap3A_2138, %swap3A_2139], %swap3A_2142 {strides = array<i32>} : memref<3x4x64x128xf32, #tpu.memory_space<vmem>>, vector<1x1x1x16xf32>,
      %get3A_2143 = arith.constant 2 : i32
      %get3A_2144 = arith.index_cast %get3A_2143 : i32 to index
      %get3A_2145 = arith.index_cast %scan3A_1604 : i32 to index
      %get3A_2146 = arith.constant 96 : index
      %get3A_2147 = tpu.vector_load %arg8[%get3A_2144, %get3A_2145, %get3A_2146] {strides = array<i32>} : memref<3x64x128xf32, #tpu.memory_space<vmem>>, vector<1x1x16xf32>,
      %get3A_2148 = vector.shape_cast %get3A_2147 : vector<1x1x16xf32> to vector<16xf32>
      %get3A_2149 = arith.constant 2 : i32
      %get3A_2150 = arith.constant 0 : i32
      %get3A_2151 = arith.index_cast %get3A_2149 : i32 to index
      %get3A_2152 = arith.index_cast %get3A_2150 : i32 to index
      %get3A_2153 = arith.index_cast %scan3A_1604 : i32 to index
      %get3A_2154 = arith.constant 96 : index
      %get3A_2155 = tpu.vector_load %arg7[%get3A_2151, %get3A_2152, %get3A_2153, %get3A_2154] {strides = array<i32>} : memref<3x4x64x128xf32, #tpu.memory_space<vmem>>, vector<1x1x1x16xf32>,
      %get3A_2156 = vector.shape_cast %get3A_2155 : vector<1x1x1x16xf32> to vector<16xf32>
      %mul3A_2157 = arith.constant 11.3137083 : f32
      %mul3A_2158 = vector.broadcast %mul3A_2157 : f32 to vector<16xf32>
      %mul3A_2159 = arith.mulf %get3A_2156, %mul3A_2158 : vector<16xf32>
      %add3A_2160 = arith.addf %mul3A_2159, %get3A_2148 : vector<16xf32>
      %swap3A_2161 = arith.constant 2 : i32
      %swap3A_2162 = arith.constant 0 : i32
      %swap3A_2163 = arith.index_cast %swap3A_2161 : i32 to index
      %swap3A_2164 = arith.index_cast %swap3A_2162 : i32 to index
      %swap3A_2165 = arith.index_cast %scan3A_1604 : i32 to index
      %swap3A_2166 = arith.constant 96 : index
      %swap3A_2167 = tpu.vector_load %arg7[%swap3A_2163, %swap3A_2164, %swap3A_2165, %swap3A_2166] {strides = array<i32>} : memref<3x4x64x128xf32, #tpu.memory_space<vmem>>, vector<1x1x1x16xf32>,
      %swap3A_2168 = vector.shape_cast %swap3A_2167 : vector<1x1x1x16xf32> to vector<16xf32>
      %swap3A_2169 = vector.shape_cast %add3A_2160 : vector<16xf32> to vector<1x1x1x16xf32>
      tpu.vector_store %arg7[%swap3A_2163, %swap3A_2164, %swap3A_2165, %swap3A_2166], %swap3A_2169 {strides = array<i32>} : memref<3x4x64x128xf32, #tpu.memory_space<vmem>>, vector<1x1x1x16xf32>,
      %get3A_2170 = arith.constant 2 : i32
      %get3A_2171 = arith.constant 1 : i32
      %get3A_2172 = arith.index_cast %get3A_2170 : i32 to index
      %get3A_2173 = arith.index_cast %get3A_2171 : i32 to index
      %get3A_2174 = arith.index_cast %scan3A_1604 : i32 to index
      %get3A_2175 = arith.constant 96 : index
      %get3A_2176 = tpu.vector_load %arg7[%get3A_2172, %get3A_2173, %get3A_2174, %get3A_2175] {strides = array<i32>} : memref<3x4x64x128xf32, #tpu.memory_space<vmem>>, vector<1x1x1x16xf32>,
      %get3A_2177 = vector.shape_cast %get3A_2176 : vector<1x1x1x16xf32> to vector<16xf32>
      %mul3A_2178 = arith.constant 11.3137083 : f32
      %mul3A_2179 = vector.broadcast %mul3A_2178 : f32 to vector<16xf32>
      %mul3A_2180 = arith.mulf %get3A_2177, %mul3A_2179 : vector<16xf32>
      %add3A_2181 = arith.addf %mul3A_2180, %get3A_2148 : vector<16xf32>
      %swap3A_2182 = arith.constant 2 : i32
      %swap3A_2183 = arith.constant 1 : i32
      %swap3A_2184 = arith.index_cast %swap3A_2182 : i32 to index
      %swap3A_2185 = arith.index_cast %swap3A_2183 : i32 to index
      %swap3A_2186 = arith.index_cast %scan3A_1604 : i32 to index
      %swap3A_2187 = arith.constant 96 : index
      %swap3A_2188 = tpu.vector_load %arg7[%swap3A_2184, %swap3A_2185, %swap3A_2186, %swap3A_2187] {strides = array<i32>} : memref<3x4x64x128xf32, #tpu.memory_space<vmem>>, vector<1x1x1x16xf32>,
      %swap3A_2189 = vector.shape_cast %swap3A_2188 : vector<1x1x1x16xf32> to vector<16xf32>
      %swap3A_2190 = vector.shape_cast %add3A_2181 : vector<16xf32> to vector<1x1x1x16xf32>
      tpu.vector_store %arg7[%swap3A_2184, %swap3A_2185, %swap3A_2186, %swap3A_2187], %swap3A_2190 {strides = array<i32>} : memref<3x4x64x128xf32, #tpu.memory_space<vmem>>, vector<1x1x1x16xf32>,
      %get3A_2191 = arith.constant 2 : i32
      %get3A_2192 = arith.constant 2 : i32
      %get3A_2193 = arith.index_cast %get3A_2191 : i32 to index
      %get3A_2194 = arith.index_cast %get3A_2192 : i32 to index
      %get3A_2195 = arith.index_cast %scan3A_1604 : i32 to index
      %get3A_2196 = arith.constant 96 : index
      %get3A_2197 = tpu.vector_load %arg7[%get3A_2193, %get3A_2194, %get3A_2195, %get3A_2196] {strides = array<i32>} : memref<3x4x64x128xf32, #tpu.memory_space<vmem>>, vector<1x1x1x16xf32>,
      %get3A_2198 = vector.shape_cast %get3A_2197 : vector<1x1x1x16xf32> to vector<16xf32>
      %mul3A_2199 = arith.constant 11.3137083 : f32
      %mul3A_2200 = vector.broadcast %mul3A_2199 : f32 to vector<16xf32>
      %mul3A_2201 = arith.mulf %get3A_2198, %mul3A_2200 : vector<16xf32>
      %add3A_2202 = arith.addf %mul3A_2201, %get3A_2148 : vector<16xf32>
      %swap3A_2203 = arith.constant 2 : i32
      %swap3A_2204 = arith.constant 2 : i32
      %swap3A_2205 = arith.index_cast %swap3A_2203 : i32 to index
      %swap3A_2206 = arith.index_cast %swap3A_2204 : i32 to index
      %swap3A_2207 = arith.index_cast %scan3A_1604 : i32 to index
      %swap3A_2208 = arith.constant 96 : index
      %swap3A_2209 = tpu.vector_load %arg7[%swap3A_2205, %swap3A_2206, %swap3A_2207, %swap3A_2208] {strides = array<i32>} : memref<3x4x64x128xf32, #tpu.memory_space<vmem>>, vector<1x1x1x16xf32>,
      %swap3A_2210 = vector.shape_cast %swap3A_2209 : vector<1x1x1x16xf32> to vector<16xf32>
      %swap3A_2211 = vector.shape_cast %add3A_2202 : vector<16xf32> to vector<1x1x1x16xf32>
      tpu.vector_store %arg7[%swap3A_2205, %swap3A_2206, %swap3A_2207, %swap3A_2208], %swap3A_2211 {strides = array<i32>} : memref<3x4x64x128xf32, #tpu.memory_space<vmem>>, vector<1x1x1x16xf32>,
      %get3A_2212 = arith.constant 2 : i32
      %get3A_2213 = arith.constant 3 : i32
      %get3A_2214 = arith.index_cast %get3A_2212 : i32 to index
      %get3A_2215 = arith.index_cast %get3A_2213 : i32 to index
      %get3A_2216 = arith.index_cast %scan3A_1604 : i32 to index
      %get3A_2217 = arith.constant 96 : index
      %get3A_2218 = tpu.vector_load %arg7[%get3A_2214, %get3A_2215, %get3A_2216, %get3A_2217] {strides = array<i32>} : memref<3x4x64x128xf32, #tpu.memory_space<vmem>>, vector<1x1x1x16xf32>,
      %get3A_2219 = vector.shape_cast %get3A_2218 : vector<1x1x1x16xf32> to vector<16xf32>
      %mul3A_2220 = arith.constant 11.3137083 : f32
      %mul3A_2221 = vector.broadcast %mul3A_2220 : f32 to vector<16xf32>
      %mul3A_2222 = arith.mulf %get3A_2219, %mul3A_2221 : vector<16xf32>
      %add3A_2223 = arith.addf %mul3A_2222, %get3A_2148 : vector<16xf32>
      %swap3A_2224 = arith.constant 2 : i32
      %swap3A_2225 = arith.constant 3 : i32
      %swap3A_2226 = arith.index_cast %swap3A_2224 : i32 to index
      %swap3A_2227 = arith.index_cast %swap3A_2225 : i32 to index
      %swap3A_2228 = arith.index_cast %scan3A_1604 : i32 to index
      %swap3A_2229 = arith.constant 96 : index
      %swap3A_2230 = tpu.vector_load %arg7[%swap3A_2226, %swap3A_2227, %swap3A_2228, %swap3A_2229] {strides = array<i32>} : memref<3x4x64x128xf32, #tpu.memory_space<vmem>>, vector<1x1x1x16xf32>,
      %swap3A_2231 = vector.shape_cast %swap3A_2230 : vector<1x1x1x16xf32> to vector<16xf32>
      %swap3A_2232 = vector.shape_cast %add3A_2223 : vector<16xf32> to vector<1x1x1x16xf32>
      tpu.vector_store %arg7[%swap3A_2226, %swap3A_2227, %swap3A_2228, %swap3A_2229], %swap3A_2232 {strides = array<i32>} : memref<3x4x64x128xf32, #tpu.memory_space<vmem>>, vector<1x1x1x16xf32>,
      %get3A_2233 = arith.constant 2 : i32
      %get3A_2234 = arith.index_cast %get3A_2233 : i32 to index
      %get3A_2235 = arith.index_cast %scan3A_1604 : i32 to index
      %get3A_2236 = arith.constant 112 : index
      %get3A_2237 = tpu.vector_load %arg8[%get3A_2234, %get3A_2235, %get3A_2236] {strides = array<i32>} : memref<3x64x128xf32, #tpu.memory_space<vmem>>, vector<1x1x16xf32>,
      %get3A_2238 = vector.shape_cast %get3A_2237 : vector<1x1x16xf32> to vector<16xf32>
      %get3A_2239 = arith.constant 2 : i32
      %get3A_2240 = arith.constant 0 : i32
      %get3A_2241 = arith.index_cast %get3A_2239 : i32 to index
      %get3A_2242 = arith.index_cast %get3A_2240 : i32 to index
      %get3A_2243 = arith.index_cast %scan3A_1604 : i32 to index
      %get3A_2244 = arith.constant 112 : index
      %get3A_2245 = tpu.vector_load %arg7[%get3A_2241, %get3A_2242, %get3A_2243, %get3A_2244] {strides = array<i32>} : memref<3x4x64x128xf32, #tpu.memory_space<vmem>>, vector<1x1x1x16xf32>,
      %get3A_2246 = vector.shape_cast %get3A_2245 : vector<1x1x1x16xf32> to vector<16xf32>
      %mul3A_2247 = arith.constant 11.3137083 : f32
      %mul3A_2248 = vector.broadcast %mul3A_2247 : f32 to vector<16xf32>
      %mul3A_2249 = arith.mulf %get3A_2246, %mul3A_2248 : vector<16xf32>
      %add3A_2250 = arith.addf %mul3A_2249, %get3A_2238 : vector<16xf32>
      %swap3A_2251 = arith.constant 2 : i32
      %swap3A_2252 = arith.constant 0 : i32
      %swap3A_2253 = arith.index_cast %swap3A_2251 : i32 to index
      %swap3A_2254 = arith.index_cast %swap3A_2252 : i32 to index
      %swap3A_2255 = arith.index_cast %scan3A_1604 : i32 to index
      %swap3A_2256 = arith.constant 112 : index
      %swap3A_2257 = tpu.vector_load %arg7[%swap3A_2253, %swap3A_2254, %swap3A_2255, %swap3A_2256] {strides = array<i32>} : memref<3x4x64x128xf32, #tpu.memory_space<vmem>>, vector<1x1x1x16xf32>,
      %swap3A_2258 = vector.shape_cast %swap3A_2257 : vector<1x1x1x16xf32> to vector<16xf32>
      %swap3A_2259 = vector.shape_cast %add3A_2250 : vector<16xf32> to vector<1x1x1x16xf32>
      tpu.vector_store %arg7[%swap3A_2253, %swap3A_2254, %swap3A_2255, %swap3A_2256], %swap3A_2259 {strides = array<i32>} : memref<3x4x64x128xf32, #tpu.memory_space<vmem>>, vector<1x1x1x16xf32>,
      %get3A_2260 = arith.constant 2 : i32
      %get3A_2261 = arith.constant 1 : i32
      %get3A_2262 = arith.index_cast %get3A_2260 : i32 to index
      %get3A_2263 = arith.index_cast %get3A_2261 : i32 to index
      %get3A_2264 = arith.index_cast %scan3A_1604 : i32 to index
      %get3A_2265 = arith.constant 112 : index
      %get3A_2266 = tpu.vector_load %arg7[%get3A_2262, %get3A_2263, %get3A_2264, %get3A_2265] {strides = array<i32>} : memref<3x4x64x128xf32, #tpu.memory_space<vmem>>, vector<1x1x1x16xf32>,
      %get3A_2267 = vector.shape_cast %get3A_2266 : vector<1x1x1x16xf32> to vector<16xf32>
      %mul3A_2268 = arith.constant 11.3137083 : f32
      %mul3A_2269 = vector.broadcast %mul3A_2268 : f32 to vector<16xf32>
      %mul3A_2270 = arith.mulf %get3A_2267, %mul3A_2269 : vector<16xf32>
      %add3A_2271 = arith.addf %mul3A_2270, %get3A_2238 : vector<16xf32>
      %swap3A_2272 = arith.constant 2 : i32
      %swap3A_2273 = arith.constant 1 : i32
      %swap3A_2274 = arith.index_cast %swap3A_2272 : i32 to index
      %swap3A_2275 = arith.index_cast %swap3A_2273 : i32 to index
      %swap3A_2276 = arith.index_cast %scan3A_1604 : i32 to index
      %swap3A_2277 = arith.constant 112 : index
      %swap3A_2278 = tpu.vector_load %arg7[%swap3A_2274, %swap3A_2275, %swap3A_2276, %swap3A_2277] {strides = array<i32>} : memref<3x4x64x128xf32, #tpu.memory_space<vmem>>, vector<1x1x1x16xf32>,
      %swap3A_2279 = vector.shape_cast %swap3A_2278 : vector<1x1x1x16xf32> to vector<16xf32>
      %swap3A_2280 = vector.shape_cast %add3A_2271 : vector<16xf32> to vector<1x1x1x16xf32>
      tpu.vector_store %arg7[%swap3A_2274, %swap3A_2275, %swap3A_2276, %swap3A_2277], %swap3A_2280 {strides = array<i32>} : memref<3x4x64x128xf32, #tpu.memory_space<vmem>>, vector<1x1x1x16xf32>,
      %get3A_2281 = arith.constant 2 : i32
      %get3A_2282 = arith.constant 2 : i32
      %get3A_2283 = arith.index_cast %get3A_2281 : i32 to index
      %get3A_2284 = arith.index_cast %get3A_2282 : i32 to index
      %get3A_2285 = arith.index_cast %scan3A_1604 : i32 to index
      %get3A_2286 = arith.constant 112 : index
      %get3A_2287 = tpu.vector_load %arg7[%get3A_2283, %get3A_2284, %get3A_2285, %get3A_2286] {strides = array<i32>} : memref<3x4x64x128xf32, #tpu.memory_space<vmem>>, vector<1x1x1x16xf32>,
      %get3A_2288 = vector.shape_cast %get3A_2287 : vector<1x1x1x16xf32> to vector<16xf32>
      %mul3A_2289 = arith.constant 11.3137083 : f32
      %mul3A_2290 = vector.broadcast %mul3A_2289 : f32 to vector<16xf32>
      %mul3A_2291 = arith.mulf %get3A_2288, %mul3A_2290 : vector<16xf32>
      %add3A_2292 = arith.addf %mul3A_2291, %get3A_2238 : vector<16xf32>
      %swap3A_2293 = arith.constant 2 : i32
      %swap3A_2294 = arith.constant 2 : i32
      %swap3A_2295 = arith.index_cast %swap3A_2293 : i32 to index
      %swap3A_2296 = arith.index_cast %swap3A_2294 : i32 to index
      %swap3A_2297 = arith.index_cast %scan3A_1604 : i32 to index
      %swap3A_2298 = arith.constant 112 : index
      %swap3A_2299 = tpu.vector_load %arg7[%swap3A_2295, %swap3A_2296, %swap3A_2297, %swap3A_2298] {strides = array<i32>} : memref<3x4x64x128xf32, #tpu.memory_space<vmem>>, vector<1x1x1x16xf32>,
      %swap3A_2300 = vector.shape_cast %swap3A_2299 : vector<1x1x1x16xf32> to vector<16xf32>
      %swap3A_2301 = vector.shape_cast %add3A_2292 : vector<16xf32> to vector<1x1x1x16xf32>
      tpu.vector_store %arg7[%swap3A_2295, %swap3A_2296, %swap3A_2297, %swap3A_2298], %swap3A_2301 {strides = array<i32>} : memref<3x4x64x128xf32, #tpu.memory_space<vmem>>, vector<1x1x1x16xf32>,
      %get3A_2302 = arith.constant 2 : i32
      %get3A_2303 = arith.constant 3 : i32
      %get3A_2304 = arith.index_cast %get3A_2302 : i32 to index
      %get3A_2305 = arith.index_cast %get3A_2303 : i32 to index
      %get3A_2306 = arith.index_cast %scan3A_1604 : i32 to index
      %get3A_2307 = arith.constant 112 : index
      %get3A_2308 = tpu.vector_load %arg7[%get3A_2304, %get3A_2305, %get3A_2306, %get3A_2307] {strides = array<i32>} : memref<3x4x64x128xf32, #tpu.memory_space<vmem>>, vector<1x1x1x16xf32>,
      %get3A_2309 = vector.shape_cast %get3A_2308 : vector<1x1x1x16xf32> to vector<16xf32>
      %mul3A_2310 = arith.constant 11.3137083 : f32
      %mul3A_2311 = vector.broadcast %mul3A_2310 : f32 to vector<16xf32>
      %mul3A_2312 = arith.mulf %get3A_2309, %mul3A_2311 : vector<16xf32>
      %add3A_2313 = arith.addf %mul3A_2312, %get3A_2238 : vector<16xf32>
      %swap3A_2314 = arith.constant 2 : i32
      %swap3A_2315 = arith.constant 3 : i32
      %swap3A_2316 = arith.index_cast %swap3A_2314 : i32 to index
      %swap3A_2317 = arith.index_cast %swap3A_2315 : i32 to index
      %swap3A_2318 = arith.index_cast %scan3A_1604 : i32 to index
      %swap3A_2319 = arith.constant 112 : index
      %swap3A_2320 = tpu.vector_load %arg7[%swap3A_2316, %swap3A_2317, %swap3A_2318, %swap3A_2319] {strides = array<i32>} : memref<3x4x64x128xf32, #tpu.memory_space<vmem>>, vector<1x1x1x16xf32>,
      %swap3A_2321 = vector.shape_cast %swap3A_2320 : vector<1x1x1x16xf32> to vector<16xf32>
      %swap3A_2322 = vector.shape_cast %add3A_2313 : vector<16xf32> to vector<1x1x1x16xf32>
      tpu.vector_store %arg7[%swap3A_2316, %swap3A_2317, %swap3A_2318, %swap3A_2319], %swap3A_2322 {strides = array<i32>} : memref<3x4x64x128xf32, #tpu.memory_space<vmem>>, vector<1x1x1x16xf32>,
    }
    %scan3A_1173 = arith.constant 64 : i32
    %add3A_1174 = arith.constant 128 : i32
    %add3A_1175 = arith.addi %mul3A_2, %add3A_1174 : i32
    %dma_start3A_1176 = arith.constant 2 : i32
    %dma_start3A_1177 = arith.constant 0 : i32
    %dma_start3A_1178 = arith.constant 0 : i32
    %dma_start3A_1179 = arith.constant 0 : i32
    %dma_start3A_1180 = arith.constant 0 : i32
    %dma_start3A_1181 = tpu.memref_slice %arg7[%dma_start3A_1176, %dma_start3A_1177, %dma_start3A_1179, %dma_start3A_1180] : memref<3x4x64x128xf32, #tpu.memory_space<vmem>> -> memref<1x1x64x128xf32, #tpu.memory_space<vmem>>
    %dma_start3A_1182 = tpu.memref_squeeze %dma_start3A_1181 : memref<1x1x64x128xf32, #tpu.memory_space<vmem>> -> memref<64x128xf32, #tpu.memory_space<vmem>>
    %dma_start3A_1183 = arith.constant 0 : i32
    %dma_start3A_1184 = tpu.memref_slice %arg5[%dma_start3A_1178, %add3A_1175, %dma_start3A_1183] : memref<4x8192x128xf32, #tpu.memory_space<hbm>> -> memref<1x64x128xf32, #tpu.memory_space<hbm>>
    %dma_start3A_1185 = tpu.memref_squeeze %dma_start3A_1184 : memref<1x64x128xf32, #tpu.memory_space<hbm>> -> memref<64x128xf32, #tpu.memory_space<hbm>>
    %dma_start3A_1186 = arith.constant 0 : i32
    %dma_start3A_1187 = tpu.memref_slice %arg5[%dma_start3A_1178, %add3A_1175, %dma_start3A_1186] : memref<4x8192x128xf32, #tpu.memory_space<hbm>> -> memref<1x64x128xf32, #tpu.memory_space<hbm>>
    %dma_start3A_1188 = tpu.memref_squeeze %dma_start3A_1187 : memref<1x64x128xf32, #tpu.memory_space<hbm>> -> memref<64x128xf32, #tpu.memory_space<hbm>>
    %dma_start3A_1189 = arith.constant 0 : i32
    %dma_start3A_1190 = arith.constant 0 : i32
    %dma_start3A_1191 = tpu.memref_slice %arg7[%dma_start3A_1176, %dma_start3A_1177, %dma_start3A_1189, %dma_start3A_1190] : memref<3x4x64x128xf32, #tpu.memory_space<vmem>> -> memref<1x1x64x128xf32, #tpu.memory_space<vmem>>
    %dma_start3A_1192 = tpu.memref_squeeze %dma_start3A_1191 : memref<1x1x64x128xf32, #tpu.memory_space<vmem>> -> memref<64x128xf32, #tpu.memory_space<vmem>>
    tpu.enqueue_dma source(%dma_start3A_1192 : memref<64x128xf32, #tpu.memory_space<vmem>>) target(%dma_start3A_1188 : memref<64x128xf32, #tpu.memory_space<hbm>>) target_semaphore(%arg11 : memref<!tpu.dma_semaphore, #tpu.memory_space<semaphore_mem>>)
    %add3A_1193 = arith.constant 128 : i32
    %add3A_1194 = arith.addi %mul3A_2, %add3A_1193 : i32
    %dma_start3A_1195 = arith.constant 2 : i32
    %dma_start3A_1196 = arith.constant 1 : i32
    %dma_start3A_1197 = arith.constant 1 : i32
    %dma_start3A_1198 = arith.constant 0 : i32
    %dma_start3A_1199 = arith.constant 0 : i32
    %dma_start3A_1200 = tpu.memref_slice %arg7[%dma_start3A_1195, %dma_start3A_1196, %dma_start3A_1198, %dma_start3A_1199] : memref<3x4x64x128xf32, #tpu.memory_space<vmem>> -> memref<1x1x64x128xf32, #tpu.memory_space<vmem>>
    %dma_start3A_1201 = tpu.memref_squeeze %dma_start3A_1200 : memref<1x1x64x128xf32, #tpu.memory_space<vmem>> -> memref<64x128xf32, #tpu.memory_space<vmem>>
    %dma_start3A_1202 = arith.constant 0 : i32
    %dma_start3A_1203 = tpu.memref_slice %arg5[%dma_start3A_1197, %add3A_1194, %dma_start3A_1202] : memref<4x8192x128xf32, #tpu.memory_space<hbm>> -> memref<1x64x128xf32, #tpu.memory_space<hbm>>
    %dma_start3A_1204 = tpu.memref_squeeze %dma_start3A_1203 : memref<1x64x128xf32, #tpu.memory_space<hbm>> -> memref<64x128xf32, #tpu.memory_space<hbm>>
    %dma_start3A_1205 = arith.constant 0 : i32
    %dma_start3A_1206 = tpu.memref_slice %arg5[%dma_start3A_1197, %add3A_1194, %dma_start3A_1205] : memref<4x8192x128xf32, #tpu.memory_space<hbm>> -> memref<1x64x128xf32, #tpu.memory_space<hbm>>
    %dma_start3A_1207 = tpu.memref_squeeze %dma_start3A_1206 : memref<1x64x128xf32, #tpu.memory_space<hbm>> -> memref<64x128xf32, #tpu.memory_space<hbm>>
    %dma_start3A_1208 = arith.constant 0 : i32
    %dma_start3A_1209 = arith.constant 0 : i32
    %dma_start3A_1210 = tpu.memref_slice %arg7[%dma_start3A_1195, %dma_start3A_1196, %dma_start3A_1208, %dma_start3A_1209] : memref<3x4x64x128xf32, #tpu.memory_space<vmem>> -> memref<1x1x64x128xf32, #tpu.memory_space<vmem>>
    %dma_start3A_1211 = tpu.memref_squeeze %dma_start3A_1210 : memref<1x1x64x128xf32, #tpu.memory_space<vmem>> -> memref<64x128xf32, #tpu.memory_space<vmem>>
    tpu.enqueue_dma source(%dma_start3A_1211 : memref<64x128xf32, #tpu.memory_space<vmem>>) target(%dma_start3A_1207 : memref<64x128xf32, #tpu.memory_space<hbm>>) target_semaphore(%arg11 : memref<!tpu.dma_semaphore, #tpu.memory_space<semaphore_mem>>)
    %add3A_1212 = arith.constant 128 : i32
    %add3A_1213 = arith.addi %mul3A_2, %add3A_1212 : i32
    %dma_start3A_1214 = arith.constant 2 : i32
    %dma_start3A_1215 = arith.constant 2 : i32
    %dma_start3A_1216 = arith.constant 2 : i32
    %dma_start3A_1217 = arith.constant 0 : i32
    %dma_start3A_1218 = arith.constant 0 : i32
    %dma_start3A_1219 = tpu.memref_slice %arg7[%dma_start3A_1214, %dma_start3A_1215, %dma_start3A_1217, %dma_start3A_1218] : memref<3x4x64x128xf32, #tpu.memory_space<vmem>> -> memref<1x1x64x128xf32, #tpu.memory_space<vmem>>
    %dma_start3A_1220 = tpu.memref_squeeze %dma_start3A_1219 : memref<1x1x64x128xf32, #tpu.memory_space<vmem>> -> memref<64x128xf32, #tpu.memory_space<vmem>>
    %dma_start3A_1221 = arith.constant 0 : i32
    %dma_start3A_1222 = tpu.memref_slice %arg5[%dma_start3A_1216, %add3A_1213, %dma_start3A_1221] : memref<4x8192x128xf32, #tpu.memory_space<hbm>> -> memref<1x64x128xf32, #tpu.memory_space<hbm>>
    %dma_start3A_1223 = tpu.memref_squeeze %dma_start3A_1222 : memref<1x64x128xf32, #tpu.memory_space<hbm>> -> memref<64x128xf32, #tpu.memory_space<hbm>>
    %dma_start3A_1224 = arith.constant 0 : i32
    %dma_start3A_1225 = tpu.memref_slice %arg5[%dma_start3A_1216, %add3A_1213, %dma_start3A_1224] : memref<4x8192x128xf32, #tpu.memory_space<hbm>> -> memref<1x64x128xf32, #tpu.memory_space<hbm>>
    %dma_start3A_1226 = tpu.memref_squeeze %dma_start3A_1225 : memref<1x64x128xf32, #tpu.memory_space<hbm>> -> memref<64x128xf32, #tpu.memory_space<hbm>>
    %dma_start3A_1227 = arith.constant 0 : i32
    %dma_start3A_1228 = arith.constant 0 : i32
    %dma_start3A_1229 = tpu.memref_slice %arg7[%dma_start3A_1214, %dma_start3A_1215, %dma_start3A_1227, %dma_start3A_1228] : memref<3x4x64x128xf32, #tpu.memory_space<vmem>> -> memref<1x1x64x128xf32, #tpu.memory_space<vmem>>
    %dma_start3A_1230 = tpu.memref_squeeze %dma_start3A_1229 : memref<1x1x64x128xf32, #tpu.memory_space<vmem>> -> memref<64x128xf32, #tpu.memory_space<vmem>>
    tpu.enqueue_dma source(%dma_start3A_1230 : memref<64x128xf32, #tpu.memory_space<vmem>>) target(%dma_start3A_1226 : memref<64x128xf32, #tpu.memory_space<hbm>>) target_semaphore(%arg11 : memref<!tpu.dma_semaphore, #tpu.memory_space<semaphore_mem>>)
    %add3A_1231 = arith.constant 128 : i32
    %add3A_1232 = arith.addi %mul3A_2, %add3A_1231 : i32
    %dma_start3A_1233 = arith.constant 2 : i32
    %dma_start3A_1234 = arith.constant 3 : i32
    %dma_start3A_1235 = arith.constant 3 : i32
    %dma_start3A_1236 = arith.constant 0 : i32
    %dma_start3A_1237 = arith.constant 0 : i32
    %dma_start3A_1238 = tpu.memref_slice %arg7[%dma_start3A_1233, %dma_start3A_1234, %dma_start3A_1236, %dma_start3A_1237] : memref<3x4x64x128xf32, #tpu.memory_space<vmem>> -> memref<1x1x64x128xf32, #tpu.memory_space<vmem>>
    %dma_start3A_1239 = tpu.memref_squeeze %dma_start3A_1238 : memref<1x1x64x128xf32, #tpu.memory_space<vmem>> -> memref<64x128xf32, #tpu.memory_space<vmem>>
    %dma_start3A_1240 = arith.constant 0 : i32
    %dma_start3A_1241 = tpu.memref_slice %arg5[%dma_start3A_1235, %add3A_1232, %dma_start3A_1240] : memref<4x8192x128xf32, #tpu.memory_space<hbm>> -> memref<1x64x128xf32, #tpu.memory_space<hbm>>
    %dma_start3A_1242 = tpu.memref_squeeze %dma_start3A_1241 : memref<1x64x128xf32, #tpu.memory_space<hbm>> -> memref<64x128xf32, #tpu.memory_space<hbm>>
    %dma_start3A_1243 = arith.constant 0 : i32
    %dma_start3A_1244 = tpu.memref_slice %arg5[%dma_start3A_1235, %add3A_1232, %dma_start3A_1243] : memref<4x8192x128xf32, #tpu.memory_space<hbm>> -> memref<1x64x128xf32, #tpu.memory_space<hbm>>
    %dma_start3A_1245 = tpu.memref_squeeze %dma_start3A_1244 : memref<1x64x128xf32, #tpu.memory_space<hbm>> -> memref<64x128xf32, #tpu.memory_space<hbm>>
    %dma_start3A_1246 = arith.constant 0 : i32
    %dma_start3A_1247 = arith.constant 0 : i32
    %dma_start3A_1248 = tpu.memref_slice %arg7[%dma_start3A_1233, %dma_start3A_1234, %dma_start3A_1246, %dma_start3A_1247] : memref<3x4x64x128xf32, #tpu.memory_space<vmem>> -> memref<1x1x64x128xf32, #tpu.memory_space<vmem>>
    %dma_start3A_1249 = tpu.memref_squeeze %dma_start3A_1248 : memref<1x1x64x128xf32, #tpu.memory_space<vmem>> -> memref<64x128xf32, #tpu.memory_space<vmem>>
    tpu.enqueue_dma source(%dma_start3A_1249 : memref<64x128xf32, #tpu.memory_space<vmem>>) target(%dma_start3A_1245 : memref<64x128xf32, #tpu.memory_space<hbm>>) target_semaphore(%arg11 : memref<!tpu.dma_semaphore, #tpu.memory_space<semaphore_mem>>)
    %dma_wait3A_1250 = arith.constant 0 : i32
    %dma_wait3A_1251 = arith.constant 3 : i32
    %dma_wait3A_1252 = arith.constant 0 : i32
    %dma_wait3A_1253 = arith.constant 0 : i32
    %dma_wait3A_1254 = arith.constant 0 : i32
    %dma_wait3A_1255 = arith.constant 0 : i32
    %dma_wait3A_1256 = tpu.memref_slice %arg7[%dma_wait3A_1252, %dma_wait3A_1253, %dma_wait3A_1254, %dma_wait3A_1255] : memref<3x4x64x128xf32, #tpu.memory_space<vmem>> -> memref<1x1x64x128xf32, #tpu.memory_space<vmem>>
    %dma_wait3A_1257 = tpu.memref_squeeze %dma_wait3A_1256 : memref<1x1x64x128xf32, #tpu.memory_space<vmem>> -> memref<64x128xf32, #tpu.memory_space<vmem>>
    %dma_wait3A_1258 = arith.constant 0 : i32
    %dma_wait3A_1259 = tpu.memref_slice %arg6[%dma_wait3A_1250, %dma_wait3A_1251, %dma_wait3A_1258] : memref<4x4x64xi32, #tpu.memory_space<vmem>> -> memref<1x1x64xi32, #tpu.memory_space<vmem>>
    %dma_wait3A_1260 = tpu.memref_squeeze %dma_wait3A_1259 : memref<1x1x64xi32, #tpu.memory_space<vmem>> -> memref<64xi32, #tpu.memory_space<vmem>>
    %dma_wait3A_1261 = arith.constant 0 : i32
    %dma_wait3A_1262 = arith.constant 0 : i32
    %dma_wait3A_1263 = tpu.memref_slice %arg3[%dma_wait3A_1261, %dma_wait3A_1262] : memref<100000x128xf32, #tpu.memory_space<hbm>> -> memref<100000x128xf32, #tpu.memory_space<hbm>>
    tpu.wait_indirect_dma semaphore(%arg10 : memref<!tpu.dma_semaphore, #tpu.memory_space<semaphore_mem>>) src(%dma_wait3A_1263 : memref<100000x128xf32, #tpu.memory_space<hbm>>) dst(%dma_wait3A_1257 : memref<64x128xf32, #tpu.memory_space<vmem>>)
    %dma_wait3A_1264 = arith.constant 1 : i32
    %dma_wait3A_1265 = arith.constant 3 : i32
    %dma_wait3A_1266 = arith.constant 0 : i32
    %dma_wait3A_1267 = arith.constant 1 : i32
    %dma_wait3A_1268 = arith.constant 0 : i32
    %dma_wait3A_1269 = arith.constant 0 : i32
    %dma_wait3A_1270 = tpu.memref_slice %arg7[%dma_wait3A_1266, %dma_wait3A_1267, %dma_wait3A_1268, %dma_wait3A_1269] : memref<3x4x64x128xf32, #tpu.memory_space<vmem>> -> memref<1x1x64x128xf32, #tpu.memory_space<vmem>>
    %dma_wait3A_1271 = tpu.memref_squeeze %dma_wait3A_1270 : memref<1x1x64x128xf32, #tpu.memory_space<vmem>> -> memref<64x128xf32, #tpu.memory_space<vmem>>
    %dma_wait3A_1272 = arith.constant 0 : i32
    %dma_wait3A_1273 = tpu.memref_slice %arg6[%dma_wait3A_1264, %dma_wait3A_1265, %dma_wait3A_1272] : memref<4x4x64xi32, #tpu.memory_space<vmem>> -> memref<1x1x64xi32, #tpu.memory_space<vmem>>
    %dma_wait3A_1274 = tpu.memref_squeeze %dma_wait3A_1273 : memref<1x1x64xi32, #tpu.memory_space<vmem>> -> memref<64xi32, #tpu.memory_space<vmem>>
    %dma_wait3A_1275 = arith.constant 0 : i32
    %dma_wait3A_1276 = arith.constant 0 : i32
    %dma_wait3A_1277 = tpu.memref_slice %arg3[%dma_wait3A_1275, %dma_wait3A_1276] : memref<100000x128xf32, #tpu.memory_space<hbm>> -> memref<100000x128xf32, #tpu.memory_space<hbm>>
    tpu.wait_indirect_dma semaphore(%arg10 : memref<!tpu.dma_semaphore, #tpu.memory_space<semaphore_mem>>) src(%dma_wait3A_1277 : memref<100000x128xf32, #tpu.memory_space<hbm>>) dst(%dma_wait3A_1271 : memref<64x128xf32, #tpu.memory_space<vmem>>)
    %dma_wait3A_1278 = arith.constant 2 : i32
    %dma_wait3A_1279 = arith.constant 3 : i32
    %dma_wait3A_1280 = arith.constant 0 : i32
    %dma_wait3A_1281 = arith.constant 2 : i32
    %dma_wait3A_1282 = arith.constant 0 : i32
    %dma_wait3A_1283 = arith.constant 0 : i32
    %dma_wait3A_1284 = tpu.memref_slice %arg7[%dma_wait3A_1280, %dma_wait3A_1281, %dma_wait3A_1282, %dma_wait3A_1283] : memref<3x4x64x128xf32, #tpu.memory_space<vmem>> -> memref<1x1x64x128xf32, #tpu.memory_space<vmem>>
    %dma_wait3A_1285 = tpu.memref_squeeze %dma_wait3A_1284 : memref<1x1x64x128xf32, #tpu.memory_space<vmem>> -> memref<64x128xf32, #tpu.memory_space<vmem>>
    %dma_wait3A_1286 = arith.constant 0 : i32
    %dma_wait3A_1287 = tpu.memref_slice %arg6[%dma_wait3A_1278, %dma_wait3A_1279, %dma_wait3A_1286] : memref<4x4x64xi32, #tpu.memory_space<vmem>> -> memref<1x1x64xi32, #tpu.memory_space<vmem>>
    %dma_wait3A_1288 = tpu.memref_squeeze %dma_wait3A_1287 : memref<1x1x64xi32, #tpu.memory_space<vmem>> -> memref<64xi32, #tpu.memory_space<vmem>>
    %dma_wait3A_1289 = arith.constant 0 : i32
    %dma_wait3A_1290 = arith.constant 0 : i32
    %dma_wait3A_1291 = tpu.memref_slice %arg3[%dma_wait3A_1289, %dma_wait3A_1290] : memref<100000x128xf32, #tpu.memory_space<hbm>> -> memref<100000x128xf32, #tpu.memory_space<hbm>>
    tpu.wait_indirect_dma semaphore(%arg10 : memref<!tpu.dma_semaphore, #tpu.memory_space<semaphore_mem>>) src(%dma_wait3A_1291 : memref<100000x128xf32, #tpu.memory_space<hbm>>) dst(%dma_wait3A_1285 : memref<64x128xf32, #tpu.memory_space<vmem>>)
    %dma_wait3A_1292 = arith.constant 3 : i32
    %dma_wait3A_1293 = arith.constant 3 : i32
    %dma_wait3A_1294 = arith.constant 0 : i32
    %dma_wait3A_1295 = arith.constant 3 : i32
    %dma_wait3A_1296 = arith.constant 0 : i32
    %dma_wait3A_1297 = arith.constant 0 : i32
    %dma_wait3A_1298 = tpu.memref_slice %arg7[%dma_wait3A_1294, %dma_wait3A_1295, %dma_wait3A_1296, %dma_wait3A_1297] : memref<3x4x64x128xf32, #tpu.memory_space<vmem>> -> memref<1x1x64x128xf32, #tpu.memory_space<vmem>>
    %dma_wait3A_1299 = tpu.memref_squeeze %dma_wait3A_1298 : memref<1x1x64x128xf32, #tpu.memory_space<vmem>> -> memref<64x128xf32, #tpu.memory_space<vmem>>
    %dma_wait3A_1300 = arith.constant 0 : i32
    %dma_wait3A_1301 = tpu.memref_slice %arg6[%dma_wait3A_1292, %dma_wait3A_1293, %dma_wait3A_1300] : memref<4x4x64xi32, #tpu.memory_space<vmem>> -> memref<1x1x64xi32, #tpu.memory_space<vmem>>
    %dma_wait3A_1302 = tpu.memref_squeeze %dma_wait3A_1301 : memref<1x1x64xi32, #tpu.memory_space<vmem>> -> memref<64xi32, #tpu.memory_space<vmem>>
    %dma_wait3A_1303 = arith.constant 0 : i32
    %dma_wait3A_1304 = arith.constant 0 : i32
    %dma_wait3A_1305 = tpu.memref_slice %arg3[%dma_wait3A_1303, %dma_wait3A_1304] : memref<100000x128xf32, #tpu.memory_space<hbm>> -> memref<100000x128xf32, #tpu.memory_space<hbm>>
    tpu.wait_indirect_dma semaphore(%arg10 : memref<!tpu.dma_semaphore, #tpu.memory_space<semaphore_mem>>) src(%dma_wait3A_1305 : memref<100000x128xf32, #tpu.memory_space<hbm>>) dst(%dma_wait3A_1299 : memref<64x128xf32, #tpu.memory_space<vmem>>)
    %dma_wait3A_1306 = arith.constant 0 : i32
    %dma_wait3A_1307 = arith.constant 0 : i32
    %dma_wait3A_1308 = arith.constant 0 : i32
    %dma_wait3A_1309 = tpu.memref_slice %arg8[%dma_wait3A_1306, %dma_wait3A_1307, %dma_wait3A_1308] : memref<3x64x128xf32, #tpu.memory_space<vmem>> -> memref<1x64x128xf32, #tpu.memory_space<vmem>>
    %dma_wait3A_1310 = tpu.memref_squeeze %dma_wait3A_1309 : memref<1x64x128xf32, #tpu.memory_space<vmem>> -> memref<64x128xf32, #tpu.memory_space<vmem>>
    %dma_wait3A_1311 = arith.constant 0 : i32
    %dma_wait3A_1312 = tpu.memref_slice %arg4[%add3A_1086, %dma_wait3A_1311] : memref<8192x128xf32, #tpu.memory_space<hbm>> -> memref<64x128xf32, #tpu.memory_space<hbm>>
    %dma_wait3A_1313 = arith.constant 0 : i32
    %dma_wait3A_1314 = arith.constant 0 : i32
    %dma_wait3A_1315 = tpu.memref_slice %arg8[%dma_wait3A_1306, %dma_wait3A_1313, %dma_wait3A_1314] : memref<3x64x128xf32, #tpu.memory_space<vmem>> -> memref<1x64x128xf32, #tpu.memory_space<vmem>>
    %dma_wait3A_1316 = tpu.memref_squeeze %dma_wait3A_1315 : memref<1x64x128xf32, #tpu.memory_space<vmem>> -> memref<64x128xf32, #tpu.memory_space<vmem>>
    %dma_wait3A_1317 = arith.constant 0 : i32
    %dma_wait3A_1318 = tpu.memref_slice %arg4[%add3A_1086, %dma_wait3A_1317] : memref<8192x128xf32, #tpu.memory_space<hbm>> -> memref<64x128xf32, #tpu.memory_space<hbm>>
    tpu.wait_dma2 semaphore(%arg10 : memref<!tpu.dma_semaphore, #tpu.memory_space<semaphore_mem>>) src(%dma_wait3A_1318 : memref<64x128xf32, #tpu.memory_space<hbm>>) dst(%dma_wait3A_1316 : memref<64x128xf32, #tpu.memory_space<vmem>>)
    %scan3A_1319 = arith.constant 0 : i32
    %scan3A_1320 = arith.constant 64 : i32
    %scan3A_1321 = arith.addi %scan3A_1319, %scan3A_1320 : i32
    %scan3A_1322 = arith.constant 1 : i32
    scf.for %scan3A_1604 = %scan3A_1319 to %scan3A_1321 step %scan3A_1322  : i32 {
      %get3A = arith.constant 0 : i32
      %get3A_1605 = arith.index_cast %get3A : i32 to index
      %get3A_1606 = arith.index_cast %scan3A_1604 : i32 to index
      %get3A_1607 = arith.constant 0 : index
      %get3A_1608 = tpu.vector_load %arg8[%get3A_1605, %get3A_1606, %get3A_1607] {strides = array<i32>} : memref<3x64x128xf32, #tpu.memory_space<vmem>>, vector<1x1x16xf32>,
      %get3A_1609 = vector.shape_cast %get3A_1608 : vector<1x1x16xf32> to vector<16xf32>
      %get3A_1610 = arith.constant 0 : i32
      %get3A_1611 = arith.constant 0 : i32
      %get3A_1612 = arith.index_cast %get3A_1610 : i32 to index
      %get3A_1613 = arith.index_cast %get3A_1611 : i32 to index
      %get3A_1614 = arith.index_cast %scan3A_1604 : i32 to index
      %get3A_1615 = arith.constant 0 : index
      %get3A_1616 = tpu.vector_load %arg7[%get3A_1612, %get3A_1613, %get3A_1614, %get3A_1615] {strides = array<i32>} : memref<3x4x64x128xf32, #tpu.memory_space<vmem>>, vector<1x1x1x16xf32>,
      %get3A_1617 = vector.shape_cast %get3A_1616 : vector<1x1x1x16xf32> to vector<16xf32>
      %mul3A_1618 = arith.constant 11.3137083 : f32
      %mul3A_1619 = vector.broadcast %mul3A_1618 : f32 to vector<16xf32>
      %mul3A_1620 = arith.mulf %get3A_1617, %mul3A_1619 : vector<16xf32>
      %add3A_1621 = arith.addf %mul3A_1620, %get3A_1609 : vector<16xf32>
      %swap3A = arith.constant 0 : i32
      %swap3A_1622 = arith.constant 0 : i32
      %swap3A_1623 = arith.index_cast %swap3A : i32 to index
      %swap3A_1624 = arith.index_cast %swap3A_1622 : i32 to index
      %swap3A_1625 = arith.index_cast %scan3A_1604 : i32 to index
      %swap3A_1626 = arith.constant 0 : index
      %swap3A_1627 = tpu.vector_load %arg7[%swap3A_1623, %swap3A_1624, %swap3A_1625, %swap3A_1626] {strides = array<i32>} : memref<3x4x64x128xf32, #tpu.memory_space<vmem>>, vector<1x1x1x16xf32>,
      %swap3A_1628 = vector.shape_cast %swap3A_1627 : vector<1x1x1x16xf32> to vector<16xf32>
      %swap3A_1629 = vector.shape_cast %add3A_1621 : vector<16xf32> to vector<1x1x1x16xf32>
      tpu.vector_store %arg7[%swap3A_1623, %swap3A_1624, %swap3A_1625, %swap3A_1626], %swap3A_1629 {strides = array<i32>} : memref<3x4x64x128xf32, #tpu.memory_space<vmem>>, vector<1x1x1x16xf32>,
      %get3A_1630 = arith.constant 0 : i32
      %get3A_1631 = arith.constant 1 : i32
      %get3A_1632 = arith.index_cast %get3A_1630 : i32 to index
      %get3A_1633 = arith.index_cast %get3A_1631 : i32 to index
      %get3A_1634 = arith.index_cast %scan3A_1604 : i32 to index
      %get3A_1635 = arith.constant 0 : index
      %get3A_1636 = tpu.vector_load %arg7[%get3A_1632, %get3A_1633, %get3A_1634, %get3A_1635] {strides = array<i32>} : memref<3x4x64x128xf32, #tpu.memory_space<vmem>>, vector<1x1x1x16xf32>,
      %get3A_1637 = vector.shape_cast %get3A_1636 : vector<1x1x1x16xf32> to vector<16xf32>
      %mul3A_1638 = arith.constant 11.3137083 : f32
      %mul3A_1639 = vector.broadcast %mul3A_1638 : f32 to vector<16xf32>
      %mul3A_1640 = arith.mulf %get3A_1637, %mul3A_1639 : vector<16xf32>
      %add3A_1641 = arith.addf %mul3A_1640, %get3A_1609 : vector<16xf32>
      %swap3A_1642 = arith.constant 0 : i32
      %swap3A_1643 = arith.constant 1 : i32
      %swap3A_1644 = arith.index_cast %swap3A_1642 : i32 to index
      %swap3A_1645 = arith.index_cast %swap3A_1643 : i32 to index
      %swap3A_1646 = arith.index_cast %scan3A_1604 : i32 to index
      %swap3A_1647 = arith.constant 0 : index
      %swap3A_1648 = tpu.vector_load %arg7[%swap3A_1644, %swap3A_1645, %swap3A_1646, %swap3A_1647] {strides = array<i32>} : memref<3x4x64x128xf32, #tpu.memory_space<vmem>>, vector<1x1x1x16xf32>,
      %swap3A_1649 = vector.shape_cast %swap3A_1648 : vector<1x1x1x16xf32> to vector<16xf32>
      %swap3A_1650 = vector.shape_cast %add3A_1641 : vector<16xf32> to vector<1x1x1x16xf32>
      tpu.vector_store %arg7[%swap3A_1644, %swap3A_1645, %swap3A_1646, %swap3A_1647], %swap3A_1650 {strides = array<i32>} : memref<3x4x64x128xf32, #tpu.memory_space<vmem>>, vector<1x1x1x16xf32>,
      %get3A_1651 = arith.constant 0 : i32
      %get3A_1652 = arith.constant 2 : i32
      %get3A_1653 = arith.index_cast %get3A_1651 : i32 to index
      %get3A_1654 = arith.index_cast %get3A_1652 : i32 to index
      %get3A_1655 = arith.index_cast %scan3A_1604 : i32 to index
      %get3A_1656 = arith.constant 0 : index
      %get3A_1657 = tpu.vector_load %arg7[%get3A_1653, %get3A_1654, %get3A_1655, %get3A_1656] {strides = array<i32>} : memref<3x4x64x128xf32, #tpu.memory_space<vmem>>, vector<1x1x1x16xf32>,
      %get3A_1658 = vector.shape_cast %get3A_1657 : vector<1x1x1x16xf32> to vector<16xf32>
      %mul3A_1659 = arith.constant 11.3137083 : f32
      %mul3A_1660 = vector.broadcast %mul3A_1659 : f32 to vector<16xf32>
      %mul3A_1661 = arith.mulf %get3A_1658, %mul3A_1660 : vector<16xf32>
      %add3A_1662 = arith.addf %mul3A_1661, %get3A_1609 : vector<16xf32>
      %swap3A_1663 = arith.constant 0 : i32
      %swap3A_1664 = arith.constant 2 : i32
      %swap3A_1665 = arith.index_cast %swap3A_1663 : i32 to index
      %swap3A_1666 = arith.index_cast %swap3A_1664 : i32 to index
      %swap3A_1667 = arith.index_cast %scan3A_1604 : i32 to index
      %swap3A_1668 = arith.constant 0 : index
      %swap3A_1669 = tpu.vector_load %arg7[%swap3A_1665, %swap3A_1666, %swap3A_1667, %swap3A_1668] {strides = array<i32>} : memref<3x4x64x128xf32, #tpu.memory_space<vmem>>, vector<1x1x1x16xf32>,
      %swap3A_1670 = vector.shape_cast %swap3A_1669 : vector<1x1x1x16xf32> to vector<16xf32>
      %swap3A_1671 = vector.shape_cast %add3A_1662 : vector<16xf32> to vector<1x1x1x16xf32>
      tpu.vector_store %arg7[%swap3A_1665, %swap3A_1666, %swap3A_1667, %swap3A_1668], %swap3A_1671 {strides = array<i32>} : memref<3x4x64x128xf32, #tpu.memory_space<vmem>>, vector<1x1x1x16xf32>,
      %get3A_1672 = arith.constant 0 : i32
      %get3A_1673 = arith.constant 3 : i32
      %get3A_1674 = arith.index_cast %get3A_1672 : i32 to index
      %get3A_1675 = arith.index_cast %get3A_1673 : i32 to index
      %get3A_1676 = arith.index_cast %scan3A_1604 : i32 to index
      %get3A_1677 = arith.constant 0 : index
      %get3A_1678 = tpu.vector_load %arg7[%get3A_1674, %get3A_1675, %get3A_1676, %get3A_1677] {strides = array<i32>} : memref<3x4x64x128xf32, #tpu.memory_space<vmem>>, vector<1x1x1x16xf32>,
      %get3A_1679 = vector.shape_cast %get3A_1678 : vector<1x1x1x16xf32> to vector<16xf32>
      %mul3A_1680 = arith.constant 11.3137083 : f32
      %mul3A_1681 = vector.broadcast %mul3A_1680 : f32 to vector<16xf32>
      %mul3A_1682 = arith.mulf %get3A_1679, %mul3A_1681 : vector<16xf32>
      %add3A_1683 = arith.addf %mul3A_1682, %get3A_1609 : vector<16xf32>
      %swap3A_1684 = arith.constant 0 : i32
      %swap3A_1685 = arith.constant 3 : i32
      %swap3A_1686 = arith.index_cast %swap3A_1684 : i32 to index
      %swap3A_1687 = arith.index_cast %swap3A_1685 : i32 to index
      %swap3A_1688 = arith.index_cast %scan3A_1604 : i32 to index
      %swap3A_1689 = arith.constant 0 : index
      %swap3A_1690 = tpu.vector_load %arg7[%swap3A_1686, %swap3A_1687, %swap3A_1688, %swap3A_1689] {strides = array<i32>} : memref<3x4x64x128xf32, #tpu.memory_space<vmem>>, vector<1x1x1x16xf32>,
      %swap3A_1691 = vector.shape_cast %swap3A_1690 : vector<1x1x1x16xf32> to vector<16xf32>
      %swap3A_1692 = vector.shape_cast %add3A_1683 : vector<16xf32> to vector<1x1x1x16xf32>
      tpu.vector_store %arg7[%swap3A_1686, %swap3A_1687, %swap3A_1688, %swap3A_1689], %swap3A_1692 {strides = array<i32>} : memref<3x4x64x128xf32, #tpu.memory_space<vmem>>, vector<1x1x1x16xf32>,
      %get3A_1693 = arith.constant 0 : i32
      %get3A_1694 = arith.index_cast %get3A_1693 : i32 to index
      %get3A_1695 = arith.index_cast %scan3A_1604 : i32 to index
      %get3A_1696 = arith.constant 16 : index
      %get3A_1697 = tpu.vector_load %arg8[%get3A_1694, %get3A_1695, %get3A_1696] {strides = array<i32>} : memref<3x64x128xf32, #tpu.memory_space<vmem>>, vector<1x1x16xf32>,
      %get3A_1698 = vector.shape_cast %get3A_1697 : vector<1x1x16xf32> to vector<16xf32>
      %get3A_1699 = arith.constant 0 : i32
      %get3A_1700 = arith.constant 0 : i32
      %get3A_1701 = arith.index_cast %get3A_1699 : i32 to index
      %get3A_1702 = arith.index_cast %get3A_1700 : i32 to index
      %get3A_1703 = arith.index_cast %scan3A_1604 : i32 to index
      %get3A_1704 = arith.constant 16 : index
      %get3A_1705 = tpu.vector_load %arg7[%get3A_1701, %get3A_1702, %get3A_1703, %get3A_1704] {strides = array<i32>} : memref<3x4x64x128xf32, #tpu.memory_space<vmem>>, vector<1x1x1x16xf32>,
      %get3A_1706 = vector.shape_cast %get3A_1705 : vector<1x1x1x16xf32> to vector<16xf32>
      %mul3A_1707 = arith.constant 11.3137083 : f32
      %mul3A_1708 = vector.broadcast %mul3A_1707 : f32 to vector<16xf32>
      %mul3A_1709 = arith.mulf %get3A_1706, %mul3A_1708 : vector<16xf32>
      %add3A_1710 = arith.addf %mul3A_1709, %get3A_1698 : vector<16xf32>
      %swap3A_1711 = arith.constant 0 : i32
      %swap3A_1712 = arith.constant 0 : i32
      %swap3A_1713 = arith.index_cast %swap3A_1711 : i32 to index
      %swap3A_1714 = arith.index_cast %swap3A_1712 : i32 to index
      %swap3A_1715 = arith.index_cast %scan3A_1604 : i32 to index
      %swap3A_1716 = arith.constant 16 : index
      %swap3A_1717 = tpu.vector_load %arg7[%swap3A_1713, %swap3A_1714, %swap3A_1715, %swap3A_1716] {strides = array<i32>} : memref<3x4x64x128xf32, #tpu.memory_space<vmem>>, vector<1x1x1x16xf32>,
      %swap3A_1718 = vector.shape_cast %swap3A_1717 : vector<1x1x1x16xf32> to vector<16xf32>
      %swap3A_1719 = vector.shape_cast %add3A_1710 : vector<16xf32> to vector<1x1x1x16xf32>
      tpu.vector_store %arg7[%swap3A_1713, %swap3A_1714, %swap3A_1715, %swap3A_1716], %swap3A_1719 {strides = array<i32>} : memref<3x4x64x128xf32, #tpu.memory_space<vmem>>, vector<1x1x1x16xf32>,
      %get3A_1720 = arith.constant 0 : i32
      %get3A_1721 = arith.constant 1 : i32
      %get3A_1722 = arith.index_cast %get3A_1720 : i32 to index
      %get3A_1723 = arith.index_cast %get3A_1721 : i32 to index
      %get3A_1724 = arith.index_cast %scan3A_1604 : i32 to index
      %get3A_1725 = arith.constant 16 : index
      %get3A_1726 = tpu.vector_load %arg7[%get3A_1722, %get3A_1723, %get3A_1724, %get3A_1725] {strides = array<i32>} : memref<3x4x64x128xf32, #tpu.memory_space<vmem>>, vector<1x1x1x16xf32>,
      %get3A_1727 = vector.shape_cast %get3A_1726 : vector<1x1x1x16xf32> to vector<16xf32>
      %mul3A_1728 = arith.constant 11.3137083 : f32
      %mul3A_1729 = vector.broadcast %mul3A_1728 : f32 to vector<16xf32>
      %mul3A_1730 = arith.mulf %get3A_1727, %mul3A_1729 : vector<16xf32>
      %add3A_1731 = arith.addf %mul3A_1730, %get3A_1698 : vector<16xf32>
      %swap3A_1732 = arith.constant 0 : i32
      %swap3A_1733 = arith.constant 1 : i32
      %swap3A_1734 = arith.index_cast %swap3A_1732 : i32 to index
      %swap3A_1735 = arith.index_cast %swap3A_1733 : i32 to index
      %swap3A_1736 = arith.index_cast %scan3A_1604 : i32 to index
      %swap3A_1737 = arith.constant 16 : index
      %swap3A_1738 = tpu.vector_load %arg7[%swap3A_1734, %swap3A_1735, %swap3A_1736, %swap3A_1737] {strides = array<i32>} : memref<3x4x64x128xf32, #tpu.memory_space<vmem>>, vector<1x1x1x16xf32>,
      %swap3A_1739 = vector.shape_cast %swap3A_1738 : vector<1x1x1x16xf32> to vector<16xf32>
      %swap3A_1740 = vector.shape_cast %add3A_1731 : vector<16xf32> to vector<1x1x1x16xf32>
      tpu.vector_store %arg7[%swap3A_1734, %swap3A_1735, %swap3A_1736, %swap3A_1737], %swap3A_1740 {strides = array<i32>} : memref<3x4x64x128xf32, #tpu.memory_space<vmem>>, vector<1x1x1x16xf32>,
      %get3A_1741 = arith.constant 0 : i32
      %get3A_1742 = arith.constant 2 : i32
      %get3A_1743 = arith.index_cast %get3A_1741 : i32 to index
      %get3A_1744 = arith.index_cast %get3A_1742 : i32 to index
      %get3A_1745 = arith.index_cast %scan3A_1604 : i32 to index
      %get3A_1746 = arith.constant 16 : index
      %get3A_1747 = tpu.vector_load %arg7[%get3A_1743, %get3A_1744, %get3A_1745, %get3A_1746] {strides = array<i32>} : memref<3x4x64x128xf32, #tpu.memory_space<vmem>>, vector<1x1x1x16xf32>,
      %get3A_1748 = vector.shape_cast %get3A_1747 : vector<1x1x1x16xf32> to vector<16xf32>
      %mul3A_1749 = arith.constant 11.3137083 : f32
      %mul3A_1750 = vector.broadcast %mul3A_1749 : f32 to vector<16xf32>
      %mul3A_1751 = arith.mulf %get3A_1748, %mul3A_1750 : vector<16xf32>
      %add3A_1752 = arith.addf %mul3A_1751, %get3A_1698 : vector<16xf32>
      %swap3A_1753 = arith.constant 0 : i32
      %swap3A_1754 = arith.constant 2 : i32
      %swap3A_1755 = arith.index_cast %swap3A_1753 : i32 to index
      %swap3A_1756 = arith.index_cast %swap3A_1754 : i32 to index
      %swap3A_1757 = arith.index_cast %scan3A_1604 : i32 to index
      %swap3A_1758 = arith.constant 16 : index
      %swap3A_1759 = tpu.vector_load %arg7[%swap3A_1755, %swap3A_1756, %swap3A_1757, %swap3A_1758] {strides = array<i32>} : memref<3x4x64x128xf32, #tpu.memory_space<vmem>>, vector<1x1x1x16xf32>,
      %swap3A_1760 = vector.shape_cast %swap3A_1759 : vector<1x1x1x16xf32> to vector<16xf32>
      %swap3A_1761 = vector.shape_cast %add3A_1752 : vector<16xf32> to vector<1x1x1x16xf32>
      tpu.vector_store %arg7[%swap3A_1755, %swap3A_1756, %swap3A_1757, %swap3A_1758], %swap3A_1761 {strides = array<i32>} : memref<3x4x64x128xf32, #tpu.memory_space<vmem>>, vector<1x1x1x16xf32>,
      %get3A_1762 = arith.constant 0 : i32
      %get3A_1763 = arith.constant 3 : i32
      %get3A_1764 = arith.index_cast %get3A_1762 : i32 to index
      %get3A_1765 = arith.index_cast %get3A_1763 : i32 to index
      %get3A_1766 = arith.index_cast %scan3A_1604 : i32 to index
      %get3A_1767 = arith.constant 16 : index
      %get3A_1768 = tpu.vector_load %arg7[%get3A_1764, %get3A_1765, %get3A_1766, %get3A_1767] {strides = array<i32>} : memref<3x4x64x128xf32, #tpu.memory_space<vmem>>, vector<1x1x1x16xf32>,
      %get3A_1769 = vector.shape_cast %get3A_1768 : vector<1x1x1x16xf32> to vector<16xf32>
      %mul3A_1770 = arith.constant 11.3137083 : f32
      %mul3A_1771 = vector.broadcast %mul3A_1770 : f32 to vector<16xf32>
      %mul3A_1772 = arith.mulf %get3A_1769, %mul3A_1771 : vector<16xf32>
      %add3A_1773 = arith.addf %mul3A_1772, %get3A_1698 : vector<16xf32>
      %swap3A_1774 = arith.constant 0 : i32
      %swap3A_1775 = arith.constant 3 : i32
      %swap3A_1776 = arith.index_cast %swap3A_1774 : i32 to index
      %swap3A_1777 = arith.index_cast %swap3A_1775 : i32 to index
      %swap3A_1778 = arith.index_cast %scan3A_1604 : i32 to index
      %swap3A_1779 = arith.constant 16 : index
      %swap3A_1780 = tpu.vector_load %arg7[%swap3A_1776, %swap3A_1777, %swap3A_1778, %swap3A_1779] {strides = array<i32>} : memref<3x4x64x128xf32, #tpu.memory_space<vmem>>, vector<1x1x1x16xf32>,
      %swap3A_1781 = vector.shape_cast %swap3A_1780 : vector<1x1x1x16xf32> to vector<16xf32>
      %swap3A_1782 = vector.shape_cast %add3A_1773 : vector<16xf32> to vector<1x1x1x16xf32>
      tpu.vector_store %arg7[%swap3A_1776, %swap3A_1777, %swap3A_1778, %swap3A_1779], %swap3A_1782 {strides = array<i32>} : memref<3x4x64x128xf32, #tpu.memory_space<vmem>>, vector<1x1x1x16xf32>,
      %get3A_1783 = arith.constant 0 : i32
      %get3A_1784 = arith.index_cast %get3A_1783 : i32 to index
      %get3A_1785 = arith.index_cast %scan3A_1604 : i32 to index
      %get3A_1786 = arith.constant 32 : index
      %get3A_1787 = tpu.vector_load %arg8[%get3A_1784, %get3A_1785, %get3A_1786] {strides = array<i32>} : memref<3x64x128xf32, #tpu.memory_space<vmem>>, vector<1x1x16xf32>,
      %get3A_1788 = vector.shape_cast %get3A_1787 : vector<1x1x16xf32> to vector<16xf32>
      %get3A_1789 = arith.constant 0 : i32
      %get3A_1790 = arith.constant 0 : i32
      %get3A_1791 = arith.index_cast %get3A_1789 : i32 to index
      %get3A_1792 = arith.index_cast %get3A_1790 : i32 to index
      %get3A_1793 = arith.index_cast %scan3A_1604 : i32 to index
      %get3A_1794 = arith.constant 32 : index
      %get3A_1795 = tpu.vector_load %arg7[%get3A_1791, %get3A_1792, %get3A_1793, %get3A_1794] {strides = array<i32>} : memref<3x4x64x128xf32, #tpu.memory_space<vmem>>, vector<1x1x1x16xf32>,
      %get3A_1796 = vector.shape_cast %get3A_1795 : vector<1x1x1x16xf32> to vector<16xf32>
      %mul3A_1797 = arith.constant 11.3137083 : f32
      %mul3A_1798 = vector.broadcast %mul3A_1797 : f32 to vector<16xf32>
      %mul3A_1799 = arith.mulf %get3A_1796, %mul3A_1798 : vector<16xf32>
      %add3A_1800 = arith.addf %mul3A_1799, %get3A_1788 : vector<16xf32>
      %swap3A_1801 = arith.constant 0 : i32
      %swap3A_1802 = arith.constant 0 : i32
      %swap3A_1803 = arith.index_cast %swap3A_1801 : i32 to index
      %swap3A_1804 = arith.index_cast %swap3A_1802 : i32 to index
      %swap3A_1805 = arith.index_cast %scan3A_1604 : i32 to index
      %swap3A_1806 = arith.constant 32 : index
      %swap3A_1807 = tpu.vector_load %arg7[%swap3A_1803, %swap3A_1804, %swap3A_1805, %swap3A_1806] {strides = array<i32>} : memref<3x4x64x128xf32, #tpu.memory_space<vmem>>, vector<1x1x1x16xf32>,
      %swap3A_1808 = vector.shape_cast %swap3A_1807 : vector<1x1x1x16xf32> to vector<16xf32>
      %swap3A_1809 = vector.shape_cast %add3A_1800 : vector<16xf32> to vector<1x1x1x16xf32>
      tpu.vector_store %arg7[%swap3A_1803, %swap3A_1804, %swap3A_1805, %swap3A_1806], %swap3A_1809 {strides = array<i32>} : memref<3x4x64x128xf32, #tpu.memory_space<vmem>>, vector<1x1x1x16xf32>,
      %get3A_1810 = arith.constant 0 : i32
      %get3A_1811 = arith.constant 1 : i32
      %get3A_1812 = arith.index_cast %get3A_1810 : i32 to index
      %get3A_1813 = arith.index_cast %get3A_1811 : i32 to index
      %get3A_1814 = arith.index_cast %scan3A_1604 : i32 to index
      %get3A_1815 = arith.constant 32 : index
      %get3A_1816 = tpu.vector_load %arg7[%get3A_1812, %get3A_1813, %get3A_1814, %get3A_1815] {strides = array<i32>} : memref<3x4x64x128xf32, #tpu.memory_space<vmem>>, vector<1x1x1x16xf32>,
      %get3A_1817 = vector.shape_cast %get3A_1816 : vector<1x1x1x16xf32> to vector<16xf32>
      %mul3A_1818 = arith.constant 11.3137083 : f32
      %mul3A_1819 = vector.broadcast %mul3A_1818 : f32 to vector<16xf32>
      %mul3A_1820 = arith.mulf %get3A_1817, %mul3A_1819 : vector<16xf32>
      %add3A_1821 = arith.addf %mul3A_1820, %get3A_1788 : vector<16xf32>
      %swap3A_1822 = arith.constant 0 : i32
      %swap3A_1823 = arith.constant 1 : i32
      %swap3A_1824 = arith.index_cast %swap3A_1822 : i32 to index
      %swap3A_1825 = arith.index_cast %swap3A_1823 : i32 to index
      %swap3A_1826 = arith.index_cast %scan3A_1604 : i32 to index
      %swap3A_1827 = arith.constant 32 : index
      %swap3A_1828 = tpu.vector_load %arg7[%swap3A_1824, %swap3A_1825, %swap3A_1826, %swap3A_1827] {strides = array<i32>} : memref<3x4x64x128xf32, #tpu.memory_space<vmem>>, vector<1x1x1x16xf32>,
      %swap3A_1829 = vector.shape_cast %swap3A_1828 : vector<1x1x1x16xf32> to vector<16xf32>
      %swap3A_1830 = vector.shape_cast %add3A_1821 : vector<16xf32> to vector<1x1x1x16xf32>
      tpu.vector_store %arg7[%swap3A_1824, %swap3A_1825, %swap3A_1826, %swap3A_1827], %swap3A_1830 {strides = array<i32>} : memref<3x4x64x128xf32, #tpu.memory_space<vmem>>, vector<1x1x1x16xf32>,
      %get3A_1831 = arith.constant 0 : i32
      %get3A_1832 = arith.constant 2 : i32
      %get3A_1833 = arith.index_cast %get3A_1831 : i32 to index
      %get3A_1834 = arith.index_cast %get3A_1832 : i32 to index
      %get3A_1835 = arith.index_cast %scan3A_1604 : i32 to index
      %get3A_1836 = arith.constant 32 : index
      %get3A_1837 = tpu.vector_load %arg7[%get3A_1833, %get3A_1834, %get3A_1835, %get3A_1836] {strides = array<i32>} : memref<3x4x64x128xf32, #tpu.memory_space<vmem>>, vector<1x1x1x16xf32>,
      %get3A_1838 = vector.shape_cast %get3A_1837 : vector<1x1x1x16xf32> to vector<16xf32>
      %mul3A_1839 = arith.constant 11.3137083 : f32
      %mul3A_1840 = vector.broadcast %mul3A_1839 : f32 to vector<16xf32>
      %mul3A_1841 = arith.mulf %get3A_1838, %mul3A_1840 : vector<16xf32>
      %add3A_1842 = arith.addf %mul3A_1841, %get3A_1788 : vector<16xf32>
      %swap3A_1843 = arith.constant 0 : i32
      %swap3A_1844 = arith.constant 2 : i32
      %swap3A_1845 = arith.index_cast %swap3A_1843 : i32 to index
      %swap3A_1846 = arith.index_cast %swap3A_1844 : i32 to index
      %swap3A_1847 = arith.index_cast %scan3A_1604 : i32 to index
      %swap3A_1848 = arith.constant 32 : index
      %swap3A_1849 = tpu.vector_load %arg7[%swap3A_1845, %swap3A_1846, %swap3A_1847, %swap3A_1848] {strides = array<i32>} : memref<3x4x64x128xf32, #tpu.memory_space<vmem>>, vector<1x1x1x16xf32>,
      %swap3A_1850 = vector.shape_cast %swap3A_1849 : vector<1x1x1x16xf32> to vector<16xf32>
      %swap3A_1851 = vector.shape_cast %add3A_1842 : vector<16xf32> to vector<1x1x1x16xf32>
      tpu.vector_store %arg7[%swap3A_1845, %swap3A_1846, %swap3A_1847, %swap3A_1848], %swap3A_1851 {strides = array<i32>} : memref<3x4x64x128xf32, #tpu.memory_space<vmem>>, vector<1x1x1x16xf32>,
      %get3A_1852 = arith.constant 0 : i32
      %get3A_1853 = arith.constant 3 : i32
      %get3A_1854 = arith.index_cast %get3A_1852 : i32 to index
      %get3A_1855 = arith.index_cast %get3A_1853 : i32 to index
      %get3A_1856 = arith.index_cast %scan3A_1604 : i32 to index
      %get3A_1857 = arith.constant 32 : index
      %get3A_1858 = tpu.vector_load %arg7[%get3A_1854, %get3A_1855, %get3A_1856, %get3A_1857] {strides = array<i32>} : memref<3x4x64x128xf32, #tpu.memory_space<vmem>>, vector<1x1x1x16xf32>,
      %get3A_1859 = vector.shape_cast %get3A_1858 : vector<1x1x1x16xf32> to vector<16xf32>
      %mul3A_1860 = arith.constant 11.3137083 : f32
      %mul3A_1861 = vector.broadcast %mul3A_1860 : f32 to vector<16xf32>
      %mul3A_1862 = arith.mulf %get3A_1859, %mul3A_1861 : vector<16xf32>
      %add3A_1863 = arith.addf %mul3A_1862, %get3A_1788 : vector<16xf32>
      %swap3A_1864 = arith.constant 0 : i32
      %swap3A_1865 = arith.constant 3 : i32
      %swap3A_1866 = arith.index_cast %swap3A_1864 : i32 to index
      %swap3A_1867 = arith.index_cast %swap3A_1865 : i32 to index
      %swap3A_1868 = arith.index_cast %scan3A_1604 : i32 to index
      %swap3A_1869 = arith.constant 32 : index
      %swap3A_1870 = tpu.vector_load %arg7[%swap3A_1866, %swap3A_1867, %swap3A_1868, %swap3A_1869] {strides = array<i32>} : memref<3x4x64x128xf32, #tpu.memory_space<vmem>>, vector<1x1x1x16xf32>,
      %swap3A_1871 = vector.shape_cast %swap3A_1870 : vector<1x1x1x16xf32> to vector<16xf32>
      %swap3A_1872 = vector.shape_cast %add3A_1863 : vector<16xf32> to vector<1x1x1x16xf32>
      tpu.vector_store %arg7[%swap3A_1866, %swap3A_1867, %swap3A_1868, %swap3A_1869], %swap3A_1872 {strides = array<i32>} : memref<3x4x64x128xf32, #tpu.memory_space<vmem>>, vector<1x1x1x16xf32>,
      %get3A_1873 = arith.constant 0 : i32
      %get3A_1874 = arith.index_cast %get3A_1873 : i32 to index
      %get3A_1875 = arith.index_cast %scan3A_1604 : i32 to index
      %get3A_1876 = arith.constant 48 : index
      %get3A_1877 = tpu.vector_load %arg8[%get3A_1874, %get3A_1875, %get3A_1876] {strides = array<i32>} : memref<3x64x128xf32, #tpu.memory_space<vmem>>, vector<1x1x16xf32>,
      %get3A_1878 = vector.shape_cast %get3A_1877 : vector<1x1x16xf32> to vector<16xf32>
      %get3A_1879 = arith.constant 0 : i32
      %get3A_1880 = arith.constant 0 : i32
      %get3A_1881 = arith.index_cast %get3A_1879 : i32 to index
      %get3A_1882 = arith.index_cast %get3A_1880 : i32 to index
      %get3A_1883 = arith.index_cast %scan3A_1604 : i32 to index
      %get3A_1884 = arith.constant 48 : index
      %get3A_1885 = tpu.vector_load %arg7[%get3A_1881, %get3A_1882, %get3A_1883, %get3A_1884] {strides = array<i32>} : memref<3x4x64x128xf32, #tpu.memory_space<vmem>>, vector<1x1x1x16xf32>,
      %get3A_1886 = vector.shape_cast %get3A_1885 : vector<1x1x1x16xf32> to vector<16xf32>
      %mul3A_1887 = arith.constant 11.3137083 : f32
      %mul3A_1888 = vector.broadcast %mul3A_1887 : f32 to vector<16xf32>
      %mul3A_1889 = arith.mulf %get3A_1886, %mul3A_1888 : vector<16xf32>
      %add3A_1890 = arith.addf %mul3A_1889, %get3A_1878 : vector<16xf32>
      %swap3A_1891 = arith.constant 0 : i32
      %swap3A_1892 = arith.constant 0 : i32
      %swap3A_1893 = arith.index_cast %swap3A_1891 : i32 to index
      %swap3A_1894 = arith.index_cast %swap3A_1892 : i32 to index
      %swap3A_1895 = arith.index_cast %scan3A_1604 : i32 to index
      %swap3A_1896 = arith.constant 48 : index
      %swap3A_1897 = tpu.vector_load %arg7[%swap3A_1893, %swap3A_1894, %swap3A_1895, %swap3A_1896] {strides = array<i32>} : memref<3x4x64x128xf32, #tpu.memory_space<vmem>>, vector<1x1x1x16xf32>,
      %swap3A_1898 = vector.shape_cast %swap3A_1897 : vector<1x1x1x16xf32> to vector<16xf32>
      %swap3A_1899 = vector.shape_cast %add3A_1890 : vector<16xf32> to vector<1x1x1x16xf32>
      tpu.vector_store %arg7[%swap3A_1893, %swap3A_1894, %swap3A_1895, %swap3A_1896], %swap3A_1899 {strides = array<i32>} : memref<3x4x64x128xf32, #tpu.memory_space<vmem>>, vector<1x1x1x16xf32>,
      %get3A_1900 = arith.constant 0 : i32
      %get3A_1901 = arith.constant 1 : i32
      %get3A_1902 = arith.index_cast %get3A_1900 : i32 to index
      %get3A_1903 = arith.index_cast %get3A_1901 : i32 to index
      %get3A_1904 = arith.index_cast %scan3A_1604 : i32 to index
      %get3A_1905 = arith.constant 48 : index
      %get3A_1906 = tpu.vector_load %arg7[%get3A_1902, %get3A_1903, %get3A_1904, %get3A_1905] {strides = array<i32>} : memref<3x4x64x128xf32, #tpu.memory_space<vmem>>, vector<1x1x1x16xf32>,
      %get3A_1907 = vector.shape_cast %get3A_1906 : vector<1x1x1x16xf32> to vector<16xf32>
      %mul3A_1908 = arith.constant 11.3137083 : f32
      %mul3A_1909 = vector.broadcast %mul3A_1908 : f32 to vector<16xf32>
      %mul3A_1910 = arith.mulf %get3A_1907, %mul3A_1909 : vector<16xf32>
      %add3A_1911 = arith.addf %mul3A_1910, %get3A_1878 : vector<16xf32>
      %swap3A_1912 = arith.constant 0 : i32
      %swap3A_1913 = arith.constant 1 : i32
      %swap3A_1914 = arith.index_cast %swap3A_1912 : i32 to index
      %swap3A_1915 = arith.index_cast %swap3A_1913 : i32 to index
      %swap3A_1916 = arith.index_cast %scan3A_1604 : i32 to index
      %swap3A_1917 = arith.constant 48 : index
      %swap3A_1918 = tpu.vector_load %arg7[%swap3A_1914, %swap3A_1915, %swap3A_1916, %swap3A_1917] {strides = array<i32>} : memref<3x4x64x128xf32, #tpu.memory_space<vmem>>, vector<1x1x1x16xf32>,
      %swap3A_1919 = vector.shape_cast %swap3A_1918 : vector<1x1x1x16xf32> to vector<16xf32>
      %swap3A_1920 = vector.shape_cast %add3A_1911 : vector<16xf32> to vector<1x1x1x16xf32>
      tpu.vector_store %arg7[%swap3A_1914, %swap3A_1915, %swap3A_1916, %swap3A_1917], %swap3A_1920 {strides = array<i32>} : memref<3x4x64x128xf32, #tpu.memory_space<vmem>>, vector<1x1x1x16xf32>,
      %get3A_1921 = arith.constant 0 : i32
      %get3A_1922 = arith.constant 2 : i32
      %get3A_1923 = arith.index_cast %get3A_1921 : i32 to index
      %get3A_1924 = arith.index_cast %get3A_1922 : i32 to index
      %get3A_1925 = arith.index_cast %scan3A_1604 : i32 to index
      %get3A_1926 = arith.constant 48 : index
      %get3A_1927 = tpu.vector_load %arg7[%get3A_1923, %get3A_1924, %get3A_1925, %get3A_1926] {strides = array<i32>} : memref<3x4x64x128xf32, #tpu.memory_space<vmem>>, vector<1x1x1x16xf32>,
      %get3A_1928 = vector.shape_cast %get3A_1927 : vector<1x1x1x16xf32> to vector<16xf32>
      %mul3A_1929 = arith.constant 11.3137083 : f32
      %mul3A_1930 = vector.broadcast %mul3A_1929 : f32 to vector<16xf32>
      %mul3A_1931 = arith.mulf %get3A_1928, %mul3A_1930 : vector<16xf32>
      %add3A_1932 = arith.addf %mul3A_1931, %get3A_1878 : vector<16xf32>
      %swap3A_1933 = arith.constant 0 : i32
      %swap3A_1934 = arith.constant 2 : i32
      %swap3A_1935 = arith.index_cast %swap3A_1933 : i32 to index
      %swap3A_1936 = arith.index_cast %swap3A_1934 : i32 to index
      %swap3A_1937 = arith.index_cast %scan3A_1604 : i32 to index
      %swap3A_1938 = arith.constant 48 : index
      %swap3A_1939 = tpu.vector_load %arg7[%swap3A_1935, %swap3A_1936, %swap3A_1937, %swap3A_1938] {strides = array<i32>} : memref<3x4x64x128xf32, #tpu.memory_space<vmem>>, vector<1x1x1x16xf32>,
      %swap3A_1940 = vector.shape_cast %swap3A_1939 : vector<1x1x1x16xf32> to vector<16xf32>
      %swap3A_1941 = vector.shape_cast %add3A_1932 : vector<16xf32> to vector<1x1x1x16xf32>
      tpu.vector_store %arg7[%swap3A_1935, %swap3A_1936, %swap3A_1937, %swap3A_1938], %swap3A_1941 {strides = array<i32>} : memref<3x4x64x128xf32, #tpu.memory_space<vmem>>, vector<1x1x1x16xf32>,
      %get3A_1942 = arith.constant 0 : i32
      %get3A_1943 = arith.constant 3 : i32
      %get3A_1944 = arith.index_cast %get3A_1942 : i32 to index
      %get3A_1945 = arith.index_cast %get3A_1943 : i32 to index
      %get3A_1946 = arith.index_cast %scan3A_1604 : i32 to index
      %get3A_1947 = arith.constant 48 : index
      %get3A_1948 = tpu.vector_load %arg7[%get3A_1944, %get3A_1945, %get3A_1946, %get3A_1947] {strides = array<i32>} : memref<3x4x64x128xf32, #tpu.memory_space<vmem>>, vector<1x1x1x16xf32>,
      %get3A_1949 = vector.shape_cast %get3A_1948 : vector<1x1x1x16xf32> to vector<16xf32>
      %mul3A_1950 = arith.constant 11.3137083 : f32
      %mul3A_1951 = vector.broadcast %mul3A_1950 : f32 to vector<16xf32>
      %mul3A_1952 = arith.mulf %get3A_1949, %mul3A_1951 : vector<16xf32>
      %add3A_1953 = arith.addf %mul3A_1952, %get3A_1878 : vector<16xf32>
      %swap3A_1954 = arith.constant 0 : i32
      %swap3A_1955 = arith.constant 3 : i32
      %swap3A_1956 = arith.index_cast %swap3A_1954 : i32 to index
      %swap3A_1957 = arith.index_cast %swap3A_1955 : i32 to index
      %swap3A_1958 = arith.index_cast %scan3A_1604 : i32 to index
      %swap3A_1959 = arith.constant 48 : index
      %swap3A_1960 = tpu.vector_load %arg7[%swap3A_1956, %swap3A_1957, %swap3A_1958, %swap3A_1959] {strides = array<i32>} : memref<3x4x64x128xf32, #tpu.memory_space<vmem>>, vector<1x1x1x16xf32>,
      %swap3A_1961 = vector.shape_cast %swap3A_1960 : vector<1x1x1x16xf32> to vector<16xf32>
      %swap3A_1962 = vector.shape_cast %add3A_1953 : vector<16xf32> to vector<1x1x1x16xf32>
      tpu.vector_store %arg7[%swap3A_1956, %swap3A_1957, %swap3A_1958, %swap3A_1959], %swap3A_1962 {strides = array<i32>} : memref<3x4x64x128xf32, #tpu.memory_space<vmem>>, vector<1x1x1x16xf32>,
      %get3A_1963 = arith.constant 0 : i32
      %get3A_1964 = arith.index_cast %get3A_1963 : i32 to index
      %get3A_1965 = arith.index_cast %scan3A_1604 : i32 to index
      %get3A_1966 = arith.constant 64 : index
      %get3A_1967 = tpu.vector_load %arg8[%get3A_1964, %get3A_1965, %get3A_1966] {strides = array<i32>} : memref<3x64x128xf32, #tpu.memory_space<vmem>>, vector<1x1x16xf32>,
      %get3A_1968 = vector.shape_cast %get3A_1967 : vector<1x1x16xf32> to vector<16xf32>
      %get3A_1969 = arith.constant 0 : i32
      %get3A_1970 = arith.constant 0 : i32
      %get3A_1971 = arith.index_cast %get3A_1969 : i32 to index
      %get3A_1972 = arith.index_cast %get3A_1970 : i32 to index
      %get3A_1973 = arith.index_cast %scan3A_1604 : i32 to index
      %get3A_1974 = arith.constant 64 : index
      %get3A_1975 = tpu.vector_load %arg7[%get3A_1971, %get3A_1972, %get3A_1973, %get3A_1974] {strides = array<i32>} : memref<3x4x64x128xf32, #tpu.memory_space<vmem>>, vector<1x1x1x16xf32>,
      %get3A_1976 = vector.shape_cast %get3A_1975 : vector<1x1x1x16xf32> to vector<16xf32>
      %mul3A_1977 = arith.constant 11.3137083 : f32
      %mul3A_1978 = vector.broadcast %mul3A_1977 : f32 to vector<16xf32>
      %mul3A_1979 = arith.mulf %get3A_1976, %mul3A_1978 : vector<16xf32>
      %add3A_1980 = arith.addf %mul3A_1979, %get3A_1968 : vector<16xf32>
      %swap3A_1981 = arith.constant 0 : i32
      %swap3A_1982 = arith.constant 0 : i32
      %swap3A_1983 = arith.index_cast %swap3A_1981 : i32 to index
      %swap3A_1984 = arith.index_cast %swap3A_1982 : i32 to index
      %swap3A_1985 = arith.index_cast %scan3A_1604 : i32 to index
      %swap3A_1986 = arith.constant 64 : index
      %swap3A_1987 = tpu.vector_load %arg7[%swap3A_1983, %swap3A_1984, %swap3A_1985, %swap3A_1986] {strides = array<i32>} : memref<3x4x64x128xf32, #tpu.memory_space<vmem>>, vector<1x1x1x16xf32>,
      %swap3A_1988 = vector.shape_cast %swap3A_1987 : vector<1x1x1x16xf32> to vector<16xf32>
      %swap3A_1989 = vector.shape_cast %add3A_1980 : vector<16xf32> to vector<1x1x1x16xf32>
      tpu.vector_store %arg7[%swap3A_1983, %swap3A_1984, %swap3A_1985, %swap3A_1986], %swap3A_1989 {strides = array<i32>} : memref<3x4x64x128xf32, #tpu.memory_space<vmem>>, vector<1x1x1x16xf32>,
      %get3A_1990 = arith.constant 0 : i32
      %get3A_1991 = arith.constant 1 : i32
      %get3A_1992 = arith.index_cast %get3A_1990 : i32 to index
      %get3A_1993 = arith.index_cast %get3A_1991 : i32 to index
      %get3A_1994 = arith.index_cast %scan3A_1604 : i32 to index
      %get3A_1995 = arith.constant 64 : index
      %get3A_1996 = tpu.vector_load %arg7[%get3A_1992, %get3A_1993, %get3A_1994, %get3A_1995] {strides = array<i32>} : memref<3x4x64x128xf32, #tpu.memory_space<vmem>>, vector<1x1x1x16xf32>,
      %get3A_1997 = vector.shape_cast %get3A_1996 : vector<1x1x1x16xf32> to vector<16xf32>
      %mul3A_1998 = arith.constant 11.3137083 : f32
      %mul3A_1999 = vector.broadcast %mul3A_1998 : f32 to vector<16xf32>
      %mul3A_2000 = arith.mulf %get3A_1997, %mul3A_1999 : vector<16xf32>
      %add3A_2001 = arith.addf %mul3A_2000, %get3A_1968 : vector<16xf32>
      %swap3A_2002 = arith.constant 0 : i32
      %swap3A_2003 = arith.constant 1 : i32
      %swap3A_2004 = arith.index_cast %swap3A_2002 : i32 to index
      %swap3A_2005 = arith.index_cast %swap3A_2003 : i32 to index
      %swap3A_2006 = arith.index_cast %scan3A_1604 : i32 to index
      %swap3A_2007 = arith.constant 64 : index
      %swap3A_2008 = tpu.vector_load %arg7[%swap3A_2004, %swap3A_2005, %swap3A_2006, %swap3A_2007] {strides = array<i32>} : memref<3x4x64x128xf32, #tpu.memory_space<vmem>>, vector<1x1x1x16xf32>,
      %swap3A_2009 = vector.shape_cast %swap3A_2008 : vector<1x1x1x16xf32> to vector<16xf32>
      %swap3A_2010 = vector.shape_cast %add3A_2001 : vector<16xf32> to vector<1x1x1x16xf32>
      tpu.vector_store %arg7[%swap3A_2004, %swap3A_2005, %swap3A_2006, %swap3A_2007], %swap3A_2010 {strides = array<i32>} : memref<3x4x64x128xf32, #tpu.memory_space<vmem>>, vector<1x1x1x16xf32>,
      %get3A_2011 = arith.constant 0 : i32
      %get3A_2012 = arith.constant 2 : i32
      %get3A_2013 = arith.index_cast %get3A_2011 : i32 to index
      %get3A_2014 = arith.index_cast %get3A_2012 : i32 to index
      %get3A_2015 = arith.index_cast %scan3A_1604 : i32 to index
      %get3A_2016 = arith.constant 64 : index
      %get3A_2017 = tpu.vector_load %arg7[%get3A_2013, %get3A_2014, %get3A_2015, %get3A_2016] {strides = array<i32>} : memref<3x4x64x128xf32, #tpu.memory_space<vmem>>, vector<1x1x1x16xf32>,
      %get3A_2018 = vector.shape_cast %get3A_2017 : vector<1x1x1x16xf32> to vector<16xf32>
      %mul3A_2019 = arith.constant 11.3137083 : f32
      %mul3A_2020 = vector.broadcast %mul3A_2019 : f32 to vector<16xf32>
      %mul3A_2021 = arith.mulf %get3A_2018, %mul3A_2020 : vector<16xf32>
      %add3A_2022 = arith.addf %mul3A_2021, %get3A_1968 : vector<16xf32>
      %swap3A_2023 = arith.constant 0 : i32
      %swap3A_2024 = arith.constant 2 : i32
      %swap3A_2025 = arith.index_cast %swap3A_2023 : i32 to index
      %swap3A_2026 = arith.index_cast %swap3A_2024 : i32 to index
      %swap3A_2027 = arith.index_cast %scan3A_1604 : i32 to index
      %swap3A_2028 = arith.constant 64 : index
      %swap3A_2029 = tpu.vector_load %arg7[%swap3A_2025, %swap3A_2026, %swap3A_2027, %swap3A_2028] {strides = array<i32>} : memref<3x4x64x128xf32, #tpu.memory_space<vmem>>, vector<1x1x1x16xf32>,
      %swap3A_2030 = vector.shape_cast %swap3A_2029 : vector<1x1x1x16xf32> to vector<16xf32>
      %swap3A_2031 = vector.shape_cast %add3A_2022 : vector<16xf32> to vector<1x1x1x16xf32>
      tpu.vector_store %arg7[%swap3A_2025, %swap3A_2026, %swap3A_2027, %swap3A_2028], %swap3A_2031 {strides = array<i32>} : memref<3x4x64x128xf32, #tpu.memory_space<vmem>>, vector<1x1x1x16xf32>,
      %get3A_2032 = arith.constant 0 : i32
      %get3A_2033 = arith.constant 3 : i32
      %get3A_2034 = arith.index_cast %get3A_2032 : i32 to index
      %get3A_2035 = arith.index_cast %get3A_2033 : i32 to index
      %get3A_2036 = arith.index_cast %scan3A_1604 : i32 to index
      %get3A_2037 = arith.constant 64 : index
      %get3A_2038 = tpu.vector_load %arg7[%get3A_2034, %get3A_2035, %get3A_2036, %get3A_2037] {strides = array<i32>} : memref<3x4x64x128xf32, #tpu.memory_space<vmem>>, vector<1x1x1x16xf32>,
      %get3A_2039 = vector.shape_cast %get3A_2038 : vector<1x1x1x16xf32> to vector<16xf32>
      %mul3A_2040 = arith.constant 11.3137083 : f32
      %mul3A_2041 = vector.broadcast %mul3A_2040 : f32 to vector<16xf32>
      %mul3A_2042 = arith.mulf %get3A_2039, %mul3A_2041 : vector<16xf32>
      %add3A_2043 = arith.addf %mul3A_2042, %get3A_1968 : vector<16xf32>
      %swap3A_2044 = arith.constant 0 : i32
      %swap3A_2045 = arith.constant 3 : i32
      %swap3A_2046 = arith.index_cast %swap3A_2044 : i32 to index
      %swap3A_2047 = arith.index_cast %swap3A_2045 : i32 to index
      %swap3A_2048 = arith.index_cast %scan3A_1604 : i32 to index
      %swap3A_2049 = arith.constant 64 : index
      %swap3A_2050 = tpu.vector_load %arg7[%swap3A_2046, %swap3A_2047, %swap3A_2048, %swap3A_2049] {strides = array<i32>} : memref<3x4x64x128xf32, #tpu.memory_space<vmem>>, vector<1x1x1x16xf32>,
      %swap3A_2051 = vector.shape_cast %swap3A_2050 : vector<1x1x1x16xf32> to vector<16xf32>
      %swap3A_2052 = vector.shape_cast %add3A_2043 : vector<16xf32> to vector<1x1x1x16xf32>
      tpu.vector_store %arg7[%swap3A_2046, %swap3A_2047, %swap3A_2048, %swap3A_2049], %swap3A_2052 {strides = array<i32>} : memref<3x4x64x128xf32, #tpu.memory_space<vmem>>, vector<1x1x1x16xf32>,
      %get3A_2053 = arith.constant 0 : i32
      %get3A_2054 = arith.index_cast %get3A_2053 : i32 to index
      %get3A_2055 = arith.index_cast %scan3A_1604 : i32 to index
      %get3A_2056 = arith.constant 80 : index
      %get3A_2057 = tpu.vector_load %arg8[%get3A_2054, %get3A_2055, %get3A_2056] {strides = array<i32>} : memref<3x64x128xf32, #tpu.memory_space<vmem>>, vector<1x1x16xf32>,
      %get3A_2058 = vector.shape_cast %get3A_2057 : vector<1x1x16xf32> to vector<16xf32>
      %get3A_2059 = arith.constant 0 : i32
      %get3A_2060 = arith.constant 0 : i32
      %get3A_2061 = arith.index_cast %get3A_2059 : i32 to index
      %get3A_2062 = arith.index_cast %get3A_2060 : i32 to index
      %get3A_2063 = arith.index_cast %scan3A_1604 : i32 to index
      %get3A_2064 = arith.constant 80 : index
      %get3A_2065 = tpu.vector_load %arg7[%get3A_2061, %get3A_2062, %get3A_2063, %get3A_2064] {strides = array<i32>} : memref<3x4x64x128xf32, #tpu.memory_space<vmem>>, vector<1x1x1x16xf32>,
      %get3A_2066 = vector.shape_cast %get3A_2065 : vector<1x1x1x16xf32> to vector<16xf32>
      %mul3A_2067 = arith.constant 11.3137083 : f32
      %mul3A_2068 = vector.broadcast %mul3A_2067 : f32 to vector<16xf32>
      %mul3A_2069 = arith.mulf %get3A_2066, %mul3A_2068 : vector<16xf32>
      %add3A_2070 = arith.addf %mul3A_2069, %get3A_2058 : vector<16xf32>
      %swap3A_2071 = arith.constant 0 : i32
      %swap3A_2072 = arith.constant 0 : i32
      %swap3A_2073 = arith.index_cast %swap3A_2071 : i32 to index
      %swap3A_2074 = arith.index_cast %swap3A_2072 : i32 to index
      %swap3A_2075 = arith.index_cast %scan3A_1604 : i32 to index
      %swap3A_2076 = arith.constant 80 : index
      %swap3A_2077 = tpu.vector_load %arg7[%swap3A_2073, %swap3A_2074, %swap3A_2075, %swap3A_2076] {strides = array<i32>} : memref<3x4x64x128xf32, #tpu.memory_space<vmem>>, vector<1x1x1x16xf32>,
      %swap3A_2078 = vector.shape_cast %swap3A_2077 : vector<1x1x1x16xf32> to vector<16xf32>
      %swap3A_2079 = vector.shape_cast %add3A_2070 : vector<16xf32> to vector<1x1x1x16xf32>
      tpu.vector_store %arg7[%swap3A_2073, %swap3A_2074, %swap3A_2075, %swap3A_2076], %swap3A_2079 {strides = array<i32>} : memref<3x4x64x128xf32, #tpu.memory_space<vmem>>, vector<1x1x1x16xf32>,
      %get3A_2080 = arith.constant 0 : i32
      %get3A_2081 = arith.constant 1 : i32
      %get3A_2082 = arith.index_cast %get3A_2080 : i32 to index
      %get3A_2083 = arith.index_cast %get3A_2081 : i32 to index
      %get3A_2084 = arith.index_cast %scan3A_1604 : i32 to index
      %get3A_2085 = arith.constant 80 : index
      %get3A_2086 = tpu.vector_load %arg7[%get3A_2082, %get3A_2083, %get3A_2084, %get3A_2085] {strides = array<i32>} : memref<3x4x64x128xf32, #tpu.memory_space<vmem>>, vector<1x1x1x16xf32>,
      %get3A_2087 = vector.shape_cast %get3A_2086 : vector<1x1x1x16xf32> to vector<16xf32>
      %mul3A_2088 = arith.constant 11.3137083 : f32
      %mul3A_2089 = vector.broadcast %mul3A_2088 : f32 to vector<16xf32>
      %mul3A_2090 = arith.mulf %get3A_2087, %mul3A_2089 : vector<16xf32>
      %add3A_2091 = arith.addf %mul3A_2090, %get3A_2058 : vector<16xf32>
      %swap3A_2092 = arith.constant 0 : i32
      %swap3A_2093 = arith.constant 1 : i32
      %swap3A_2094 = arith.index_cast %swap3A_2092 : i32 to index
      %swap3A_2095 = arith.index_cast %swap3A_2093 : i32 to index
      %swap3A_2096 = arith.index_cast %scan3A_1604 : i32 to index
      %swap3A_2097 = arith.constant 80 : index
      %swap3A_2098 = tpu.vector_load %arg7[%swap3A_2094, %swap3A_2095, %swap3A_2096, %swap3A_2097] {strides = array<i32>} : memref<3x4x64x128xf32, #tpu.memory_space<vmem>>, vector<1x1x1x16xf32>,
      %swap3A_2099 = vector.shape_cast %swap3A_2098 : vector<1x1x1x16xf32> to vector<16xf32>
      %swap3A_2100 = vector.shape_cast %add3A_2091 : vector<16xf32> to vector<1x1x1x16xf32>
      tpu.vector_store %arg7[%swap3A_2094, %swap3A_2095, %swap3A_2096, %swap3A_2097], %swap3A_2100 {strides = array<i32>} : memref<3x4x64x128xf32, #tpu.memory_space<vmem>>, vector<1x1x1x16xf32>,
      %get3A_2101 = arith.constant 0 : i32
      %get3A_2102 = arith.constant 2 : i32
      %get3A_2103 = arith.index_cast %get3A_2101 : i32 to index
      %get3A_2104 = arith.index_cast %get3A_2102 : i32 to index
      %get3A_2105 = arith.index_cast %scan3A_1604 : i32 to index
      %get3A_2106 = arith.constant 80 : index
      %get3A_2107 = tpu.vector_load %arg7[%get3A_2103, %get3A_2104, %get3A_2105, %get3A_2106] {strides = array<i32>} : memref<3x4x64x128xf32, #tpu.memory_space<vmem>>, vector<1x1x1x16xf32>,
      %get3A_2108 = vector.shape_cast %get3A_2107 : vector<1x1x1x16xf32> to vector<16xf32>
      %mul3A_2109 = arith.constant 11.3137083 : f32
      %mul3A_2110 = vector.broadcast %mul3A_2109 : f32 to vector<16xf32>
      %mul3A_2111 = arith.mulf %get3A_2108, %mul3A_2110 : vector<16xf32>
      %add3A_2112 = arith.addf %mul3A_2111, %get3A_2058 : vector<16xf32>
      %swap3A_2113 = arith.constant 0 : i32
      %swap3A_2114 = arith.constant 2 : i32
      %swap3A_2115 = arith.index_cast %swap3A_2113 : i32 to index
      %swap3A_2116 = arith.index_cast %swap3A_2114 : i32 to index
      %swap3A_2117 = arith.index_cast %scan3A_1604 : i32 to index
      %swap3A_2118 = arith.constant 80 : index
      %swap3A_2119 = tpu.vector_load %arg7[%swap3A_2115, %swap3A_2116, %swap3A_2117, %swap3A_2118] {strides = array<i32>} : memref<3x4x64x128xf32, #tpu.memory_space<vmem>>, vector<1x1x1x16xf32>,
      %swap3A_2120 = vector.shape_cast %swap3A_2119 : vector<1x1x1x16xf32> to vector<16xf32>
      %swap3A_2121 = vector.shape_cast %add3A_2112 : vector<16xf32> to vector<1x1x1x16xf32>
      tpu.vector_store %arg7[%swap3A_2115, %swap3A_2116, %swap3A_2117, %swap3A_2118], %swap3A_2121 {strides = array<i32>} : memref<3x4x64x128xf32, #tpu.memory_space<vmem>>, vector<1x1x1x16xf32>,
      %get3A_2122 = arith.constant 0 : i32
      %get3A_2123 = arith.constant 3 : i32
      %get3A_2124 = arith.index_cast %get3A_2122 : i32 to index
      %get3A_2125 = arith.index_cast %get3A_2123 : i32 to index
      %get3A_2126 = arith.index_cast %scan3A_1604 : i32 to index
      %get3A_2127 = arith.constant 80 : index
      %get3A_2128 = tpu.vector_load %arg7[%get3A_2124, %get3A_2125, %get3A_2126, %get3A_2127] {strides = array<i32>} : memref<3x4x64x128xf32, #tpu.memory_space<vmem>>, vector<1x1x1x16xf32>,
      %get3A_2129 = vector.shape_cast %get3A_2128 : vector<1x1x1x16xf32> to vector<16xf32>
      %mul3A_2130 = arith.constant 11.3137083 : f32
      %mul3A_2131 = vector.broadcast %mul3A_2130 : f32 to vector<16xf32>
      %mul3A_2132 = arith.mulf %get3A_2129, %mul3A_2131 : vector<16xf32>
      %add3A_2133 = arith.addf %mul3A_2132, %get3A_2058 : vector<16xf32>
      %swap3A_2134 = arith.constant 0 : i32
      %swap3A_2135 = arith.constant 3 : i32
      %swap3A_2136 = arith.index_cast %swap3A_2134 : i32 to index
      %swap3A_2137 = arith.index_cast %swap3A_2135 : i32 to index
      %swap3A_2138 = arith.index_cast %scan3A_1604 : i32 to index
      %swap3A_2139 = arith.constant 80 : index
      %swap3A_2140 = tpu.vector_load %arg7[%swap3A_2136, %swap3A_2137, %swap3A_2138, %swap3A_2139] {strides = array<i32>} : memref<3x4x64x128xf32, #tpu.memory_space<vmem>>, vector<1x1x1x16xf32>,
      %swap3A_2141 = vector.shape_cast %swap3A_2140 : vector<1x1x1x16xf32> to vector<16xf32>
      %swap3A_2142 = vector.shape_cast %add3A_2133 : vector<16xf32> to vector<1x1x1x16xf32>
      tpu.vector_store %arg7[%swap3A_2136, %swap3A_2137, %swap3A_2138, %swap3A_2139], %swap3A_2142 {strides = array<i32>} : memref<3x4x64x128xf32, #tpu.memory_space<vmem>>, vector<1x1x1x16xf32>,
      %get3A_2143 = arith.constant 0 : i32
      %get3A_2144 = arith.index_cast %get3A_2143 : i32 to index
      %get3A_2145 = arith.index_cast %scan3A_1604 : i32 to index
      %get3A_2146 = arith.constant 96 : index
      %get3A_2147 = tpu.vector_load %arg8[%get3A_2144, %get3A_2145, %get3A_2146] {strides = array<i32>} : memref<3x64x128xf32, #tpu.memory_space<vmem>>, vector<1x1x16xf32>,
      %get3A_2148 = vector.shape_cast %get3A_2147 : vector<1x1x16xf32> to vector<16xf32>
      %get3A_2149 = arith.constant 0 : i32
      %get3A_2150 = arith.constant 0 : i32
      %get3A_2151 = arith.index_cast %get3A_2149 : i32 to index
      %get3A_2152 = arith.index_cast %get3A_2150 : i32 to index
      %get3A_2153 = arith.index_cast %scan3A_1604 : i32 to index
      %get3A_2154 = arith.constant 96 : index
      %get3A_2155 = tpu.vector_load %arg7[%get3A_2151, %get3A_2152, %get3A_2153, %get3A_2154] {strides = array<i32>} : memref<3x4x64x128xf32, #tpu.memory_space<vmem>>, vector<1x1x1x16xf32>,
      %get3A_2156 = vector.shape_cast %get3A_2155 : vector<1x1x1x16xf32> to vector<16xf32>
      %mul3A_2157 = arith.constant 11.3137083 : f32
      %mul3A_2158 = vector.broadcast %mul3A_2157 : f32 to vector<16xf32>
      %mul3A_2159 = arith.mulf %get3A_2156, %mul3A_2158 : vector<16xf32>
      %add3A_2160 = arith.addf %mul3A_2159, %get3A_2148 : vector<16xf32>
      %swap3A_2161 = arith.constant 0 : i32
      %swap3A_2162 = arith.constant 0 : i32
      %swap3A_2163 = arith.index_cast %swap3A_2161 : i32 to index
      %swap3A_2164 = arith.index_cast %swap3A_2162 : i32 to index
      %swap3A_2165 = arith.index_cast %scan3A_1604 : i32 to index
      %swap3A_2166 = arith.constant 96 : index
      %swap3A_2167 = tpu.vector_load %arg7[%swap3A_2163, %swap3A_2164, %swap3A_2165, %swap3A_2166] {strides = array<i32>} : memref<3x4x64x128xf32, #tpu.memory_space<vmem>>, vector<1x1x1x16xf32>,
      %swap3A_2168 = vector.shape_cast %swap3A_2167 : vector<1x1x1x16xf32> to vector<16xf32>
      %swap3A_2169 = vector.shape_cast %add3A_2160 : vector<16xf32> to vector<1x1x1x16xf32>
      tpu.vector_store %arg7[%swap3A_2163, %swap3A_2164, %swap3A_2165, %swap3A_2166], %swap3A_2169 {strides = array<i32>} : memref<3x4x64x128xf32, #tpu.memory_space<vmem>>, vector<1x1x1x16xf32>,
      %get3A_2170 = arith.constant 0 : i32
      %get3A_2171 = arith.constant 1 : i32
      %get3A_2172 = arith.index_cast %get3A_2170 : i32 to index
      %get3A_2173 = arith.index_cast %get3A_2171 : i32 to index
      %get3A_2174 = arith.index_cast %scan3A_1604 : i32 to index
      %get3A_2175 = arith.constant 96 : index
      %get3A_2176 = tpu.vector_load %arg7[%get3A_2172, %get3A_2173, %get3A_2174, %get3A_2175] {strides = array<i32>} : memref<3x4x64x128xf32, #tpu.memory_space<vmem>>, vector<1x1x1x16xf32>,
      %get3A_2177 = vector.shape_cast %get3A_2176 : vector<1x1x1x16xf32> to vector<16xf32>
      %mul3A_2178 = arith.constant 11.3137083 : f32
      %mul3A_2179 = vector.broadcast %mul3A_2178 : f32 to vector<16xf32>
      %mul3A_2180 = arith.mulf %get3A_2177, %mul3A_2179 : vector<16xf32>
      %add3A_2181 = arith.addf %mul3A_2180, %get3A_2148 : vector<16xf32>
      %swap3A_2182 = arith.constant 0 : i32
      %swap3A_2183 = arith.constant 1 : i32
      %swap3A_2184 = arith.index_cast %swap3A_2182 : i32 to index
      %swap3A_2185 = arith.index_cast %swap3A_2183 : i32 to index
      %swap3A_2186 = arith.index_cast %scan3A_1604 : i32 to index
      %swap3A_2187 = arith.constant 96 : index
      %swap3A_2188 = tpu.vector_load %arg7[%swap3A_2184, %swap3A_2185, %swap3A_2186, %swap3A_2187] {strides = array<i32>} : memref<3x4x64x128xf32, #tpu.memory_space<vmem>>, vector<1x1x1x16xf32>,
      %swap3A_2189 = vector.shape_cast %swap3A_2188 : vector<1x1x1x16xf32> to vector<16xf32>
      %swap3A_2190 = vector.shape_cast %add3A_2181 : vector<16xf32> to vector<1x1x1x16xf32>
      tpu.vector_store %arg7[%swap3A_2184, %swap3A_2185, %swap3A_2186, %swap3A_2187], %swap3A_2190 {strides = array<i32>} : memref<3x4x64x128xf32, #tpu.memory_space<vmem>>, vector<1x1x1x16xf32>,
      %get3A_2191 = arith.constant 0 : i32
      %get3A_2192 = arith.constant 2 : i32
      %get3A_2193 = arith.index_cast %get3A_2191 : i32 to index
      %get3A_2194 = arith.index_cast %get3A_2192 : i32 to index
      %get3A_2195 = arith.index_cast %scan3A_1604 : i32 to index
      %get3A_2196 = arith.constant 96 : index
      %get3A_2197 = tpu.vector_load %arg7[%get3A_2193, %get3A_2194, %get3A_2195, %get3A_2196] {strides = array<i32>} : memref<3x4x64x128xf32, #tpu.memory_space<vmem>>, vector<1x1x1x16xf32>,
      %get3A_2198 = vector.shape_cast %get3A_2197 : vector<1x1x1x16xf32> to vector<16xf32>
      %mul3A_2199 = arith.constant 11.3137083 : f32
      %mul3A_2200 = vector.broadcast %mul3A_2199 : f32 to vector<16xf32>
      %mul3A_2201 = arith.mulf %get3A_2198, %mul3A_2200 : vector<16xf32>
      %add3A_2202 = arith.addf %mul3A_2201, %get3A_2148 : vector<16xf32>
      %swap3A_2203 = arith.constant 0 : i32
      %swap3A_2204 = arith.constant 2 : i32
      %swap3A_2205 = arith.index_cast %swap3A_2203 : i32 to index
      %swap3A_2206 = arith.index_cast %swap3A_2204 : i32 to index
      %swap3A_2207 = arith.index_cast %scan3A_1604 : i32 to index
      %swap3A_2208 = arith.constant 96 : index
      %swap3A_2209 = tpu.vector_load %arg7[%swap3A_2205, %swap3A_2206, %swap3A_2207, %swap3A_2208] {strides = array<i32>} : memref<3x4x64x128xf32, #tpu.memory_space<vmem>>, vector<1x1x1x16xf32>,
      %swap3A_2210 = vector.shape_cast %swap3A_2209 : vector<1x1x1x16xf32> to vector<16xf32>
      %swap3A_2211 = vector.shape_cast %add3A_2202 : vector<16xf32> to vector<1x1x1x16xf32>
      tpu.vector_store %arg7[%swap3A_2205, %swap3A_2206, %swap3A_2207, %swap3A_2208], %swap3A_2211 {strides = array<i32>} : memref<3x4x64x128xf32, #tpu.memory_space<vmem>>, vector<1x1x1x16xf32>,
      %get3A_2212 = arith.constant 0 : i32
      %get3A_2213 = arith.constant 3 : i32
      %get3A_2214 = arith.index_cast %get3A_2212 : i32 to index
      %get3A_2215 = arith.index_cast %get3A_2213 : i32 to index
      %get3A_2216 = arith.index_cast %scan3A_1604 : i32 to index
      %get3A_2217 = arith.constant 96 : index
      %get3A_2218 = tpu.vector_load %arg7[%get3A_2214, %get3A_2215, %get3A_2216, %get3A_2217] {strides = array<i32>} : memref<3x4x64x128xf32, #tpu.memory_space<vmem>>, vector<1x1x1x16xf32>,
      %get3A_2219 = vector.shape_cast %get3A_2218 : vector<1x1x1x16xf32> to vector<16xf32>
      %mul3A_2220 = arith.constant 11.3137083 : f32
      %mul3A_2221 = vector.broadcast %mul3A_2220 : f32 to vector<16xf32>
      %mul3A_2222 = arith.mulf %get3A_2219, %mul3A_2221 : vector<16xf32>
      %add3A_2223 = arith.addf %mul3A_2222, %get3A_2148 : vector<16xf32>
      %swap3A_2224 = arith.constant 0 : i32
      %swap3A_2225 = arith.constant 3 : i32
      %swap3A_2226 = arith.index_cast %swap3A_2224 : i32 to index
      %swap3A_2227 = arith.index_cast %swap3A_2225 : i32 to index
      %swap3A_2228 = arith.index_cast %scan3A_1604 : i32 to index
      %swap3A_2229 = arith.constant 96 : index
      %swap3A_2230 = tpu.vector_load %arg7[%swap3A_2226, %swap3A_2227, %swap3A_2228, %swap3A_2229] {strides = array<i32>} : memref<3x4x64x128xf32, #tpu.memory_space<vmem>>, vector<1x1x1x16xf32>,
      %swap3A_2231 = vector.shape_cast %swap3A_2230 : vector<1x1x1x16xf32> to vector<16xf32>
      %swap3A_2232 = vector.shape_cast %add3A_2223 : vector<16xf32> to vector<1x1x1x16xf32>
      tpu.vector_store %arg7[%swap3A_2226, %swap3A_2227, %swap3A_2228, %swap3A_2229], %swap3A_2232 {strides = array<i32>} : memref<3x4x64x128xf32, #tpu.memory_space<vmem>>, vector<1x1x1x16xf32>,
      %get3A_2233 = arith.constant 0 : i32
      %get3A_2234 = arith.index_cast %get3A_2233 : i32 to index
      %get3A_2235 = arith.index_cast %scan3A_1604 : i32 to index
      %get3A_2236 = arith.constant 112 : index
      %get3A_2237 = tpu.vector_load %arg8[%get3A_2234, %get3A_2235, %get3A_2236] {strides = array<i32>} : memref<3x64x128xf32, #tpu.memory_space<vmem>>, vector<1x1x16xf32>,
      %get3A_2238 = vector.shape_cast %get3A_2237 : vector<1x1x16xf32> to vector<16xf32>
      %get3A_2239 = arith.constant 0 : i32
      %get3A_2240 = arith.constant 0 : i32
      %get3A_2241 = arith.index_cast %get3A_2239 : i32 to index
      %get3A_2242 = arith.index_cast %get3A_2240 : i32 to index
      %get3A_2243 = arith.index_cast %scan3A_1604 : i32 to index
      %get3A_2244 = arith.constant 112 : index
      %get3A_2245 = tpu.vector_load %arg7[%get3A_2241, %get3A_2242, %get3A_2243, %get3A_2244] {strides = array<i32>} : memref<3x4x64x128xf32, #tpu.memory_space<vmem>>, vector<1x1x1x16xf32>,
      %get3A_2246 = vector.shape_cast %get3A_2245 : vector<1x1x1x16xf32> to vector<16xf32>
      %mul3A_2247 = arith.constant 11.3137083 : f32
      %mul3A_2248 = vector.broadcast %mul3A_2247 : f32 to vector<16xf32>
      %mul3A_2249 = arith.mulf %get3A_2246, %mul3A_2248 : vector<16xf32>
      %add3A_2250 = arith.addf %mul3A_2249, %get3A_2238 : vector<16xf32>
      %swap3A_2251 = arith.constant 0 : i32
      %swap3A_2252 = arith.constant 0 : i32
      %swap3A_2253 = arith.index_cast %swap3A_2251 : i32 to index
      %swap3A_2254 = arith.index_cast %swap3A_2252 : i32 to index
      %swap3A_2255 = arith.index_cast %scan3A_1604 : i32 to index
      %swap3A_2256 = arith.constant 112 : index
      %swap3A_2257 = tpu.vector_load %arg7[%swap3A_2253, %swap3A_2254, %swap3A_2255, %swap3A_2256] {strides = array<i32>} : memref<3x4x64x128xf32, #tpu.memory_space<vmem>>, vector<1x1x1x16xf32>,
      %swap3A_2258 = vector.shape_cast %swap3A_2257 : vector<1x1x1x16xf32> to vector<16xf32>
      %swap3A_2259 = vector.shape_cast %add3A_2250 : vector<16xf32> to vector<1x1x1x16xf32>
      tpu.vector_store %arg7[%swap3A_2253, %swap3A_2254, %swap3A_2255, %swap3A_2256], %swap3A_2259 {strides = array<i32>} : memref<3x4x64x128xf32, #tpu.memory_space<vmem>>, vector<1x1x1x16xf32>,
      %get3A_2260 = arith.constant 0 : i32
      %get3A_2261 = arith.constant 1 : i32
      %get3A_2262 = arith.index_cast %get3A_2260 : i32 to index
      %get3A_2263 = arith.index_cast %get3A_2261 : i32 to index
      %get3A_2264 = arith.index_cast %scan3A_1604 : i32 to index
      %get3A_2265 = arith.constant 112 : index
      %get3A_2266 = tpu.vector_load %arg7[%get3A_2262, %get3A_2263, %get3A_2264, %get3A_2265] {strides = array<i32>} : memref<3x4x64x128xf32, #tpu.memory_space<vmem>>, vector<1x1x1x16xf32>,
      %get3A_2267 = vector.shape_cast %get3A_2266 : vector<1x1x1x16xf32> to vector<16xf32>
      %mul3A_2268 = arith.constant 11.3137083 : f32
      %mul3A_2269 = vector.broadcast %mul3A_2268 : f32 to vector<16xf32>
      %mul3A_2270 = arith.mulf %get3A_2267, %mul3A_2269 : vector<16xf32>
      %add3A_2271 = arith.addf %mul3A_2270, %get3A_2238 : vector<16xf32>
      %swap3A_2272 = arith.constant 0 : i32
      %swap3A_2273 = arith.constant 1 : i32
      %swap3A_2274 = arith.index_cast %swap3A_2272 : i32 to index
      %swap3A_2275 = arith.index_cast %swap3A_2273 : i32 to index
      %swap3A_2276 = arith.index_cast %scan3A_1604 : i32 to index
      %swap3A_2277 = arith.constant 112 : index
      %swap3A_2278 = tpu.vector_load %arg7[%swap3A_2274, %swap3A_2275, %swap3A_2276, %swap3A_2277] {strides = array<i32>} : memref<3x4x64x128xf32, #tpu.memory_space<vmem>>, vector<1x1x1x16xf32>,
      %swap3A_2279 = vector.shape_cast %swap3A_2278 : vector<1x1x1x16xf32> to vector<16xf32>
      %swap3A_2280 = vector.shape_cast %add3A_2271 : vector<16xf32> to vector<1x1x1x16xf32>
      tpu.vector_store %arg7[%swap3A_2274, %swap3A_2275, %swap3A_2276, %swap3A_2277], %swap3A_2280 {strides = array<i32>} : memref<3x4x64x128xf32, #tpu.memory_space<vmem>>, vector<1x1x1x16xf32>,
      %get3A_2281 = arith.constant 0 : i32
      %get3A_2282 = arith.constant 2 : i32
      %get3A_2283 = arith.index_cast %get3A_2281 : i32 to index
      %get3A_2284 = arith.index_cast %get3A_2282 : i32 to index
      %get3A_2285 = arith.index_cast %scan3A_1604 : i32 to index
      %get3A_2286 = arith.constant 112 : index
      %get3A_2287 = tpu.vector_load %arg7[%get3A_2283, %get3A_2284, %get3A_2285, %get3A_2286] {strides = array<i32>} : memref<3x4x64x128xf32, #tpu.memory_space<vmem>>, vector<1x1x1x16xf32>,
      %get3A_2288 = vector.shape_cast %get3A_2287 : vector<1x1x1x16xf32> to vector<16xf32>
      %mul3A_2289 = arith.constant 11.3137083 : f32
      %mul3A_2290 = vector.broadcast %mul3A_2289 : f32 to vector<16xf32>
      %mul3A_2291 = arith.mulf %get3A_2288, %mul3A_2290 : vector<16xf32>
      %add3A_2292 = arith.addf %mul3A_2291, %get3A_2238 : vector<16xf32>
      %swap3A_2293 = arith.constant 0 : i32
      %swap3A_2294 = arith.constant 2 : i32
      %swap3A_2295 = arith.index_cast %swap3A_2293 : i32 to index
      %swap3A_2296 = arith.index_cast %swap3A_2294 : i32 to index
      %swap3A_2297 = arith.index_cast %scan3A_1604 : i32 to index
      %swap3A_2298 = arith.constant 112 : index
      %swap3A_2299 = tpu.vector_load %arg7[%swap3A_2295, %swap3A_2296, %swap3A_2297, %swap3A_2298] {strides = array<i32>} : memref<3x4x64x128xf32, #tpu.memory_space<vmem>>, vector<1x1x1x16xf32>,
      %swap3A_2300 = vector.shape_cast %swap3A_2299 : vector<1x1x1x16xf32> to vector<16xf32>
      %swap3A_2301 = vector.shape_cast %add3A_2292 : vector<16xf32> to vector<1x1x1x16xf32>
      tpu.vector_store %arg7[%swap3A_2295, %swap3A_2296, %swap3A_2297, %swap3A_2298], %swap3A_2301 {strides = array<i32>} : memref<3x4x64x128xf32, #tpu.memory_space<vmem>>, vector<1x1x1x16xf32>,
      %get3A_2302 = arith.constant 0 : i32
      %get3A_2303 = arith.constant 3 : i32
      %get3A_2304 = arith.index_cast %get3A_2302 : i32 to index
      %get3A_2305 = arith.index_cast %get3A_2303 : i32 to index
      %get3A_2306 = arith.index_cast %scan3A_1604 : i32 to index
      %get3A_2307 = arith.constant 112 : index
      %get3A_2308 = tpu.vector_load %arg7[%get3A_2304, %get3A_2305, %get3A_2306, %get3A_2307] {strides = array<i32>} : memref<3x4x64x128xf32, #tpu.memory_space<vmem>>, vector<1x1x1x16xf32>,
      %get3A_2309 = vector.shape_cast %get3A_2308 : vector<1x1x1x16xf32> to vector<16xf32>
      %mul3A_2310 = arith.constant 11.3137083 : f32
      %mul3A_2311 = vector.broadcast %mul3A_2310 : f32 to vector<16xf32>
      %mul3A_2312 = arith.mulf %get3A_2309, %mul3A_2311 : vector<16xf32>
      %add3A_2313 = arith.addf %mul3A_2312, %get3A_2238 : vector<16xf32>
      %swap3A_2314 = arith.constant 0 : i32
      %swap3A_2315 = arith.constant 3 : i32
      %swap3A_2316 = arith.index_cast %swap3A_2314 : i32 to index
      %swap3A_2317 = arith.index_cast %swap3A_2315 : i32 to index
      %swap3A_2318 = arith.index_cast %scan3A_1604 : i32 to index
      %swap3A_2319 = arith.constant 112 : index
      %swap3A_2320 = tpu.vector_load %arg7[%swap3A_2316, %swap3A_2317, %swap3A_2318, %swap3A_2319] {strides = array<i32>} : memref<3x4x64x128xf32, #tpu.memory_space<vmem>>, vector<1x1x1x16xf32>,
      %swap3A_2321 = vector.shape_cast %swap3A_2320 : vector<1x1x1x16xf32> to vector<16xf32>
      %swap3A_2322 = vector.shape_cast %add3A_2313 : vector<16xf32> to vector<1x1x1x16xf32>
      tpu.vector_store %arg7[%swap3A_2316, %swap3A_2317, %swap3A_2318, %swap3A_2319], %swap3A_2322 {strides = array<i32>} : memref<3x4x64x128xf32, #tpu.memory_space<vmem>>, vector<1x1x1x16xf32>,
    }
    %scan3A_1323 = arith.constant 64 : i32
    %add3A_1324 = arith.constant 192 : i32
    %add3A_1325 = arith.addi %mul3A_2, %add3A_1324 : i32
    %dma_start3A_1326 = arith.constant 0 : i32
    %dma_start3A_1327 = arith.constant 0 : i32
    %dma_start3A_1328 = arith.constant 0 : i32
    %dma_start3A_1329 = arith.constant 0 : i32
    %dma_start3A_1330 = arith.constant 0 : i32
    %dma_start3A_1331 = tpu.memref_slice %arg7[%dma_start3A_1326, %dma_start3A_1327, %dma_start3A_1329, %dma_start3A_1330] : memref<3x4x64x128xf32, #tpu.memory_space<vmem>> -> memref<1x1x64x128xf32, #tpu.memory_space<vmem>>
    %dma_start3A_1332 = tpu.memref_squeeze %dma_start3A_1331 : memref<1x1x64x128xf32, #tpu.memory_space<vmem>> -> memref<64x128xf32, #tpu.memory_space<vmem>>
    %dma_start3A_1333 = arith.constant 0 : i32
    %dma_start3A_1334 = tpu.memref_slice %arg5[%dma_start3A_1328, %add3A_1325, %dma_start3A_1333] : memref<4x8192x128xf32, #tpu.memory_space<hbm>> -> memref<1x64x128xf32, #tpu.memory_space<hbm>>
    %dma_start3A_1335 = tpu.memref_squeeze %dma_start3A_1334 : memref<1x64x128xf32, #tpu.memory_space<hbm>> -> memref<64x128xf32, #tpu.memory_space<hbm>>
    %dma_start3A_1336 = arith.constant 0 : i32
    %dma_start3A_1337 = tpu.memref_slice %arg5[%dma_start3A_1328, %add3A_1325, %dma_start3A_1336] : memref<4x8192x128xf32, #tpu.memory_space<hbm>> -> memref<1x64x128xf32, #tpu.memory_space<hbm>>
    %dma_start3A_1338 = tpu.memref_squeeze %dma_start3A_1337 : memref<1x64x128xf32, #tpu.memory_space<hbm>> -> memref<64x128xf32, #tpu.memory_space<hbm>>
    %dma_start3A_1339 = arith.constant 0 : i32
    %dma_start3A_1340 = arith.constant 0 : i32
    %dma_start3A_1341 = tpu.memref_slice %arg7[%dma_start3A_1326, %dma_start3A_1327, %dma_start3A_1339, %dma_start3A_1340] : memref<3x4x64x128xf32, #tpu.memory_space<vmem>> -> memref<1x1x64x128xf32, #tpu.memory_space<vmem>>
    %dma_start3A_1342 = tpu.memref_squeeze %dma_start3A_1341 : memref<1x1x64x128xf32, #tpu.memory_space<vmem>> -> memref<64x128xf32, #tpu.memory_space<vmem>>
    tpu.enqueue_dma source(%dma_start3A_1342 : memref<64x128xf32, #tpu.memory_space<vmem>>) target(%dma_start3A_1338 : memref<64x128xf32, #tpu.memory_space<hbm>>) target_semaphore(%arg11 : memref<!tpu.dma_semaphore, #tpu.memory_space<semaphore_mem>>)
    %add3A_1343 = arith.constant 192 : i32
    %add3A_1344 = arith.addi %mul3A_2, %add3A_1343 : i32
    %dma_start3A_1345 = arith.constant 0 : i32
    %dma_start3A_1346 = arith.constant 1 : i32
    %dma_start3A_1347 = arith.constant 1 : i32
    %dma_start3A_1348 = arith.constant 0 : i32
    %dma_start3A_1349 = arith.constant 0 : i32
    %dma_start3A_1350 = tpu.memref_slice %arg7[%dma_start3A_1345, %dma_start3A_1346, %dma_start3A_1348, %dma_start3A_1349] : memref<3x4x64x128xf32, #tpu.memory_space<vmem>> -> memref<1x1x64x128xf32, #tpu.memory_space<vmem>>
    %dma_start3A_1351 = tpu.memref_squeeze %dma_start3A_1350 : memref<1x1x64x128xf32, #tpu.memory_space<vmem>> -> memref<64x128xf32, #tpu.memory_space<vmem>>
    %dma_start3A_1352 = arith.constant 0 : i32
    %dma_start3A_1353 = tpu.memref_slice %arg5[%dma_start3A_1347, %add3A_1344, %dma_start3A_1352] : memref<4x8192x128xf32, #tpu.memory_space<hbm>> -> memref<1x64x128xf32, #tpu.memory_space<hbm>>
    %dma_start3A_1354 = tpu.memref_squeeze %dma_start3A_1353 : memref<1x64x128xf32, #tpu.memory_space<hbm>> -> memref<64x128xf32, #tpu.memory_space<hbm>>
    %dma_start3A_1355 = arith.constant 0 : i32
    %dma_start3A_1356 = tpu.memref_slice %arg5[%dma_start3A_1347, %add3A_1344, %dma_start3A_1355] : memref<4x8192x128xf32, #tpu.memory_space<hbm>> -> memref<1x64x128xf32, #tpu.memory_space<hbm>>
    %dma_start3A_1357 = tpu.memref_squeeze %dma_start3A_1356 : memref<1x64x128xf32, #tpu.memory_space<hbm>> -> memref<64x128xf32, #tpu.memory_space<hbm>>
    %dma_start3A_1358 = arith.constant 0 : i32
    %dma_start3A_1359 = arith.constant 0 : i32
    %dma_start3A_1360 = tpu.memref_slice %arg7[%dma_start3A_1345, %dma_start3A_1346, %dma_start3A_1358, %dma_start3A_1359] : memref<3x4x64x128xf32, #tpu.memory_space<vmem>> -> memref<1x1x64x128xf32, #tpu.memory_space<vmem>>
    %dma_start3A_1361 = tpu.memref_squeeze %dma_start3A_1360 : memref<1x1x64x128xf32, #tpu.memory_space<vmem>> -> memref<64x128xf32, #tpu.memory_space<vmem>>
    tpu.enqueue_dma source(%dma_start3A_1361 : memref<64x128xf32, #tpu.memory_space<vmem>>) target(%dma_start3A_1357 : memref<64x128xf32, #tpu.memory_space<hbm>>) target_semaphore(%arg11 : memref<!tpu.dma_semaphore, #tpu.memory_space<semaphore_mem>>)
    %add3A_1362 = arith.constant 192 : i32
    %add3A_1363 = arith.addi %mul3A_2, %add3A_1362 : i32
    %dma_start3A_1364 = arith.constant 0 : i32
    %dma_start3A_1365 = arith.constant 2 : i32
    %dma_start3A_1366 = arith.constant 2 : i32
    %dma_start3A_1367 = arith.constant 0 : i32
    %dma_start3A_1368 = arith.constant 0 : i32
    %dma_start3A_1369 = tpu.memref_slice %arg7[%dma_start3A_1364, %dma_start3A_1365, %dma_start3A_1367, %dma_start3A_1368] : memref<3x4x64x128xf32, #tpu.memory_space<vmem>> -> memref<1x1x64x128xf32, #tpu.memory_space<vmem>>
    %dma_start3A_1370 = tpu.memref_squeeze %dma_start3A_1369 : memref<1x1x64x128xf32, #tpu.memory_space<vmem>> -> memref<64x128xf32, #tpu.memory_space<vmem>>
    %dma_start3A_1371 = arith.constant 0 : i32
    %dma_start3A_1372 = tpu.memref_slice %arg5[%dma_start3A_1366, %add3A_1363, %dma_start3A_1371] : memref<4x8192x128xf32, #tpu.memory_space<hbm>> -> memref<1x64x128xf32, #tpu.memory_space<hbm>>
    %dma_start3A_1373 = tpu.memref_squeeze %dma_start3A_1372 : memref<1x64x128xf32, #tpu.memory_space<hbm>> -> memref<64x128xf32, #tpu.memory_space<hbm>>
    %dma_start3A_1374 = arith.constant 0 : i32
    %dma_start3A_1375 = tpu.memref_slice %arg5[%dma_start3A_1366, %add3A_1363, %dma_start3A_1374] : memref<4x8192x128xf32, #tpu.memory_space<hbm>> -> memref<1x64x128xf32, #tpu.memory_space<hbm>>
    %dma_start3A_1376 = tpu.memref_squeeze %dma_start3A_1375 : memref<1x64x128xf32, #tpu.memory_space<hbm>> -> memref<64x128xf32, #tpu.memory_space<hbm>>
    %dma_start3A_1377 = arith.constant 0 : i32
    %dma_start3A_1378 = arith.constant 0 : i32
    %dma_start3A_1379 = tpu.memref_slice %arg7[%dma_start3A_1364, %dma_start3A_1365, %dma_start3A_1377, %dma_start3A_1378] : memref<3x4x64x128xf32, #tpu.memory_space<vmem>> -> memref<1x1x64x128xf32, #tpu.memory_space<vmem>>
    %dma_start3A_1380 = tpu.memref_squeeze %dma_start3A_1379 : memref<1x1x64x128xf32, #tpu.memory_space<vmem>> -> memref<64x128xf32, #tpu.memory_space<vmem>>
    tpu.enqueue_dma source(%dma_start3A_1380 : memref<64x128xf32, #tpu.memory_space<vmem>>) target(%dma_start3A_1376 : memref<64x128xf32, #tpu.memory_space<hbm>>) target_semaphore(%arg11 : memref<!tpu.dma_semaphore, #tpu.memory_space<semaphore_mem>>)
    %add3A_1381 = arith.constant 192 : i32
    %add3A_1382 = arith.addi %mul3A_2, %add3A_1381 : i32
    %dma_start3A_1383 = arith.constant 0 : i32
    %dma_start3A_1384 = arith.constant 3 : i32
    %dma_start3A_1385 = arith.constant 3 : i32
    %dma_start3A_1386 = arith.constant 0 : i32
    %dma_start3A_1387 = arith.constant 0 : i32
    %dma_start3A_1388 = tpu.memref_slice %arg7[%dma_start3A_1383, %dma_start3A_1384, %dma_start3A_1386, %dma_start3A_1387] : memref<3x4x64x128xf32, #tpu.memory_space<vmem>> -> memref<1x1x64x128xf32, #tpu.memory_space<vmem>>
    %dma_start3A_1389 = tpu.memref_squeeze %dma_start3A_1388 : memref<1x1x64x128xf32, #tpu.memory_space<vmem>> -> memref<64x128xf32, #tpu.memory_space<vmem>>
    %dma_start3A_1390 = arith.constant 0 : i32
    %dma_start3A_1391 = tpu.memref_slice %arg5[%dma_start3A_1385, %add3A_1382, %dma_start3A_1390] : memref<4x8192x128xf32, #tpu.memory_space<hbm>> -> memref<1x64x128xf32, #tpu.memory_space<hbm>>
    %dma_start3A_1392 = tpu.memref_squeeze %dma_start3A_1391 : memref<1x64x128xf32, #tpu.memory_space<hbm>> -> memref<64x128xf32, #tpu.memory_space<hbm>>
    %dma_start3A_1393 = arith.constant 0 : i32
    %dma_start3A_1394 = tpu.memref_slice %arg5[%dma_start3A_1385, %add3A_1382, %dma_start3A_1393] : memref<4x8192x128xf32, #tpu.memory_space<hbm>> -> memref<1x64x128xf32, #tpu.memory_space<hbm>>
    %dma_start3A_1395 = tpu.memref_squeeze %dma_start3A_1394 : memref<1x64x128xf32, #tpu.memory_space<hbm>> -> memref<64x128xf32, #tpu.memory_space<hbm>>
    %dma_start3A_1396 = arith.constant 0 : i32
    %dma_start3A_1397 = arith.constant 0 : i32
    %dma_start3A_1398 = tpu.memref_slice %arg7[%dma_start3A_1383, %dma_start3A_1384, %dma_start3A_1396, %dma_start3A_1397] : memref<3x4x64x128xf32, #tpu.memory_space<vmem>> -> memref<1x1x64x128xf32, #tpu.memory_space<vmem>>
    %dma_start3A_1399 = tpu.memref_squeeze %dma_start3A_1398 : memref<1x1x64x128xf32, #tpu.memory_space<vmem>> -> memref<64x128xf32, #tpu.memory_space<vmem>>
    tpu.enqueue_dma source(%dma_start3A_1399 : memref<64x128xf32, #tpu.memory_space<vmem>>) target(%dma_start3A_1395 : memref<64x128xf32, #tpu.memory_space<hbm>>) target_semaphore(%arg11 : memref<!tpu.dma_semaphore, #tpu.memory_space<semaphore_mem>>)
    %dma_wait3A_1400 = arith.constant 1 : i32
    %dma_wait3A_1401 = arith.constant 0 : i32
    %dma_wait3A_1402 = arith.constant 0 : i32
    %dma_wait3A_1403 = arith.constant 0 : i32
    %dma_wait3A_1404 = arith.constant 0 : i32
    %dma_wait3A_1405 = tpu.memref_slice %arg7[%dma_wait3A_1400, %dma_wait3A_1401, %dma_wait3A_1403, %dma_wait3A_1404] : memref<3x4x64x128xf32, #tpu.memory_space<vmem>> -> memref<1x1x64x128xf32, #tpu.memory_space<vmem>>
    %dma_wait3A_1406 = tpu.memref_squeeze %dma_wait3A_1405 : memref<1x1x64x128xf32, #tpu.memory_space<vmem>> -> memref<64x128xf32, #tpu.memory_space<vmem>>
    %dma_wait3A_1407 = arith.constant 0 : i32
    %dma_wait3A_1408 = tpu.memref_slice %arg5[%dma_wait3A_1402, %add3A_886, %dma_wait3A_1407] : memref<4x8192x128xf32, #tpu.memory_space<hbm>> -> memref<1x64x128xf32, #tpu.memory_space<hbm>>
    %dma_wait3A_1409 = tpu.memref_squeeze %dma_wait3A_1408 : memref<1x64x128xf32, #tpu.memory_space<hbm>> -> memref<64x128xf32, #tpu.memory_space<hbm>>
    %dma_wait3A_1410 = arith.constant 0 : i32
    %dma_wait3A_1411 = tpu.memref_slice %arg5[%dma_wait3A_1402, %add3A_886, %dma_wait3A_1410] : memref<4x8192x128xf32, #tpu.memory_space<hbm>> -> memref<1x64x128xf32, #tpu.memory_space<hbm>>
    %dma_wait3A_1412 = tpu.memref_squeeze %dma_wait3A_1411 : memref<1x64x128xf32, #tpu.memory_space<hbm>> -> memref<64x128xf32, #tpu.memory_space<hbm>>
    %dma_wait3A_1413 = arith.constant 0 : i32
    %dma_wait3A_1414 = arith.constant 0 : i32
    %dma_wait3A_1415 = tpu.memref_slice %arg7[%dma_wait3A_1400, %dma_wait3A_1401, %dma_wait3A_1413, %dma_wait3A_1414] : memref<3x4x64x128xf32, #tpu.memory_space<vmem>> -> memref<1x1x64x128xf32, #tpu.memory_space<vmem>>
    %dma_wait3A_1416 = tpu.memref_squeeze %dma_wait3A_1415 : memref<1x1x64x128xf32, #tpu.memory_space<vmem>> -> memref<64x128xf32, #tpu.memory_space<vmem>>
    tpu.wait_dma2 semaphore(%arg11 : memref<!tpu.dma_semaphore, #tpu.memory_space<semaphore_mem>>) src(%dma_wait3A_1416 : memref<64x128xf32, #tpu.memory_space<vmem>>) dst(%dma_wait3A_1412 : memref<64x128xf32, #tpu.memory_space<hbm>>)
    %dma_wait3A_1417 = arith.constant 1 : i32
    %dma_wait3A_1418 = arith.constant 1 : i32
    %dma_wait3A_1419 = arith.constant 1 : i32
    %dma_wait3A_1420 = arith.constant 0 : i32
    %dma_wait3A_1421 = arith.constant 0 : i32
    %dma_wait3A_1422 = tpu.memref_slice %arg7[%dma_wait3A_1417, %dma_wait3A_1418, %dma_wait3A_1420, %dma_wait3A_1421] : memref<3x4x64x128xf32, #tpu.memory_space<vmem>> -> memref<1x1x64x128xf32, #tpu.memory_space<vmem>>
    %dma_wait3A_1423 = tpu.memref_squeeze %dma_wait3A_1422 : memref<1x1x64x128xf32, #tpu.memory_space<vmem>> -> memref<64x128xf32, #tpu.memory_space<vmem>>
    %dma_wait3A_1424 = arith.constant 0 : i32
    %dma_wait3A_1425 = tpu.memref_slice %arg5[%dma_wait3A_1419, %add3A_905, %dma_wait3A_1424] : memref<4x8192x128xf32, #tpu.memory_space<hbm>> -> memref<1x64x128xf32, #tpu.memory_space<hbm>>
    %dma_wait3A_1426 = tpu.memref_squeeze %dma_wait3A_1425 : memref<1x64x128xf32, #tpu.memory_space<hbm>> -> memref<64x128xf32, #tpu.memory_space<hbm>>
    %dma_wait3A_1427 = arith.constant 0 : i32
    %dma_wait3A_1428 = tpu.memref_slice %arg5[%dma_wait3A_1419, %add3A_905, %dma_wait3A_1427] : memref<4x8192x128xf32, #tpu.memory_space<hbm>> -> memref<1x64x128xf32, #tpu.memory_space<hbm>>
    %dma_wait3A_1429 = tpu.memref_squeeze %dma_wait3A_1428 : memref<1x64x128xf32, #tpu.memory_space<hbm>> -> memref<64x128xf32, #tpu.memory_space<hbm>>
    %dma_wait3A_1430 = arith.constant 0 : i32
    %dma_wait3A_1431 = arith.constant 0 : i32
    %dma_wait3A_1432 = tpu.memref_slice %arg7[%dma_wait3A_1417, %dma_wait3A_1418, %dma_wait3A_1430, %dma_wait3A_1431] : memref<3x4x64x128xf32, #tpu.memory_space<vmem>> -> memref<1x1x64x128xf32, #tpu.memory_space<vmem>>
    %dma_wait3A_1433 = tpu.memref_squeeze %dma_wait3A_1432 : memref<1x1x64x128xf32, #tpu.memory_space<vmem>> -> memref<64x128xf32, #tpu.memory_space<vmem>>
    tpu.wait_dma2 semaphore(%arg11 : memref<!tpu.dma_semaphore, #tpu.memory_space<semaphore_mem>>) src(%dma_wait3A_1433 : memref<64x128xf32, #tpu.memory_space<vmem>>) dst(%dma_wait3A_1429 : memref<64x128xf32, #tpu.memory_space<hbm>>)
    %dma_wait3A_1434 = arith.constant 1 : i32
    %dma_wait3A_1435 = arith.constant 2 : i32
    %dma_wait3A_1436 = arith.constant 2 : i32
    %dma_wait3A_1437 = arith.constant 0 : i32
    %dma_wait3A_1438 = arith.constant 0 : i32
    %dma_wait3A_1439 = tpu.memref_slice %arg7[%dma_wait3A_1434, %dma_wait3A_1435, %dma_wait3A_1437, %dma_wait3A_1438] : memref<3x4x64x128xf32, #tpu.memory_space<vmem>> -> memref<1x1x64x128xf32, #tpu.memory_space<vmem>>
    %dma_wait3A_1440 = tpu.memref_squeeze %dma_wait3A_1439 : memref<1x1x64x128xf32, #tpu.memory_space<vmem>> -> memref<64x128xf32, #tpu.memory_space<vmem>>
    %dma_wait3A_1441 = arith.constant 0 : i32
    %dma_wait3A_1442 = tpu.memref_slice %arg5[%dma_wait3A_1436, %add3A_924, %dma_wait3A_1441] : memref<4x8192x128xf32, #tpu.memory_space<hbm>> -> memref<1x64x128xf32, #tpu.memory_space<hbm>>
    %dma_wait3A_1443 = tpu.memref_squeeze %dma_wait3A_1442 : memref<1x64x128xf32, #tpu.memory_space<hbm>> -> memref<64x128xf32, #tpu.memory_space<hbm>>
    %dma_wait3A_1444 = arith.constant 0 : i32
    %dma_wait3A_1445 = tpu.memref_slice %arg5[%dma_wait3A_1436, %add3A_924, %dma_wait3A_1444] : memref<4x8192x128xf32, #tpu.memory_space<hbm>> -> memref<1x64x128xf32, #tpu.memory_space<hbm>>
    %dma_wait3A_1446 = tpu.memref_squeeze %dma_wait3A_1445 : memref<1x64x128xf32, #tpu.memory_space<hbm>> -> memref<64x128xf32, #tpu.memory_space<hbm>>
    %dma_wait3A_1447 = arith.constant 0 : i32
    %dma_wait3A_1448 = arith.constant 0 : i32
    %dma_wait3A_1449 = tpu.memref_slice %arg7[%dma_wait3A_1434, %dma_wait3A_1435, %dma_wait3A_1447, %dma_wait3A_1448] : memref<3x4x64x128xf32, #tpu.memory_space<vmem>> -> memref<1x1x64x128xf32, #tpu.memory_space<vmem>>
    %dma_wait3A_1450 = tpu.memref_squeeze %dma_wait3A_1449 : memref<1x1x64x128xf32, #tpu.memory_space<vmem>> -> memref<64x128xf32, #tpu.memory_space<vmem>>
    tpu.wait_dma2 semaphore(%arg11 : memref<!tpu.dma_semaphore, #tpu.memory_space<semaphore_mem>>) src(%dma_wait3A_1450 : memref<64x128xf32, #tpu.memory_space<vmem>>) dst(%dma_wait3A_1446 : memref<64x128xf32, #tpu.memory_space<hbm>>)
    %dma_wait3A_1451 = arith.constant 1 : i32
    %dma_wait3A_1452 = arith.constant 3 : i32
    %dma_wait3A_1453 = arith.constant 3 : i32
    %dma_wait3A_1454 = arith.constant 0 : i32
    %dma_wait3A_1455 = arith.constant 0 : i32
    %dma_wait3A_1456 = tpu.memref_slice %arg7[%dma_wait3A_1451, %dma_wait3A_1452, %dma_wait3A_1454, %dma_wait3A_1455] : memref<3x4x64x128xf32, #tpu.memory_space<vmem>> -> memref<1x1x64x128xf32, #tpu.memory_space<vmem>>
    %dma_wait3A_1457 = tpu.memref_squeeze %dma_wait3A_1456 : memref<1x1x64x128xf32, #tpu.memory_space<vmem>> -> memref<64x128xf32, #tpu.memory_space<vmem>>
    %dma_wait3A_1458 = arith.constant 0 : i32
    %dma_wait3A_1459 = tpu.memref_slice %arg5[%dma_wait3A_1453, %add3A_943, %dma_wait3A_1458] : memref<4x8192x128xf32, #tpu.memory_space<hbm>> -> memref<1x64x128xf32, #tpu.memory_space<hbm>>
    %dma_wait3A_1460 = tpu.memref_squeeze %dma_wait3A_1459 : memref<1x64x128xf32, #tpu.memory_space<hbm>> -> memref<64x128xf32, #tpu.memory_space<hbm>>
    %dma_wait3A_1461 = arith.constant 0 : i32
    %dma_wait3A_1462 = tpu.memref_slice %arg5[%dma_wait3A_1453, %add3A_943, %dma_wait3A_1461] : memref<4x8192x128xf32, #tpu.memory_space<hbm>> -> memref<1x64x128xf32, #tpu.memory_space<hbm>>
    %dma_wait3A_1463 = tpu.memref_squeeze %dma_wait3A_1462 : memref<1x64x128xf32, #tpu.memory_space<hbm>> -> memref<64x128xf32, #tpu.memory_space<hbm>>
    %dma_wait3A_1464 = arith.constant 0 : i32
    %dma_wait3A_1465 = arith.constant 0 : i32
    %dma_wait3A_1466 = tpu.memref_slice %arg7[%dma_wait3A_1451, %dma_wait3A_1452, %dma_wait3A_1464, %dma_wait3A_1465] : memref<3x4x64x128xf32, #tpu.memory_space<vmem>> -> memref<1x1x64x128xf32, #tpu.memory_space<vmem>>
    %dma_wait3A_1467 = tpu.memref_squeeze %dma_wait3A_1466 : memref<1x1x64x128xf32, #tpu.memory_space<vmem>> -> memref<64x128xf32, #tpu.memory_space<vmem>>
    tpu.wait_dma2 semaphore(%arg11 : memref<!tpu.dma_semaphore, #tpu.memory_space<semaphore_mem>>) src(%dma_wait3A_1467 : memref<64x128xf32, #tpu.memory_space<vmem>>) dst(%dma_wait3A_1463 : memref<64x128xf32, #tpu.memory_space<hbm>>)
    %dma_wait3A_1468 = arith.constant 2 : i32
    %dma_wait3A_1469 = arith.constant 0 : i32
    %dma_wait3A_1470 = arith.constant 0 : i32
    %dma_wait3A_1471 = arith.constant 0 : i32
    %dma_wait3A_1472 = arith.constant 0 : i32
    %dma_wait3A_1473 = tpu.memref_slice %arg7[%dma_wait3A_1468, %dma_wait3A_1469, %dma_wait3A_1471, %dma_wait3A_1472] : memref<3x4x64x128xf32, #tpu.memory_space<vmem>> -> memref<1x1x64x128xf32, #tpu.memory_space<vmem>>
    %dma_wait3A_1474 = tpu.memref_squeeze %dma_wait3A_1473 : memref<1x1x64x128xf32, #tpu.memory_space<vmem>> -> memref<64x128xf32, #tpu.memory_space<vmem>>
    %dma_wait3A_1475 = arith.constant 0 : i32
    %dma_wait3A_1476 = tpu.memref_slice %arg5[%dma_wait3A_1470, %add3A_1175, %dma_wait3A_1475] : memref<4x8192x128xf32, #tpu.memory_space<hbm>> -> memref<1x64x128xf32, #tpu.memory_space<hbm>>
    %dma_wait3A_1477 = tpu.memref_squeeze %dma_wait3A_1476 : memref<1x64x128xf32, #tpu.memory_space<hbm>> -> memref<64x128xf32, #tpu.memory_space<hbm>>
    %dma_wait3A_1478 = arith.constant 0 : i32
    %dma_wait3A_1479 = tpu.memref_slice %arg5[%dma_wait3A_1470, %add3A_1175, %dma_wait3A_1478] : memref<4x8192x128xf32, #tpu.memory_space<hbm>> -> memref<1x64x128xf32, #tpu.memory_space<hbm>>
    %dma_wait3A_1480 = tpu.memref_squeeze %dma_wait3A_1479 : memref<1x64x128xf32, #tpu.memory_space<hbm>> -> memref<64x128xf32, #tpu.memory_space<hbm>>
    %dma_wait3A_1481 = arith.constant 0 : i32
    %dma_wait3A_1482 = arith.constant 0 : i32
    %dma_wait3A_1483 = tpu.memref_slice %arg7[%dma_wait3A_1468, %dma_wait3A_1469, %dma_wait3A_1481, %dma_wait3A_1482] : memref<3x4x64x128xf32, #tpu.memory_space<vmem>> -> memref<1x1x64x128xf32, #tpu.memory_space<vmem>>
    %dma_wait3A_1484 = tpu.memref_squeeze %dma_wait3A_1483 : memref<1x1x64x128xf32, #tpu.memory_space<vmem>> -> memref<64x128xf32, #tpu.memory_space<vmem>>
    tpu.wait_dma2 semaphore(%arg11 : memref<!tpu.dma_semaphore, #tpu.memory_space<semaphore_mem>>) src(%dma_wait3A_1484 : memref<64x128xf32, #tpu.memory_space<vmem>>) dst(%dma_wait3A_1480 : memref<64x128xf32, #tpu.memory_space<hbm>>)
    %dma_wait3A_1485 = arith.constant 2 : i32
    %dma_wait3A_1486 = arith.constant 1 : i32
    %dma_wait3A_1487 = arith.constant 1 : i32
    %dma_wait3A_1488 = arith.constant 0 : i32
    %dma_wait3A_1489 = arith.constant 0 : i32
    %dma_wait3A_1490 = tpu.memref_slice %arg7[%dma_wait3A_1485, %dma_wait3A_1486, %dma_wait3A_1488, %dma_wait3A_1489] : memref<3x4x64x128xf32, #tpu.memory_space<vmem>> -> memref<1x1x64x128xf32, #tpu.memory_space<vmem>>
    %dma_wait3A_1491 = tpu.memref_squeeze %dma_wait3A_1490 : memref<1x1x64x128xf32, #tpu.memory_space<vmem>> -> memref<64x128xf32, #tpu.memory_space<vmem>>
    %dma_wait3A_1492 = arith.constant 0 : i32
    %dma_wait3A_1493 = tpu.memref_slice %arg5[%dma_wait3A_1487, %add3A_1194, %dma_wait3A_1492] : memref<4x8192x128xf32, #tpu.memory_space<hbm>> -> memref<1x64x128xf32, #tpu.memory_space<hbm>>
    %dma_wait3A_1494 = tpu.memref_squeeze %dma_wait3A_1493 : memref<1x64x128xf32, #tpu.memory_space<hbm>> -> memref<64x128xf32, #tpu.memory_space<hbm>>
    %dma_wait3A_1495 = arith.constant 0 : i32
    %dma_wait3A_1496 = tpu.memref_slice %arg5[%dma_wait3A_1487, %add3A_1194, %dma_wait3A_1495] : memref<4x8192x128xf32, #tpu.memory_space<hbm>> -> memref<1x64x128xf32, #tpu.memory_space<hbm>>
    %dma_wait3A_1497 = tpu.memref_squeeze %dma_wait3A_1496 : memref<1x64x128xf32, #tpu.memory_space<hbm>> -> memref<64x128xf32, #tpu.memory_space<hbm>>
    %dma_wait3A_1498 = arith.constant 0 : i32
    %dma_wait3A_1499 = arith.constant 0 : i32
    %dma_wait3A_1500 = tpu.memref_slice %arg7[%dma_wait3A_1485, %dma_wait3A_1486, %dma_wait3A_1498, %dma_wait3A_1499] : memref<3x4x64x128xf32, #tpu.memory_space<vmem>> -> memref<1x1x64x128xf32, #tpu.memory_space<vmem>>
    %dma_wait3A_1501 = tpu.memref_squeeze %dma_wait3A_1500 : memref<1x1x64x128xf32, #tpu.memory_space<vmem>> -> memref<64x128xf32, #tpu.memory_space<vmem>>
    tpu.wait_dma2 semaphore(%arg11 : memref<!tpu.dma_semaphore, #tpu.memory_space<semaphore_mem>>) src(%dma_wait3A_1501 : memref<64x128xf32, #tpu.memory_space<vmem>>) dst(%dma_wait3A_1497 : memref<64x128xf32, #tpu.memory_space<hbm>>)
    %dma_wait3A_1502 = arith.constant 2 : i32
    %dma_wait3A_1503 = arith.constant 2 : i32
    %dma_wait3A_1504 = arith.constant 2 : i32
    %dma_wait3A_1505 = arith.constant 0 : i32
    %dma_wait3A_1506 = arith.constant 0 : i32
    %dma_wait3A_1507 = tpu.memref_slice %arg7[%dma_wait3A_1502, %dma_wait3A_1503, %dma_wait3A_1505, %dma_wait3A_1506] : memref<3x4x64x128xf32, #tpu.memory_space<vmem>> -> memref<1x1x64x128xf32, #tpu.memory_space<vmem>>
    %dma_wait3A_1508 = tpu.memref_squeeze %dma_wait3A_1507 : memref<1x1x64x128xf32, #tpu.memory_space<vmem>> -> memref<64x128xf32, #tpu.memory_space<vmem>>
    %dma_wait3A_1509 = arith.constant 0 : i32
    %dma_wait3A_1510 = tpu.memref_slice %arg5[%dma_wait3A_1504, %add3A_1213, %dma_wait3A_1509] : memref<4x8192x128xf32, #tpu.memory_space<hbm>> -> memref<1x64x128xf32, #tpu.memory_space<hbm>>
    %dma_wait3A_1511 = tpu.memref_squeeze %dma_wait3A_1510 : memref<1x64x128xf32, #tpu.memory_space<hbm>> -> memref<64x128xf32, #tpu.memory_space<hbm>>
    %dma_wait3A_1512 = arith.constant 0 : i32
    %dma_wait3A_1513 = tpu.memref_slice %arg5[%dma_wait3A_1504, %add3A_1213, %dma_wait3A_1512] : memref<4x8192x128xf32, #tpu.memory_space<hbm>> -> memref<1x64x128xf32, #tpu.memory_space<hbm>>
    %dma_wait3A_1514 = tpu.memref_squeeze %dma_wait3A_1513 : memref<1x64x128xf32, #tpu.memory_space<hbm>> -> memref<64x128xf32, #tpu.memory_space<hbm>>
    %dma_wait3A_1515 = arith.constant 0 : i32
    %dma_wait3A_1516 = arith.constant 0 : i32
    %dma_wait3A_1517 = tpu.memref_slice %arg7[%dma_wait3A_1502, %dma_wait3A_1503, %dma_wait3A_1515, %dma_wait3A_1516] : memref<3x4x64x128xf32, #tpu.memory_space<vmem>> -> memref<1x1x64x128xf32, #tpu.memory_space<vmem>>
    %dma_wait3A_1518 = tpu.memref_squeeze %dma_wait3A_1517 : memref<1x1x64x128xf32, #tpu.memory_space<vmem>> -> memref<64x128xf32, #tpu.memory_space<vmem>>
    tpu.wait_dma2 semaphore(%arg11 : memref<!tpu.dma_semaphore, #tpu.memory_space<semaphore_mem>>) src(%dma_wait3A_1518 : memref<64x128xf32, #tpu.memory_space<vmem>>) dst(%dma_wait3A_1514 : memref<64x128xf32, #tpu.memory_space<hbm>>)
    %dma_wait3A_1519 = arith.constant 2 : i32
    %dma_wait3A_1520 = arith.constant 3 : i32
    %dma_wait3A_1521 = arith.constant 3 : i32
    %dma_wait3A_1522 = arith.constant 0 : i32
    %dma_wait3A_1523 = arith.constant 0 : i32
    %dma_wait3A_1524 = tpu.memref_slice %arg7[%dma_wait3A_1519, %dma_wait3A_1520, %dma_wait3A_1522, %dma_wait3A_1523] : memref<3x4x64x128xf32, #tpu.memory_space<vmem>> -> memref<1x1x64x128xf32, #tpu.memory_space<vmem>>
    %dma_wait3A_1525 = tpu.memref_squeeze %dma_wait3A_1524 : memref<1x1x64x128xf32, #tpu.memory_space<vmem>> -> memref<64x128xf32, #tpu.memory_space<vmem>>
    %dma_wait3A_1526 = arith.constant 0 : i32
    %dma_wait3A_1527 = tpu.memref_slice %arg5[%dma_wait3A_1521, %add3A_1232, %dma_wait3A_1526] : memref<4x8192x128xf32, #tpu.memory_space<hbm>> -> memref<1x64x128xf32, #tpu.memory_space<hbm>>
    %dma_wait3A_1528 = tpu.memref_squeeze %dma_wait3A_1527 : memref<1x64x128xf32, #tpu.memory_space<hbm>> -> memref<64x128xf32, #tpu.memory_space<hbm>>
    %dma_wait3A_1529 = arith.constant 0 : i32
    %dma_wait3A_1530 = tpu.memref_slice %arg5[%dma_wait3A_1521, %add3A_1232, %dma_wait3A_1529] : memref<4x8192x128xf32, #tpu.memory_space<hbm>> -> memref<1x64x128xf32, #tpu.memory_space<hbm>>
    %dma_wait3A_1531 = tpu.memref_squeeze %dma_wait3A_1530 : memref<1x64x128xf32, #tpu.memory_space<hbm>> -> memref<64x128xf32, #tpu.memory_space<hbm>>
    %dma_wait3A_1532 = arith.constant 0 : i32
    %dma_wait3A_1533 = arith.constant 0 : i32
    %dma_wait3A_1534 = tpu.memref_slice %arg7[%dma_wait3A_1519, %dma_wait3A_1520, %dma_wait3A_1532, %dma_wait3A_1533] : memref<3x4x64x128xf32, #tpu.memory_space<vmem>> -> memref<1x1x64x128xf32, #tpu.memory_space<vmem>>
    %dma_wait3A_1535 = tpu.memref_squeeze %dma_wait3A_1534 : memref<1x1x64x128xf32, #tpu.memory_space<vmem>> -> memref<64x128xf32, #tpu.memory_space<vmem>>
    tpu.wait_dma2 semaphore(%arg11 : memref<!tpu.dma_semaphore, #tpu.memory_space<semaphore_mem>>) src(%dma_wait3A_1535 : memref<64x128xf32, #tpu.memory_space<vmem>>) dst(%dma_wait3A_1531 : memref<64x128xf32, #tpu.memory_space<hbm>>)
    %dma_wait3A_1536 = arith.constant 0 : i32
    %dma_wait3A_1537 = arith.constant 0 : i32
    %dma_wait3A_1538 = arith.constant 0 : i32
    %dma_wait3A_1539 = arith.constant 0 : i32
    %dma_wait3A_1540 = arith.constant 0 : i32
    %dma_wait3A_1541 = tpu.memref_slice %arg7[%dma_wait3A_1536, %dma_wait3A_1537, %dma_wait3A_1539, %dma_wait3A_1540] : memref<3x4x64x128xf32, #tpu.memory_space<vmem>> -> memref<1x1x64x128xf32, #tpu.memory_space<vmem>>
    %dma_wait3A_1542 = tpu.memref_squeeze %dma_wait3A_1541 : memref<1x1x64x128xf32, #tpu.memory_space<vmem>> -> memref<64x128xf32, #tpu.memory_space<vmem>>
    %dma_wait3A_1543 = arith.constant 0 : i32
    %dma_wait3A_1544 = tpu.memref_slice %arg5[%dma_wait3A_1538, %add3A_1325, %dma_wait3A_1543] : memref<4x8192x128xf32, #tpu.memory_space<hbm>> -> memref<1x64x128xf32, #tpu.memory_space<hbm>>
    %dma_wait3A_1545 = tpu.memref_squeeze %dma_wait3A_1544 : memref<1x64x128xf32, #tpu.memory_space<hbm>> -> memref<64x128xf32, #tpu.memory_space<hbm>>
    %dma_wait3A_1546 = arith.constant 0 : i32
    %dma_wait3A_1547 = tpu.memref_slice %arg5[%dma_wait3A_1538, %add3A_1325, %dma_wait3A_1546] : memref<4x8192x128xf32, #tpu.memory_space<hbm>> -> memref<1x64x128xf32, #tpu.memory_space<hbm>>
    %dma_wait3A_1548 = tpu.memref_squeeze %dma_wait3A_1547 : memref<1x64x128xf32, #tpu.memory_space<hbm>> -> memref<64x128xf32, #tpu.memory_space<hbm>>
    %dma_wait3A_1549 = arith.constant 0 : i32
    %dma_wait3A_1550 = arith.constant 0 : i32
    %dma_wait3A_1551 = tpu.memref_slice %arg7[%dma_wait3A_1536, %dma_wait3A_1537, %dma_wait3A_1549, %dma_wait3A_1550] : memref<3x4x64x128xf32, #tpu.memory_space<vmem>> -> memref<1x1x64x128xf32, #tpu.memory_space<vmem>>
    %dma_wait3A_1552 = tpu.memref_squeeze %dma_wait3A_1551 : memref<1x1x64x128xf32, #tpu.memory_space<vmem>> -> memref<64x128xf32, #tpu.memory_space<vmem>>
    tpu.wait_dma2 semaphore(%arg11 : memref<!tpu.dma_semaphore, #tpu.memory_space<semaphore_mem>>) src(%dma_wait3A_1552 : memref<64x128xf32, #tpu.memory_space<vmem>>) dst(%dma_wait3A_1548 : memref<64x128xf32, #tpu.memory_space<hbm>>)
    %dma_wait3A_1553 = arith.constant 0 : i32
    %dma_wait3A_1554 = arith.constant 1 : i32
    %dma_wait3A_1555 = arith.constant 1 : i32
    %dma_wait3A_1556 = arith.constant 0 : i32
    %dma_wait3A_1557 = arith.constant 0 : i32
    %dma_wait3A_1558 = tpu.memref_slice %arg7[%dma_wait3A_1553, %dma_wait3A_1554, %dma_wait3A_1556, %dma_wait3A_1557] : memref<3x4x64x128xf32, #tpu.memory_space<vmem>> -> memref<1x1x64x128xf32, #tpu.memory_space<vmem>>
    %dma_wait3A_1559 = tpu.memref_squeeze %dma_wait3A_1558 : memref<1x1x64x128xf32, #tpu.memory_space<vmem>> -> memref<64x128xf32, #tpu.memory_space<vmem>>
    %dma_wait3A_1560 = arith.constant 0 : i32
    %dma_wait3A_1561 = tpu.memref_slice %arg5[%dma_wait3A_1555, %add3A_1344, %dma_wait3A_1560] : memref<4x8192x128xf32, #tpu.memory_space<hbm>> -> memref<1x64x128xf32, #tpu.memory_space<hbm>>
    %dma_wait3A_1562 = tpu.memref_squeeze %dma_wait3A_1561 : memref<1x64x128xf32, #tpu.memory_space<hbm>> -> memref<64x128xf32, #tpu.memory_space<hbm>>
    %dma_wait3A_1563 = arith.constant 0 : i32
    %dma_wait3A_1564 = tpu.memref_slice %arg5[%dma_wait3A_1555, %add3A_1344, %dma_wait3A_1563] : memref<4x8192x128xf32, #tpu.memory_space<hbm>> -> memref<1x64x128xf32, #tpu.memory_space<hbm>>
    %dma_wait3A_1565 = tpu.memref_squeeze %dma_wait3A_1564 : memref<1x64x128xf32, #tpu.memory_space<hbm>> -> memref<64x128xf32, #tpu.memory_space<hbm>>
    %dma_wait3A_1566 = arith.constant 0 : i32
    %dma_wait3A_1567 = arith.constant 0 : i32
    %dma_wait3A_1568 = tpu.memref_slice %arg7[%dma_wait3A_1553, %dma_wait3A_1554, %dma_wait3A_1566, %dma_wait3A_1567] : memref<3x4x64x128xf32, #tpu.memory_space<vmem>> -> memref<1x1x64x128xf32, #tpu.memory_space<vmem>>
    %dma_wait3A_1569 = tpu.memref_squeeze %dma_wait3A_1568 : memref<1x1x64x128xf32, #tpu.memory_space<vmem>> -> memref<64x128xf32, #tpu.memory_space<vmem>>
    tpu.wait_dma2 semaphore(%arg11 : memref<!tpu.dma_semaphore, #tpu.memory_space<semaphore_mem>>) src(%dma_wait3A_1569 : memref<64x128xf32, #tpu.memory_space<vmem>>) dst(%dma_wait3A_1565 : memref<64x128xf32, #tpu.memory_space<hbm>>)
    %dma_wait3A_1570 = arith.constant 0 : i32
    %dma_wait3A_1571 = arith.constant 2 : i32
    %dma_wait3A_1572 = arith.constant 2 : i32
    %dma_wait3A_1573 = arith.constant 0 : i32
    %dma_wait3A_1574 = arith.constant 0 : i32
    %dma_wait3A_1575 = tpu.memref_slice %arg7[%dma_wait3A_1570, %dma_wait3A_1571, %dma_wait3A_1573, %dma_wait3A_1574] : memref<3x4x64x128xf32, #tpu.memory_space<vmem>> -> memref<1x1x64x128xf32, #tpu.memory_space<vmem>>
    %dma_wait3A_1576 = tpu.memref_squeeze %dma_wait3A_1575 : memref<1x1x64x128xf32, #tpu.memory_space<vmem>> -> memref<64x128xf32, #tpu.memory_space<vmem>>
    %dma_wait3A_1577 = arith.constant 0 : i32
    %dma_wait3A_1578 = tpu.memref_slice %arg5[%dma_wait3A_1572, %add3A_1363, %dma_wait3A_1577] : memref<4x8192x128xf32, #tpu.memory_space<hbm>> -> memref<1x64x128xf32, #tpu.memory_space<hbm>>
    %dma_wait3A_1579 = tpu.memref_squeeze %dma_wait3A_1578 : memref<1x64x128xf32, #tpu.memory_space<hbm>> -> memref<64x128xf32, #tpu.memory_space<hbm>>
    %dma_wait3A_1580 = arith.constant 0 : i32
    %dma_wait3A_1581 = tpu.memref_slice %arg5[%dma_wait3A_1572, %add3A_1363, %dma_wait3A_1580] : memref<4x8192x128xf32, #tpu.memory_space<hbm>> -> memref<1x64x128xf32, #tpu.memory_space<hbm>>
    %dma_wait3A_1582 = tpu.memref_squeeze %dma_wait3A_1581 : memref<1x64x128xf32, #tpu.memory_space<hbm>> -> memref<64x128xf32, #tpu.memory_space<hbm>>
    %dma_wait3A_1583 = arith.constant 0 : i32
    %dma_wait3A_1584 = arith.constant 0 : i32
    %dma_wait3A_1585 = tpu.memref_slice %arg7[%dma_wait3A_1570, %dma_wait3A_1571, %dma_wait3A_1583, %dma_wait3A_1584] : memref<3x4x64x128xf32, #tpu.memory_space<vmem>> -> memref<1x1x64x128xf32, #tpu.memory_space<vmem>>
    %dma_wait3A_1586 = tpu.memref_squeeze %dma_wait3A_1585 : memref<1x1x64x128xf32, #tpu.memory_space<vmem>> -> memref<64x128xf32, #tpu.memory_space<vmem>>
    tpu.wait_dma2 semaphore(%arg11 : memref<!tpu.dma_semaphore, #tpu.memory_space<semaphore_mem>>) src(%dma_wait3A_1586 : memref<64x128xf32, #tpu.memory_space<vmem>>) dst(%dma_wait3A_1582 : memref<64x128xf32, #tpu.memory_space<hbm>>)
    %dma_wait3A_1587 = arith.constant 0 : i32
    %dma_wait3A_1588 = arith.constant 3 : i32
    %dma_wait3A_1589 = arith.constant 3 : i32
    %dma_wait3A_1590 = arith.constant 0 : i32
    %dma_wait3A_1591 = arith.constant 0 : i32
    %dma_wait3A_1592 = tpu.memref_slice %arg7[%dma_wait3A_1587, %dma_wait3A_1588, %dma_wait3A_1590, %dma_wait3A_1591] : memref<3x4x64x128xf32, #tpu.memory_space<vmem>> -> memref<1x1x64x128xf32, #tpu.memory_space<vmem>>
    %dma_wait3A_1593 = tpu.memref_squeeze %dma_wait3A_1592 : memref<1x1x64x128xf32, #tpu.memory_space<vmem>> -> memref<64x128xf32, #tpu.memory_space<vmem>>
    %dma_wait3A_1594 = arith.constant 0 : i32
    %dma_wait3A_1595 = tpu.memref_slice %arg5[%dma_wait3A_1589, %add3A_1382, %dma_wait3A_1594] : memref<4x8192x128xf32, #tpu.memory_space<hbm>> -> memref<1x64x128xf32, #tpu.memory_space<hbm>>
    %dma_wait3A_1596 = tpu.memref_squeeze %dma_wait3A_1595 : memref<1x64x128xf32, #tpu.memory_space<hbm>> -> memref<64x128xf32, #tpu.memory_space<hbm>>
    %dma_wait3A_1597 = arith.constant 0 : i32
    %dma_wait3A_1598 = tpu.memref_slice %arg5[%dma_wait3A_1589, %add3A_1382, %dma_wait3A_1597] : memref<4x8192x128xf32, #tpu.memory_space<hbm>> -> memref<1x64x128xf32, #tpu.memory_space<hbm>>
    %dma_wait3A_1599 = tpu.memref_squeeze %dma_wait3A_1598 : memref<1x64x128xf32, #tpu.memory_space<hbm>> -> memref<64x128xf32, #tpu.memory_space<hbm>>
    %dma_wait3A_1600 = arith.constant 0 : i32
    %dma_wait3A_1601 = arith.constant 0 : i32
    %dma_wait3A_1602 = tpu.memref_slice %arg7[%dma_wait3A_1587, %dma_wait3A_1588, %dma_wait3A_1600, %dma_wait3A_1601] : memref<3x4x64x128xf32, #tpu.memory_space<vmem>> -> memref<1x1x64x128xf32, #tpu.memory_space<vmem>>
    %dma_wait3A_1603 = tpu.memref_squeeze %dma_wait3A_1602 : memref<1x1x64x128xf32, #tpu.memory_space<vmem>> -> memref<64x128xf32, #tpu.memory_space<vmem>>
    tpu.wait_dma2 semaphore(%arg11 : memref<!tpu.dma_semaphore, #tpu.memory_space<semaphore_mem>>) src(%dma_wait3A_1603 : memref<64x128xf32, #tpu.memory_space<vmem>>) dst(%dma_wait3A_1599 : memref<64x128xf32, #tpu.memory_space<hbm>>)
    return
  }
}

</mosaic_0001>

<sc_bundles>
// kernel: kernel.3.cloned.1.call-start
scs
__scs_entry_jumppad:
0x0: {  	(pc) =	sbr.rel $0x88, $3  }
0x1: {  	(tag) =	ssettag $0x0;
	lr =	simm.s32 $0x1  }
0x2: {  	[smem:$0x3F9E] =	sst lr;
	_ =	strace $0xD0000000  }
0x3: {  	_ = 	snop  }
0x4: {  	_ = 	snop  }
0x5: {  	_ = 	snop  }
0x6: {  	_ = 	snop  }
0x7: {  	_ = 	snop  }
__scs_overlays_trampoline_lowered:
0x8: {  	[smem:$0x3FAD] =	sst s0  }
0x9: {  	[smem:$0x3FAE] =	sst s1  }
0xa: {  	[smem:$0x3FAF] =	sst s2  }
0xb: {  	[smem:$0x3FB0] =	sst s3  }
0xc: {  	[smem:$0x3FB1] =	sst s4  }
0xd: {  	[smem:$0x3FB2] =	sst s5  }
0xe: {  	[smem:$0x3FB3] =	sst s6  }
0xf: {  	[smem:$0x3FB4] =	sst s7  }
0x10: {  	[smem:$0x3FB5] =	sst s8  }
0x11: {  	[smem:$0x3FB6] =	sst s9;
	s0 =	simm.s32 @!p0 $0x0  }
0x12: {  	s1 =	sld [smem:$0x3F9C];
	s0 =	simm.s32 @p0 $0x1  }
0x13: {  	[smem:$0x3FB7] =	sst s0;
	s0 =	simm.s32 @!p1 $0x0  }
0x14: {  	s2 =	sld [smem:$0x3F9B];
	s0 =	simm.s32 @p1 $0x1  }
0x15: {  	[smem:$0x3FB8] =	sst s0;
	s0 =	simm.s32 @!p2 $0x0  }
0x16: {  	s3 =	sld [smem:$0x3FDB];
	s0 =	simm.s32 @p2 $0x1  }
0x17: {  	s4 =	simm.s32 $0x1BF5;
	[smem:$0x3FBA] =	sst s0  }
0x18: {  	s0 =	sld [smem:$0x3F9D];
	_ =	swait.ge [sflag:s4], $0x0  }
0x19: {  	s7 =	sld [smem:$0x3F9E]  }
0x1a: {  	s8 =	sadd.s32 $0xFFFFE003, lr  }
0x1b: {  	s9 =	sadd.s32 $0xFFFFFEF7, lr;
	s5 =	simm.s32 $0xFFFFFFFF;
	p2 =	slt.u32 s8, $0xFFFFF086  }
0x1c: {  	p1 =	slt.u32 s9, $0xF7A;
	s5 =	simm.s32 @!p2 $0x0  }
0x1d: {  	s5 =	simm.s32 @p1 $0x1;
	p0 =	seq.s32 s7, s2  }
0x1e: {  	s7 =	smul.u32 @!p0 $0xF7A, s2;
	p2 =	seq.s32 @!p0 s5, $0x0  }
0x1f: {  	s9 =	smul.u32 $0xF7A, s1;
	s8 =	simm.s32 @!p0 $0x1BF5;
	p2 =	por !p2, p0  }
0x20: {  	[sflag:s8] =	ssyncset.s32 @!p0 $0xFFFFF086;
	s6 =	sadd.s32 @!p0 s3, s7;
	s7 =	simm.s32 @!p0 $0x108  }
0x21: {  	s3 =	sadd.s32 s3, s9;
	s6 =	sadd.s32 @!p0 $0x88, s6;
	s7 =	simm.s32 @p2 $0x1082  }
0x22: {  	[simem:s7], [sflag:s8] =	dma.local @!p0 [hbm:s6], $0xF7A  }
0x23: {  	s9 =	sor.u32 $0xD0000000, s2;
	s6 =	simm.s32 $0x108;
	_ =	swait.ge @!p0 [sflag:s8], $0x0  }
0x24: {  	s3 =	sadd.s32 $0x88, s3;
	s6 =	simm.s32 @!p1 $0x1082;
	[sflag:s4] =	ssyncset.s32 $0xFFFFF086  }
0x25: {  	[simem:s6], [sflag:s4] =	dma.local [hbm:s3], $0xF7A  }
0x26: {  	[smem:$0x3F9E] =	sst s1;
	(tag) =	ssettag s2;
	_ =	strace s9  }
0x27: {  	s1 =	sld [smem:$0x3FAE]  }
0x28: {  	s2 =	sld [smem:$0x3FAF]  }
0x29: {  	s4 =	sld [smem:$0x3FB1]  }
0x2a: {  	p0 =	seq.s32 s5, $0x0;
	s5 =	sld [smem:$0x3FB2]  }
0x2b: {  	s6 =	sld [smem:$0x3FB3]  }
0x2c: {  	s7 =	sld [smem:$0x3FB4]  }
0x2d: {  	s3 =	simm.s32 $0x108;
	s8 =	sld [smem:$0x3FB5]  }
0x2e: {  	s3 =	simm.s32 @!p0 $0x1082;
	s9 =	sld [smem:$0x3FB6]  }
0x2f: {  	lr =	sadd.s32 s0, s3;
	s0 =	sld [smem:$0x3FAD]  }
0x30: {  	s3 =	sld [smem:$0x3FB0]  }
0x31: {  	[smem:$0x3FB9] =	sst s10  }
0x32: {  	s10 =	sld [smem:$0x3FB7];
	_ =	sdelay $0x3  }
0x33: {  	p0 =	seq.s32 s10, $0x1;
	s10 =	sld [smem:$0x3FB9];
	_ =	sdelay $0x3  }
0x34: {  	[smem:$0x3FB9] =	sst s10  }
0x35: {  	s10 =	sld [smem:$0x3FB8];
	_ =	sdelay $0x3  }
0x36: {  	p1 =	seq.s32 s10, $0x1;
	s10 =	sld [smem:$0x3FB9];
	_ =	sdelay $0x3  }
0x37: {  	[smem:$0x3FB9] =	sst s10  }
0x38: {  	s10 =	sld [smem:$0x3FBA]  }
0x39: {  	_ = 	snop;
	(pc) =	sbr.ind lr, $3  }
0x3a: {  	_ = 	snop  }
0x3b: {  	_ = 	snop  }
0x3c: {  	p2 =	seq.s32 s10, $0x1;
	s10 =	sld [smem:$0x3FB9]  }
0x3d: {  	_ =	shalt  }
0x3e: {  	_ =	shalt  }
0x3f: {  	_ =	shalt  }
0x40: {  	_ =	shalt  }
0x41: {  	_ =	shalt  }
0x42: {  	_ =	shalt  }
0x43: {  	_ =	shalt  }
0x44: {  	_ =	shalt  }
0x45: {  	_ =	shalt  }
0x46: {  	_ =	shalt  }
0x47: {  	_ =	shalt  }
0x48: {  	_ =	shalt  }
0x49: {  	_ =	shalt  }
0x4a: {  	_ =	shalt  }
0x4b: {  	_ =	shalt  }
0x4c: {  	_ =	shalt  }
0x4d: {  	_ =	shalt  }
0x4e: {  	_ =	shalt  }
0x4f: {  	_ =	shalt  }
0x50: {  	_ =	shalt  }
0x51: {  	_ =	shalt  }
0x52: {  	_ =	shalt  }
0x53: {  	_ =	shalt  }
0x54: {  	_ =	shalt  }
0x55: {  	_ =	shalt  }
0x56: {  	_ =	shalt  }
0x57: {  	_ =	shalt  }
0x58: {  	_ =	shalt  }
0x59: {  	_ =	shalt  }
0x5a: {  	_ =	shalt  }
0x5b: {  	_ =	shalt  }
0x5c: {  	_ =	shalt  }
0x5d: {  	_ =	shalt  }
0x5e: {  	_ =	shalt  }
0x5f: {  	_ =	shalt  }
0x60: {  	_ =	shalt  }
0x61: {  	_ =	shalt  }
0x62: {  	_ =	shalt  }
0x63: {  	_ =	shalt  }
0x64: {  	_ =	shalt  }
0x65: {  	_ =	shalt  }
0x66: {  	_ =	shalt  }
0x67: {  	_ =	shalt  }
0x68: {  	_ =	shalt  }
0x69: {  	_ =	shalt  }
0x6a: {  	_ =	shalt  }
0x6b: {  	_ =	shalt  }
0x6c: {  	_ =	shalt  }
0x6d: {  	_ =	shalt  }
0x6e: {  	_ =	shalt  }
0x6f: {  	_ =	shalt  }
0x70: {  	_ =	shalt  }
0x71: {  	_ =	shalt  }
0x72: {  	_ =	shalt  }
0x73: {  	_ =	shalt  }
0x74: {  	_ =	shalt  }
0x75: {  	_ =	shalt  }
0x76: {  	_ =	shalt  }
0x77: {  	_ =	shalt  }
0x78: {  	_ =	shalt  }
0x79: {  	_ =	shalt  }
0x7a: {  	_ =	shalt  }
0x7b: {  	_ =	shalt  }
0x7c: {  	_ =	shalt  }
0x7d: {  	_ =	shalt  }
0x7e: {  	_ =	shalt  }
0x7f: {  	_ =	shalt  }
0x80: {  	_ =	shalt  }
0x81: {  	_ =	shalt  }
0x82: {  	_ =	shalt  }
0x83: {  	_ =	shalt  }
0x84: {  	_ =	shalt  }
0x85: {  	_ =	shalt  }
0x86: {  	_ =	shalt  }
0x87: {  	_ =	shalt  }
.Lfunc_end0:
.L_simem_size_0:
called_computation_lowered:
.L_overlay_start_0:
0x88: {  	s2 =	sld [smem:$0x3FD9]  }
0x89: {  	s3 =	sld [smem:$0x3FFE];
	_ =	sdelay $0x1  }
0x8a: {  	s1 =	srdreg.scid  }
0x8b: {  	s0 =	sand.u32 $0x1, s1  }
0x8c: {  	s18 =	sshll.u32 s0, $0xA;
	s2 =	sadd.s32 s3, s2  }
0x8d: {  	s2 =	sadd.s32 s2, s18  }
0x8e: {  	[smem:$0x3FC5] =	sst s2  }
0x8f: {  	_ = 	snop  }
0x90: {  	s2 =	sld [smem:$0x3FC9]  }
0x91: {  	s19 =	sld [smem:$0x3FC8]  }
0x92: {  	s4 =	sld [smem:$0x3FC7]  }
0x93: {  	s5 =	sld [smem:$0x3FD0];
	(tm) =	ssettm $0x1  }
0x94: {  	s6 =	sld [smem:$0x3FFB];
	_ =	sdelay $0x3  }
0x95: {  	_ =	strace s6  }
0x96: {  	s6 =	sld [smem:$0x3FFC];
	_ =	sdelay $0x3  }
0x97: {  	_ =	strace s6  }
0x98: {  	s6 =	sld [smem:$0x3FFD];
	_ =	sdelay $0x3  }
0x99: {  	_ =	strace s6  }
0x9a: {  	_ =	strace $0x8FFFFFFF  }
0x9b: {  	s20 =	sld [smem:$0x3FDB];
	_ =	sdelay $0x1  }
0x9c: {  	s7 =	simm.s32 $_scs_section_size  }
0x9d: {  	s8 =	simm.s32 $_size__tile_overlayer_lowered;
	s9 =	simm.s32 $_tile_overlayer_lowered  }
0x9e: {  	s23 =	simm.s32 $0x1BFF;
	s22 =	sshll.u32 s9, $0x1;
	s6 =	sadd.s32 s7, s20  }
0x9f: {  	s10 =	simm.s32 $0x0;
	s21 =	sshll.u32 s8, $0x1;
	s8 =	sadd.s32 s22, s6  }
0xa0: {  	[timem:s10], [sflag:s23] =	dma.local [hbm:s8], s21  }
0xa1: {  	_ =	swait.ge [sflag:s23], s21  }
0xa2: {  	s7 =	ssub.s32 $0x0, s21;
	[sflag:s23] =	ssyncset.done $0x0  }
0xa3: {  	[sflag:s23] =	ssyncadd.s32 s7;
	_ =	sdelay $0x1  }
0xa4: {  	s24 =	simm.s32 $0x1B8B  }
0xa5: {  	_ =	swait.ge [sflag:s24], $0x1  }
0xa6: {  	[sflag:s24] =	ssyncset.done $0x0  }
0xa7: {  	s25 =	simm.s32 $0x1B8E;
	[sflag:s24] =	ssyncadd.s32 $0xFFFFFFFF  }
0xa8: {  	s26 =	simm.s32 $execute0_lowered;
	[smem:$0x3FD2] =	sst s25  }
0xa9: {  	s7 =	sshll.u32 s26, $0x1;
	_ =	strace $0x80000046;
	[dreg:$0x1] =	wrdreg $0xFFFFFFFF  }
0xaa: {  	s28 =	simm.s32 $_size_execute0_lowered;
	s6 =	sadd.s32 s6, s7;
	[dreg:$0x0] =	wrdreg $0x0  }
0xab: {  	s7 =	sshll.u32 s28, $0x1;
	[dreg:$0x2] =	wrdreg s6  }
0xac: {  	[dreg:$0x3] =	wrdreg s7  }
0xad: {  	[dreg:$0x4] =	wrdreg $0xC0  }
0xae: {  	_ =	task [dreg:s10], $0x5FFFF  }
0xaf: {  	[dreg:$0x1] =	wrdreg $0xFFFFFFFF  }
0xb0: {  	[dreg:$0x0] =	wrdreg $0x60  }
0xb1: {  	[dreg:$0x2] =	wrdreg s2  }
0xb2: {  	[dreg:$0x3] =	wrdreg s19  }
0xb3: {  	[dreg:$0x4] =	wrdreg s4  }
0xb4: {  	[dreg:$0x5] =	wrdreg s5  }
0xb5: {  	[dreg:$0x6] =	wrdreg $0x9  }
0xb6: {  	_ =	task.clear_ibuf [dreg:s10], $0x7FFFF;
	_ =	strace $0x90000046  }
0xb7: {  	s29 =	simm.s32 $0x9;
	_ =	strace $0x80000048  }
0xb8: {  	_ =	swait.ge [sflag:s29], $0x1  }
0xb9: {  	[sflag:s29] =	ssyncadd.s32 $0xFFFFFFFF  }
0xba: {  	_ =	strace $0x90000048  }
0xbb: {  	_ =	sfence  }
0xbc: {  	s30 =	sld [smem:$0x0];
	_ =	sdelay $0x2  }
0xbd: {  	s31 =	sshll.u32 s1, $0xD;
	s1 =	sshrl.u32 s1, $0x2  }
0xbe: {  	s3 =	sand.u32 $0x4000, s31;
	s1 =	sadd.s32 s1, s30  }
0xbf: {  	s0 =	sor.u32 s3, s0;
	s1 =	sshll.u32 s1, $0x11  }
0xc0: {  	s0 =	sor.u32 s1, s0  }
0xc1: {  	s0 =	sadd.s32 $0x8F2B, s0  }
0xc2: {  	[sflag:s0] =	ssyncadd.remote.s32 $0x1  }
0xc3: {  	_ =	sfence.sel $0xFFFF  }
0xc4: {  	[dreg:$0x0] =	wrdreg $0xFFFFFFFF;
	(pc) =	sbr.abs _section_cstart, $3  }
0xc5: {  	[dreg:$0x1] =	wrdreg $0xFFFFFFFF  }
0xc6: {  	_ =	task.clear_ibuf [dreg:s10], $0x2FFFF;
	_ =	strace $0x9FFFFFFF  }
0xc7: {  	(tm) =	ssettm $0x7FFFFFFF  }
tec
execute0_lowered:
.L_overlay_start_1:
0x0: {  	(tag) =	ssettag $0x1  }
0x1: {  	s0 =	rddreg [dreg:$0x0]  }
0x2: {  	s3 =	rddreg [dreg:$0x2];
	s1 =	srdreg.scid  }
0x3: {  	s4 =	rddreg [dreg:$0x3];
	s5 =	stileid.u32;
	s1 =	sand.u32 $0x1, s1  }
0x4: {  	s5 =	sshll.u32 s5, $0x9;
	s10 =	sadd.s32 $0x8, s0;
	s6 =	sshll.u32 s1, $0x8  }
0x5: {  	s22 =	sadd.s32 $0x10, s0;
	s15 =	sadd.s32 $0x18, s0;
	s5 =	sor.u32 s6, s5  }
0x6: {  	s2 =	ssub.s32 $0x2, s1;
	s1 =	simm.s32 $0x0;
	s19 =	sshrl.u32 s5, $0x1  }
0x7: {  	s24 =	sadd.s32 $0x20, s0;
	[smem:$0x7FF] =	sst s1;
	s13 =	sadd.s32 s19, s10  }
0x8: {  	s8 =	sor.u32 $0x80, s5;
	s16 =	sadd.s32 s19, s22;
	[dreg:$0x5] =	wrdreg s13  }
0x9: {  	s9 =	sor.u32 $0xC0, s5;
	s23 =	sadd.s32 s19, s15;
	[dreg:$0x8] =	wrdreg s16  }
0xa: {  	s11 =	sshrl.u32 s8, $0x1;
	s25 =	sadd.s32 s19, s24;
	[dreg:$0x9] =	wrdreg s23  }
0xb: {  	s12 =	sshrl.u32 s9, $0x1;
	s20 =	sadd.s32 s0, s11;
	[dreg:$0xc] =	wrdreg s25  }
0xc: {  	s21 =	sand.u32 $0xFC0, s12;
	s26 =	sadd.s32 s11, s24;
	[dreg:$0x6] =	wrdreg s20  }
0xd: {  	s14 =	sadd.s32 s21, s10;
	[dreg:$0xd] =	wrdreg s26  }
0xe: {  	s13 =	sadd.s32 s21, s15;
	[dreg:$0x7] =	wrdreg s14  }
0xf: {  	s5 =	sshll.u32 s5, $0x4;
	s10 =	sadd.s32 s12, s10;
	[dreg:$0xb] =	wrdreg s13  }
0x10: {  	s16 =	sor.u32 $0x400, s5;
	s15 =	sadd.s32 s3, s5;
	[dreg:$0xe] =	wrdreg s10  }
0x11: {  	s23 =	sshll.u32 s8, $0x4;
	s24 =	sadd.s32 s3, s16;
	[dreg:$0x12] =	wrdreg s15  }
0x12: {  	s25 =	sshll.u32 s9, $0x4;
	s26 =	sadd.s32 s3, s23;
	[dreg:$0x16] =	wrdreg s24  }
0x13: {  	s7 =	sshrl.u32 s2, $0x1;
	s9 =	sadd.s32 s3, s25;
	[dreg:$0x18] =	wrdreg s26  }
0x14: {  	s20 =	sadd.s32 $0x40000, s4;
	s14 =	sadd.s32 s11, s22;
	[dreg:$0x19] =	wrdreg s9  }
0x15: {  	s21 =	sadd.s32 $0x60000, s4;
	s22 =	sadd.s32 s5, s20;
	[dreg:$0xa] =	wrdreg s14  }
0x16: {  	s13 =	sadd.s32 $0x30, s0;
	s15 =	sadd.s32 s23, s21;
	[dreg:$0x14] =	wrdreg s22  }
0x17: {  	s6 =	ssub.s32 s2, s7;
	s7 =	sadd.s32 s19, s13;
	[dreg:$0x1d] =	wrdreg s15  }
0x18: {  	s18 =	sadd.s32 $0x20000, s4;
	s10 =	sadd.s32 s11, s13;
	[dreg:$0xf] =	wrdreg s7  }
0x19: {  	s2 =	sadd.s32 s0, s19;
	s19 =	sadd.s32 s5, s18;
	[dreg:$0x10] =	wrdreg s10  }
0x1a: {  	s17 =	sadd.s32 s4, s5;
	s5 =	sadd.s32 s5, s21;
	[dreg:$0x13] =	wrdreg s19  }
0x1b: {  	s14 =	sor.u32 $0x38, s12;
	s12 =	sadd.s32 s4, s23;
	[dreg:$0x15] =	wrdreg s5  }
0x1c: {  	s13 =	sadd.s32 s23, s18;
	[dreg:$0x1a] =	wrdreg s12  }
0x1d: {  	s18 =	sadd.s32 s25, s18;
	[dreg:$0x1b] =	wrdreg s13  }
0x1e: {  	s28 =	simm.s32 $0xC800;
	s0 =	sadd.s32 s0, s14;
	[dreg:$0x1f] =	wrdreg s18  }
0x1f: {  	s30 =	simm.s32 $0x2;
	s14 =	sadd.s32 s23, s20;
	[dreg:$0x11] =	wrdreg s0  }
0x20: {  	s31 =	simm.s32 $0x12800;
	s19 =	sadd.s32 s25, s20;
	[dreg:$0x1c] =	wrdreg s14  }
0x21: {  	s29 =	simm.s32 $0x16800;
	s20 =	sadd.s32 s25, s21;
	[smem:$0x7F6] =	sst s19  }
0x22: {  	s24 =	sadd.s32 $0x20400, s17;
	s0 =	sadd.s32 s4, s16;
	[smem:$0x7F7] =	sst s20  }
0x23: {  	s26 =	sadd.s32 $0x60400, s17;
	s16 =	sadd.s32 s4, s25;
	[dreg:$0x17] =	wrdreg s0  }
0x24: {  	s22 =	sadd.s32 $0x28, s2;
	s15 =	simm.s32 $0x280;
	[dreg:$0x1e] =	wrdreg s16  }
0x25: {  	s11 =	simm.s32 $0x18800;
	s21 =	smax.u32 s6, $0x1;
	s0 =	rddreg [dreg:$0x1]  }
0x26: {  	s23 =	sadd.s32 $0x38, s2;
	_ =	strace $0x80000047;
	[smem:$0x7F8] =	sst s21  }
0x27: {  	s18 =	simm.s32 $0x2800;
	s12 =	simm.s32 $0x10800;
	[smem:$0x7F9] =	sst s22  }
0x28: {  	s13 =	simm.s32 $0x14800;
	s25 =	sadd.s32 $0x40400, s17;
	[smem:$0x7FA] =	sst s23  }
0x29: {  	s19 =	simm.s32 $0x6800;
	s20 =	simm.s32 $0xE800;
	[smem:$0x7FB] =	sst s24  }
0x2a: {  	s14 =	simm.s32 $0x0;
	s16 =	simm.s32 $0x40;
	[smem:$0x7FC] =	sst s25  }
0x2b: {  	[smem:$0x7FD] =	sst s26;
	s23 =	simm.s32 $0x1;
	s24 =	simm.s32 $0x800  }
0x2c: {  	s25 =	simm.s32 $0x4800;
	s21 =	simm.s32 $0x3;
	s26 =	simm.s32 $0x680  }
.LBB2_1:
0x2d: {  	[tilespmem:s1], [sflag:$0x1] =	stream.linear.gather [hbm4b:s2+s1], $0x40, $0x38;
	[tilespmem:$0x1E800] =	vst v63  }
0x2e: {  	s3 =	rddreg [dreg:$0x5]  }
0x2f: {  	s4 =	simm.s32 $0x80;
	s7 =	rddreg [dreg:$0x6]  }
0x30: {  	[tilespmem:s4], [sflag:$0x1] =	stream.linear.gather [hbm4b:s3+s1], $0x40, $0x38;
	[tilespmem:$0x1E800] =	vst v63  }
0x31: {  	s22 =	simm.s32 $0x100;
	s8 =	rddreg [dreg:$0x7]  }
0x32: {  	[tilespmem:s22], [sflag:$0x1] =	stream.linear.gather [hbm4b:s7+s1], $0x40, $0x38;
	[tilespmem:$0x1E800] =	vst v63  }
0x33: {  	s9 =	simm.s32 $0x180;
	s10 =	rddreg [dreg:$0x8]  }
0x34: {  	[tilespmem:s9], [sflag:$0x1] =	stream.linear.gather [hbm4b:s8+s1], $0x40, $0x38;
	[tilespmem:$0x1E800] =	vst v63  }
0x35: {  	s5 =	rddreg [dreg:$0x9];
	s22 =	simm.s32 $0x200  }
0x36: {  	[tilespmem:s22], [sflag:$0x1] =	stream.linear.gather [hbm4b:s10+s1], $0x40, $0x38;
	[tilespmem:$0x1E800] =	vst v63  }
0x37: {  	s6 =	rddreg [dreg:$0xa]  }
0x38: {  	[tilespmem:s15], [sflag:$0x1] =	stream.linear.gather [hbm4b:s5+s1], $0x40, $0x38;
	[tilespmem:$0x1E800] =	vst v63  }
0x39: {  	s7 =	rddreg [dreg:$0xb];
	s5 =	simm.s32 $0x300  }
0x3a: {  	[tilespmem:s5], [sflag:$0x1] =	stream.linear.gather [hbm4b:s6+s1], $0x40, $0x38;
	[tilespmem:$0x1E800] =	vst v63  }
0x3b: {  	s8 =	rddreg [dreg:$0xc];
	s5 =	simm.s32 $0x380  }
0x3c: {  	[tilespmem:s5], [sflag:$0x1] =	stream.linear.gather [hbm4b:s7+s1], $0x40, $0x38;
	[tilespmem:$0x1E800] =	vst v63  }
0x3d: {  	s9 =	sld [smem:$0x7F9];
	s6 =	simm.s32 $0x400  }
0x3e: {  	[tilespmem:s6], [sflag:$0x1] =	stream.linear.gather [hbm4b:s8+s1], $0x40, $0x38;
	[tilespmem:$0x1E800] =	vst v63  }
0x3f: {  	s7 =	simm.s32 $0x480  }
0x40: {  	[tilespmem:s7], [sflag:$0x1] =	stream.linear.gather [hbm4b:s9+s1], $0x40, $0x38;
	[tilespmem:$0x1E800] =	vst v63  }
0x41: {  	s10 =	rddreg [dreg:$0xd];
	s8 =	simm.s32 $0x500  }
0x42: {  	[tilespmem:s8], [sflag:$0x1] =	stream.linear.gather [hbm4b:s10+s1], $0x40, $0x38;
	[tilespmem:$0x1E800] =	vst v63  }
0x43: {  	s9 =	rddreg [dreg:$0xe];
	s8 =	simm.s32 $0x580  }
0x44: {  	[tilespmem:s8], [sflag:$0x1] =	stream.linear.gather [hbm4b:s9+s1], $0x40, $0x38;
	[tilespmem:$0x1E800] =	vst v63  }
0x45: {  	s10 =	rddreg [dreg:$0xf];
	s9 =	simm.s32 $0x600  }
0x46: {  	[tilespmem:s9], [sflag:$0x1] =	stream.linear.gather [hbm4b:s10+s1], $0x40, $0x38;
	[tilespmem:$0x1E800] =	vst v63  }
0x47: {  	s10 =	sld [smem:$0x7FA];
	_ =	sdelay $0x2  }
0x48: {  	[tilespmem:s26], [sflag:$0x1] =	stream.linear.gather [hbm4b:s10+s1], $0x40, $0x38;
	[tilespmem:$0x1E800] =	vst v63  }
0x49: {  	s3 =	rddreg [dreg:$0x10];
	s10 =	simm.s32 $0x700  }
0x4a: {  	[tilespmem:s10], [sflag:$0x1] =	stream.linear.gather [hbm4b:s3+s1], $0x40, $0x38;
	[tilespmem:$0x1E800] =	vst v63  }
0x4b: {  	s10 =	simm.s32 $0x780;
	s3 =	rddreg [dreg:$0x11]  }
0x4c: {  	[tilespmem:s10], [sflag:$0x1] =	stream.linear.gather [hbm4b:s3+s1], $0x40, $0x38;
	[tilespmem:$0x1E800] =	vst v63  }
0x4d: {  	s3 =	rddreg [dreg:$0x12]  }
0x4e: {  	[tilespmem:s11], [sflag:$0x2] =	stream.linear.gather [hbm4b:s3+s1], $0x2000, $0x38;
	[tilespmem:$0x1E800] =	vst v63  }
0x4f: {  	_ =	swait.ge [sflag:s23], $0x40  }
0x50: {  	[sflag:s23] =	ssyncset.done $0x0  }
0x51: {  	[sflag:s23] =	ssyncadd.s32 $0xFFFFFFC0  }
0x52: {  	_ =	swait.ge [sflag:s23], $0x40  }
0x53: {  	[sflag:s23] =	ssyncset.done $0x0  }
0x54: {  	[sflag:s23] =	ssyncadd.s32 $0xFFFFFFC0  }
0x55: {  	_ =	swait.ge [sflag:s23], $0x40  }
0x56: {  	[sflag:s23] =	ssyncset.done $0x0  }
0x57: {  	[sflag:s23] =	ssyncadd.s32 $0xFFFFFFC0  }
0x58: {  	_ =	swait.ge [sflag:s23], $0x40  }
0x59: {  	[sflag:s23] =	ssyncset.done $0x0  }
0x5a: {  	[sflag:s23] =	ssyncadd.s32 $0xFFFFFFC0  }
0x5b: {  	_ =	swait.ge [sflag:s23], $0x40  }
0x5c: {  	[sflag:s23] =	ssyncset.done $0x0  }
0x5d: {  	[sflag:s23] =	ssyncadd.s32 $0xFFFFFFC0  }
0x5e: {  	_ =	swait.ge [sflag:s23], $0x40  }
0x5f: {  	[sflag:s23] =	ssyncset.done $0x0  }
0x60: {  	[sflag:s23] =	ssyncadd.s32 $0xFFFFFFC0  }
0x61: {  	_ =	swait.ge [sflag:s23], $0x40  }
0x62: {  	[sflag:s23] =	ssyncset.done $0x0  }
0x63: {  	[sflag:s23] =	ssyncadd.s32 $0xFFFFFFC0  }
0x64: {  	_ =	swait.ge [sflag:s23], $0x40  }
0x65: {  	[sflag:s23] =	ssyncset.done $0x0  }
0x66: {  	[sflag:s23] =	ssyncadd.s32 $0xFFFFFFC0  }
0x67: {  	_ =	swait.ge [sflag:s23], $0x40  }
0x68: {  	[sflag:s23] =	ssyncset.done $0x0  }
0x69: {  	[sflag:s23] =	ssyncadd.s32 $0xFFFFFFC0  }
0x6a: {  	_ =	swait.ge [sflag:s23], $0x40  }
0x6b: {  	[sflag:s23] =	ssyncset.done $0x0  }
0x6c: {  	[sflag:s23] =	ssyncadd.s32 $0xFFFFFFC0  }
0x6d: {  	_ =	swait.ge [sflag:s23], $0x40  }
0x6e: {  	[sflag:s23] =	ssyncset.done $0x0  }
0x6f: {  	[sflag:s23] =	ssyncadd.s32 $0xFFFFFFC0  }
0x70: {  	_ =	swait.ge [sflag:s23], $0x40  }
0x71: {  	[sflag:s23] =	ssyncset.done $0x0  }
0x72: {  	[sflag:s23] =	ssyncadd.s32 $0xFFFFFFC0  }
0x73: {  	_ =	swait.ge [sflag:s23], $0x40  }
0x74: {  	[sflag:s23] =	ssyncset.done $0x0  }
0x75: {  	[sflag:s23] =	ssyncadd.s32 $0xFFFFFFC0  }
0x76: {  	_ =	swait.ge [sflag:s23], $0x40  }
0x77: {  	[sflag:s23] =	ssyncset.done $0x0  }
0x78: {  	[sflag:s23] =	ssyncadd.s32 $0xFFFFFFC0  }
0x79: {  	_ =	swait.ge [sflag:s23], $0x40  }
0x7a: {  	[sflag:s23] =	ssyncset.done $0x0  }
0x7b: {  	[sflag:s23] =	ssyncadd.s32 $0xFFFFFFC0  }
0x7c: {  	_ =	swait.ge [sflag:s23], $0x40  }
0x7d: {  	[sflag:s23] =	ssyncset.done $0x0  }
0x7e: {  	[sflag:s23] =	ssyncadd.s32 $0xFFFFFFC0  }
0x7f: {  	[tilespmem:s24], [sflag:$0x2] =	stream.indirect.gather [hbm4b:s0+s16], $0x80, s1, s16, $0xb8;
	[tilespmem:$0x1E800] =	vst v63  }
0x80: {  	_ = 	snop  }
0x81: {  	[tilespmem:s18], [sflag:$0x2] =	stream.indirect.gather [hbm4b:s0+s16], $0x80, s22, s16, $0xb8;
	[tilespmem:$0x1E800] =	vst v63  }
0x82: {  	_ = 	snop  }
0x83: {  	[tilespmem:s25], [sflag:$0x2] =	stream.indirect.gather [hbm4b:s0+s16], $0x80, s6, s16, $0xb8;
	[tilespmem:$0x1E800] =	vst v63  }
0x84: {  	_ = 	snop  }
0x85: {  	[tilespmem:s19], [sflag:$0x2] =	stream.indirect.gather [hbm4b:s0+s16], $0x80, s9, s16, $0xb8;
	[tilespmem:$0x1E800] =	vst v63  }
0x86: {  	s6 =	simm.s32 $0x8800  }
0x87: {  	[tilespmem:s6], [sflag:$0x2] =	stream.indirect.gather [hbm4b:s0+s16], $0x80, s4, s16, $0xb8;
	[tilespmem:$0x1E800] =	vst v63  }
0x88: {  	s9 =	simm.s32 $0xA800  }
0x89: {  	[tilespmem:s9], [sflag:$0x2] =	stream.indirect.gather [hbm4b:s0+s16], $0x80, s15, s16, $0xb8;
	[tilespmem:$0x1E800] =	vst v63  }
0x8a: {  	_ = 	snop  }
0x8b: {  	[tilespmem:s28], [sflag:$0x2] =	stream.indirect.gather [hbm4b:s0+s16], $0x80, s7, s16, $0xb8;
	[tilespmem:$0x1E800] =	vst v63  }
0x8c: {  	_ = 	snop  }
0x8d: {  	[tilespmem:s20], [sflag:$0x2] =	stream.indirect.gather [hbm4b:s0+s16], $0x80, s26, s16, $0xb8;
	[tilespmem:$0x1E800] =	vst v63  }
0x8e: {  	s22 =	simm.s32 $0x1A800;
	s7 =	rddreg [dreg:$0x16]  }
0x8f: {  	[tilespmem:s22], [sflag:$0x2] =	stream.linear.gather [hbm4b:s7+s1], $0x2000, $0x38;
	[tilespmem:$0x1E800] =	vst v63  }
0x90: {  	_ =	swait.ge [sflag:s30], $0x2000  }
0x91: {  	[sflag:s30] =	ssyncset.done $0x0  }
0x92: {  	[sflag:s30] =	ssyncadd.s32 $0xFFFFE000  }
0x93: {  	_ =	swait.ge [sflag:s30], $0x2000  }
0x94: {  	[sflag:s30] =	ssyncset.done $0x0  }
0x95: {  	[sflag:s30] =	ssyncadd.s32 $0xFFFFE000  }
0x96: {  	_ =	swait.ge [sflag:s30], $0x2000  }
0x97: {  	[sflag:s30] =	ssyncset.done $0x0  }
0x98: {  	[sflag:s30] =	ssyncadd.s32 $0xFFFFE000  }
0x99: {  	_ =	swait.ge [sflag:s30], $0x2000  }
0x9a: {  	[sflag:s30] =	ssyncset.done $0x0  }
0x9b: {  	[sflag:s30] =	ssyncadd.s32 $0xFFFFE000  }
0x9c: {  	_ =	swait.ge [sflag:s30], $0x2000  }
0x9d: {  	[sflag:s30] =	ssyncset.done $0x0  }
0x9e: {  	s3 =	simm.s32 $0x0;
	[sflag:s30] =	ssyncadd.s32 $0xFFFFE000  }
0x9f: {  	v2 =	vld [tilespmem:s3+$0x18800]  }
0xa0: {  	v3 =	vld [tilespmem:s3+$0x18810]  }
0xa1: {  	v4 =	vld [tilespmem:s3+$0x18820]  }
0xa2: {  	v5 =	vld [tilespmem:s3+$0x18830]  }
0xa3: {  	v6 =	vld [tilespmem:s3+$0x18840]  }
0xa4: {  	v7 =	vld [tilespmem:s3+$0x18850]  }
0xa5: {  	v8 =	vld [tilespmem:s3+$0x800]  }
0xa6: {  	v9 =	vld [tilespmem:s3+$0x2800]  }
0xa7: {  	v10 =	vld [tilespmem:s3+$0x4800]  }
0xa8: {  	v11 =	vld [tilespmem:s3+$0x6800]  }
0xa9: {  	v12 =	vld [tilespmem:s3+$0x810]  }
0xaa: {  	v13 =	vld [tilespmem:s3+$0x2810];
	v8 =	vmul.f32 $1.131370830e+01, v8  }
0xab: {  	v14 =	vld [tilespmem:s3+$0x4810];
	v9 =	vmul.f32 $1.131370830e+01, v9  }
0xac: {  	v15 =	vld [tilespmem:s3+$0x6810];
	v10 =	vmul.f32 $1.131370830e+01, v10;
	v8 =	vadd.f32 v8, v2  }
0xad: {  	v16 =	vld [tilespmem:s3+$0x820];
	v9 =	vadd.f32 v9, v2  }
0xae: {  	v11 =	vmul.f32 $1.131370830e+01, v11;
	v10 =	vadd.f32 v10, v2;
	[tilespmem:s3+$0x800] =	vst v8;
	v8 =	vld [tilespmem:s3+$0x2820]  }
0xaf: {  	[tilespmem:s3+$0x2800] =	vst v9;
	v9 =	vld [tilespmem:s3+$0x4820]  }
0xb0: {  	v2 =	vadd.f32 v11, v2;
	v11 =	vmul.f32 $1.131370830e+01, v13;
	[tilespmem:s3+$0x4800] =	vst v10;
	v10 =	vld [tilespmem:s3+$0x6820]  }
0xb1: {  	v1 =	vld [tilespmem:s3+$0x18860];
	v12 =	vmul.f32 $1.131370830e+01, v12  }
0xb2: {  	v55 =	vmul.f32 $1.131370830e+01, v14;
	v57 =	vmul.f32 $1.131370830e+01, v15;
	[tilespmem:s3+$0x6800] =	vst v2;
	v2 =	vld [tilespmem:s3+$0x830];
	v11 =	vadd.f32 v11, v3  }
0xb3: {  	v56 =	vld [tilespmem:s3+$0x2830];
	v58 =	vmul.f32 $1.131370830e+01, v16;
	v12 =	vadd.f32 v12, v3  }
0xb4: {  	v13 =	vadd.f32 v55, v3;
	v3 =	vadd.f32 v57, v3;
	[tilespmem:s3+$0x2810] =	vst v11;
	v11 =	vld [tilespmem:s3+$0x4830];
	v8 =	vmul.f32 $1.131370830e+01, v8  }
0xb5: {  	v59 =	vld [tilespmem:s3+$0x6830];
	[tilespmem:s3+$0x810] =	vst v12;
	v9 =	vmul.f32 $1.131370830e+01, v9;
	v10 =	vmul.f32 $1.131370830e+01, v10  }
0xb6: {  	v60 =	vadd.f32 v58, v4;
	[tilespmem:s3+$0x6810] =	vst v3;
	v3 =	vld [tilespmem:s3+$0x840];
	v8 =	vadd.f32 v8, v4  }
0xb7: {  	v0 =	vld [tilespmem:s3+$0x18870];
	[tilespmem:s3+$0x4810] =	vst v13;
	v2 =	vmul.f32 $1.131370830e+01, v2;
	v9 =	vadd.f32 v9, v4;
	v4 =	vadd.f32 v10, v4  }
0xb8: {  	v61 =	vld [tilespmem:s3+$0x2840];
	v10 =	vmul.f32 $1.131370830e+01, v56;
	[tilespmem:s3+$0x2820] =	vst v8  }
0xb9: {  	v2 =	vadd.f32 v2, v5;
	v8 =	vld [tilespmem:s3+$0x4840];
	[tilespmem:s3+$0x6820] =	vst v4;
	v4 =	vmul.f32 $1.131370830e+01, v11  }
0xba: {  	[tilespmem:s3+$0x4820] =	vst v9;
	v9 =	vld [tilespmem:s3+$0x6840];
	v10 =	vadd.f32 v10, v5;
	v11 =	vmul.f32 $1.131370830e+01, v59  }
0xbb: {  	v62 =	vld [tilespmem:s3+$0x850];
	v3 =	vmul.f32 $1.131370830e+01, v3;
	[tilespmem:s3+$0x830] =	vst v2;
	v4 =	vadd.f32 v4, v5  }
0xbc: {  	v2 =	vld [tilespmem:s3+$0x2850];
	[tilespmem:s3+$0x2830] =	vst v10;
	v5 =	vadd.f32 v11, v5  }
0xbd: {  	v3 =	vadd.f32 v3, v6;
	v10 =	vld [tilespmem:s3+$0x4850];
	[tilespmem:s3+$0x4830] =	vst v4;
	v4 =	vmul.f32 $1.131370830e+01, v61  }
0xbe: {  	v11 =	vld [tilespmem:s3+$0x6850];
	[tilespmem:s3+$0x6830] =	vst v5;
	v5 =	vmul.f32 $1.131370830e+01, v8  }
0xbf: {  	v63 =	vld [tilespmem:s3+$0x860];
	[tilespmem:s3+$0x840] =	vst v3;
	v3 =	vmul.f32 $1.131370830e+01, v9;
	v4 =	vadd.f32 v4, v6  }
0xc0: {  	[tilespmem:s3+$0x820] =	vst v60;
	v8 =	vld [tilespmem:s3+$0x2860];
	v9 =	vmul.f32 $1.131370830e+01, v62;
	v5 =	vadd.f32 v5, v6  }
0xc1: {  	v2 =	vmul.f32 $1.131370830e+01, v2;
	v6 =	vadd.f32 v3, v6;
	[tilespmem:s3+$0x2840] =	vst v4;
	v4 =	vld [tilespmem:s3+$0x4860]  }
0xc2: {  	v3 =	vld [tilespmem:s3+$0x6860];
	v9 =	vadd.f32 v9, v7;
	v10 =	vmul.f32 $1.131370830e+01, v10;
	[tilespmem:s3+$0x4840] =	vst v5  }
0xc3: {  	v2 =	vadd.f32 v2, v7;
	v11 =	vmul.f32 $1.131370830e+01, v11;
	[tilespmem:s3+$0x6840] =	vst v6;
	v5 =	vld [tilespmem:s3+$0x870]  }
0xc4: {  	[tilespmem:s3+$0x850] =	vst v9;
	v6 =	vld [tilespmem:s3+$0x2870];
	v9 =	vadd.f32 v10, v7;
	v10 =	vmul.f32 $1.131370830e+01, v63  }
0xc5: {  	s22 =	simm.s32 $0x200;
	[tilespmem:s3+$0x2850] =	vst v2;
	v7 =	vadd.f32 v11, v7;
	v2 =	vld [tilespmem:s3+$0x4870];
	v8 =	vmul.f32 $1.131370830e+01, v8  }
.LBB2_2:
0xc6: {  	s4 =	sshra.s32 s22, $0x2;
	p0 =	sne.s32 s22, $0x7E00;
	[tilespmem:s3+$0x4850] =	vst v9;
	v9 =	vadd.f32 v10, v1;
	v4 =	vmul.f32 $1.131370830e+01, v4;
	v10 =	vld [tilespmem:s3+$0x6870]  }
0xc7: {  	v11 =	vld [tilespmem:s4+$0x18800];
	[tilespmem:s3+$0x6850] =	vst v7;
	v7 =	vadd.f32 v8, v1;
	v3 =	vmul.f32 $1.131370830e+01, v3  }
0xc8: {  	v8 =	vld [tilespmem:s4+$0x18810];
	[tilespmem:s3+$0x860] =	vst v9;
	v4 =	vadd.f32 v4, v1;
	v5 =	vmul.f32 $1.131370830e+01, v5  }
0xc9: {  	v9 =	vld [tilespmem:s4+$0x18820];
	[tilespmem:s3+$0x2860] =	vst v7;
	v1 =	vadd.f32 v3, v1;
	v3 =	vmul.f32 $1.131370830e+01, v6  }
0xca: {  	v6 =	vld [tilespmem:s4+$0x18830];
	[tilespmem:s3+$0x4860] =	vst v4;
	v4 =	vadd.f32 v5, v0;
	v5 =	vmul.f32 $1.131370830e+01, v2  }
0xcb: {  	v7 =	vld [tilespmem:s4+$0x18840];
	[tilespmem:s3+$0x6860] =	vst v1;
	v3 =	vadd.f32 v3, v0;
	v10 =	vmul.f32 $1.131370830e+01, v10  }
0xcc: {  	v2 =	vld [tilespmem:s4+$0x18850];
	[tilespmem:s3+$0x870] =	vst v4;
	v4 =	vadd.f32 v5, v0  }
0xcd: {  	v1 =	vld [tilespmem:s4+$0x18860];
	[tilespmem:s3+$0x2870] =	vst v3;
	v3 =	vadd.f32 v10, v0  }
0xce: {  	v0 =	vld [tilespmem:s4+$0x18870];
	[tilespmem:s3+$0x4870] =	vst v4  }
0xcf: {  	v4 =	vld [tilespmem:s4+$0x800];
	[tilespmem:s3+$0x6870] =	vst v3;
	s3 =	smov.u32 s4  }
0xd0: {  	v3 =	vld [tilespmem:s3+$0x2800]  }
0xd1: {  	v5 =	vld [tilespmem:s3+$0x4800]  }
0xd2: {  	v10 =	vld [tilespmem:s3+$0x6800]  }
0xd3: {  	v12 =	vld [tilespmem:s3+$0x810]  }
0xd4: {  	v4 =	vmul.f32 $1.131370830e+01, v4;
	v13 =	vld [tilespmem:s3+$0x2810]  }
0xd5: {  	v3 =	vmul.f32 $1.131370830e+01, v3;
	v14 =	vld [tilespmem:s3+$0x4810]  }
0xd6: {  	v4 =	vadd.f32 v4, v11;
	v5 =	vmul.f32 $1.131370830e+01, v5;
	v15 =	vld [tilespmem:s3+$0x6810]  }
0xd7: {  	v3 =	vadd.f32 v3, v11;
	v10 =	vmul.f32 $1.131370830e+01, v10;
	v16 =	vld [tilespmem:s3+$0x820]  }
0xd8: {  	[tilespmem:s3+$0x800] =	vst v4;
	v4 =	vadd.f32 v5, v11;
	v5 =	vmul.f32 $1.131370830e+01, v12;
	v12 =	vld [tilespmem:s3+$0x2820]  }
0xd9: {  	[tilespmem:s3+$0x2800] =	vst v3;
	v3 =	vadd.f32 v10, v11;
	v10 =	vmul.f32 $1.131370830e+01, v13;
	v11 =	vld [tilespmem:s3+$0x4820]  }
0xda: {  	[tilespmem:s3+$0x4800] =	vst v4;
	v4 =	vadd.f32 v5, v8;
	v5 =	vmul.f32 $1.131370830e+01, v14;
	v13 =	vld [tilespmem:s3+$0x6820]  }
0xdb: {  	[tilespmem:s3+$0x6800] =	vst v3;
	v3 =	vadd.f32 v10, v8;
	v10 =	vmul.f32 $1.131370830e+01, v15;
	v14 =	vld [tilespmem:s3+$0x830]  }
0xdc: {  	[tilespmem:s3+$0x810] =	vst v4;
	v4 =	vadd.f32 v5, v8;
	v5 =	vmul.f32 $1.131370830e+01, v16;
	v15 =	vld [tilespmem:s3+$0x2830]  }
0xdd: {  	[tilespmem:s3+$0x2810] =	vst v3;
	v3 =	vadd.f32 v10, v8;
	v8 =	vmul.f32 $1.131370830e+01, v12;
	v10 =	vld [tilespmem:s3+$0x4830]  }
0xde: {  	[tilespmem:s3+$0x4810] =	vst v4;
	v4 =	vadd.f32 v5, v9;
	v5 =	vmul.f32 $1.131370830e+01, v11;
	v11 =	vld [tilespmem:s3+$0x6830]  }
0xdf: {  	[tilespmem:s3+$0x6810] =	vst v3;
	v3 =	vadd.f32 v8, v9;
	v8 =	vmul.f32 $1.131370830e+01, v13;
	v12 =	vld [tilespmem:s3+$0x840]  }
0xe0: {  	[tilespmem:s3+$0x820] =	vst v4;
	v4 =	vadd.f32 v5, v9;
	v5 =	vmul.f32 $1.131370830e+01, v14;
	v13 =	vld [tilespmem:s3+$0x2840]  }
0xe1: {  	[tilespmem:s3+$0x2820] =	vst v3;
	v3 =	vadd.f32 v8, v9;
	v8 =	vmul.f32 $1.131370830e+01, v15;
	v9 =	vld [tilespmem:s3+$0x4840]  }
0xe2: {  	[tilespmem:s3+$0x4820] =	vst v4;
	v4 =	vadd.f32 v5, v6;
	v5 =	vmul.f32 $1.131370830e+01, v10;
	v10 =	vld [tilespmem:s3+$0x6840]  }
0xe3: {  	[tilespmem:s3+$0x6820] =	vst v3;
	v3 =	vadd.f32 v8, v6;
	v8 =	vmul.f32 $1.131370830e+01, v11;
	v11 =	vld [tilespmem:s3+$0x850]  }
0xe4: {  	[tilespmem:s3+$0x830] =	vst v4;
	v4 =	vadd.f32 v5, v6;
	v5 =	vmul.f32 $1.131370830e+01, v12;
	v12 =	vld [tilespmem:s3+$0x2850]  }
0xe5: {  	[tilespmem:s3+$0x2830] =	vst v3;
	v3 =	vadd.f32 v8, v6;
	v6 =	vmul.f32 $1.131370830e+01, v13;
	v8 =	vld [tilespmem:s3+$0x4850]  }
0xe6: {  	[tilespmem:s3+$0x4830] =	vst v4;
	v4 =	vadd.f32 v5, v7;
	v5 =	vmul.f32 $1.131370830e+01, v9;
	v9 =	vld [tilespmem:s3+$0x6850]  }
0xe7: {  	[tilespmem:s3+$0x6830] =	vst v3;
	v3 =	vadd.f32 v6, v7;
	v6 =	vmul.f32 $1.131370830e+01, v10;
	v10 =	vld [tilespmem:s3+$0x860]  }
0xe8: {  	[tilespmem:s3+$0x840] =	vst v4;
	v5 =	vadd.f32 v5, v7;
	v11 =	vmul.f32 $1.131370830e+01, v11;
	v13 =	vld [tilespmem:s3+$0x2860]  }
.Ltmp0:
0xe9: {  	[tilespmem:s3+$0x2840] =	vst v3;
	v6 =	vadd.f32 v6, v7;
	v7 =	vmul.f32 $1.131370830e+01, v12;
	v4 =	vld [tilespmem:s3+$0x4860];
	(pc) =	sbr.rel @p0 .LBB2_2-.Ltmp0, $4  }
0xea: {  	[tilespmem:s3+$0x4840] =	vst v5;
	v11 =	vadd.f32 v11, v2;
	v8 =	vmul.f32 $1.131370830e+01, v8;
	v3 =	vld [tilespmem:s3+$0x6860]  }
0xeb: {  	[tilespmem:s3+$0x6840] =	vst v6;
	v7 =	vadd.f32 v7, v2;
	v12 =	vmul.f32 $1.131370830e+01, v9;
	v5 =	vld [tilespmem:s3+$0x870]  }
0xec: {  	[tilespmem:s3+$0x850] =	vst v11;
	v9 =	vadd.f32 v8, v2;
	v10 =	vmul.f32 $1.131370830e+01, v10;
	v6 =	vld [tilespmem:s3+$0x2870]  }
0xed: {  	s22 =	sadd.s32 $0x200, s22;
	[tilespmem:s3+$0x2850] =	vst v7;
	v7 =	vadd.f32 v12, v2;
	v8 =	vmul.f32 $1.131370830e+01, v13;
	v2 =	vld [tilespmem:s3+$0x4870]  }
0xee: {  	[tilespmem:s3+$0x4850] =	vst v9;
	v9 =	vadd.f32 v10, v1;
	v4 =	vmul.f32 $1.131370830e+01, v4;
	v10 =	vld [tilespmem:s3+$0x6870]  }
0xef: {  	[tilespmem:s3+$0x6850] =	vst v7;
	v7 =	vadd.f32 v8, v1;
	v3 =	vmul.f32 $1.131370830e+01, v3  }
0xf0: {  	[tilespmem:s3+$0x860] =	vst v9;
	v4 =	vadd.f32 v4, v1;
	v5 =	vmul.f32 $1.131370830e+01, v5  }
0xf1: {  	[tilespmem:s3+$0x2860] =	vst v7;
	v1 =	vadd.f32 v3, v1;
	v3 =	vmul.f32 $1.131370830e+01, v6  }
0xf2: {  	[tilespmem:s3+$0x4860] =	vst v4;
	v4 =	vadd.f32 v5, v0;
	v2 =	vmul.f32 $1.131370830e+01, v2  }
0xf3: {  	[tilespmem:s3+$0x6860] =	vst v1;
	v1 =	vadd.f32 v3, v0;
	v3 =	vmul.f32 $1.131370830e+01, v10  }
0xf4: {  	[tilespmem:s3+$0x870] =	vst v4;
	v2 =	vadd.f32 v2, v0  }
0xf5: {  	[tilespmem:s3+$0x2870] =	vst v1;
	v0 =	vadd.f32 v3, v0  }
0xf6: {  	[tilespmem:s3+$0x4870] =	vst v2  }
0xf7: {  	[tilespmem:s3+$0x6870] =	vst v0;
	s3 =	simm.s32 $0x0  }
0xf8: {  	[hbm4b:s17+s3] =	stream.linear.scatter [tilespmem:s24], [sflag:$0x3], $0x2000, $0x38;
	[tilespmem:$0x1E800] =	vst v63  }
0xf9: {  	s4 =	rddreg [dreg:$0x13]  }
0xfa: {  	[hbm4b:s4+s3] =	stream.linear.scatter [tilespmem:s18], [sflag:$0x3], $0x2000, $0x38;
	[tilespmem:$0x1E800] =	vst v63  }
0xfb: {  	s22 =	rddreg [dreg:$0x14]  }
0xfc: {  	[hbm4b:s22+s3] =	stream.linear.scatter [tilespmem:s25], [sflag:$0x3], $0x2000, $0x38;
	[tilespmem:$0x1E800] =	vst v63  }
0xfd: {  	s7 =	rddreg [dreg:$0x15]  }
0xfe: {  	[hbm4b:s7+s3] =	stream.linear.scatter [tilespmem:s19], [sflag:$0x3], $0x2000, $0x38;
	[tilespmem:$0x1E800] =	vst v63  }
0xff: {  	s22 =	simm.s32 $0x100  }
0x100: {  	[tilespmem:s12], [sflag:$0x2] =	stream.indirect.gather [hbm4b:s0+s16], $0x80, s22, s16, $0xb8;
	[tilespmem:$0x1E800] =	vst v63  }
0x101: {  	s7 =	simm.s32 $0x300  }
0x102: {  	[tilespmem:s31], [sflag:$0x2] =	stream.indirect.gather [hbm4b:s0+s16], $0x80, s7, s16, $0xb8;
	[tilespmem:$0x1E800] =	vst v63  }
0x103: {  	s22 =	simm.s32 $0x500  }
0x104: {  	[tilespmem:s13], [sflag:$0x2] =	stream.indirect.gather [hbm4b:s0+s16], $0x80, s22, s16, $0xb8;
	[tilespmem:$0x1E800] =	vst v63  }
0x105: {  	s7 =	simm.s32 $0x700  }
0x106: {  	[tilespmem:s29], [sflag:$0x2] =	stream.indirect.gather [hbm4b:s0+s16], $0x80, s7, s16, $0xb8;
	[tilespmem:$0x1E800] =	vst v63  }
0x107: {  	s22 =	rddreg [dreg:$0x18];
	s7 =	simm.s32 $0x1C800  }
0x108: {  	[tilespmem:s7], [sflag:$0x2] =	stream.linear.gather [hbm4b:s22+s3], $0x2000, $0x38;
	[tilespmem:$0x1E800] =	vst v63  }
0x109: {  	_ =	swait.ge [sflag:s30], $0x2000  }
0x10a: {  	[sflag:s30] =	ssyncset.done $0x0  }
0x10b: {  	[sflag:s30] =	ssyncadd.s32 $0xFFFFE000  }
0x10c: {  	_ =	swait.ge [sflag:s30], $0x2000  }
0x10d: {  	[sflag:s30] =	ssyncset.done $0x0  }
0x10e: {  	[sflag:s30] =	ssyncadd.s32 $0xFFFFE000  }
0x10f: {  	_ =	swait.ge [sflag:s30], $0x2000  }
0x110: {  	[sflag:s30] =	ssyncset.done $0x0  }
0x111: {  	[sflag:s30] =	ssyncadd.s32 $0xFFFFE000  }
0x112: {  	_ =	swait.ge [sflag:s30], $0x2000  }
0x113: {  	[sflag:s30] =	ssyncset.done $0x0  }
0x114: {  	[sflag:s30] =	ssyncadd.s32 $0xFFFFE000  }
0x115: {  	_ =	swait.ge [sflag:s30], $0x2000  }
0x116: {  	[sflag:s30] =	ssyncset.done $0x0  }
0x117: {  	s3 =	simm.s32 $0x0;
	[sflag:s30] =	ssyncadd.s32 $0xFFFFE000  }
0x118: {  	v2 =	vld [tilespmem:s3+$0x1A800]  }
0x119: {  	v3 =	vld [tilespmem:s3+$0x1A810]  }
0x11a: {  	v4 =	vld [tilespmem:s3+$0x1A820]  }
0x11b: {  	v5 =	vld [tilespmem:s3+$0x1A830]  }
0x11c: {  	v6 =	vld [tilespmem:s3+$0x1A840]  }
0x11d: {  	v7 =	vld [tilespmem:s3+$0x1A850]  }
0x11e: {  	v8 =	vld [tilespmem:s3+$0x8800]  }
0x11f: {  	v9 =	vld [tilespmem:s3+$0xA800]  }
0x120: {  	v10 =	vld [tilespmem:s3+$0xC800]  }
0x121: {  	v11 =	vld [tilespmem:s3+$0xE800]  }
0x122: {  	v12 =	vld [tilespmem:s3+$0x8810]  }
0x123: {  	v13 =	vld [tilespmem:s3+$0xA810];
	v8 =	vmul.f32 $1.131370830e+01, v8  }
0x124: {  	v14 =	vld [tilespmem:s3+$0xC810];
	v9 =	vmul.f32 $1.131370830e+01, v9  }
0x125: {  	v15 =	vld [tilespmem:s3+$0xE810];
	v10 =	vmul.f32 $1.131370830e+01, v10;
	v8 =	vadd.f32 v8, v2  }
0x126: {  	v16 =	vld [tilespmem:s3+$0x8820];
	v9 =	vadd.f32 v9, v2  }
0x127: {  	v11 =	vmul.f32 $1.131370830e+01, v11;
	v10 =	vadd.f32 v10, v2;
	[tilespmem:s3+$0x8800] =	vst v8;
	v8 =	vld [tilespmem:s3+$0xA820]  }
0x128: {  	[tilespmem:s3+$0xA800] =	vst v9;
	v9 =	vld [tilespmem:s3+$0xC820]  }
0x129: {  	v2 =	vadd.f32 v11, v2;
	v11 =	vmul.f32 $1.131370830e+01, v13;
	[tilespmem:s3+$0xC800] =	vst v10;
	v10 =	vld [tilespmem:s3+$0xE820]  }
0x12a: {  	v1 =	vld [tilespmem:s3+$0x1A860];
	v12 =	vmul.f32 $1.131370830e+01, v12  }
0x12b: {  	v55 =	vmul.f32 $1.131370830e+01, v14;
	v57 =	vmul.f32 $1.131370830e+01, v15;
	[tilespmem:s3+$0xE800] =	vst v2;
	v2 =	vld [tilespmem:s3+$0x8830];
	v11 =	vadd.f32 v11, v3  }
0x12c: {  	v56 =	vld [tilespmem:s3+$0xA830];
	v58 =	vmul.f32 $1.131370830e+01, v16;
	v12 =	vadd.f32 v12, v3  }
0x12d: {  	v13 =	vadd.f32 v55, v3;
	v3 =	vadd.f32 v57, v3;
	[tilespmem:s3+$0xA810] =	vst v11;
	v11 =	vld [tilespmem:s3+$0xC830];
	v8 =	vmul.f32 $1.131370830e+01, v8  }
0x12e: {  	v59 =	vld [tilespmem:s3+$0xE830];
	[tilespmem:s3+$0x8810] =	vst v12;
	v9 =	vmul.f32 $1.131370830e+01, v9;
	v10 =	vmul.f32 $1.131370830e+01, v10  }
0x12f: {  	v60 =	vadd.f32 v58, v4;
	[tilespmem:s3+$0xE810] =	vst v3;
	v3 =	vld [tilespmem:s3+$0x8840];
	v8 =	vadd.f32 v8, v4  }
0x130: {  	v0 =	vld [tilespmem:s3+$0x1A870];
	[tilespmem:s3+$0xC810] =	vst v13;
	v2 =	vmul.f32 $1.131370830e+01, v2;
	v9 =	vadd.f32 v9, v4;
	v4 =	vadd.f32 v10, v4  }
0x131: {  	v61 =	vld [tilespmem:s3+$0xA840];
	v10 =	vmul.f32 $1.131370830e+01, v56;
	[tilespmem:s3+$0xA820] =	vst v8  }
0x132: {  	v2 =	vadd.f32 v2, v5;
	v8 =	vld [tilespmem:s3+$0xC840];
	[tilespmem:s3+$0xE820] =	vst v4;
	v4 =	vmul.f32 $1.131370830e+01, v11  }
0x133: {  	[tilespmem:s3+$0xC820] =	vst v9;
	v9 =	vld [tilespmem:s3+$0xE840];
	v10 =	vadd.f32 v10, v5;
	v11 =	vmul.f32 $1.131370830e+01, v59  }
0x134: {  	v62 =	vld [tilespmem:s3+$0x8850];
	v3 =	vmul.f32 $1.131370830e+01, v3;
	[tilespmem:s3+$0x8830] =	vst v2;
	v4 =	vadd.f32 v4, v5  }
0x135: {  	v2 =	vld [tilespmem:s3+$0xA850];
	[tilespmem:s3+$0xA830] =	vst v10;
	v5 =	vadd.f32 v11, v5  }
0x136: {  	v3 =	vadd.f32 v3, v6;
	v10 =	vld [tilespmem:s3+$0xC850];
	[tilespmem:s3+$0xC830] =	vst v4;
	v4 =	vmul.f32 $1.131370830e+01, v61  }
0x137: {  	v11 =	vld [tilespmem:s3+$0xE850];
	[tilespmem:s3+$0xE830] =	vst v5;
	v5 =	vmul.f32 $1.131370830e+01, v8  }
0x138: {  	v63 =	vld [tilespmem:s3+$0x8860];
	[tilespmem:s3+$0x8840] =	vst v3;
	v3 =	vmul.f32 $1.131370830e+01, v9;
	v4 =	vadd.f32 v4, v6  }
0x139: {  	[tilespmem:s3+$0x8820] =	vst v60;
	v8 =	vld [tilespmem:s3+$0xA860];
	v9 =	vmul.f32 $1.131370830e+01, v62;
	v5 =	vadd.f32 v5, v6  }
0x13a: {  	v2 =	vmul.f32 $1.131370830e+01, v2;
	v6 =	vadd.f32 v3, v6;
	[tilespmem:s3+$0xA840] =	vst v4;
	v4 =	vld [tilespmem:s3+$0xC860]  }
0x13b: {  	v3 =	vld [tilespmem:s3+$0xE860];
	v9 =	vadd.f32 v9, v7;
	v10 =	vmul.f32 $1.131370830e+01, v10;
	[tilespmem:s3+$0xC840] =	vst v5  }
0x13c: {  	v2 =	vadd.f32 v2, v7;
	v11 =	vmul.f32 $1.131370830e+01, v11;
	[tilespmem:s3+$0xE840] =	vst v6;
	v5 =	vld [tilespmem:s3+$0x8870]  }
0x13d: {  	[tilespmem:s3+$0x8850] =	vst v9;
	v6 =	vld [tilespmem:s3+$0xA870];
	v9 =	vadd.f32 v10, v7;
	v10 =	vmul.f32 $1.131370830e+01, v63  }
0x13e: {  	s22 =	simm.s32 $0x200;
	[tilespmem:s3+$0xA850] =	vst v2;
	v7 =	vadd.f32 v11, v7;
	v2 =	vld [tilespmem:s3+$0xC870];
	v8 =	vmul.f32 $1.131370830e+01, v8  }
.LBB2_4:
0x13f: {  	s4 =	sshra.s32 s22, $0x2;
	p0 =	sne.s32 s22, $0x7E00;
	[tilespmem:s3+$0xC850] =	vst v9;
	v9 =	vadd.f32 v10, v1;
	v4 =	vmul.f32 $1.131370830e+01, v4;
	v10 =	vld [tilespmem:s3+$0xE870]  }
0x140: {  	v11 =	vld [tilespmem:s4+$0x1A800];
	[tilespmem:s3+$0xE850] =	vst v7;
	v7 =	vadd.f32 v8, v1;
	v3 =	vmul.f32 $1.131370830e+01, v3  }
0x141: {  	v8 =	vld [tilespmem:s4+$0x1A810];
	[tilespmem:s3+$0x8860] =	vst v9;
	v4 =	vadd.f32 v4, v1;
	v5 =	vmul.f32 $1.131370830e+01, v5  }
0x142: {  	v9 =	vld [tilespmem:s4+$0x1A820];
	[tilespmem:s3+$0xA860] =	vst v7;
	v1 =	vadd.f32 v3, v1;
	v3 =	vmul.f32 $1.131370830e+01, v6  }
0x143: {  	v6 =	vld [tilespmem:s4+$0x1A830];
	[tilespmem:s3+$0xC860] =	vst v4;
	v4 =	vadd.f32 v5, v0;
	v5 =	vmul.f32 $1.131370830e+01, v2  }
0x144: {  	v7 =	vld [tilespmem:s4+$0x1A840];
	[tilespmem:s3+$0xE860] =	vst v1;
	v3 =	vadd.f32 v3, v0;
	v10 =	vmul.f32 $1.131370830e+01, v10  }
0x145: {  	v2 =	vld [tilespmem:s4+$0x1A850];
	[tilespmem:s3+$0x8870] =	vst v4;
	v4 =	vadd.f32 v5, v0  }
0x146: {  	v1 =	vld [tilespmem:s4+$0x1A860];
	[tilespmem:s3+$0xA870] =	vst v3;
	v3 =	vadd.f32 v10, v0  }
0x147: {  	v0 =	vld [tilespmem:s4+$0x1A870];
	[tilespmem:s3+$0xC870] =	vst v4  }
0x148: {  	v4 =	vld [tilespmem:s4+$0x8800];
	[tilespmem:s3+$0xE870] =	vst v3;
	s3 =	smov.u32 s4  }
0x149: {  	v3 =	vld [tilespmem:s3+$0xA800]  }
0x14a: {  	v5 =	vld [tilespmem:s3+$0xC800]  }
0x14b: {  	v10 =	vld [tilespmem:s3+$0xE800]  }
0x14c: {  	v12 =	vld [tilespmem:s3+$0x8810]  }
0x14d: {  	v4 =	vmul.f32 $1.131370830e+01, v4;
	v13 =	vld [tilespmem:s3+$0xA810]  }
0x14e: {  	v3 =	vmul.f32 $1.131370830e+01, v3;
	v14 =	vld [tilespmem:s3+$0xC810]  }
0x14f: {  	v4 =	vadd.f32 v4, v11;
	v5 =	vmul.f32 $1.131370830e+01, v5;
	v15 =	vld [tilespmem:s3+$0xE810]  }
0x150: {  	v3 =	vadd.f32 v3, v11;
	v10 =	vmul.f32 $1.131370830e+01, v10;
	v16 =	vld [tilespmem:s3+$0x8820]  }
0x151: {  	[tilespmem:s3+$0x8800] =	vst v4;
	v4 =	vadd.f32 v5, v11;
	v5 =	vmul.f32 $1.131370830e+01, v12;
	v12 =	vld [tilespmem:s3+$0xA820]  }
0x152: {  	[tilespmem:s3+$0xA800] =	vst v3;
	v3 =	vadd.f32 v10, v11;
	v10 =	vmul.f32 $1.131370830e+01, v13;
	v11 =	vld [tilespmem:s3+$0xC820]  }
0x153: {  	[tilespmem:s3+$0xC800] =	vst v4;
	v4 =	vadd.f32 v5, v8;
	v5 =	vmul.f32 $1.131370830e+01, v14;
	v13 =	vld [tilespmem:s3+$0xE820]  }
0x154: {  	[tilespmem:s3+$0xE800] =	vst v3;
	v3 =	vadd.f32 v10, v8;
	v10 =	vmul.f32 $1.131370830e+01, v15;
	v14 =	vld [tilespmem:s3+$0x8830]  }
0x155: {  	[tilespmem:s3+$0x8810] =	vst v4;
	v4 =	vadd.f32 v5, v8;
	v5 =	vmul.f32 $1.131370830e+01, v16;
	v15 =	vld [tilespmem:s3+$0xA830]  }
0x156: {  	[tilespmem:s3+$0xA810] =	vst v3;
	v3 =	vadd.f32 v10, v8;
	v8 =	vmul.f32 $1.131370830e+01, v12;
	v10 =	vld [tilespmem:s3+$0xC830]  }
0x157: {  	[tilespmem:s3+$0xC810] =	vst v4;
	v4 =	vadd.f32 v5, v9;
	v5 =	vmul.f32 $1.131370830e+01, v11;
	v11 =	vld [tilespmem:s3+$0xE830]  }
0x158: {  	[tilespmem:s3+$0xE810] =	vst v3;
	v3 =	vadd.f32 v8, v9;
	v8 =	vmul.f32 $1.131370830e+01, v13;
	v12 =	vld [tilespmem:s3+$0x8840]  }
0x159: {  	[tilespmem:s3+$0x8820] =	vst v4;
	v4 =	vadd.f32 v5, v9;
	v5 =	vmul.f32 $1.131370830e+01, v14;
	v13 =	vld [tilespmem:s3+$0xA840]  }
0x15a: {  	[tilespmem:s3+$0xA820] =	vst v3;
	v3 =	vadd.f32 v8, v9;
	v8 =	vmul.f32 $1.131370830e+01, v15;
	v9 =	vld [tilespmem:s3+$0xC840]  }
0x15b: {  	[tilespmem:s3+$0xC820] =	vst v4;
	v4 =	vadd.f32 v5, v6;
	v5 =	vmul.f32 $1.131370830e+01, v10;
	v10 =	vld [tilespmem:s3+$0xE840]  }
0x15c: {  	[tilespmem:s3+$0xE820] =	vst v3;
	v3 =	vadd.f32 v8, v6;
	v8 =	vmul.f32 $1.131370830e+01, v11;
	v11 =	vld [tilespmem:s3+$0x8850]  }
0x15d: {  	[tilespmem:s3+$0x8830] =	vst v4;
	v4 =	vadd.f32 v5, v6;
	v5 =	vmul.f32 $1.131370830e+01, v12;
	v12 =	vld [tilespmem:s3+$0xA850]  }
0x15e: {  	[tilespmem:s3+$0xA830] =	vst v3;
	v3 =	vadd.f32 v8, v6;
	v6 =	vmul.f32 $1.131370830e+01, v13;
	v8 =	vld [tilespmem:s3+$0xC850]  }
0x15f: {  	[tilespmem:s3+$0xC830] =	vst v4;
	v4 =	vadd.f32 v5, v7;
	v5 =	vmul.f32 $1.131370830e+01, v9;
	v9 =	vld [tilespmem:s3+$0xE850]  }
0x160: {  	[tilespmem:s3+$0xE830] =	vst v3;
	v3 =	vadd.f32 v6, v7;
	v6 =	vmul.f32 $1.131370830e+01, v10;
	v10 =	vld [tilespmem:s3+$0x8860]  }
0x161: {  	[tilespmem:s3+$0x8840] =	vst v4;
	v5 =	vadd.f32 v5, v7;
	v11 =	vmul.f32 $1.131370830e+01, v11;
	v13 =	vld [tilespmem:s3+$0xA860]  }
.Ltmp1:
0x162: {  	[tilespmem:s3+$0xA840] =	vst v3;
	v6 =	vadd.f32 v6, v7;
	v7 =	vmul.f32 $1.131370830e+01, v12;
	v4 =	vld [tilespmem:s3+$0xC860];
	(pc) =	sbr.rel @p0 .LBB2_4-.Ltmp1, $4  }
0x163: {  	[tilespmem:s3+$0xC840] =	vst v5;
	v11 =	vadd.f32 v11, v2;
	v8 =	vmul.f32 $1.131370830e+01, v8;
	v3 =	vld [tilespmem:s3+$0xE860]  }
0x164: {  	[tilespmem:s3+$0xE840] =	vst v6;
	v7 =	vadd.f32 v7, v2;
	v12 =	vmul.f32 $1.131370830e+01, v9;
	v5 =	vld [tilespmem:s3+$0x8870]  }
0x165: {  	[tilespmem:s3+$0x8850] =	vst v11;
	v9 =	vadd.f32 v8, v2;
	v10 =	vmul.f32 $1.131370830e+01, v10;
	v6 =	vld [tilespmem:s3+$0xA870]  }
0x166: {  	s22 =	sadd.s32 $0x200, s22;
	[tilespmem:s3+$0xA850] =	vst v7;
	v7 =	vadd.f32 v12, v2;
	v8 =	vmul.f32 $1.131370830e+01, v13;
	v2 =	vld [tilespmem:s3+$0xC870]  }
0x167: {  	[tilespmem:s3+$0xC850] =	vst v9;
	v9 =	vadd.f32 v10, v1;
	v4 =	vmul.f32 $1.131370830e+01, v4;
	v10 =	vld [tilespmem:s3+$0xE870]  }
0x168: {  	[tilespmem:s3+$0xE850] =	vst v7;
	v7 =	vadd.f32 v8, v1;
	v3 =	vmul.f32 $1.131370830e+01, v3  }
0x169: {  	[tilespmem:s3+$0x8860] =	vst v9;
	v4 =	vadd.f32 v4, v1;
	v5 =	vmul.f32 $1.131370830e+01, v5  }
0x16a: {  	[tilespmem:s3+$0xA860] =	vst v7;
	v1 =	vadd.f32 v3, v1;
	v3 =	vmul.f32 $1.131370830e+01, v6  }
0x16b: {  	[tilespmem:s3+$0xC860] =	vst v4;
	v4 =	vadd.f32 v5, v0;
	v2 =	vmul.f32 $1.131370830e+01, v2  }
0x16c: {  	[tilespmem:s3+$0xE860] =	vst v1;
	v1 =	vadd.f32 v3, v0;
	v3 =	vmul.f32 $1.131370830e+01, v10  }
0x16d: {  	[tilespmem:s3+$0x8870] =	vst v4;
	v2 =	vadd.f32 v2, v0  }
0x16e: {  	[tilespmem:s3+$0xA870] =	vst v1;
	v0 =	vadd.f32 v3, v0  }
0x16f: {  	s4 =	rddreg [dreg:$0x17];
	[tilespmem:s3+$0xC870] =	vst v2  }
0x170: {  	s22 =	sld [smem:$0x7FB];
	[tilespmem:s3+$0xE870] =	vst v0;
	s3 =	simm.s32 $0x0  }
0x171: {  	[hbm4b:s4+s3] =	stream.linear.scatter [tilespmem:s6], [sflag:$0x3], $0x2000, $0x38;
	[tilespmem:$0x1E800] =	vst v63  }
0x172: {  	s6 =	sld [smem:$0x7FC]  }
0x173: {  	[hbm4b:s22+s3] =	stream.linear.scatter [tilespmem:s9], [sflag:$0x3], $0x2000, $0x38;
	[tilespmem:$0x1E800] =	vst v63  }
0x174: {  	s7 =	sld [smem:$0x7FD]  }
0x175: {  	[hbm4b:s6+s3] =	stream.linear.scatter [tilespmem:s28], [sflag:$0x3], $0x2000, $0x38;
	[tilespmem:$0x1E800] =	vst v63  }
0x176: {  	_ = 	snop  }
0x177: {  	[hbm4b:s7+s3] =	stream.linear.scatter [tilespmem:s20], [sflag:$0x3], $0x2000, $0x38;
	[tilespmem:$0x1E800] =	vst v63  }
0x178: {  	_ =	swait.ge [sflag:s21], $0x2000  }
0x179: {  	[sflag:s21] =	ssyncset.done $0x0  }
0x17a: {  	[sflag:s21] =	ssyncadd.s32 $0xFFFFE000  }
0x17b: {  	_ =	swait.ge [sflag:s21], $0x2000  }
0x17c: {  	[sflag:s21] =	ssyncset.done $0x0  }
0x17d: {  	[sflag:s21] =	ssyncadd.s32 $0xFFFFE000  }
0x17e: {  	_ =	swait.ge [sflag:s21], $0x2000  }
0x17f: {  	[sflag:s21] =	ssyncset.done $0x0  }
0x180: {  	[sflag:s21] =	ssyncadd.s32 $0xFFFFE000  }
0x181: {  	_ =	swait.ge [sflag:s21], $0x2000  }
0x182: {  	[sflag:s21] =	ssyncset.done $0x0  }
0x183: {  	s9 =	simm.s32 $0x180;
	[sflag:s21] =	ssyncadd.s32 $0xFFFFE000  }
0x184: {  	[tilespmem:s24], [sflag:$0x2] =	stream.indirect.gather [hbm4b:s0+s16], $0x80, s9, s16, $0xb8;
	[tilespmem:$0x1E800] =	vst v63  }
0x185: {  	_ = 	snop  }
0x186: {  	[tilespmem:s18], [sflag:$0x2] =	stream.indirect.gather [hbm4b:s0+s16], $0x80, s5, s16, $0xb8;
	[tilespmem:$0x1E800] =	vst v63  }
0x187: {  	_ = 	snop  }
0x188: {  	[tilespmem:s25], [sflag:$0x2] =	stream.indirect.gather [hbm4b:s0+s16], $0x80, s8, s16, $0xb8;
	[tilespmem:$0x1E800] =	vst v63  }
0x189: {  	_ = 	snop  }
0x18a: {  	[tilespmem:s19], [sflag:$0x2] =	stream.indirect.gather [hbm4b:s0+s16], $0x80, s10, s16, $0xb8;
	[tilespmem:$0x1E800] =	vst v63  }
0x18b: {  	s22 =	simm.s32 $0x18800;
	s10 =	rddreg [dreg:$0x19]  }
0x18c: {  	[tilespmem:s22], [sflag:$0x2] =	stream.linear.gather [hbm4b:s10+s3], $0x2000, $0x38;
	[tilespmem:$0x1E800] =	vst v63  }
0x18d: {  	_ =	swait.ge [sflag:s30], $0x2000  }
0x18e: {  	[sflag:s30] =	ssyncset.done $0x0  }
0x18f: {  	[sflag:s30] =	ssyncadd.s32 $0xFFFFE000  }
0x190: {  	_ =	swait.ge [sflag:s30], $0x2000  }
0x191: {  	[sflag:s30] =	ssyncset.done $0x0  }
0x192: {  	[sflag:s30] =	ssyncadd.s32 $0xFFFFE000  }
0x193: {  	_ =	swait.ge [sflag:s30], $0x2000  }
0x194: {  	[sflag:s30] =	ssyncset.done $0x0  }
0x195: {  	[sflag:s30] =	ssyncadd.s32 $0xFFFFE000  }
0x196: {  	_ =	swait.ge [sflag:s30], $0x2000  }
0x197: {  	[sflag:s30] =	ssyncset.done $0x0  }
0x198: {  	[sflag:s30] =	ssyncadd.s32 $0xFFFFE000  }
0x199: {  	_ =	swait.ge [sflag:s30], $0x2000  }
0x19a: {  	[sflag:s30] =	ssyncset.done $0x0  }
0x19b: {  	s3 =	simm.s32 $0x0;
	[sflag:s30] =	ssyncadd.s32 $0xFFFFE000  }
0x19c: {  	v2 =	vld [tilespmem:s3+$0x1C800]  }
0x19d: {  	v3 =	vld [tilespmem:s3+$0x1C810]  }
0x19e: {  	v4 =	vld [tilespmem:s3+$0x1C820]  }
0x19f: {  	v5 =	vld [tilespmem:s3+$0x1C830]  }
0x1a0: {  	v6 =	vld [tilespmem:s3+$0x1C840]  }
0x1a1: {  	v7 =	vld [tilespmem:s3+$0x1C850]  }
0x1a2: {  	v8 =	vld [tilespmem:s3+$0x10800]  }
0x1a3: {  	v9 =	vld [tilespmem:s3+$0x12800]  }
0x1a4: {  	v10 =	vld [tilespmem:s3+$0x14800]  }
0x1a5: {  	v11 =	vld [tilespmem:s3+$0x16800]  }
0x1a6: {  	v12 =	vld [tilespmem:s3+$0x10810]  }
0x1a7: {  	v13 =	vld [tilespmem:s3+$0x12810];
	v8 =	vmul.f32 $1.131370830e+01, v8  }
0x1a8: {  	v14 =	vld [tilespmem:s3+$0x14810];
	v9 =	vmul.f32 $1.131370830e+01, v9  }
0x1a9: {  	v15 =	vld [tilespmem:s3+$0x16810];
	v10 =	vmul.f32 $1.131370830e+01, v10;
	v8 =	vadd.f32 v8, v2  }
0x1aa: {  	v16 =	vld [tilespmem:s3+$0x10820];
	v9 =	vadd.f32 v9, v2  }
0x1ab: {  	v11 =	vmul.f32 $1.131370830e+01, v11;
	v10 =	vadd.f32 v10, v2;
	[tilespmem:s3+$0x10800] =	vst v8;
	v8 =	vld [tilespmem:s3+$0x12820]  }
0x1ac: {  	[tilespmem:s3+$0x12800] =	vst v9;
	v9 =	vld [tilespmem:s3+$0x14820]  }
0x1ad: {  	v2 =	vadd.f32 v11, v2;
	v11 =	vmul.f32 $1.131370830e+01, v13;
	[tilespmem:s3+$0x14800] =	vst v10;
	v10 =	vld [tilespmem:s3+$0x16820]  }
0x1ae: {  	v1 =	vld [tilespmem:s3+$0x1C860];
	v12 =	vmul.f32 $1.131370830e+01, v12  }
0x1af: {  	v55 =	vmul.f32 $1.131370830e+01, v14;
	v57 =	vmul.f32 $1.131370830e+01, v15;
	[tilespmem:s3+$0x16800] =	vst v2;
	v2 =	vld [tilespmem:s3+$0x10830];
	v11 =	vadd.f32 v11, v3  }
0x1b0: {  	v56 =	vld [tilespmem:s3+$0x12830];
	v58 =	vmul.f32 $1.131370830e+01, v16;
	v12 =	vadd.f32 v12, v3  }
0x1b1: {  	v13 =	vadd.f32 v55, v3;
	v3 =	vadd.f32 v57, v3;
	[tilespmem:s3+$0x12810] =	vst v11;
	v11 =	vld [tilespmem:s3+$0x14830];
	v8 =	vmul.f32 $1.131370830e+01, v8  }
0x1b2: {  	v59 =	vld [tilespmem:s3+$0x16830];
	[tilespmem:s3+$0x10810] =	vst v12;
	v9 =	vmul.f32 $1.131370830e+01, v9;
	v10 =	vmul.f32 $1.131370830e+01, v10  }
0x1b3: {  	v60 =	vadd.f32 v58, v4;
	[tilespmem:s3+$0x16810] =	vst v3;
	v3 =	vld [tilespmem:s3+$0x10840];
	v8 =	vadd.f32 v8, v4  }
0x1b4: {  	v0 =	vld [tilespmem:s3+$0x1C870];
	[tilespmem:s3+$0x14810] =	vst v13;
	v2 =	vmul.f32 $1.131370830e+01, v2;
	v9 =	vadd.f32 v9, v4;
	v4 =	vadd.f32 v10, v4  }
0x1b5: {  	v61 =	vld [tilespmem:s3+$0x12840];
	v10 =	vmul.f32 $1.131370830e+01, v56;
	[tilespmem:s3+$0x12820] =	vst v8  }
0x1b6: {  	v2 =	vadd.f32 v2, v5;
	v8 =	vld [tilespmem:s3+$0x14840];
	[tilespmem:s3+$0x16820] =	vst v4;
	v4 =	vmul.f32 $1.131370830e+01, v11  }
0x1b7: {  	[tilespmem:s3+$0x14820] =	vst v9;
	v9 =	vld [tilespmem:s3+$0x16840];
	v10 =	vadd.f32 v10, v5;
	v11 =	vmul.f32 $1.131370830e+01, v59  }
0x1b8: {  	v62 =	vld [tilespmem:s3+$0x10850];
	v3 =	vmul.f32 $1.131370830e+01, v3;
	[tilespmem:s3+$0x10830] =	vst v2;
	v4 =	vadd.f32 v4, v5  }
0x1b9: {  	v2 =	vld [tilespmem:s3+$0x12850];
	[tilespmem:s3+$0x12830] =	vst v10;
	v5 =	vadd.f32 v11, v5  }
0x1ba: {  	v3 =	vadd.f32 v3, v6;
	v10 =	vld [tilespmem:s3+$0x14850];
	[tilespmem:s3+$0x14830] =	vst v4;
	v4 =	vmul.f32 $1.131370830e+01, v61  }
0x1bb: {  	v11 =	vld [tilespmem:s3+$0x16850];
	[tilespmem:s3+$0x16830] =	vst v5;
	v5 =	vmul.f32 $1.131370830e+01, v8  }
0x1bc: {  	v63 =	vld [tilespmem:s3+$0x10860];
	[tilespmem:s3+$0x10840] =	vst v3;
	v3 =	vmul.f32 $1.131370830e+01, v9;
	v4 =	vadd.f32 v4, v6  }
0x1bd: {  	[tilespmem:s3+$0x10820] =	vst v60;
	v8 =	vld [tilespmem:s3+$0x12860];
	v9 =	vmul.f32 $1.131370830e+01, v62;
	v5 =	vadd.f32 v5, v6  }
0x1be: {  	v2 =	vmul.f32 $1.131370830e+01, v2;
	v6 =	vadd.f32 v3, v6;
	[tilespmem:s3+$0x12840] =	vst v4;
	v4 =	vld [tilespmem:s3+$0x14860]  }
0x1bf: {  	v3 =	vld [tilespmem:s3+$0x16860];
	v9 =	vadd.f32 v9, v7;
	v10 =	vmul.f32 $1.131370830e+01, v10;
	[tilespmem:s3+$0x14840] =	vst v5  }
0x1c0: {  	v2 =	vadd.f32 v2, v7;
	v11 =	vmul.f32 $1.131370830e+01, v11;
	[tilespmem:s3+$0x16840] =	vst v6;
	v5 =	vld [tilespmem:s3+$0x10870]  }
0x1c1: {  	[tilespmem:s3+$0x10850] =	vst v9;
	v6 =	vld [tilespmem:s3+$0x12870];
	v9 =	vadd.f32 v10, v7;
	v10 =	vmul.f32 $1.131370830e+01, v63  }
0x1c2: {  	s22 =	simm.s32 $0x200;
	[tilespmem:s3+$0x12850] =	vst v2;
	v7 =	vadd.f32 v11, v7;
	v2 =	vld [tilespmem:s3+$0x14870];
	v8 =	vmul.f32 $1.131370830e+01, v8  }
.LBB2_6:
0x1c3: {  	s4 =	sshra.s32 s22, $0x2;
	p0 =	sne.s32 s22, $0x7E00;
	[tilespmem:s3+$0x14850] =	vst v9;
	v9 =	vadd.f32 v10, v1;
	v4 =	vmul.f32 $1.131370830e+01, v4;
	v10 =	vld [tilespmem:s3+$0x16870]  }
0x1c4: {  	v11 =	vld [tilespmem:s4+$0x1C800];
	[tilespmem:s3+$0x16850] =	vst v7;
	v7 =	vadd.f32 v8, v1;
	v3 =	vmul.f32 $1.131370830e+01, v3  }
0x1c5: {  	v8 =	vld [tilespmem:s4+$0x1C810];
	[tilespmem:s3+$0x10860] =	vst v9;
	v4 =	vadd.f32 v4, v1;
	v5 =	vmul.f32 $1.131370830e+01, v5  }
0x1c6: {  	v9 =	vld [tilespmem:s4+$0x1C820];
	[tilespmem:s3+$0x12860] =	vst v7;
	v1 =	vadd.f32 v3, v1;
	v3 =	vmul.f32 $1.131370830e+01, v6  }
0x1c7: {  	v6 =	vld [tilespmem:s4+$0x1C830];
	[tilespmem:s3+$0x14860] =	vst v4;
	v4 =	vadd.f32 v5, v0;
	v5 =	vmul.f32 $1.131370830e+01, v2  }
0x1c8: {  	v7 =	vld [tilespmem:s4+$0x1C840];
	[tilespmem:s3+$0x16860] =	vst v1;
	v3 =	vadd.f32 v3, v0;
	v10 =	vmul.f32 $1.131370830e+01, v10  }
0x1c9: {  	v2 =	vld [tilespmem:s4+$0x1C850];
	[tilespmem:s3+$0x10870] =	vst v4;
	v4 =	vadd.f32 v5, v0  }
0x1ca: {  	v1 =	vld [tilespmem:s4+$0x1C860];
	[tilespmem:s3+$0x12870] =	vst v3;
	v3 =	vadd.f32 v10, v0  }
0x1cb: {  	v0 =	vld [tilespmem:s4+$0x1C870];
	[tilespmem:s3+$0x14870] =	vst v4  }
0x1cc: {  	v4 =	vld [tilespmem:s4+$0x10800];
	[tilespmem:s3+$0x16870] =	vst v3;
	s3 =	smov.u32 s4  }
0x1cd: {  	v3 =	vld [tilespmem:s3+$0x12800]  }
0x1ce: {  	v5 =	vld [tilespmem:s3+$0x14800]  }
0x1cf: {  	v10 =	vld [tilespmem:s3+$0x16800]  }
0x1d0: {  	v12 =	vld [tilespmem:s3+$0x10810]  }
0x1d1: {  	v4 =	vmul.f32 $1.131370830e+01, v4;
	v13 =	vld [tilespmem:s3+$0x12810]  }
0x1d2: {  	v3 =	vmul.f32 $1.131370830e+01, v3;
	v14 =	vld [tilespmem:s3+$0x14810]  }
0x1d3: {  	v4 =	vadd.f32 v4, v11;
	v5 =	vmul.f32 $1.131370830e+01, v5;
	v15 =	vld [tilespmem:s3+$0x16810]  }
0x1d4: {  	v3 =	vadd.f32 v3, v11;
	v10 =	vmul.f32 $1.131370830e+01, v10;
	v16 =	vld [tilespmem:s3+$0x10820]  }
0x1d5: {  	[tilespmem:s3+$0x10800] =	vst v4;
	v4 =	vadd.f32 v5, v11;
	v5 =	vmul.f32 $1.131370830e+01, v12;
	v12 =	vld [tilespmem:s3+$0x12820]  }
0x1d6: {  	[tilespmem:s3+$0x12800] =	vst v3;
	v3 =	vadd.f32 v10, v11;
	v10 =	vmul.f32 $1.131370830e+01, v13;
	v11 =	vld [tilespmem:s3+$0x14820]  }
0x1d7: {  	[tilespmem:s3+$0x14800] =	vst v4;
	v4 =	vadd.f32 v5, v8;
	v5 =	vmul.f32 $1.131370830e+01, v14;
	v13 =	vld [tilespmem:s3+$0x16820]  }
0x1d8: {  	[tilespmem:s3+$0x16800] =	vst v3;
	v3 =	vadd.f32 v10, v8;
	v10 =	vmul.f32 $1.131370830e+01, v15;
	v14 =	vld [tilespmem:s3+$0x10830]  }
0x1d9: {  	[tilespmem:s3+$0x10810] =	vst v4;
	v4 =	vadd.f32 v5, v8;
	v5 =	vmul.f32 $1.131370830e+01, v16;
	v15 =	vld [tilespmem:s3+$0x12830]  }
0x1da: {  	[tilespmem:s3+$0x12810] =	vst v3;
	v3 =	vadd.f32 v10, v8;
	v8 =	vmul.f32 $1.131370830e+01, v12;
	v10 =	vld [tilespmem:s3+$0x14830]  }
0x1db: {  	[tilespmem:s3+$0x14810] =	vst v4;
	v4 =	vadd.f32 v5, v9;
	v5 =	vmul.f32 $1.131370830e+01, v11;
	v11 =	vld [tilespmem:s3+$0x16830]  }
0x1dc: {  	[tilespmem:s3+$0x16810] =	vst v3;
	v3 =	vadd.f32 v8, v9;
	v8 =	vmul.f32 $1.131370830e+01, v13;
	v12 =	vld [tilespmem:s3+$0x10840]  }
0x1dd: {  	[tilespmem:s3+$0x10820] =	vst v4;
	v4 =	vadd.f32 v5, v9;
	v5 =	vmul.f32 $1.131370830e+01, v14;
	v13 =	vld [tilespmem:s3+$0x12840]  }
0x1de: {  	[tilespmem:s3+$0x12820] =	vst v3;
	v3 =	vadd.f32 v8, v9;
	v8 =	vmul.f32 $1.131370830e+01, v15;
	v9 =	vld [tilespmem:s3+$0x14840]  }
0x1df: {  	[tilespmem:s3+$0x14820] =	vst v4;
	v4 =	vadd.f32 v5, v6;
	v5 =	vmul.f32 $1.131370830e+01, v10;
	v10 =	vld [tilespmem:s3+$0x16840]  }
0x1e0: {  	[tilespmem:s3+$0x16820] =	vst v3;
	v3 =	vadd.f32 v8, v6;
	v8 =	vmul.f32 $1.131370830e+01, v11;
	v11 =	vld [tilespmem:s3+$0x10850]  }
0x1e1: {  	[tilespmem:s3+$0x10830] =	vst v4;
	v4 =	vadd.f32 v5, v6;
	v5 =	vmul.f32 $1.131370830e+01, v12;
	v12 =	vld [tilespmem:s3+$0x12850]  }
0x1e2: {  	[tilespmem:s3+$0x12830] =	vst v3;
	v3 =	vadd.f32 v8, v6;
	v6 =	vmul.f32 $1.131370830e+01, v13;
	v8 =	vld [tilespmem:s3+$0x14850]  }
0x1e3: {  	[tilespmem:s3+$0x14830] =	vst v4;
	v4 =	vadd.f32 v5, v7;
	v5 =	vmul.f32 $1.131370830e+01, v9;
	v9 =	vld [tilespmem:s3+$0x16850]  }
0x1e4: {  	[tilespmem:s3+$0x16830] =	vst v3;
	v3 =	vadd.f32 v6, v7;
	v6 =	vmul.f32 $1.131370830e+01, v10;
	v10 =	vld [tilespmem:s3+$0x10860]  }
0x1e5: {  	[tilespmem:s3+$0x10840] =	vst v4;
	v5 =	vadd.f32 v5, v7;
	v11 =	vmul.f32 $1.131370830e+01, v11;
	v13 =	vld [tilespmem:s3+$0x12860]  }
.Ltmp2:
0x1e6: {  	[tilespmem:s3+$0x12840] =	vst v3;
	v6 =	vadd.f32 v6, v7;
	v7 =	vmul.f32 $1.131370830e+01, v12;
	v4 =	vld [tilespmem:s3+$0x14860];
	(pc) =	sbr.rel @p0 .LBB2_6-.Ltmp2, $4  }
0x1e7: {  	[tilespmem:s3+$0x14840] =	vst v5;
	v11 =	vadd.f32 v11, v2;
	v8 =	vmul.f32 $1.131370830e+01, v8;
	v3 =	vld [tilespmem:s3+$0x16860]  }
0x1e8: {  	[tilespmem:s3+$0x16840] =	vst v6;
	v7 =	vadd.f32 v7, v2;
	v12 =	vmul.f32 $1.131370830e+01, v9;
	v5 =	vld [tilespmem:s3+$0x10870]  }
0x1e9: {  	[tilespmem:s3+$0x10850] =	vst v11;
	v9 =	vadd.f32 v8, v2;
	v10 =	vmul.f32 $1.131370830e+01, v10;
	v6 =	vld [tilespmem:s3+$0x12870]  }
0x1ea: {  	s22 =	sadd.s32 $0x200, s22;
	[tilespmem:s3+$0x12850] =	vst v7;
	v7 =	vadd.f32 v12, v2;
	v8 =	vmul.f32 $1.131370830e+01, v13;
	v2 =	vld [tilespmem:s3+$0x14870]  }
0x1eb: {  	[tilespmem:s3+$0x14850] =	vst v9;
	v9 =	vadd.f32 v10, v1;
	v4 =	vmul.f32 $1.131370830e+01, v4;
	v10 =	vld [tilespmem:s3+$0x16870]  }
0x1ec: {  	[tilespmem:s3+$0x16850] =	vst v7;
	v7 =	vadd.f32 v8, v1;
	v3 =	vmul.f32 $1.131370830e+01, v3  }
0x1ed: {  	[tilespmem:s3+$0x10860] =	vst v9;
	v4 =	vadd.f32 v4, v1;
	v5 =	vmul.f32 $1.131370830e+01, v5  }
0x1ee: {  	[tilespmem:s3+$0x12860] =	vst v7;
	v1 =	vadd.f32 v3, v1;
	v3 =	vmul.f32 $1.131370830e+01, v6  }
0x1ef: {  	[tilespmem:s3+$0x14860] =	vst v4;
	v4 =	vadd.f32 v5, v0;
	v2 =	vmul.f32 $1.131370830e+01, v2  }
0x1f0: {  	[tilespmem:s3+$0x16860] =	vst v1;
	v1 =	vadd.f32 v3, v0;
	v3 =	vmul.f32 $1.131370830e+01, v10  }
0x1f1: {  	[tilespmem:s3+$0x10870] =	vst v4;
	v2 =	vadd.f32 v2, v0  }
0x1f2: {  	[tilespmem:s3+$0x12870] =	vst v1;
	v0 =	vadd.f32 v3, v0  }
0x1f3: {  	[tilespmem:s3+$0x14870] =	vst v2  }
0x1f4: {  	s8 =	simm.s32 $0x0;
	s4 =	rddreg [dreg:$0x1a];
	[tilespmem:s3+$0x16870] =	vst v0  }
0x1f5: {  	[hbm4b:s4+s8] =	stream.linear.scatter [tilespmem:s12], [sflag:$0x3], $0x2000, $0x38;
	[tilespmem:$0x1E800] =	vst v63  }
0x1f6: {  	s9 =	rddreg [dreg:$0x1b]  }
0x1f7: {  	[hbm4b:s9+s8] =	stream.linear.scatter [tilespmem:s31], [sflag:$0x3], $0x2000, $0x38;
	[tilespmem:$0x1E800] =	vst v63  }
0x1f8: {  	s10 =	rddreg [dreg:$0x1c]  }
0x1f9: {  	[hbm4b:s10+s8] =	stream.linear.scatter [tilespmem:s13], [sflag:$0x3], $0x2000, $0x38;
	[tilespmem:$0x1E800] =	vst v63  }
0x1fa: {  	s22 =	rddreg [dreg:$0x1d]  }
0x1fb: {  	[hbm4b:s22+s8] =	stream.linear.scatter [tilespmem:s29], [sflag:$0x3], $0x2000, $0x38;
	[tilespmem:$0x1E800] =	vst v63  }
0x1fc: {  	_ =	swait.ge [sflag:s30], $0x2000  }
0x1fd: {  	[sflag:s30] =	ssyncset.done $0x0  }
0x1fe: {  	[sflag:s30] =	ssyncadd.s32 $0xFFFFE000  }
0x1ff: {  	_ =	swait.ge [sflag:s30], $0x2000  }
0x200: {  	[sflag:s30] =	ssyncset.done $0x0  }
0x201: {  	[sflag:s30] =	ssyncadd.s32 $0xFFFFE000  }
0x202: {  	_ =	swait.ge [sflag:s30], $0x2000  }
0x203: {  	[sflag:s30] =	ssyncset.done $0x0  }
0x204: {  	[sflag:s30] =	ssyncadd.s32 $0xFFFFE000  }
0x205: {  	_ =	swait.ge [sflag:s30], $0x2000  }
0x206: {  	[sflag:s30] =	ssyncset.done $0x0  }
0x207: {  	[sflag:s30] =	ssyncadd.s32 $0xFFFFE000  }
0x208: {  	_ =	swait.ge [sflag:s30], $0x2000  }
0x209: {  	[sflag:s30] =	ssyncset.done $0x0  }
0x20a: {  	s3 =	simm.s32 $0x0;
	[sflag:s30] =	ssyncadd.s32 $0xFFFFE000  }
0x20b: {  	v2 =	vld [tilespmem:s3+$0x18800]  }
0x20c: {  	v3 =	vld [tilespmem:s3+$0x18810]  }
0x20d: {  	v4 =	vld [tilespmem:s3+$0x18820]  }
0x20e: {  	v5 =	vld [tilespmem:s3+$0x18830]  }
0x20f: {  	v6 =	vld [tilespmem:s3+$0x18840]  }
0x210: {  	v7 =	vld [tilespmem:s3+$0x18850]  }
0x211: {  	v8 =	vld [tilespmem:s3+$0x800]  }
0x212: {  	v9 =	vld [tilespmem:s3+$0x2800]  }
0x213: {  	v10 =	vld [tilespmem:s3+$0x4800]  }
0x214: {  	v11 =	vld [tilespmem:s3+$0x6800]  }
0x215: {  	v12 =	vld [tilespmem:s3+$0x810]  }
0x216: {  	v13 =	vld [tilespmem:s3+$0x2810];
	v8 =	vmul.f32 $1.131370830e+01, v8  }
0x217: {  	v14 =	vld [tilespmem:s3+$0x4810];
	v9 =	vmul.f32 $1.131370830e+01, v9  }
0x218: {  	v15 =	vld [tilespmem:s3+$0x6810];
	v10 =	vmul.f32 $1.131370830e+01, v10;
	v8 =	vadd.f32 v8, v2  }
0x219: {  	v16 =	vld [tilespmem:s3+$0x820];
	v9 =	vadd.f32 v9, v2  }
0x21a: {  	v11 =	vmul.f32 $1.131370830e+01, v11;
	v10 =	vadd.f32 v10, v2;
	[tilespmem:s3+$0x800] =	vst v8;
	v8 =	vld [tilespmem:s3+$0x2820]  }
0x21b: {  	[tilespmem:s3+$0x2800] =	vst v9;
	v9 =	vld [tilespmem:s3+$0x4820]  }
0x21c: {  	v2 =	vadd.f32 v11, v2;
	v11 =	vmul.f32 $1.131370830e+01, v13;
	[tilespmem:s3+$0x4800] =	vst v10;
	v10 =	vld [tilespmem:s3+$0x6820]  }
0x21d: {  	v1 =	vld [tilespmem:s3+$0x18860];
	v12 =	vmul.f32 $1.131370830e+01, v12  }
0x21e: {  	v55 =	vmul.f32 $1.131370830e+01, v14;
	v57 =	vmul.f32 $1.131370830e+01, v15;
	[tilespmem:s3+$0x6800] =	vst v2;
	v2 =	vld [tilespmem:s3+$0x830];
	v11 =	vadd.f32 v11, v3  }
0x21f: {  	v56 =	vld [tilespmem:s3+$0x2830];
	v58 =	vmul.f32 $1.131370830e+01, v16;
	v12 =	vadd.f32 v12, v3  }
0x220: {  	v13 =	vadd.f32 v55, v3;
	v3 =	vadd.f32 v57, v3;
	[tilespmem:s3+$0x2810] =	vst v11;
	v11 =	vld [tilespmem:s3+$0x4830];
	v8 =	vmul.f32 $1.131370830e+01, v8  }
0x221: {  	v59 =	vld [tilespmem:s3+$0x6830];
	[tilespmem:s3+$0x810] =	vst v12;
	v9 =	vmul.f32 $1.131370830e+01, v9;
	v10 =	vmul.f32 $1.131370830e+01, v10  }
0x222: {  	v60 =	vadd.f32 v58, v4;
	[tilespmem:s3+$0x6810] =	vst v3;
	v3 =	vld [tilespmem:s3+$0x840];
	v8 =	vadd.f32 v8, v4  }
0x223: {  	v0 =	vld [tilespmem:s3+$0x18870];
	[tilespmem:s3+$0x4810] =	vst v13;
	v2 =	vmul.f32 $1.131370830e+01, v2;
	v9 =	vadd.f32 v9, v4;
	v4 =	vadd.f32 v10, v4  }
0x224: {  	v61 =	vld [tilespmem:s3+$0x2840];
	v10 =	vmul.f32 $1.131370830e+01, v56;
	[tilespmem:s3+$0x2820] =	vst v8  }
0x225: {  	v2 =	vadd.f32 v2, v5;
	v8 =	vld [tilespmem:s3+$0x4840];
	[tilespmem:s3+$0x6820] =	vst v4;
	v4 =	vmul.f32 $1.131370830e+01, v11  }
0x226: {  	[tilespmem:s3+$0x4820] =	vst v9;
	v9 =	vld [tilespmem:s3+$0x6840];
	v10 =	vadd.f32 v10, v5;
	v11 =	vmul.f32 $1.131370830e+01, v59  }
0x227: {  	v62 =	vld [tilespmem:s3+$0x850];
	v3 =	vmul.f32 $1.131370830e+01, v3;
	[tilespmem:s3+$0x830] =	vst v2;
	v4 =	vadd.f32 v4, v5  }
0x228: {  	v2 =	vld [tilespmem:s3+$0x2850];
	[tilespmem:s3+$0x2830] =	vst v10;
	v5 =	vadd.f32 v11, v5  }
0x229: {  	v3 =	vadd.f32 v3, v6;
	v10 =	vld [tilespmem:s3+$0x4850];
	[tilespmem:s3+$0x4830] =	vst v4;
	v4 =	vmul.f32 $1.131370830e+01, v61  }
0x22a: {  	v11 =	vld [tilespmem:s3+$0x6850];
	[tilespmem:s3+$0x6830] =	vst v5;
	v5 =	vmul.f32 $1.131370830e+01, v8  }
0x22b: {  	v63 =	vld [tilespmem:s3+$0x860];
	[tilespmem:s3+$0x840] =	vst v3;
	v3 =	vmul.f32 $1.131370830e+01, v9;
	v4 =	vadd.f32 v4, v6  }
0x22c: {  	[tilespmem:s3+$0x820] =	vst v60;
	v8 =	vld [tilespmem:s3+$0x2860];
	v9 =	vmul.f32 $1.131370830e+01, v62;
	v5 =	vadd.f32 v5, v6  }
0x22d: {  	v2 =	vmul.f32 $1.131370830e+01, v2;
	v6 =	vadd.f32 v3, v6;
	[tilespmem:s3+$0x2840] =	vst v4;
	v4 =	vld [tilespmem:s3+$0x4860]  }
0x22e: {  	v3 =	vld [tilespmem:s3+$0x6860];
	v9 =	vadd.f32 v9, v7;
	v10 =	vmul.f32 $1.131370830e+01, v10;
	[tilespmem:s3+$0x4840] =	vst v5  }
0x22f: {  	v2 =	vadd.f32 v2, v7;
	v11 =	vmul.f32 $1.131370830e+01, v11;
	[tilespmem:s3+$0x6840] =	vst v6;
	v5 =	vld [tilespmem:s3+$0x870]  }
0x230: {  	[tilespmem:s3+$0x850] =	vst v9;
	v6 =	vld [tilespmem:s3+$0x2870];
	v9 =	vadd.f32 v10, v7;
	v10 =	vmul.f32 $1.131370830e+01, v63  }
0x231: {  	s22 =	simm.s32 $0x200;
	[tilespmem:s3+$0x2850] =	vst v2;
	v7 =	vadd.f32 v11, v7;
	v2 =	vld [tilespmem:s3+$0x4870];
	v8 =	vmul.f32 $1.131370830e+01, v8  }
.LBB2_8:
0x232: {  	s4 =	sshra.s32 s22, $0x2;
	p0 =	sne.s32 s22, $0x7E00;
	[tilespmem:s3+$0x4850] =	vst v9;
	v9 =	vadd.f32 v10, v1;
	v4 =	vmul.f32 $1.131370830e+01, v4;
	v10 =	vld [tilespmem:s3+$0x6870]  }
0x233: {  	v11 =	vld [tilespmem:s4+$0x18800];
	[tilespmem:s3+$0x6850] =	vst v7;
	v7 =	vadd.f32 v8, v1;
	v3 =	vmul.f32 $1.131370830e+01, v3  }
0x234: {  	v8 =	vld [tilespmem:s4+$0x18810];
	[tilespmem:s3+$0x860] =	vst v9;
	v4 =	vadd.f32 v4, v1;
	v5 =	vmul.f32 $1.131370830e+01, v5  }
0x235: {  	v9 =	vld [tilespmem:s4+$0x18820];
	[tilespmem:s3+$0x2860] =	vst v7;
	v1 =	vadd.f32 v3, v1;
	v3 =	vmul.f32 $1.131370830e+01, v6  }
0x236: {  	v6 =	vld [tilespmem:s4+$0x18830];
	[tilespmem:s3+$0x4860] =	vst v4;
	v4 =	vadd.f32 v5, v0;
	v5 =	vmul.f32 $1.131370830e+01, v2  }
0x237: {  	v7 =	vld [tilespmem:s4+$0x18840];
	[tilespmem:s3+$0x6860] =	vst v1;
	v3 =	vadd.f32 v3, v0;
	v10 =	vmul.f32 $1.131370830e+01, v10  }
0x238: {  	v2 =	vld [tilespmem:s4+$0x18850];
	[tilespmem:s3+$0x870] =	vst v4;
	v4 =	vadd.f32 v5, v0  }
0x239: {  	v1 =	vld [tilespmem:s4+$0x18860];
	[tilespmem:s3+$0x2870] =	vst v3;
	v3 =	vadd.f32 v10, v0  }
0x23a: {  	v0 =	vld [tilespmem:s4+$0x18870];
	[tilespmem:s3+$0x4870] =	vst v4  }
0x23b: {  	v4 =	vld [tilespmem:s4+$0x800];
	[tilespmem:s3+$0x6870] =	vst v3;
	s3 =	smov.u32 s4  }
0x23c: {  	v3 =	vld [tilespmem:s3+$0x2800]  }
0x23d: {  	v5 =	vld [tilespmem:s3+$0x4800]  }
0x23e: {  	v10 =	vld [tilespmem:s3+$0x6800]  }
0x23f: {  	v12 =	vld [tilespmem:s3+$0x810]  }
0x240: {  	v4 =	vmul.f32 $1.131370830e+01, v4;
	v13 =	vld [tilespmem:s3+$0x2810]  }
0x241: {  	v3 =	vmul.f32 $1.131370830e+01, v3;
	v14 =	vld [tilespmem:s3+$0x4810]  }
0x242: {  	v4 =	vadd.f32 v4, v11;
	v5 =	vmul.f32 $1.131370830e+01, v5;
	v15 =	vld [tilespmem:s3+$0x6810]  }
0x243: {  	v3 =	vadd.f32 v3, v11;
	v10 =	vmul.f32 $1.131370830e+01, v10;
	v16 =	vld [tilespmem:s3+$0x820]  }
0x244: {  	[tilespmem:s3+$0x800] =	vst v4;
	v4 =	vadd.f32 v5, v11;
	v5 =	vmul.f32 $1.131370830e+01, v12;
	v12 =	vld [tilespmem:s3+$0x2820]  }
0x245: {  	[tilespmem:s3+$0x2800] =	vst v3;
	v3 =	vadd.f32 v10, v11;
	v10 =	vmul.f32 $1.131370830e+01, v13;
	v11 =	vld [tilespmem:s3+$0x4820]  }
0x246: {  	[tilespmem:s3+$0x4800] =	vst v4;
	v4 =	vadd.f32 v5, v8;
	v5 =	vmul.f32 $1.131370830e+01, v14;
	v13 =	vld [tilespmem:s3+$0x6820]  }
0x247: {  	[tilespmem:s3+$0x6800] =	vst v3;
	v3 =	vadd.f32 v10, v8;
	v10 =	vmul.f32 $1.131370830e+01, v15;
	v14 =	vld [tilespmem:s3+$0x830]  }
0x248: {  	[tilespmem:s3+$0x810] =	vst v4;
	v4 =	vadd.f32 v5, v8;
	v5 =	vmul.f32 $1.131370830e+01, v16;
	v15 =	vld [tilespmem:s3+$0x2830]  }
0x249: {  	[tilespmem:s3+$0x2810] =	vst v3;
	v3 =	vadd.f32 v10, v8;
	v8 =	vmul.f32 $1.131370830e+01, v12;
	v10 =	vld [tilespmem:s3+$0x4830]  }
0x24a: {  	[tilespmem:s3+$0x4810] =	vst v4;
	v4 =	vadd.f32 v5, v9;
	v5 =	vmul.f32 $1.131370830e+01, v11;
	v11 =	vld [tilespmem:s3+$0x6830]  }
0x24b: {  	[tilespmem:s3+$0x6810] =	vst v3;
	v3 =	vadd.f32 v8, v9;
	v8 =	vmul.f32 $1.131370830e+01, v13;
	v12 =	vld [tilespmem:s3+$0x840]  }
0x24c: {  	[tilespmem:s3+$0x820] =	vst v4;
	v4 =	vadd.f32 v5, v9;
	v5 =	vmul.f32 $1.131370830e+01, v14;
	v13 =	vld [tilespmem:s3+$0x2840]  }
0x24d: {  	[tilespmem:s3+$0x2820] =	vst v3;
	v3 =	vadd.f32 v8, v9;
	v8 =	vmul.f32 $1.131370830e+01, v15;
	v9 =	vld [tilespmem:s3+$0x4840]  }
0x24e: {  	[tilespmem:s3+$0x4820] =	vst v4;
	v4 =	vadd.f32 v5, v6;
	v5 =	vmul.f32 $1.131370830e+01, v10;
	v10 =	vld [tilespmem:s3+$0x6840]  }
0x24f: {  	[tilespmem:s3+$0x6820] =	vst v3;
	v3 =	vadd.f32 v8, v6;
	v8 =	vmul.f32 $1.131370830e+01, v11;
	v11 =	vld [tilespmem:s3+$0x850]  }
0x250: {  	[tilespmem:s3+$0x830] =	vst v4;
	v4 =	vadd.f32 v5, v6;
	v5 =	vmul.f32 $1.131370830e+01, v12;
	v12 =	vld [tilespmem:s3+$0x2850]  }
0x251: {  	[tilespmem:s3+$0x2830] =	vst v3;
	v3 =	vadd.f32 v8, v6;
	v6 =	vmul.f32 $1.131370830e+01, v13;
	v8 =	vld [tilespmem:s3+$0x4850]  }
0x252: {  	[tilespmem:s3+$0x4830] =	vst v4;
	v4 =	vadd.f32 v5, v7;
	v5 =	vmul.f32 $1.131370830e+01, v9;
	v9 =	vld [tilespmem:s3+$0x6850]  }
0x253: {  	[tilespmem:s3+$0x6830] =	vst v3;
	v3 =	vadd.f32 v6, v7;
	v6 =	vmul.f32 $1.131370830e+01, v10;
	v10 =	vld [tilespmem:s3+$0x860]  }
0x254: {  	[tilespmem:s3+$0x840] =	vst v4;
	v5 =	vadd.f32 v5, v7;
	v11 =	vmul.f32 $1.131370830e+01, v11;
	v13 =	vld [tilespmem:s3+$0x2860]  }
.Ltmp3:
0x255: {  	[tilespmem:s3+$0x2840] =	vst v3;
	v6 =	vadd.f32 v6, v7;
	v7 =	vmul.f32 $1.131370830e+01, v12;
	v4 =	vld [tilespmem:s3+$0x4860];
	(pc) =	sbr.rel @p0 .LBB2_8-.Ltmp3, $4  }
0x256: {  	[tilespmem:s3+$0x4840] =	vst v5;
	v11 =	vadd.f32 v11, v2;
	v8 =	vmul.f32 $1.131370830e+01, v8;
	v3 =	vld [tilespmem:s3+$0x6860]  }
0x257: {  	[tilespmem:s3+$0x6840] =	vst v6;
	v7 =	vadd.f32 v7, v2;
	v12 =	vmul.f32 $1.131370830e+01, v9;
	v5 =	vld [tilespmem:s3+$0x870]  }
0x258: {  	[tilespmem:s3+$0x850] =	vst v11;
	v9 =	vadd.f32 v8, v2;
	v10 =	vmul.f32 $1.131370830e+01, v10;
	v6 =	vld [tilespmem:s3+$0x2870]  }
0x259: {  	s22 =	sadd.s32 $0x200, s22;
	[tilespmem:s3+$0x2850] =	vst v7;
	v7 =	vadd.f32 v12, v2;
	v8 =	vmul.f32 $1.131370830e+01, v13;
	v2 =	vld [tilespmem:s3+$0x4870]  }
0x25a: {  	[tilespmem:s3+$0x4850] =	vst v9;
	v55 =	vadd.f32 v10, v1;
	v4 =	vmul.f32 $1.131370830e+01, v4;
	v56 =	vld [tilespmem:s3+$0x6870]  }
0x25b: {  	[tilespmem:s3+$0x6850] =	vst v7;
	v57 =	vadd.f32 v8, v1;
	v3 =	vmul.f32 $1.131370830e+01, v3  }
0x25c: {  	[tilespmem:s3+$0x860] =	vst v55;
	v4 =	vadd.f32 v4, v1;
	v5 =	vmul.f32 $1.131370830e+01, v5  }
0x25d: {  	[tilespmem:s3+$0x2860] =	vst v57;
	v58 =	vadd.f32 v3, v1;
	v59 =	vmul.f32 $1.131370830e+01, v6  }
0x25e: {  	[tilespmem:s3+$0x4860] =	vst v4;
	v60 =	vadd.f32 v5, v0;
	v2 =	vmul.f32 $1.131370830e+01, v2  }
0x25f: {  	[tilespmem:s3+$0x6860] =	vst v58;
	v61 =	vadd.f32 v59, v0;
	v62 =	vmul.f32 $1.131370830e+01, v56  }
0x260: {  	[tilespmem:s3+$0x870] =	vst v60;
	v2 =	vadd.f32 v2, v0  }
0x261: {  	[tilespmem:s3+$0x2870] =	vst v61;
	v63 =	vadd.f32 v62, v0  }
0x262: {  	s7 =	rddreg [dreg:$0x1e];
	[tilespmem:s3+$0x4870] =	vst v2  }
0x263: {  	s8 =	rddreg [dreg:$0x1f];
	[tilespmem:s3+$0x6870] =	vst v63  }
0x264: {  	[hbm4b:s7+s1] =	stream.linear.scatter [tilespmem:s24], [sflag:$0x3], $0x2000, $0x38;
	[tilespmem:$0x1E800] =	vst v63  }
0x265: {  	s9 =	sld [smem:$0x7F6]  }
0x266: {  	[hbm4b:s8+s1] =	stream.linear.scatter [tilespmem:s18], [sflag:$0x3], $0x2000, $0x38;
	[tilespmem:$0x1E800] =	vst v63  }
0x267: {  	s10 =	sld [smem:$0x7F7]  }
0x268: {  	[hbm4b:s9+s1] =	stream.linear.scatter [tilespmem:s25], [sflag:$0x3], $0x2000, $0x38;
	[tilespmem:$0x1E800] =	vst v63  }
0x269: {  	_ = 	snop  }
0x26a: {  	[hbm4b:s10+s1] =	stream.linear.scatter [tilespmem:s19], [sflag:$0x3], $0x2000, $0x38;
	[tilespmem:$0x1E800] =	vst v63  }
0x26b: {  	_ =	swait.ge [sflag:s21], $0x2000  }
0x26c: {  	[sflag:s21] =	ssyncset.done $0x0  }
0x26d: {  	[sflag:s21] =	ssyncadd.s32 $0xFFFFE000  }
0x26e: {  	_ =	swait.ge [sflag:s21], $0x2000  }
0x26f: {  	[sflag:s21] =	ssyncset.done $0x0  }
0x270: {  	[sflag:s21] =	ssyncadd.s32 $0xFFFFE000  }
0x271: {  	_ =	swait.ge [sflag:s21], $0x2000  }
0x272: {  	[sflag:s21] =	ssyncset.done $0x0  }
0x273: {  	[sflag:s21] =	ssyncadd.s32 $0xFFFFE000  }
0x274: {  	_ =	swait.ge [sflag:s21], $0x2000  }
0x275: {  	[sflag:s21] =	ssyncset.done $0x0  }
0x276: {  	[sflag:s21] =	ssyncadd.s32 $0xFFFFE000  }
0x277: {  	_ =	swait.ge [sflag:s21], $0x2000  }
0x278: {  	[sflag:s21] =	ssyncset.done $0x0  }
0x279: {  	[sflag:s21] =	ssyncadd.s32 $0xFFFFE000  }
0x27a: {  	_ =	swait.ge [sflag:s21], $0x2000  }
0x27b: {  	[sflag:s21] =	ssyncset.done $0x0  }
0x27c: {  	[sflag:s21] =	ssyncadd.s32 $0xFFFFE000  }
0x27d: {  	_ =	swait.ge [sflag:s21], $0x2000  }
0x27e: {  	[sflag:s21] =	ssyncset.done $0x0  }
0x27f: {  	[sflag:s21] =	ssyncadd.s32 $0xFFFFE000  }
0x280: {  	_ =	swait.ge [sflag:s21], $0x2000  }
0x281: {  	[sflag:s21] =	ssyncset.done $0x0  }
0x282: {  	[sflag:s21] =	ssyncadd.s32 $0xFFFFE000  }
0x283: {  	_ =	swait.ge [sflag:s21], $0x2000  }
0x284: {  	[sflag:s21] =	ssyncset.done $0x0  }
0x285: {  	[sflag:s21] =	ssyncadd.s32 $0xFFFFE000  }
0x286: {  	_ =	swait.ge [sflag:s21], $0x2000  }
0x287: {  	[sflag:s21] =	ssyncset.done $0x0  }
0x288: {  	[sflag:s21] =	ssyncadd.s32 $0xFFFFE000  }
0x289: {  	_ =	swait.ge [sflag:s21], $0x2000  }
0x28a: {  	[sflag:s21] =	ssyncset.done $0x0  }
0x28b: {  	[sflag:s21] =	ssyncadd.s32 $0xFFFFE000  }
0x28c: {  	_ =	swait.ge [sflag:s21], $0x2000  }
0x28d: {  	s22 =	sld [smem:$0x7F8];
	_ =	sdelay $0x1  }
0x28e: {  	s14 =	sadd.s32 $0x1, s14  }
0x28f: {  	p0 =	sne.s32 s14, s22  }
.Ltmp4:
0x290: {  	_ = 	snop;
	(pc) =	sbr.rel @p0 .LBB2_1-.Ltmp4, $3  }
0x291: {  	_ =	sdelay $0x1  }
0x292: {  	[sflag:s21] =	ssyncset.done $0x0  }
0x293: {  	[sflag:s21] =	ssyncadd.s32 $0xFFFFE000  }
0x294: {  	_ =	sfence.sel $0x180000  }
0x295: {  	[bflag:$0x0] =	sbarrier.arrive $0xFFFF  }
0x296: {  	_ =	strace $0x90000047  }
0x297: {  	s0 =	stileid.u32;
	[bflag:$0x2] =	sbarrier.arrive $0xFFFF  }
0x298: {  	p0 =	sne.s32 s0, $0x0;
	s0 =	rddreg [dreg:$0x4]  }
0x299: {  	s0 =	sadd.s32 @!p0 $0x100000, s0  }
0x29a: {  	[sflag:s0] =	ssyncadd.tile.s32 @!p0 $0x1;
	_ =	shalt  }
.Lfunc_end2:
_tile_overlayer_lowered:
.L_overlay_start_2:
0x29b: {  	(tag) =	ssettag $0x2  }
0x29c: {  	s0 =	rddreg [dreg:$0x0];
	s2 =	stileid.u32  }
0x29d: {  	s1 =	rddreg [dreg:$0x1];
	p0 =	sne.s32 s2, $0x0  }
0x29e: {  	s3 =	rddreg [dreg:$0x2];
	[bflag:$0x3] =	sbarrier.arrive $0xFFFF;
	s2 =	simm.s32 @!p0 $0x1C04  }
0x29f: {  	[timem:s3], [sflag:s2] =	dma.local @!p0 [hbm:s0], s1  }
0x2a0: {  	s0 =	simm.s32 @!p0 $0x4  }
0x2a1: {  	_ =	swait.ge @!p0 [sflag:s0], s1  }
0x2a2: {  	s1 =	ssub.s32 @!p0 $0x0, s1;
	[sflag:s0] =	ssyncset.done @!p0 $0x0  }
0x2a3: {  	[sflag:s0] =	ssyncadd.s32 @!p0 s1  }
0x2a4: {  	[bflag:$0x3] =	sbarrier.arrive $0xFFFF  }
0x2a5: {  	_ =	shalt  }

</sc_bundles>
